<compile_context>
chip_gen: v7x
topology: tpu7x:2x2x1
jax: 0.10.2.dev20260603
libtpu: 0.0.44.dev20260713+nightly
codegen_flags: <defaults>
</compile_context>

<pallas_src>
import jax
import jax.numpy as jnp
from jax import lax
from jax.experimental import pallas as pl
from jax.experimental.pallas import tpu as pltpu
from jax.experimental.pallas import tpu_sc as plsc

N = 10000
E = 320000
D_IN = 128
H = 16
C = 2

NC = 2
NS = 16
NW = NC * NS
NPAD = 10112
CH = 64
NCH = 159
EPT = NCH * CH
EPADT = EPT * NW
RPT = NPAD // NS
NBUF = 3

_SC_PARAMS = pltpu.CompilerParams(use_tc_tiling_on_sc=False)
_SC_MESH = plsc.VectorSubcoreMesh(core_axis_name="c", subcore_axis_name="s")


def _make_adj(width):

    def body(t_hbm, src_hbm, dst_hbm, z_hbm, out_hbm,
             srcb, dstb, rows, acc, sg):
        cid = lax.axis_index("c")
        sid = lax.axis_index("s")
        wid = cid * NS + sid

        pltpu.sync_copy(z_hbm.at[pl.ds(sid * RPT, RPT)],
                        acc.at[pl.ds(sid * RPT, RPT)])

        pltpu.sync_copy(src_hbm.at[wid], srcb)
        pltpu.sync_copy(dst_hbm.at[wid], dstb)

        plsc.subcore_barrier()

        for b in range(NBUF):
            pltpu.async_copy(t_hbm.at[srcb.at[b]], rows[b], sg[b])

        def _step(i, carry):
            c0 = NBUF * i
            for b in range(NBUF):
                pltpu.make_async_copy(t_hbm.at[srcb.at[c0 + b]],
                                      rows[b], sg[b]).wait()
                pltpu.sync_copy(rows[b], acc.at[dstb.at[c0 + b]], add=True)
                pltpu.async_copy(t_hbm.at[srcb.at[c0 + NBUF + b]],
                                 rows[b], sg[b])
            return carry
        lax.fori_loop(0, NCH // NBUF, _step, 0)

        for b in range(NBUF):
            pltpu.make_async_copy(t_hbm.at[srcb.at[NCH + b]],
                                  rows[b], sg[b]).wait()

        plsc.subcore_barrier()
        pltpu.sync_copy(acc.at[pl.ds(sid * RPT, RPT)],
                        out_hbm.at[pl.ds(cid * NPAD + sid * RPT, RPT)])

    return pl.kernel(
        body,
        out_type=jax.ShapeDtypeStruct((2 * NPAD, width), jnp.float32),
        mesh=_SC_MESH,
        scratch_types=[
            pltpu.VMEM((NCH + NBUF, CH), jnp.int32),
            pltpu.VMEM((NCH + NBUF, CH), jnp.int32),
            [pltpu.VMEM((CH, width), jnp.float32)] * NBUF,
            pltpu.VMEM_SHARED((NPAD, width), jnp.float32),
            [pltpu.SemaphoreType.DMA] * NBUF,
        ],
        compiler_params=_SC_PARAMS,
    )


def _make_deg(width):

    def body(dst_hbm, ones_hbm, z_hbm, out_hbm, dstb, onesb, acc, ss):
        cid = lax.axis_index("c")
        sid = lax.axis_index("s")
        wid = cid * NS + sid

        pltpu.sync_copy(z_hbm.at[pl.ds(sid * RPT, RPT)],
                        acc.at[pl.ds(sid * RPT, RPT)])
        pltpu.sync_copy(ones_hbm, onesb)
        pltpu.sync_copy(dst_hbm.at[wid], dstb)

        plsc.subcore_barrier()

        for b in range(NBUF):
            pltpu.make_async_copy(onesb, acc.at[dstb.at[b]],
                                  ss[b]).start(add=True)

        def _step(i, carry):
            c0 = NBUF * i
            for b in range(NBUF):
                pltpu.make_async_copy(onesb, acc.at[dstb.at[c0 + b]],
                                      ss[b]).wait()
                pltpu.make_async_copy(onesb, acc.at[dstb.at[c0 + NBUF + b]],
                                      ss[b]).start(add=True)
            return carry
        lax.fori_loop(0, NCH // NBUF - 1, _step, 0)

        c0 = NCH - NBUF
        for b in range(NBUF):
            pltpu.make_async_copy(onesb, acc.at[dstb.at[c0 + b]],
                                  ss[b]).wait()

        plsc.subcore_barrier()
        pltpu.sync_copy(acc.at[pl.ds(sid * RPT, RPT)],
                        out_hbm.at[pl.ds(cid * NPAD + sid * RPT, RPT)])

    return pl.kernel(
        body,
        out_type=jax.ShapeDtypeStruct((2 * NPAD, width), jnp.float32),
        mesh=_SC_MESH,
        scratch_types=[
            pltpu.VMEM((NCH + NBUF, CH), jnp.int32),
            pltpu.VMEM((CH, width), jnp.float32),
            pltpu.VMEM_SHARED((NPAD, width), jnp.float32),
            [pltpu.SemaphoreType.DMA] * NBUF,
        ],
        compiler_params=_SC_PARAMS,
    )


_adj16 = _make_adj(16)
_adj8 = _make_adj(8)
_deg8 = _make_deg(8)


RB = 1264


def _prep1_body(dp0, dp1, x, w, b, t3, a1, a2, u0, dinv, d2, dinvh, d2h):
    deg = dp0[...] + dp1[...]
    di8 = jnp.where(deg > 0, lax.rsqrt(jnp.maximum(deg, 1e-12)), 0.0)
    di = jnp.concatenate([di8, di8], axis=1)
    u = jnp.dot(x[...], w[...], preferred_element_type=jnp.float32)
    t3[...] = di * u[:, 48:64]
    a1[...] = di * u[:, 32:48]
    a2[...] = di * u[:, 16:32]
    u0[...] = u[:, 0:16] + b[...]
    dinv[...] = di
    d2[...] = di * di
    dinvh[...] = di8
    d2h[...] = di8 * di8


def _mid_body(sp0, sp1, a, d2, t):
    t[...] = a[...] + d2[...] * (sp0[...] + sp1[...])


def _l2prep_body(sp0, sp1, u0, dinv, dinvh, w, wp, t3, a1, a2, v0):
    h = u0[...] + dinv[...] * (sp0[...] + sp1[...])
    h = jnp.maximum(h, 0.0)
    vp = jnp.dot(h, wp[...], preferred_element_type=jnp.float32)
    t3[...] = dinvh[...] * vp[:, 16:24]
    a1[...] = dinvh[...] * vp[:, 8:16]
    a2[...] = dinvh[...] * vp[:, 0:8]
    v0[...] = jnp.dot(h, w[...], preferred_element_type=jnp.float32)


def _final_body(sp0, sp1, v0, dinvh, b, out):
    o = v0[...] + dinvh[:, 0:2] * (sp0[:, 0:2] + sp1[:, 0:2]) + b[...]
    o0 = o[:, 0:1]
    o1 = o[:, 1:2]
    m = jnp.maximum(o0, o1)
    lse = m + jnp.log(jnp.exp(o0 - m) + jnp.exp(o1 - m))
    out[...] = o - lse


def _rows(width):
    return pl.BlockSpec((RB, width), lambda i: (i, 0))


def _full(r, c):
    return pl.BlockSpec((r, c), lambda i: (0, 0))


def _tc_call(body, in_specs, out_widths):
    return pl.pallas_call(
        body,
        grid=(NPAD // RB,),
        in_specs=in_specs,
        out_specs=[_rows(w) for w in out_widths],
        out_shape=[jax.ShapeDtypeStruct((NPAD, w), jnp.float32)
                   for w in out_widths],
    )


@jax.jit
def kernel(x, edge_index, W1, b1, W2, b2):
    f32 = jnp.float32

    x_p = jnp.zeros((NPAD, D_IN), f32).at[:N].set(x)
    pad = jnp.full((EPADT - E,), NPAD - 1, jnp.int32)
    zc = jnp.zeros((NW, NBUF, CH), jnp.int32)
    src3 = jnp.concatenate(
        [jnp.concatenate([edge_index[0], pad]).reshape(NW, NCH, CH), zc], 1)
    dst3 = jnp.concatenate(
        [jnp.concatenate([edge_index[1], pad]).reshape(NW, NCH, CH), zc], 1)

    w1r = jnp.concatenate([W1[k] for k in range(4)], axis=1)
    w2p = jnp.zeros((H, 24), f32)
    w2p = w2p.at[:, 0:2].set(W2[1]).at[:, 8:10].set(W2[2]) \
             .at[:, 16:18].set(W2[3])
    b1r = jnp.broadcast_to(b1[None, :], (NPAD, H)).astype(f32)
    b2r = jnp.broadcast_to(b2[None, :], (NPAD, C)).astype(f32)
    z16 = jnp.zeros((NPAD, 16), f32)
    z8 = jnp.zeros((NPAD, 8), f32)
    ones8 = jnp.ones((CH, 8), f32)

    dp = _deg8(dst3, ones8, z8)
    prep1 = _tc_call(
        _prep1_body,
        [_rows(8), _rows(8), _rows(D_IN), _full(D_IN, 64), _rows(16)],
        [16, 16, 16, 16, 16, 16, 8, 8])
    t3, a1, a2, u0, dinv, d2, dinvh, d2h = prep1(
        dp[:NPAD], dp[NPAD:], x_p, w1r, b1r)

    mid16 = _tc_call(_mid_body, [_rows(16)] * 4, [16])
    s = _adj16(t3, src3, dst3, z16)
    t = mid16(s[:NPAD], s[NPAD:], a1, d2)[0]
    s = _adj16(t, src3, dst3, z16)
    t = mid16(s[:NPAD], s[NPAD:], a2, d2)[0]
    s = _adj16(t, src3, dst3, z16)

    l2prep = _tc_call(
        _l2prep_body,
        [_rows(16)] * 4 + [_rows(8), _full(H, C), _full(H, 24)],
        [8, 8, 8, C])
    t3b, a1b, a2b, v0 = l2prep(s[:NPAD], s[NPAD:], u0, dinv, dinvh,
                               W2[0].astype(f32), w2p)

    mid8 = _tc_call(_mid_body, [_rows(8)] * 4, [8])
    s = _adj8(t3b, src3, dst3, z8)
    t = mid8(s[:NPAD], s[NPAD:], a1b, d2h)[0]
    s = _adj8(t, src3, dst3, z8)
    t = mid8(s[:NPAD], s[NPAD:], a2b, d2h)[0]
    s = _adj8(t, src3, dst3, z8)

    fin = _tc_call(_final_body,
                   [_rows(8), _rows(8), _rows(C), _rows(8), _rows(C)],
                   [C])
    out = fin(s[:NPAD], s[NPAD:], v0, dinvh, b2r)[0]
    return out[:N]

# --- scband reference (transcript-rebuilt; emitter-appended) ---
"""Pipeline reference for scband-net-44762149159268 (READ-ONLY COPY).

The authoritative reference and input builder live on the scoring server;
editing this copy changes nothing except your own understanding.
"""

import jax, jax.numpy as jnp
import numpy as np

N = 10000
E = 320000
D_IN = 128
H = 16
C = 2
K = 3


def setup_inputs(seed: int = 0) -> dict:
    key = jax.random.key(seed)
    ks = jax.random.split(key, 6)
    x = jax.random.normal(ks[0], (N, D_IN), dtype=jnp.float32)
    edge_index = jax.random.randint(ks[1], (2, E), 0, N, dtype=jnp.int32)
    # TAGConv params: lins are K+1 independent weight matrices + a shared bias
    W1 = jax.random.normal(ks[2], (K + 1, D_IN, H), dtype=jnp.float32) * (1.0 / np.sqrt(D_IN))
    b1 = jnp.zeros((H,), dtype=jnp.float32)
    W2 = jax.random.normal(ks[3], (K + 1, H, C), dtype=jnp.float32) * (1.0 / np.sqrt(H))
    b2 = jnp.zeros((C,), dtype=jnp.float32)
    return {"x": x, "edge_index": edge_index, "W1": W1, "b1": b1, "W2": W2, "b2": b2}


def _tag_conv(x, edge_index, W, b):
    # TAGConv: out = sum_{k=0..K} (D^{-1/2} A D^{-1/2})^k x @ W_k + b  (no self-loops)
    src = edge_index[0]
    dst = edge_index[1]
    ones = jnp.ones((src.shape[0],), dtype=x.dtype)
    deg = jax.ops.segment_sum(ones, dst, num_segments=N)
    deg_inv_sqrt = jnp.where(deg > 0, 1.0 / jnp.sqrt(jnp.maximum(deg, 1e-12)), 0.0)
    norm = deg_inv_sqrt[src] * deg_inv_sqrt[dst]
    out = x @ W[0]
    h = x
    for k in range(1, W.shape[0]):
        msg = norm[:, None] * h[src]
        h = jax.ops.segment_sum(msg, dst, num_segments=N)
        out = out + h @ W[k]
    return out + b


def reference(x, edge_index, W1, b1, W2, b2):
    h = jax.nn.relu(_tag_conv(x, edge_index, W1, b1))
    # F.dropout(training=False) in eval mode is identity
    out = _tag_conv(h, edge_index, W2, b2)
    return jax.nn.log_softmax(out, axis=1)

if __name__ == "__main__":
    import jax
    _d = setup_inputs()
    print(jax.jit(kernel)(*tuple(_d.values())))

</pallas_src>

<mosaic_0001>
#map = affine_map<(d0, d1) -> (0, 0, 0)>
#map1 = affine_map<(d0, d1) -> (0, 0)>
module attributes {stable_mosaic.version = 14 : i64} {
  func.func @body(%arg0: i32, %arg1: i32, %arg2: memref<32x162x64xi32, #tpu.memory_space<hbm>>, %arg3: memref<64x8xf32, #tpu.memory_space<hbm>>, %arg4: memref<10112x8xf32, #tpu.memory_space<hbm>>, %arg5: memref<20224x8xf32, #tpu.memory_space<hbm>>, %arg6: memref<162x64xi32, #tpu.memory_space<vmem>>, %arg7: memref<64x8xf32, #tpu.memory_space<vmem>>, %arg8: memref<10112x8xf32, #tpu.memory_space<vmem_shared>>, %arg9: memref<!tpu.dma_semaphore, #tpu.memory_space<semaphore_mem>>, %arg10: memref<!tpu.dma_semaphore, #tpu.memory_space<semaphore_mem>>, %arg11: memref<!tpu.dma_semaphore, #tpu.memory_space<semaphore_mem>>) attributes {dimension_semantics = [#tpu.dimension_semantics<core_parallel>, #tpu.dimension_semantics<subcore_parallel>], iteration_bounds = array<i64: 2, 16>, scalar_prefetch = 0 : i64, scratch_operands = 6 : i64, tpu.core_type = #tpu.core_type<sc_vector_subcore>, window_params = [{transform_indices = #map}, {transform_indices = #map1}, {transform_indices = #map1}, {transform_indices = #map1}]} {
    %mul3A = arith.constant 16 : i32
    %mul3A_0 = arith.muli %arg0, %mul3A : i32
    %add3A = arith.addi %mul3A_0, %arg1 : i32
    %mul3A_1 = arith.constant 632 : i32
    %mul3A_2 = arith.muli %arg1, %mul3A_1 : i32
    %mul3A_3 = arith.constant 632 : i32
    %mul3A_4 = arith.muli %arg1, %mul3A_3 : i32
    "tpu.region"() ({
      %run_scoped3A = tpu.sem_alloc : memref<!tpu.dma_semaphore, #tpu.memory_space<semaphore_mem>>
      %dma_start3A_58 = arith.constant 0 : i32
      %dma_start3A_59 = tpu.memref_slice %arg8[%mul3A_4, %dma_start3A_58] : memref<10112x8xf32, #tpu.memory_space<vmem_shared>> -> memref<632x8xf32, #tpu.memory_space<vmem_shared>>
      %dma_start3A_60 = arith.constant 0 : i32
      %dma_start3A_61 = tpu.memref_slice %arg4[%mul3A_2, %dma_start3A_60] : memref<10112x8xf32, #tpu.memory_space<hbm>> -> memref<632x8xf32, #tpu.memory_space<hbm>>
      tpu.enqueue_dma source(%dma_start3A_61 : memref<632x8xf32, #tpu.memory_space<hbm>>) target(%dma_start3A_59 : memref<632x8xf32, #tpu.memory_space<vmem_shared>>) target_semaphore(%run_scoped3A : memref<!tpu.dma_semaphore, #tpu.memory_space<semaphore_mem>>)
      %dma_wait3A_62 = arith.constant 0 : i32
      %dma_wait3A_63 = tpu.memref_slice %arg8[%mul3A_4, %dma_wait3A_62] : memref<10112x8xf32, #tpu.memory_space<vmem_shared>> -> memref<632x8xf32, #tpu.memory_space<vmem_shared>>
      %dma_wait3A_64 = arith.constant 0 : i32
      %dma_wait3A_65 = tpu.memref_slice %arg4[%mul3A_2, %dma_wait3A_64] : memref<10112x8xf32, #tpu.memory_space<hbm>> -> memref<632x8xf32, #tpu.memory_space<hbm>>
      tpu.wait_dma2 semaphore(%run_scoped3A : memref<!tpu.dma_semaphore, #tpu.memory_space<semaphore_mem>>) src(%dma_wait3A_65 : memref<632x8xf32, #tpu.memory_space<hbm>>) dst(%dma_wait3A_63 : memref<632x8xf32, #tpu.memory_space<vmem_shared>>)
      tpu.yield
    }) : () -> ()
    "tpu.region"() ({
      %run_scoped3A = tpu.sem_alloc : memref<!tpu.dma_semaphore, #tpu.memory_space<semaphore_mem>>
      tpu.enqueue_dma source(%arg3 : memref<64x8xf32, #tpu.memory_space<hbm>>) target(%arg7 : memref<64x8xf32, #tpu.memory_space<vmem>>) target_semaphore(%run_scoped3A : memref<!tpu.dma_semaphore, #tpu.memory_space<semaphore_mem>>)
      tpu.wait_dma2 semaphore(%run_scoped3A : memref<!tpu.dma_semaphore, #tpu.memory_space<semaphore_mem>>) src(%arg3 : memref<64x8xf32, #tpu.memory_space<hbm>>) dst(%arg7 : memref<64x8xf32, #tpu.memory_space<vmem>>)
      tpu.yield
    }) : () -> ()
    "tpu.region"() ({
      %run_scoped3A = tpu.sem_alloc : memref<!tpu.dma_semaphore, #tpu.memory_space<semaphore_mem>>
      %dma_start3A_58 = arith.constant 0 : i32
      %dma_start3A_59 = arith.constant 0 : i32
      %dma_start3A_60 = tpu.memref_slice %arg2[%add3A, %dma_start3A_58, %dma_start3A_59] : memref<32x162x64xi32, #tpu.memory_space<hbm>> -> memref<1x162x64xi32, #tpu.memory_space<hbm>>
      %dma_start3A_61 = tpu.memref_squeeze %dma_start3A_60 : memref<1x162x64xi32, #tpu.memory_space<hbm>> -> memref<162x64xi32, #tpu.memory_space<hbm>>
      %dma_start3A_62 = arith.constant 0 : i32
      %dma_start3A_63 = arith.constant 0 : i32
      %dma_start3A_64 = tpu.memref_slice %arg2[%add3A, %dma_start3A_62, %dma_start3A_63] : memref<32x162x64xi32, #tpu.memory_space<hbm>> -> memref<1x162x64xi32, #tpu.memory_space<hbm>>
      %dma_start3A_65 = tpu.memref_squeeze %dma_start3A_64 : memref<1x162x64xi32, #tpu.memory_space<hbm>> -> memref<162x64xi32, #tpu.memory_space<hbm>>
      tpu.enqueue_dma source(%dma_start3A_65 : memref<162x64xi32, #tpu.memory_space<hbm>>) target(%arg6 : memref<162x64xi32, #tpu.memory_space<vmem>>) target_semaphore(%run_scoped3A : memref<!tpu.dma_semaphore, #tpu.memory_space<semaphore_mem>>)
      %dma_wait3A_66 = arith.constant 0 : i32
      %dma_wait3A_67 = arith.constant 0 : i32
      %dma_wait3A_68 = tpu.memref_slice %arg2[%add3A, %dma_wait3A_66, %dma_wait3A_67] : memref<32x162x64xi32, #tpu.memory_space<hbm>> -> memref<1x162x64xi32, #tpu.memory_space<hbm>>
      %dma_wait3A_69 = tpu.memref_squeeze %dma_wait3A_68 : memref<1x162x64xi32, #tpu.memory_space<hbm>> -> memref<162x64xi32, #tpu.memory_space<hbm>>
      %dma_wait3A_70 = arith.constant 0 : i32
      %dma_wait3A_71 = arith.constant 0 : i32
      %dma_wait3A_72 = tpu.memref_slice %arg2[%add3A, %dma_wait3A_70, %dma_wait3A_71] : memref<32x162x64xi32, #tpu.memory_space<hbm>> -> memref<1x162x64xi32, #tpu.memory_space<hbm>>
      %dma_wait3A_73 = tpu.memref_squeeze %dma_wait3A_72 : memref<1x162x64xi32, #tpu.memory_space<hbm>> -> memref<162x64xi32, #tpu.memory_space<hbm>>
      tpu.wait_dma2 semaphore(%run_scoped3A : memref<!tpu.dma_semaphore, #tpu.memory_space<semaphore_mem>>) src(%dma_wait3A_73 : memref<162x64xi32, #tpu.memory_space<hbm>>) dst(%arg6 : memref<162x64xi32, #tpu.memory_space<vmem>>)
      tpu.yield
    }) : () -> ()
    %barrier3A = arith.constant 0 : index
    tpu.barrier barrier_id(%barrier3A)
    %dma_start3A = arith.constant 0 : i32
    %dma_start3A_5 = arith.constant 0 : i32
    %dma_start3A_6 = tpu.memref_slice %arg6[%dma_start3A, %dma_start3A_5] : memref<162x64xi32, #tpu.memory_space<vmem>> -> memref<1x64xi32, #tpu.memory_space<vmem>>
    %dma_start3A_7 = tpu.memref_squeeze %dma_start3A_6 : memref<1x64xi32, #tpu.memory_space<vmem>> -> memref<64xi32, #tpu.memory_space<vmem>>
    %dma_start3A_8 = arith.constant 0 : i32
    %dma_start3A_9 = arith.constant 0 : i32
    %dma_start3A_10 = tpu.memref_slice %arg8[%dma_start3A_8, %dma_start3A_9] : memref<10112x8xf32, #tpu.memory_space<vmem_shared>> -> memref<10112x8xf32, #tpu.memory_space<vmem_shared>>
    tpu.enqueue_indirect_dma source(%arg7 : memref<64x8xf32, #tpu.memory_space<vmem>>) target(%dma_start3A_10 : memref<10112x8xf32, #tpu.memory_space<vmem_shared>>) offsets(%dma_start3A_7 : memref<64xi32, #tpu.memory_space<vmem>>) semaphore(%arg9 : memref<!tpu.dma_semaphore, #tpu.memory_space<semaphore_mem>>) {add = true}
    %dma_start3A_11 = arith.constant 1 : i32
    %dma_start3A_12 = arith.constant 0 : i32
    %dma_start3A_13 = tpu.memref_slice %arg6[%dma_start3A_11, %dma_start3A_12] : memref<162x64xi32, #tpu.memory_space<vmem>> -> memref<1x64xi32, #tpu.memory_space<vmem>>
    %dma_start3A_14 = tpu.memref_squeeze %dma_start3A_13 : memref<1x64xi32, #tpu.memory_space<vmem>> -> memref<64xi32, #tpu.memory_space<vmem>>
    %dma_start3A_15 = arith.constant 0 : i32
    %dma_start3A_16 = arith.constant 0 : i32
    %dma_start3A_17 = tpu.memref_slice %arg8[%dma_start3A_15, %dma_start3A_16] : memref<10112x8xf32, #tpu.memory_space<vmem_shared>> -> memref<10112x8xf32, #tpu.memory_space<vmem_shared>>
    tpu.enqueue_indirect_dma source(%arg7 : memref<64x8xf32, #tpu.memory_space<vmem>>) target(%dma_start3A_17 : memref<10112x8xf32, #tpu.memory_space<vmem_shared>>) offsets(%dma_start3A_14 : memref<64xi32, #tpu.memory_space<vmem>>) semaphore(%arg10 : memref<!tpu.dma_semaphore, #tpu.memory_space<semaphore_mem>>) {add = true}
    %dma_start3A_18 = arith.constant 2 : i32
    %dma_start3A_19 = arith.constant 0 : i32
    %dma_start3A_20 = tpu.memref_slice %arg6[%dma_start3A_18, %dma_start3A_19] : memref<162x64xi32, #tpu.memory_space<vmem>> -> memref<1x64xi32, #tpu.memory_space<vmem>>
    %dma_start3A_21 = tpu.memref_squeeze %dma_start3A_20 : memref<1x64xi32, #tpu.memory_space<vmem>> -> memref<64xi32, #tpu.memory_space<vmem>>
    %dma_start3A_22 = arith.constant 0 : i32
    %dma_start3A_23 = arith.constant 0 : i32
    %dma_start3A_24 = tpu.memref_slice %arg8[%dma_start3A_22, %dma_start3A_23] : memref<10112x8xf32, #tpu.memory_space<vmem_shared>> -> memref<10112x8xf32, #tpu.memory_space<vmem_shared>>
    tpu.enqueue_indirect_dma source(%arg7 : memref<64x8xf32, #tpu.memory_space<vmem>>) target(%dma_start3A_24 : memref<10112x8xf32, #tpu.memory_space<vmem_shared>>) offsets(%dma_start3A_21 : memref<64xi32, #tpu.memory_space<vmem>>) semaphore(%arg11 : memref<!tpu.dma_semaphore, #tpu.memory_space<semaphore_mem>>) {add = true}
    %scan3A = arith.constant 0 : i32
    %scan3A_25 = arith.constant 0 : i32
    %scan3A_26 = arith.constant 52 : i32
    %scan3A_27 = arith.addi %scan3A_25, %scan3A_26 : i32
    %scan3A_28 = arith.constant 1 : i32
    scf.for %scan3A_58 = %scan3A_25 to %scan3A_27 step %scan3A_28  : i32 {
      %mul3A_59 = arith.constant 3 : i32
      %mul3A_60 = arith.muli %mul3A_59, %scan3A_58 : i32
      %add3A_61 = arith.constant 0 : i32
      %add3A_62 = arith.addi %mul3A_60, %add3A_61 : i32
      %dma_wait3A_63 = arith.constant 0 : i32
      %dma_wait3A_64 = tpu.memref_slice %arg6[%add3A_62, %dma_wait3A_63] : memref<162x64xi32, #tpu.memory_space<vmem>> -> memref<1x64xi32, #tpu.memory_space<vmem>>
      %dma_wait3A_65 = tpu.memref_squeeze %dma_wait3A_64 : memref<1x64xi32, #tpu.memory_space<vmem>> -> memref<64xi32, #tpu.memory_space<vmem>>
      %dma_wait3A_66 = arith.constant 0 : i32
      %dma_wait3A_67 = arith.constant 0 : i32
      %dma_wait3A_68 = tpu.memref_slice %arg8[%dma_wait3A_66, %dma_wait3A_67] : memref<10112x8xf32, #tpu.memory_space<vmem_shared>> -> memref<10112x8xf32, #tpu.memory_space<vmem_shared>>
      tpu.wait_indirect_dma semaphore(%arg9 : memref<!tpu.dma_semaphore, #tpu.memory_space<semaphore_mem>>) src(%arg7 : memref<64x8xf32, #tpu.memory_space<vmem>>) dst(%dma_wait3A_68 : memref<10112x8xf32, #tpu.memory_space<vmem_shared>>)
      %add3A_69 = arith.constant 3 : i32
      %add3A_70 = arith.addi %mul3A_60, %add3A_69 : i32
      %add3A_71 = arith.constant 0 : i32
      %add3A_72 = arith.addi %add3A_70, %add3A_71 : i32
      %dma_start3A_73 = arith.constant 0 : i32
      %dma_start3A_74 = tpu.memref_slice %arg6[%add3A_72, %dma_start3A_73] : memref<162x64xi32, #tpu.memory_space<vmem>> -> memref<1x64xi32, #tpu.memory_space<vmem>>
      %dma_start3A_75 = tpu.memref_squeeze %dma_start3A_74 : memref<1x64xi32, #tpu.memory_space<vmem>> -> memref<64xi32, #tpu.memory_space<vmem>>
      %dma_start3A_76 = arith.constant 0 : i32
      %dma_start3A_77 = arith.constant 0 : i32
      %dma_start3A_78 = tpu.memref_slice %arg8[%dma_start3A_76, %dma_start3A_77] : memref<10112x8xf32, #tpu.memory_space<vmem_shared>> -> memref<10112x8xf32, #tpu.memory_space<vmem_shared>>
      tpu.enqueue_indirect_dma source(%arg7 : memref<64x8xf32, #tpu.memory_space<vmem>>) target(%dma_start3A_78 : memref<10112x8xf32, #tpu.memory_space<vmem_shared>>) offsets(%dma_start3A_75 : memref<64xi32, #tpu.memory_space<vmem>>) semaphore(%arg9 : memref<!tpu.dma_semaphore, #tpu.memory_space<semaphore_mem>>) {add = true}
      %add3A_79 = arith.constant 1 : i32
      %add3A_80 = arith.addi %mul3A_60, %add3A_79 : i32
      %dma_wait3A_81 = arith.constant 0 : i32
      %dma_wait3A_82 = tpu.memref_slice %arg6[%add3A_80, %dma_wait3A_81] : memref<162x64xi32, #tpu.memory_space<vmem>> -> memref<1x64xi32, #tpu.memory_space<vmem>>
      %dma_wait3A_83 = tpu.memref_squeeze %dma_wait3A_82 : memref<1x64xi32, #tpu.memory_space<vmem>> -> memref<64xi32, #tpu.memory_space<vmem>>
      %dma_wait3A_84 = arith.constant 0 : i32
      %dma_wait3A_85 = arith.constant 0 : i32
      %dma_wait3A_86 = tpu.memref_slice %arg8[%dma_wait3A_84, %dma_wait3A_85] : memref<10112x8xf32, #tpu.memory_space<vmem_shared>> -> memref<10112x8xf32, #tpu.memory_space<vmem_shared>>
      tpu.wait_indirect_dma semaphore(%arg10 : memref<!tpu.dma_semaphore, #tpu.memory_space<semaphore_mem>>) src(%arg7 : memref<64x8xf32, #tpu.memory_space<vmem>>) dst(%dma_wait3A_86 : memref<10112x8xf32, #tpu.memory_space<vmem_shared>>)
      %add3A_87 = arith.constant 3 : i32
      %add3A_88 = arith.addi %mul3A_60, %add3A_87 : i32
      %add3A_89 = arith.constant 1 : i32
      %add3A_90 = arith.addi %add3A_88, %add3A_89 : i32
      %dma_start3A_91 = arith.constant 0 : i32
      %dma_start3A_92 = tpu.memref_slice %arg6[%add3A_90, %dma_start3A_91] : memref<162x64xi32, #tpu.memory_space<vmem>> -> memref<1x64xi32, #tpu.memory_space<vmem>>
      %dma_start3A_93 = tpu.memref_squeeze %dma_start3A_92 : memref<1x64xi32, #tpu.memory_space<vmem>> -> memref<64xi32, #tpu.memory_space<vmem>>
      %dma_start3A_94 = arith.constant 0 : i32
      %dma_start3A_95 = arith.constant 0 : i32
      %dma_start3A_96 = tpu.memref_slice %arg8[%dma_start3A_94, %dma_start3A_95] : memref<10112x8xf32, #tpu.memory_space<vmem_shared>> -> memref<10112x8xf32, #tpu.memory_space<vmem_shared>>
      tpu.enqueue_indirect_dma source(%arg7 : memref<64x8xf32, #tpu.memory_space<vmem>>) target(%dma_start3A_96 : memref<10112x8xf32, #tpu.memory_space<vmem_shared>>) offsets(%dma_start3A_93 : memref<64xi32, #tpu.memory_space<vmem>>) semaphore(%arg10 : memref<!tpu.dma_semaphore, #tpu.memory_space<semaphore_mem>>) {add = true}
      %add3A_97 = arith.constant 2 : i32
      %add3A_98 = arith.addi %mul3A_60, %add3A_97 : i32
      %dma_wait3A_99 = arith.constant 0 : i32
      %dma_wait3A_100 = tpu.memref_slice %arg6[%add3A_98, %dma_wait3A_99] : memref<162x64xi32, #tpu.memory_space<vmem>> -> memref<1x64xi32, #tpu.memory_space<vmem>>
      %dma_wait3A_101 = tpu.memref_squeeze %dma_wait3A_100 : memref<1x64xi32, #tpu.memory_space<vmem>> -> memref<64xi32, #tpu.memory_space<vmem>>
      %dma_wait3A_102 = arith.constant 0 : i32
      %dma_wait3A_103 = arith.constant 0 : i32
      %dma_wait3A_104 = tpu.memref_slice %arg8[%dma_wait3A_102, %dma_wait3A_103] : memref<10112x8xf32, #tpu.memory_space<vmem_shared>> -> memref<10112x8xf32, #tpu.memory_space<vmem_shared>>
      tpu.wait_indirect_dma semaphore(%arg11 : memref<!tpu.dma_semaphore, #tpu.memory_space<semaphore_mem>>) src(%arg7 : memref<64x8xf32, #tpu.memory_space<vmem>>) dst(%dma_wait3A_104 : memref<10112x8xf32, #tpu.memory_space<vmem_shared>>)
      %add3A_105 = arith.constant 3 : i32
      %add3A_106 = arith.addi %mul3A_60, %add3A_105 : i32
      %add3A_107 = arith.constant 2 : i32
      %add3A_108 = arith.addi %add3A_106, %add3A_107 : i32
      %dma_start3A_109 = arith.constant 0 : i32
      %dma_start3A_110 = tpu.memref_slice %arg6[%add3A_108, %dma_start3A_109] : memref<162x64xi32, #tpu.memory_space<vmem>> -> memref<1x64xi32, #tpu.memory_space<vmem>>
      %dma_start3A_111 = tpu.memref_squeeze %dma_start3A_110 : memref<1x64xi32, #tpu.memory_space<vmem>> -> memref<64xi32, #tpu.memory_space<vmem>>
      %dma_start3A_112 = arith.constant 0 : i32
      %dma_start3A_113 = arith.constant 0 : i32
      %dma_start3A_114 = tpu.memref_slice %arg8[%dma_start3A_112, %dma_start3A_113] : memref<10112x8xf32, #tpu.memory_space<vmem_shared>> -> memref<10112x8xf32, #tpu.memory_space<vmem_shared>>
      tpu.enqueue_indirect_dma source(%arg7 : memref<64x8xf32, #tpu.memory_space<vmem>>) target(%dma_start3A_114 : memref<10112x8xf32, #tpu.memory_space<vmem_shared>>) offsets(%dma_start3A_111 : memref<64xi32, #tpu.memory_space<vmem>>) semaphore(%arg11 : memref<!tpu.dma_semaphore, #tpu.memory_space<semaphore_mem>>) {add = true}
    }
    %scan3A_29 = arith.constant 52 : i32
    %dma_wait3A = arith.constant 156 : i32
    %dma_wait3A_30 = arith.constant 0 : i32
    %dma_wait3A_31 = tpu.memref_slice %arg6[%dma_wait3A, %dma_wait3A_30] : memref<162x64xi32, #tpu.memory_space<vmem>> -> memref<1x64xi32, #tpu.memory_space<vmem>>
    %dma_wait3A_32 = tpu.memref_squeeze %dma_wait3A_31 : memref<1x64xi32, #tpu.memory_space<vmem>> -> memref<64xi32, #tpu.memory_space<vmem>>
    %dma_wait3A_33 = arith.constant 0 : i32
    %dma_wait3A_34 = arith.constant 0 : i32
    %dma_wait3A_35 = tpu.memref_slice %arg8[%dma_wait3A_33, %dma_wait3A_34] : memref<10112x8xf32, #tpu.memory_space<vmem_shared>> -> memref<10112x8xf32, #tpu.memory_space<vmem_shared>>
    tpu.wait_indirect_dma semaphore(%arg9 : memref<!tpu.dma_semaphore, #tpu.memory_space<semaphore_mem>>) src(%arg7 : memref<64x8xf32, #tpu.memory_space<vmem>>) dst(%dma_wait3A_35 : memref<10112x8xf32, #tpu.memory_space<vmem_shared>>)
    %dma_wait3A_36 = arith.constant 157 : i32
    %dma_wait3A_37 = arith.constant 0 : i32
    %dma_wait3A_38 = tpu.memref_slice %arg6[%dma_wait3A_36, %dma_wait3A_37] : memref<162x64xi32, #tpu.memory_space<vmem>> -> memref<1x64xi32, #tpu.memory_space<vmem>>
    %dma_wait3A_39 = tpu.memref_squeeze %dma_wait3A_38 : memref<1x64xi32, #tpu.memory_space<vmem>> -> memref<64xi32, #tpu.memory_space<vmem>>
    %dma_wait3A_40 = arith.constant 0 : i32
    %dma_wait3A_41 = arith.constant 0 : i32
    %dma_wait3A_42 = tpu.memref_slice %arg8[%dma_wait3A_40, %dma_wait3A_41] : memref<10112x8xf32, #tpu.memory_space<vmem_shared>> -> memref<10112x8xf32, #tpu.memory_space<vmem_shared>>
    tpu.wait_indirect_dma semaphore(%arg10 : memref<!tpu.dma_semaphore, #tpu.memory_space<semaphore_mem>>) src(%arg7 : memref<64x8xf32, #tpu.memory_space<vmem>>) dst(%dma_wait3A_42 : memref<10112x8xf32, #tpu.memory_space<vmem_shared>>)
    %dma_wait3A_43 = arith.constant 158 : i32
    %dma_wait3A_44 = arith.constant 0 : i32
    %dma_wait3A_45 = tpu.memref_slice %arg6[%dma_wait3A_43, %dma_wait3A_44] : memref<162x64xi32, #tpu.memory_space<vmem>> -> memref<1x64xi32, #tpu.memory_space<vmem>>
    %dma_wait3A_46 = tpu.memref_squeeze %dma_wait3A_45 : memref<1x64xi32, #tpu.memory_space<vmem>> -> memref<64xi32, #tpu.memory_space<vmem>>
    %dma_wait3A_47 = arith.constant 0 : i32
    %dma_wait3A_48 = arith.constant 0 : i32
    %dma_wait3A_49 = tpu.memref_slice %arg8[%dma_wait3A_47, %dma_wait3A_48] : memref<10112x8xf32, #tpu.memory_space<vmem_shared>> -> memref<10112x8xf32, #tpu.memory_space<vmem_shared>>
    tpu.wait_indirect_dma semaphore(%arg11 : memref<!tpu.dma_semaphore, #tpu.memory_space<semaphore_mem>>) src(%arg7 : memref<64x8xf32, #tpu.memory_space<vmem>>) dst(%dma_wait3A_49 : memref<10112x8xf32, #tpu.memory_space<vmem_shared>>)
    %barrier3A_50 = arith.constant 0 : index
    tpu.barrier barrier_id(%barrier3A_50)
    %mul3A_51 = arith.constant 632 : i32
    %mul3A_52 = arith.muli %arg1, %mul3A_51 : i32
    %mul3A_53 = arith.constant 10112 : i32
    %mul3A_54 = arith.muli %arg0, %mul3A_53 : i32
    %mul3A_55 = arith.constant 632 : i32
    %mul3A_56 = arith.muli %arg1, %mul3A_55 : i32
    %add3A_57 = arith.addi %mul3A_54, %mul3A_56 : i32
    "tpu.region"() ({
      %run_scoped3A = tpu.sem_alloc : memref<!tpu.dma_semaphore, #tpu.memory_space<semaphore_mem>>
      %dma_start3A_58 = arith.constant 0 : i32
      %dma_start3A_59 = tpu.memref_slice %arg5[%add3A_57, %dma_start3A_58] : memref<20224x8xf32, #tpu.memory_space<hbm>> -> memref<632x8xf32, #tpu.memory_space<hbm>>
      %dma_start3A_60 = arith.constant 0 : i32
      %dma_start3A_61 = tpu.memref_slice %arg8[%mul3A_52, %dma_start3A_60] : memref<10112x8xf32, #tpu.memory_space<vmem_shared>> -> memref<632x8xf32, #tpu.memory_space<vmem_shared>>
      tpu.enqueue_dma source(%dma_start3A_61 : memref<632x8xf32, #tpu.memory_space<vmem_shared>>) target(%dma_start3A_59 : memref<632x8xf32, #tpu.memory_space<hbm>>) target_semaphore(%run_scoped3A : memref<!tpu.dma_semaphore, #tpu.memory_space<semaphore_mem>>)
      %dma_wait3A_62 = arith.constant 0 : i32
      %dma_wait3A_63 = tpu.memref_slice %arg5[%add3A_57, %dma_wait3A_62] : memref<20224x8xf32, #tpu.memory_space<hbm>> -> memref<632x8xf32, #tpu.memory_space<hbm>>
      %dma_wait3A_64 = arith.constant 0 : i32
      %dma_wait3A_65 = tpu.memref_slice %arg8[%mul3A_52, %dma_wait3A_64] : memref<10112x8xf32, #tpu.memory_space<vmem_shared>> -> memref<632x8xf32, #tpu.memory_space<vmem_shared>>
      tpu.wait_dma2 semaphore(%run_scoped3A : memref<!tpu.dma_semaphore, #tpu.memory_space<semaphore_mem>>) src(%dma_wait3A_65 : memref<632x8xf32, #tpu.memory_space<vmem_shared>>) dst(%dma_wait3A_63 : memref<632x8xf32, #tpu.memory_space<hbm>>)
      tpu.yield
    }) : () -> ()
    return
  }
}

#map = affine_map<(d0, d1) -> (0, 0)>
#map1 = affine_map<(d0, d1) -> (0, 0, 0)>
module attributes {stable_mosaic.version = 14 : i64} {
  func.func @body(%arg0: i32, %arg1: i32, %arg2: memref<10112x16xf32, #tpu.memory_space<hbm>>, %arg3: memref<32x162x64xi32, #tpu.memory_space<hbm>>, %arg4: memref<32x162x64xi32, #tpu.memory_space<hbm>>, %arg5: memref<10112x16xf32, #tpu.memory_space<hbm>>, %arg6: memref<20224x16xf32, #tpu.memory_space<hbm>>, %arg7: memref<162x64xi32, #tpu.memory_space<vmem>>, %arg8: memref<162x64xi32, #tpu.memory_space<vmem>>, %arg9: memref<64x16xf32, #tpu.memory_space<vmem>>, %arg10: memref<64x16xf32, #tpu.memory_space<vmem>>, %arg11: memref<64x16xf32, #tpu.memory_space<vmem>>, %arg12: memref<10112x16xf32, #tpu.memory_space<vmem_shared>>, %arg13: memref<!tpu.dma_semaphore, #tpu.memory_space<semaphore_mem>>, %arg14: memref<!tpu.dma_semaphore, #tpu.memory_space<semaphore_mem>>, %arg15: memref<!tpu.dma_semaphore, #tpu.memory_space<semaphore_mem>>) attributes {dimension_semantics = [#tpu.dimension_semantics<core_parallel>, #tpu.dimension_semantics<subcore_parallel>], iteration_bounds = array<i64: 2, 16>, scalar_prefetch = 0 : i64, scratch_operands = 9 : i64, tpu.core_type = #tpu.core_type<sc_vector_subcore>, window_params = [{transform_indices = #map}, {transform_indices = #map1}, {transform_indices = #map1}, {transform_indices = #map}, {transform_indices = #map}]} {
    %mul3A = arith.constant 16 : i32
    %mul3A_0 = arith.muli %arg0, %mul3A : i32
    %add3A = arith.addi %mul3A_0, %arg1 : i32
    %mul3A_1 = arith.constant 632 : i32
    %mul3A_2 = arith.muli %arg1, %mul3A_1 : i32
    %mul3A_3 = arith.constant 632 : i32
    %mul3A_4 = arith.muli %arg1, %mul3A_3 : i32
    "tpu.region"() ({
      %run_scoped3A = tpu.sem_alloc : memref<!tpu.dma_semaphore, #tpu.memory_space<semaphore_mem>>
      %dma_start3A_58 = arith.constant 0 : i32
      %dma_start3A_59 = tpu.memref_slice %arg12[%mul3A_4, %dma_start3A_58] : memref<10112x16xf32, #tpu.memory_space<vmem_shared>> -> memref<632x16xf32, #tpu.memory_space<vmem_shared>>
      %dma_start3A_60 = arith.constant 0 : i32
      %dma_start3A_61 = tpu.memref_slice %arg5[%mul3A_2, %dma_start3A_60] : memref<10112x16xf32, #tpu.memory_space<hbm>> -> memref<632x16xf32, #tpu.memory_space<hbm>>
      tpu.enqueue_dma source(%dma_start3A_61 : memref<632x16xf32, #tpu.memory_space<hbm>>) target(%dma_start3A_59 : memref<632x16xf32, #tpu.memory_space<vmem_shared>>) target_semaphore(%run_scoped3A : memref<!tpu.dma_semaphore, #tpu.memory_space<semaphore_mem>>)
      %dma_wait3A_62 = arith.constant 0 : i32
      %dma_wait3A_63 = tpu.memref_slice %arg12[%mul3A_4, %dma_wait3A_62] : memref<10112x16xf32, #tpu.memory_space<vmem_shared>> -> memref<632x16xf32, #tpu.memory_space<vmem_shared>>
      %dma_wait3A_64 = arith.constant 0 : i32
      %dma_wait3A_65 = tpu.memref_slice %arg5[%mul3A_2, %dma_wait3A_64] : memref<10112x16xf32, #tpu.memory_space<hbm>> -> memref<632x16xf32, #tpu.memory_space<hbm>>
      tpu.wait_dma2 semaphore(%run_scoped3A : memref<!tpu.dma_semaphore, #tpu.memory_space<semaphore_mem>>) src(%dma_wait3A_65 : memref<632x16xf32, #tpu.memory_space<hbm>>) dst(%dma_wait3A_63 : memref<632x16xf32, #tpu.memory_space<vmem_shared>>)
      tpu.yield
    }) : () -> ()
    "tpu.region"() ({
      %run_scoped3A = tpu.sem_alloc : memref<!tpu.dma_semaphore, #tpu.memory_space<semaphore_mem>>
      %dma_start3A_58 = arith.constant 0 : i32
      %dma_start3A_59 = arith.constant 0 : i32
      %dma_start3A_60 = tpu.memref_slice %arg3[%add3A, %dma_start3A_58, %dma_start3A_59] : memref<32x162x64xi32, #tpu.memory_space<hbm>> -> memref<1x162x64xi32, #tpu.memory_space<hbm>>
      %dma_start3A_61 = tpu.memref_squeeze %dma_start3A_60 : memref<1x162x64xi32, #tpu.memory_space<hbm>> -> memref<162x64xi32, #tpu.memory_space<hbm>>
      %dma_start3A_62 = arith.constant 0 : i32
      %dma_start3A_63 = arith.constant 0 : i32
      %dma_start3A_64 = tpu.memref_slice %arg3[%add3A, %dma_start3A_62, %dma_start3A_63] : memref<32x162x64xi32, #tpu.memory_space<hbm>> -> memref<1x162x64xi32, #tpu.memory_space<hbm>>
      %dma_start3A_65 = tpu.memref_squeeze %dma_start3A_64 : memref<1x162x64xi32, #tpu.memory_space<hbm>> -> memref<162x64xi32, #tpu.memory_space<hbm>>
      tpu.enqueue_dma source(%dma_start3A_65 : memref<162x64xi32, #tpu.memory_space<hbm>>) target(%arg7 : memref<162x64xi32, #tpu.memory_space<vmem>>) target_semaphore(%run_scoped3A : memref<!tpu.dma_semaphore, #tpu.memory_space<semaphore_mem>>)
      %dma_wait3A_66 = arith.constant 0 : i32
      %dma_wait3A_67 = arith.constant 0 : i32
      %dma_wait3A_68 = tpu.memref_slice %arg3[%add3A, %dma_wait3A_66, %dma_wait3A_67] : memref<32x162x64xi32, #tpu.memory_space<hbm>> -> memref<1x162x64xi32, #tpu.memory_space<hbm>>
      %dma_wait3A_69 = tpu.memref_squeeze %dma_wait3A_68 : memref<1x162x64xi32, #tpu.memory_space<hbm>> -> memref<162x64xi32, #tpu.memory_space<hbm>>
      %dma_wait3A_70 = arith.constant 0 : i32
      %dma_wait3A_71 = arith.constant 0 : i32
      %dma_wait3A_72 = tpu.memref_slice %arg3[%add3A, %dma_wait3A_70, %dma_wait3A_71] : memref<32x162x64xi32, #tpu.memory_space<hbm>> -> memref<1x162x64xi32, #tpu.memory_space<hbm>>
      %dma_wait3A_73 = tpu.memref_squeeze %dma_wait3A_72 : memref<1x162x64xi32, #tpu.memory_space<hbm>> -> memref<162x64xi32, #tpu.memory_space<hbm>>
      tpu.wait_dma2 semaphore(%run_scoped3A : memref<!tpu.dma_semaphore, #tpu.memory_space<semaphore_mem>>) src(%dma_wait3A_73 : memref<162x64xi32, #tpu.memory_space<hbm>>) dst(%arg7 : memref<162x64xi32, #tpu.memory_space<vmem>>)
      tpu.yield
    }) : () -> ()
    "tpu.region"() ({
      %run_scoped3A = tpu.sem_alloc : memref<!tpu.dma_semaphore, #tpu.memory_space<semaphore_mem>>
      %dma_start3A_58 = arith.constant 0 : i32
      %dma_start3A_59 = arith.constant 0 : i32
      %dma_start3A_60 = tpu.memref_slice %arg4[%add3A, %dma_start3A_58, %dma_start3A_59] : memref<32x162x64xi32, #tpu.memory_space<hbm>> -> memref<1x162x64xi32, #tpu.memory_space<hbm>>
      %dma_start3A_61 = tpu.memref_squeeze %dma_start3A_60 : memref<1x162x64xi32, #tpu.memory_space<hbm>> -> memref<162x64xi32, #tpu.memory_space<hbm>>
      %dma_start3A_62 = arith.constant 0 : i32
      %dma_start3A_63 = arith.constant 0 : i32
      %dma_start3A_64 = tpu.memref_slice %arg4[%add3A, %dma_start3A_62, %dma_start3A_63] : memref<32x162x64xi32, #tpu.memory_space<hbm>> -> memref<1x162x64xi32, #tpu.memory_space<hbm>>
      %dma_start3A_65 = tpu.memref_squeeze %dma_start3A_64 : memref<1x162x64xi32, #tpu.memory_space<hbm>> -> memref<162x64xi32, #tpu.memory_space<hbm>>
      tpu.enqueue_dma source(%dma_start3A_65 : memref<162x64xi32, #tpu.memory_space<hbm>>) target(%arg8 : memref<162x64xi32, #tpu.memory_space<vmem>>) target_semaphore(%run_scoped3A : memref<!tpu.dma_semaphore, #tpu.memory_space<semaphore_mem>>)
      %dma_wait3A_66 = arith.constant 0 : i32
      %dma_wait3A_67 = arith.constant 0 : i32
      %dma_wait3A_68 = tpu.memref_slice %arg4[%add3A, %dma_wait3A_66, %dma_wait3A_67] : memref<32x162x64xi32, #tpu.memory_space<hbm>> -> memref<1x162x64xi32, #tpu.memory_space<hbm>>
      %dma_wait3A_69 = tpu.memref_squeeze %dma_wait3A_68 : memref<1x162x64xi32, #tpu.memory_space<hbm>> -> memref<162x64xi32, #tpu.memory_space<hbm>>
      %dma_wait3A_70 = arith.constant 0 : i32
      %dma_wait3A_71 = arith.constant 0 : i32
      %dma_wait3A_72 = tpu.memref_slice %arg4[%add3A, %dma_wait3A_70, %dma_wait3A_71] : memref<32x162x64xi32, #tpu.memory_space<hbm>> -> memref<1x162x64xi32, #tpu.memory_space<hbm>>
      %dma_wait3A_73 = tpu.memref_squeeze %dma_wait3A_72 : memref<1x162x64xi32, #tpu.memory_space<hbm>> -> memref<162x64xi32, #tpu.memory_space<hbm>>
      tpu.wait_dma2 semaphore(%run_scoped3A : memref<!tpu.dma_semaphore, #tpu.memory_space<semaphore_mem>>) src(%dma_wait3A_73 : memref<162x64xi32, #tpu.memory_space<hbm>>) dst(%arg8 : memref<162x64xi32, #tpu.memory_space<vmem>>)
      tpu.yield
    }) : () -> ()
    %barrier3A = arith.constant 0 : index
    tpu.barrier barrier_id(%barrier3A)
    %dma_start3A = arith.constant 0 : i32
    %dma_start3A_5 = arith.constant 0 : i32
    %dma_start3A_6 = tpu.memref_slice %arg7[%dma_start3A, %dma_start3A_5] : memref<162x64xi32, #tpu.memory_space<vmem>> -> memref<1x64xi32, #tpu.memory_space<vmem>>
    %dma_start3A_7 = tpu.memref_squeeze %dma_start3A_6 : memref<1x64xi32, #tpu.memory_space<vmem>> -> memref<64xi32, #tpu.memory_space<vmem>>
    %dma_start3A_8 = arith.constant 0 : i32
    %dma_start3A_9 = arith.constant 0 : i32
    %dma_start3A_10 = tpu.memref_slice %arg2[%dma_start3A_8, %dma_start3A_9] : memref<10112x16xf32, #tpu.memory_space<hbm>> -> memref<10112x16xf32, #tpu.memory_space<hbm>>
    tpu.enqueue_indirect_dma source(%dma_start3A_10 : memref<10112x16xf32, #tpu.memory_space<hbm>>) target(%arg9 : memref<64x16xf32, #tpu.memory_space<vmem>>) offsets(%dma_start3A_7 : memref<64xi32, #tpu.memory_space<vmem>>) semaphore(%arg13 : memref<!tpu.dma_semaphore, #tpu.memory_space<semaphore_mem>>)
    %dma_start3A_11 = arith.constant 1 : i32
    %dma_start3A_12 = arith.constant 0 : i32
    %dma_start3A_13 = tpu.memref_slice %arg7[%dma_start3A_11, %dma_start3A_12] : memref<162x64xi32, #tpu.memory_space<vmem>> -> memref<1x64xi32, #tpu.memory_space<vmem>>
    %dma_start3A_14 = tpu.memref_squeeze %dma_start3A_13 : memref<1x64xi32, #tpu.memory_space<vmem>> -> memref<64xi32, #tpu.memory_space<vmem>>
    %dma_start3A_15 = arith.constant 0 : i32
    %dma_start3A_16 = arith.constant 0 : i32
    %dma_start3A_17 = tpu.memref_slice %arg2[%dma_start3A_15, %dma_start3A_16] : memref<10112x16xf32, #tpu.memory_space<hbm>> -> memref<10112x16xf32, #tpu.memory_space<hbm>>
    tpu.enqueue_indirect_dma source(%dma_start3A_17 : memref<10112x16xf32, #tpu.memory_space<hbm>>) target(%arg10 : memref<64x16xf32, #tpu.memory_space<vmem>>) offsets(%dma_start3A_14 : memref<64xi32, #tpu.memory_space<vmem>>) semaphore(%arg14 : memref<!tpu.dma_semaphore, #tpu.memory_space<semaphore_mem>>)
    %dma_start3A_18 = arith.constant 2 : i32
    %dma_start3A_19 = arith.constant 0 : i32
    %dma_start3A_20 = tpu.memref_slice %arg7[%dma_start3A_18, %dma_start3A_19] : memref<162x64xi32, #tpu.memory_space<vmem>> -> memref<1x64xi32, #tpu.memory_space<vmem>>
    %dma_start3A_21 = tpu.memref_squeeze %dma_start3A_20 : memref<1x64xi32, #tpu.memory_space<vmem>> -> memref<64xi32, #tpu.memory_space<vmem>>
    %dma_start3A_22 = arith.constant 0 : i32
    %dma_start3A_23 = arith.constant 0 : i32
    %dma_start3A_24 = tpu.memref_slice %arg2[%dma_start3A_22, %dma_start3A_23] : memref<10112x16xf32, #tpu.memory_space<hbm>> -> memref<10112x16xf32, #tpu.memory_space<hbm>>
    tpu.enqueue_indirect_dma source(%dma_start3A_24 : memref<10112x16xf32, #tpu.memory_space<hbm>>) target(%arg11 : memref<64x16xf32, #tpu.memory_space<vmem>>) offsets(%dma_start3A_21 : memref<64xi32, #tpu.memory_space<vmem>>) semaphore(%arg15 : memref<!tpu.dma_semaphore, #tpu.memory_space<semaphore_mem>>)
    %scan3A = arith.constant 0 : i32
    %scan3A_25 = arith.constant 0 : i32
    %scan3A_26 = arith.constant 53 : i32
    %scan3A_27 = arith.addi %scan3A_25, %scan3A_26 : i32
    %scan3A_28 = arith.constant 1 : i32
    scf.for %scan3A_58 = %scan3A_25 to %scan3A_27 step %scan3A_28  : i32 {
      %mul3A_59 = arith.constant 3 : i32
      %mul3A_60 = arith.muli %mul3A_59, %scan3A_58 : i32
      %add3A_61 = arith.constant 0 : i32
      %add3A_62 = arith.addi %mul3A_60, %add3A_61 : i32
      %dma_wait3A_63 = arith.constant 0 : i32
      %dma_wait3A_64 = tpu.memref_slice %arg7[%add3A_62, %dma_wait3A_63] : memref<162x64xi32, #tpu.memory_space<vmem>> -> memref<1x64xi32, #tpu.memory_space<vmem>>
      %dma_wait3A_65 = tpu.memref_squeeze %dma_wait3A_64 : memref<1x64xi32, #tpu.memory_space<vmem>> -> memref<64xi32, #tpu.memory_space<vmem>>
      %dma_wait3A_66 = arith.constant 0 : i32
      %dma_wait3A_67 = arith.constant 0 : i32
      %dma_wait3A_68 = tpu.memref_slice %arg2[%dma_wait3A_66, %dma_wait3A_67] : memref<10112x16xf32, #tpu.memory_space<hbm>> -> memref<10112x16xf32, #tpu.memory_space<hbm>>
      tpu.wait_indirect_dma semaphore(%arg13 : memref<!tpu.dma_semaphore, #tpu.memory_space<semaphore_mem>>) src(%dma_wait3A_68 : memref<10112x16xf32, #tpu.memory_space<hbm>>) dst(%arg9 : memref<64x16xf32, #tpu.memory_space<vmem>>)
      %add3A_69 = arith.constant 0 : i32
      %add3A_70 = arith.addi %mul3A_60, %add3A_69 : i32
      "tpu.region"() ({
        %run_scoped3A = tpu.sem_alloc : memref<!tpu.dma_semaphore, #tpu.memory_space<semaphore_mem>>
        %dma_start3A_121 = arith.constant 0 : i32
        %dma_start3A_122 = tpu.memref_slice %arg8[%add3A_70, %dma_start3A_121] : memref<162x64xi32, #tpu.memory_space<vmem>> -> memref<1x64xi32, #tpu.memory_space<vmem>>
        %dma_start3A_123 = tpu.memref_squeeze %dma_start3A_122 : memref<1x64xi32, #tpu.memory_space<vmem>> -> memref<64xi32, #tpu.memory_space<vmem>>
        %dma_start3A_124 = arith.constant 0 : i32
        %dma_start3A_125 = arith.constant 0 : i32
        %dma_start3A_126 = tpu.memref_slice %arg12[%dma_start3A_124, %dma_start3A_125] : memref<10112x16xf32, #tpu.memory_space<vmem_shared>> -> memref<10112x16xf32, #tpu.memory_space<vmem_shared>>
        tpu.enqueue_indirect_dma source(%arg9 : memref<64x16xf32, #tpu.memory_space<vmem>>) target(%dma_start3A_126 : memref<10112x16xf32, #tpu.memory_space<vmem_shared>>) offsets(%dma_start3A_123 : memref<64xi32, #tpu.memory_space<vmem>>) semaphore(%run_scoped3A : memref<!tpu.dma_semaphore, #tpu.memory_space<semaphore_mem>>) {add = true}
        %dma_wait3A_127 = arith.constant 0 : i32
        %dma_wait3A_128 = tpu.memref_slice %arg8[%add3A_70, %dma_wait3A_127] : memref<162x64xi32, #tpu.memory_space<vmem>> -> memref<1x64xi32, #tpu.memory_space<vmem>>
        %dma_wait3A_129 = tpu.memref_squeeze %dma_wait3A_128 : memref<1x64xi32, #tpu.memory_space<vmem>> -> memref<64xi32, #tpu.memory_space<vmem>>
        %dma_wait3A_130 = arith.constant 0 : i32
        %dma_wait3A_131 = arith.constant 0 : i32
        %dma_wait3A_132 = tpu.memref_slice %arg12[%dma_wait3A_130, %dma_wait3A_131] : memref<10112x16xf32, #tpu.memory_space<vmem_shared>> -> memref<10112x16xf32, #tpu.memory_space<vmem_shared>>
        tpu.wait_indirect_dma semaphore(%run_scoped3A : memref<!tpu.dma_semaphore, #tpu.memory_space<semaphore_mem>>) src(%arg9 : memref<64x16xf32, #tpu.memory_space<vmem>>) dst(%dma_wait3A_132 : memref<10112x16xf32, #tpu.memory_space<vmem_shared>>)
        tpu.yield
      }) : () -> ()
      %add3A_71 = arith.constant 3 : i32
      %add3A_72 = arith.addi %mul3A_60, %add3A_71 : i32
      %add3A_73 = arith.constant 0 : i32
      %add3A_74 = arith.addi %add3A_72, %add3A_73 : i32
      %dma_start3A_75 = arith.constant 0 : i32
      %dma_start3A_76 = tpu.memref_slice %arg7[%add3A_74, %dma_start3A_75] : memref<162x64xi32, #tpu.memory_space<vmem>> -> memref<1x64xi32, #tpu.memory_space<vmem>>
      %dma_start3A_77 = tpu.memref_squeeze %dma_start3A_76 : memref<1x64xi32, #tpu.memory_space<vmem>> -> memref<64xi32, #tpu.memory_space<vmem>>
      %dma_start3A_78 = arith.constant 0 : i32
      %dma_start3A_79 = arith.constant 0 : i32
      %dma_start3A_80 = tpu.memref_slice %arg2[%dma_start3A_78, %dma_start3A_79] : memref<10112x16xf32, #tpu.memory_space<hbm>> -> memref<10112x16xf32, #tpu.memory_space<hbm>>
      tpu.enqueue_indirect_dma source(%dma_start3A_80 : memref<10112x16xf32, #tpu.memory_space<hbm>>) target(%arg9 : memref<64x16xf32, #tpu.memory_space<vmem>>) offsets(%dma_start3A_77 : memref<64xi32, #tpu.memory_space<vmem>>) semaphore(%arg13 : memref<!tpu.dma_semaphore, #tpu.memory_space<semaphore_mem>>)
      %add3A_81 = arith.constant 1 : i32
      %add3A_82 = arith.addi %mul3A_60, %add3A_81 : i32
      %dma_wait3A_83 = arith.constant 0 : i32
      %dma_wait3A_84 = tpu.memref_slice %arg7[%add3A_82, %dma_wait3A_83] : memref<162x64xi32, #tpu.memory_space<vmem>> -> memref<1x64xi32, #tpu.memory_space<vmem>>
      %dma_wait3A_85 = tpu.memref_squeeze %dma_wait3A_84 : memref<1x64xi32, #tpu.memory_space<vmem>> -> memref<64xi32, #tpu.memory_space<vmem>>
      %dma_wait3A_86 = arith.constant 0 : i32
      %dma_wait3A_87 = arith.constant 0 : i32
      %dma_wait3A_88 = tpu.memref_slice %arg2[%dma_wait3A_86, %dma_wait3A_87] : memref<10112x16xf32, #tpu.memory_space<hbm>> -> memref<10112x16xf32, #tpu.memory_space<hbm>>
      tpu.wait_indirect_dma semaphore(%arg14 : memref<!tpu.dma_semaphore, #tpu.memory_space<semaphore_mem>>) src(%dma_wait3A_88 : memref<10112x16xf32, #tpu.memory_space<hbm>>) dst(%arg10 : memref<64x16xf32, #tpu.memory_space<vmem>>)
      %add3A_89 = arith.constant 1 : i32
      %add3A_90 = arith.addi %mul3A_60, %add3A_89 : i32
      "tpu.region"() ({
        %run_scoped3A = tpu.sem_alloc : memref<!tpu.dma_semaphore, #tpu.memory_space<semaphore_mem>>
        %dma_start3A_121 = arith.constant 0 : i32
        %dma_start3A_122 = tpu.memref_slice %arg8[%add3A_90, %dma_start3A_121] : memref<162x64xi32, #tpu.memory_space<vmem>> -> memref<1x64xi32, #tpu.memory_space<vmem>>
        %dma_start3A_123 = tpu.memref_squeeze %dma_start3A_122 : memref<1x64xi32, #tpu.memory_space<vmem>> -> memref<64xi32, #tpu.memory_space<vmem>>
        %dma_start3A_124 = arith.constant 0 : i32
        %dma_start3A_125 = arith.constant 0 : i32
        %dma_start3A_126 = tpu.memref_slice %arg12[%dma_start3A_124, %dma_start3A_125] : memref<10112x16xf32, #tpu.memory_space<vmem_shared>> -> memref<10112x16xf32, #tpu.memory_space<vmem_shared>>
        tpu.enqueue_indirect_dma source(%arg10 : memref<64x16xf32, #tpu.memory_space<vmem>>) target(%dma_start3A_126 : memref<10112x16xf32, #tpu.memory_space<vmem_shared>>) offsets(%dma_start3A_123 : memref<64xi32, #tpu.memory_space<vmem>>) semaphore(%run_scoped3A : memref<!tpu.dma_semaphore, #tpu.memory_space<semaphore_mem>>) {add = true}
        %dma_wait3A_127 = arith.constant 0 : i32
        %dma_wait3A_128 = tpu.memref_slice %arg8[%add3A_90, %dma_wait3A_127] : memref<162x64xi32, #tpu.memory_space<vmem>> -> memref<1x64xi32, #tpu.memory_space<vmem>>
        %dma_wait3A_129 = tpu.memref_squeeze %dma_wait3A_128 : memref<1x64xi32, #tpu.memory_space<vmem>> -> memref<64xi32, #tpu.memory_space<vmem>>
        %dma_wait3A_130 = arith.constant 0 : i32
        %dma_wait3A_131 = arith.constant 0 : i32
        %dma_wait3A_132 = tpu.memref_slice %arg12[%dma_wait3A_130, %dma_wait3A_131] : memref<10112x16xf32, #tpu.memory_space<vmem_shared>> -> memref<10112x16xf32, #tpu.memory_space<vmem_shared>>
        tpu.wait_indirect_dma semaphore(%run_scoped3A : memref<!tpu.dma_semaphore, #tpu.memory_space<semaphore_mem>>) src(%arg10 : memref<64x16xf32, #tpu.memory_space<vmem>>) dst(%dma_wait3A_132 : memref<10112x16xf32, #tpu.memory_space<vmem_shared>>)
        tpu.yield
      }) : () -> ()
      %add3A_91 = arith.constant 3 : i32
      %add3A_92 = arith.addi %mul3A_60, %add3A_91 : i32
      %add3A_93 = arith.constant 1 : i32
      %add3A_94 = arith.addi %add3A_92, %add3A_93 : i32
      %dma_start3A_95 = arith.constant 0 : i32
      %dma_start3A_96 = tpu.memref_slice %arg7[%add3A_94, %dma_start3A_95] : memref<162x64xi32, #tpu.memory_space<vmem>> -> memref<1x64xi32, #tpu.memory_space<vmem>>
      %dma_start3A_97 = tpu.memref_squeeze %dma_start3A_96 : memref<1x64xi32, #tpu.memory_space<vmem>> -> memref<64xi32, #tpu.memory_space<vmem>>
      %dma_start3A_98 = arith.constant 0 : i32
      %dma_start3A_99 = arith.constant 0 : i32
      %dma_start3A_100 = tpu.memref_slice %arg2[%dma_start3A_98, %dma_start3A_99] : memref<10112x16xf32, #tpu.memory_space<hbm>> -> memref<10112x16xf32, #tpu.memory_space<hbm>>
      tpu.enqueue_indirect_dma source(%dma_start3A_100 : memref<10112x16xf32, #tpu.memory_space<hbm>>) target(%arg10 : memref<64x16xf32, #tpu.memory_space<vmem>>) offsets(%dma_start3A_97 : memref<64xi32, #tpu.memory_space<vmem>>) semaphore(%arg14 : memref<!tpu.dma_semaphore, #tpu.memory_space<semaphore_mem>>)
      %add3A_101 = arith.constant 2 : i32
      %add3A_102 = arith.addi %mul3A_60, %add3A_101 : i32
      %dma_wait3A_103 = arith.constant 0 : i32
      %dma_wait3A_104 = tpu.memref_slice %arg7[%add3A_102, %dma_wait3A_103] : memref<162x64xi32, #tpu.memory_space<vmem>> -> memref<1x64xi32, #tpu.memory_space<vmem>>
      %dma_wait3A_105 = tpu.memref_squeeze %dma_wait3A_104 : memref<1x64xi32, #tpu.memory_space<vmem>> -> memref<64xi32, #tpu.memory_space<vmem>>
      %dma_wait3A_106 = arith.constant 0 : i32
      %dma_wait3A_107 = arith.constant 0 : i32
      %dma_wait3A_108 = tpu.memref_slice %arg2[%dma_wait3A_106, %dma_wait3A_107] : memref<10112x16xf32, #tpu.memory_space<hbm>> -> memref<10112x16xf32, #tpu.memory_space<hbm>>
      tpu.wait_indirect_dma semaphore(%arg15 : memref<!tpu.dma_semaphore, #tpu.memory_space<semaphore_mem>>) src(%dma_wait3A_108 : memref<10112x16xf32, #tpu.memory_space<hbm>>) dst(%arg11 : memref<64x16xf32, #tpu.memory_space<vmem>>)
      %add3A_109 = arith.constant 2 : i32
      %add3A_110 = arith.addi %mul3A_60, %add3A_109 : i32
      "tpu.region"() ({
        %run_scoped3A = tpu.sem_alloc : memref<!tpu.dma_semaphore, #tpu.memory_space<semaphore_mem>>
        %dma_start3A_121 = arith.constant 0 : i32
        %dma_start3A_122 = tpu.memref_slice %arg8[%add3A_110, %dma_start3A_121] : memref<162x64xi32, #tpu.memory_space<vmem>> -> memref<1x64xi32, #tpu.memory_space<vmem>>
        %dma_start3A_123 = tpu.memref_squeeze %dma_start3A_122 : memref<1x64xi32, #tpu.memory_space<vmem>> -> memref<64xi32, #tpu.memory_space<vmem>>
        %dma_start3A_124 = arith.constant 0 : i32
        %dma_start3A_125 = arith.constant 0 : i32
        %dma_start3A_126 = tpu.memref_slice %arg12[%dma_start3A_124, %dma_start3A_125] : memref<10112x16xf32, #tpu.memory_space<vmem_shared>> -> memref<10112x16xf32, #tpu.memory_space<vmem_shared>>
        tpu.enqueue_indirect_dma source(%arg11 : memref<64x16xf32, #tpu.memory_space<vmem>>) target(%dma_start3A_126 : memref<10112x16xf32, #tpu.memory_space<vmem_shared>>) offsets(%dma_start3A_123 : memref<64xi32, #tpu.memory_space<vmem>>) semaphore(%run_scoped3A : memref<!tpu.dma_semaphore, #tpu.memory_space<semaphore_mem>>) {add = true}
        %dma_wait3A_127 = arith.constant 0 : i32
        %dma_wait3A_128 = tpu.memref_slice %arg8[%add3A_110, %dma_wait3A_127] : memref<162x64xi32, #tpu.memory_space<vmem>> -> memref<1x64xi32, #tpu.memory_space<vmem>>
        %dma_wait3A_129 = tpu.memref_squeeze %dma_wait3A_128 : memref<1x64xi32, #tpu.memory_space<vmem>> -> memref<64xi32, #tpu.memory_space<vmem>>
        %dma_wait3A_130 = arith.constant 0 : i32
        %dma_wait3A_131 = arith.constant 0 : i32
        %dma_wait3A_132 = tpu.memref_slice %arg12[%dma_wait3A_130, %dma_wait3A_131] : memref<10112x16xf32, #tpu.memory_space<vmem_shared>> -> memref<10112x16xf32, #tpu.memory_space<vmem_shared>>
        tpu.wait_indirect_dma semaphore(%run_scoped3A : memref<!tpu.dma_semaphore, #tpu.memory_space<semaphore_mem>>) src(%arg11 : memref<64x16xf32, #tpu.memory_space<vmem>>) dst(%dma_wait3A_132 : memref<10112x16xf32, #tpu.memory_space<vmem_shared>>)
        tpu.yield
      }) : () -> ()
      %add3A_111 = arith.constant 3 : i32
      %add3A_112 = arith.addi %mul3A_60, %add3A_111 : i32
      %add3A_113 = arith.constant 2 : i32
      %add3A_114 = arith.addi %add3A_112, %add3A_113 : i32
      %dma_start3A_115 = arith.constant 0 : i32
      %dma_start3A_116 = tpu.memref_slice %arg7[%add3A_114, %dma_start3A_115] : memref<162x64xi32, #tpu.memory_space<vmem>> -> memref<1x64xi32, #tpu.memory_space<vmem>>
      %dma_start3A_117 = tpu.memref_squeeze %dma_start3A_116 : memref<1x64xi32, #tpu.memory_space<vmem>> -> memref<64xi32, #tpu.memory_space<vmem>>
      %dma_start3A_118 = arith.constant 0 : i32
      %dma_start3A_119 = arith.constant 0 : i32
      %dma_start3A_120 = tpu.memref_slice %arg2[%dma_start3A_118, %dma_start3A_119] : memref<10112x16xf32, #tpu.memory_space<hbm>> -> memref<10112x16xf32, #tpu.memory_space<hbm>>
      tpu.enqueue_indirect_dma source(%dma_start3A_120 : memref<10112x16xf32, #tpu.memory_space<hbm>>) target(%arg11 : memref<64x16xf32, #tpu.memory_space<vmem>>) offsets(%dma_start3A_117 : memref<64xi32, #tpu.memory_space<vmem>>) semaphore(%arg15 : memref<!tpu.dma_semaphore, #tpu.memory_space<semaphore_mem>>)
    }
    %scan3A_29 = arith.constant 53 : i32
    %dma_wait3A = arith.constant 159 : i32
    %dma_wait3A_30 = arith.constant 0 : i32
    %dma_wait3A_31 = tpu.memref_slice %arg7[%dma_wait3A, %dma_wait3A_30] : memref<162x64xi32, #tpu.memory_space<vmem>> -> memref<1x64xi32, #tpu.memory_space<vmem>>
    %dma_wait3A_32 = tpu.memref_squeeze %dma_wait3A_31 : memref<1x64xi32, #tpu.memory_space<vmem>> -> memref<64xi32, #tpu.memory_space<vmem>>
    %dma_wait3A_33 = arith.constant 0 : i32
    %dma_wait3A_34 = arith.constant 0 : i32
    %dma_wait3A_35 = tpu.memref_slice %arg2[%dma_wait3A_33, %dma_wait3A_34] : memref<10112x16xf32, #tpu.memory_space<hbm>> -> memref<10112x16xf32, #tpu.memory_space<hbm>>
    tpu.wait_indirect_dma semaphore(%arg13 : memref<!tpu.dma_semaphore, #tpu.memory_space<semaphore_mem>>) src(%dma_wait3A_35 : memref<10112x16xf32, #tpu.memory_space<hbm>>) dst(%arg9 : memref<64x16xf32, #tpu.memory_space<vmem>>)
    %dma_wait3A_36 = arith.constant 160 : i32
    %dma_wait3A_37 = arith.constant 0 : i32
    %dma_wait3A_38 = tpu.memref_slice %arg7[%dma_wait3A_36, %dma_wait3A_37] : memref<162x64xi32, #tpu.memory_space<vmem>> -> memref<1x64xi32, #tpu.memory_space<vmem>>
    %dma_wait3A_39 = tpu.memref_squeeze %dma_wait3A_38 : memref<1x64xi32, #tpu.memory_space<vmem>> -> memref<64xi32, #tpu.memory_space<vmem>>
    %dma_wait3A_40 = arith.constant 0 : i32
    %dma_wait3A_41 = arith.constant 0 : i32
    %dma_wait3A_42 = tpu.memref_slice %arg2[%dma_wait3A_40, %dma_wait3A_41] : memref<10112x16xf32, #tpu.memory_space<hbm>> -> memref<10112x16xf32, #tpu.memory_space<hbm>>
    tpu.wait_indirect_dma semaphore(%arg14 : memref<!tpu.dma_semaphore, #tpu.memory_space<semaphore_mem>>) src(%dma_wait3A_42 : memref<10112x16xf32, #tpu.memory_space<hbm>>) dst(%arg10 : memref<64x16xf32, #tpu.memory_space<vmem>>)
    %dma_wait3A_43 = arith.constant 161 : i32
    %dma_wait3A_44 = arith.constant 0 : i32
    %dma_wait3A_45 = tpu.memref_slice %arg7[%dma_wait3A_43, %dma_wait3A_44] : memref<162x64xi32, #tpu.memory_space<vmem>> -> memref<1x64xi32, #tpu.memory_space<vmem>>
    %dma_wait3A_46 = tpu.memref_squeeze %dma_wait3A_45 : memref<1x64xi32, #tpu.memory_space<vmem>> -> memref<64xi32, #tpu.memory_space<vmem>>
    %dma_wait3A_47 = arith.constant 0 : i32
    %dma_wait3A_48 = arith.constant 0 : i32
    %dma_wait3A_49 = tpu.memref_slice %arg2[%dma_wait3A_47, %dma_wait3A_48] : memref<10112x16xf32, #tpu.memory_space<hbm>> -> memref<10112x16xf32, #tpu.memory_space<hbm>>
    tpu.wait_indirect_dma semaphore(%arg15 : memref<!tpu.dma_semaphore, #tpu.memory_space<semaphore_mem>>) src(%dma_wait3A_49 : memref<10112x16xf32, #tpu.memory_space<hbm>>) dst(%arg11 : memref<64x16xf32, #tpu.memory_space<vmem>>)
    %barrier3A_50 = arith.constant 0 : index
    tpu.barrier barrier_id(%barrier3A_50)
    %mul3A_51 = arith.constant 632 : i32
    %mul3A_52 = arith.muli %arg1, %mul3A_51 : i32
    %mul3A_53 = arith.constant 10112 : i32
    %mul3A_54 = arith.muli %arg0, %mul3A_53 : i32
    %mul3A_55 = arith.constant 632 : i32
    %mul3A_56 = arith.muli %arg1, %mul3A_55 : i32
    %add3A_57 = arith.addi %mul3A_54, %mul3A_56 : i32
    "tpu.region"() ({
      %run_scoped3A = tpu.sem_alloc : memref<!tpu.dma_semaphore, #tpu.memory_space<semaphore_mem>>
      %dma_start3A_58 = arith.constant 0 : i32
      %dma_start3A_59 = tpu.memref_slice %arg6[%add3A_57, %dma_start3A_58] : memref<20224x16xf32, #tpu.memory_space<hbm>> -> memref<632x16xf32, #tpu.memory_space<hbm>>
      %dma_start3A_60 = arith.constant 0 : i32
      %dma_start3A_61 = tpu.memref_slice %arg12[%mul3A_52, %dma_start3A_60] : memref<10112x16xf32, #tpu.memory_space<vmem_shared>> -> memref<632x16xf32, #tpu.memory_space<vmem_shared>>
      tpu.enqueue_dma source(%dma_start3A_61 : memref<632x16xf32, #tpu.memory_space<vmem_shared>>) target(%dma_start3A_59 : memref<632x16xf32, #tpu.memory_space<hbm>>) target_semaphore(%run_scoped3A : memref<!tpu.dma_semaphore, #tpu.memory_space<semaphore_mem>>)
      %dma_wait3A_62 = arith.constant 0 : i32
      %dma_wait3A_63 = tpu.memref_slice %arg6[%add3A_57, %dma_wait3A_62] : memref<20224x16xf32, #tpu.memory_space<hbm>> -> memref<632x16xf32, #tpu.memory_space<hbm>>
      %dma_wait3A_64 = arith.constant 0 : i32
      %dma_wait3A_65 = tpu.memref_slice %arg12[%mul3A_52, %dma_wait3A_64] : memref<10112x16xf32, #tpu.memory_space<vmem_shared>> -> memref<632x16xf32, #tpu.memory_space<vmem_shared>>
      tpu.wait_dma2 semaphore(%run_scoped3A : memref<!tpu.dma_semaphore, #tpu.memory_space<semaphore_mem>>) src(%dma_wait3A_65 : memref<632x16xf32, #tpu.memory_space<vmem_shared>>) dst(%dma_wait3A_63 : memref<632x16xf32, #tpu.memory_space<hbm>>)
      tpu.yield
    }) : () -> ()
    return
  }
}

#map = affine_map<(d0, d1) -> (0, 0)>
#map1 = affine_map<(d0, d1) -> (0, 0, 0)>
module attributes {stable_mosaic.version = 14 : i64} {
  func.func @body(%arg0: i32, %arg1: i32, %arg2: memref<10112x16xf32, #tpu.memory_space<hbm>>, %arg3: memref<32x162x64xi32, #tpu.memory_space<hbm>>, %arg4: memref<32x162x64xi32, #tpu.memory_space<hbm>>, %arg5: memref<10112x16xf32, #tpu.memory_space<hbm>>, %arg6: memref<20224x16xf32, #tpu.memory_space<hbm>>, %arg7: memref<162x64xi32, #tpu.memory_space<vmem>>, %arg8: memref<162x64xi32, #tpu.memory_space<vmem>>, %arg9: memref<64x16xf32, #tpu.memory_space<vmem>>, %arg10: memref<64x16xf32, #tpu.memory_space<vmem>>, %arg11: memref<64x16xf32, #tpu.memory_space<vmem>>, %arg12: memref<10112x16xf32, #tpu.memory_space<vmem_shared>>, %arg13: memref<!tpu.dma_semaphore, #tpu.memory_space<semaphore_mem>>, %arg14: memref<!tpu.dma_semaphore, #tpu.memory_space<semaphore_mem>>, %arg15: memref<!tpu.dma_semaphore, #tpu.memory_space<semaphore_mem>>) attributes {dimension_semantics = [#tpu.dimension_semantics<core_parallel>, #tpu.dimension_semantics<subcore_parallel>], iteration_bounds = array<i64: 2, 16>, scalar_prefetch = 0 : i64, scratch_operands = 9 : i64, tpu.core_type = #tpu.core_type<sc_vector_subcore>, window_params = [{transform_indices = #map}, {transform_indices = #map1}, {transform_indices = #map1}, {transform_indices = #map}, {transform_indices = #map}]} {
    %mul3A = arith.constant 16 : i32
    %mul3A_0 = arith.muli %arg0, %mul3A : i32
    %add3A = arith.addi %mul3A_0, %arg1 : i32
    %mul3A_1 = arith.constant 632 : i32
    %mul3A_2 = arith.muli %arg1, %mul3A_1 : i32
    %mul3A_3 = arith.constant 632 : i32
    %mul3A_4 = arith.muli %arg1, %mul3A_3 : i32
    "tpu.region"() ({
      %run_scoped3A = tpu.sem_alloc : memref<!tpu.dma_semaphore, #tpu.memory_space<semaphore_mem>>
      %dma_start3A_58 = arith.constant 0 : i32
      %dma_start3A_59 = tpu.memref_slice %arg12[%mul3A_4, %dma_start3A_58] : memref<10112x16xf32, #tpu.memory_space<vmem_shared>> -> memref<632x16xf32, #tpu.memory_space<vmem_shared>>
      %dma_start3A_60 = arith.constant 0 : i32
      %dma_start3A_61 = tpu.memref_slice %arg5[%mul3A_2, %dma_start3A_60] : memref<10112x16xf32, #tpu.memory_space<hbm>> -> memref<632x16xf32, #tpu.memory_space<hbm>>
      tpu.enqueue_dma source(%dma_start3A_61 : memref<632x16xf32, #tpu.memory_space<hbm>>) target(%dma_start3A_59 : memref<632x16xf32, #tpu.memory_space<vmem_shared>>) target_semaphore(%run_scoped3A : memref<!tpu.dma_semaphore, #tpu.memory_space<semaphore_mem>>)
      %dma_wait3A_62 = arith.constant 0 : i32
      %dma_wait3A_63 = tpu.memref_slice %arg12[%mul3A_4, %dma_wait3A_62] : memref<10112x16xf32, #tpu.memory_space<vmem_shared>> -> memref<632x16xf32, #tpu.memory_space<vmem_shared>>
      %dma_wait3A_64 = arith.constant 0 : i32
      %dma_wait3A_65 = tpu.memref_slice %arg5[%mul3A_2, %dma_wait3A_64] : memref<10112x16xf32, #tpu.memory_space<hbm>> -> memref<632x16xf32, #tpu.memory_space<hbm>>
      tpu.wait_dma2 semaphore(%run_scoped3A : memref<!tpu.dma_semaphore, #tpu.memory_space<semaphore_mem>>) src(%dma_wait3A_65 : memref<632x16xf32, #tpu.memory_space<hbm>>) dst(%dma_wait3A_63 : memref<632x16xf32, #tpu.memory_space<vmem_shared>>)
      tpu.yield
    }) : () -> ()
    "tpu.region"() ({
      %run_scoped3A = tpu.sem_alloc : memref<!tpu.dma_semaphore, #tpu.memory_space<semaphore_mem>>
      %dma_start3A_58 = arith.constant 0 : i32
      %dma_start3A_59 = arith.constant 0 : i32
      %dma_start3A_60 = tpu.memref_slice %arg3[%add3A, %dma_start3A_58, %dma_start3A_59] : memref<32x162x64xi32, #tpu.memory_space<hbm>> -> memref<1x162x64xi32, #tpu.memory_space<hbm>>
      %dma_start3A_61 = tpu.memref_squeeze %dma_start3A_60 : memref<1x162x64xi32, #tpu.memory_space<hbm>> -> memref<162x64xi32, #tpu.memory_space<hbm>>
      %dma_start3A_62 = arith.constant 0 : i32
      %dma_start3A_63 = arith.constant 0 : i32
      %dma_start3A_64 = tpu.memref_slice %arg3[%add3A, %dma_start3A_62, %dma_start3A_63] : memref<32x162x64xi32, #tpu.memory_space<hbm>> -> memref<1x162x64xi32, #tpu.memory_space<hbm>>
      %dma_start3A_65 = tpu.memref_squeeze %dma_start3A_64 : memref<1x162x64xi32, #tpu.memory_space<hbm>> -> memref<162x64xi32, #tpu.memory_space<hbm>>
      tpu.enqueue_dma source(%dma_start3A_65 : memref<162x64xi32, #tpu.memory_space<hbm>>) target(%arg7 : memref<162x64xi32, #tpu.memory_space<vmem>>) target_semaphore(%run_scoped3A : memref<!tpu.dma_semaphore, #tpu.memory_space<semaphore_mem>>)
      %dma_wait3A_66 = arith.constant 0 : i32
      %dma_wait3A_67 = arith.constant 0 : i32
      %dma_wait3A_68 = tpu.memref_slice %arg3[%add3A, %dma_wait3A_66, %dma_wait3A_67] : memref<32x162x64xi32, #tpu.memory_space<hbm>> -> memref<1x162x64xi32, #tpu.memory_space<hbm>>
      %dma_wait3A_69 = tpu.memref_squeeze %dma_wait3A_68 : memref<1x162x64xi32, #tpu.memory_space<hbm>> -> memref<162x64xi32, #tpu.memory_space<hbm>>
      %dma_wait3A_70 = arith.constant 0 : i32
      %dma_wait3A_71 = arith.constant 0 : i32
      %dma_wait3A_72 = tpu.memref_slice %arg3[%add3A, %dma_wait3A_70, %dma_wait3A_71] : memref<32x162x64xi32, #tpu.memory_space<hbm>> -> memref<1x162x64xi32, #tpu.memory_space<hbm>>
      %dma_wait3A_73 = tpu.memref_squeeze %dma_wait3A_72 : memref<1x162x64xi32, #tpu.memory_space<hbm>> -> memref<162x64xi32, #tpu.memory_space<hbm>>
      tpu.wait_dma2 semaphore(%run_scoped3A : memref<!tpu.dma_semaphore, #tpu.memory_space<semaphore_mem>>) src(%dma_wait3A_73 : memref<162x64xi32, #tpu.memory_space<hbm>>) dst(%arg7 : memref<162x64xi32, #tpu.memory_space<vmem>>)
      tpu.yield
    }) : () -> ()
    "tpu.region"() ({
      %run_scoped3A = tpu.sem_alloc : memref<!tpu.dma_semaphore, #tpu.memory_space<semaphore_mem>>
      %dma_start3A_58 = arith.constant 0 : i32
      %dma_start3A_59 = arith.constant 0 : i32
      %dma_start3A_60 = tpu.memref_slice %arg4[%add3A, %dma_start3A_58, %dma_start3A_59] : memref<32x162x64xi32, #tpu.memory_space<hbm>> -> memref<1x162x64xi32, #tpu.memory_space<hbm>>
      %dma_start3A_61 = tpu.memref_squeeze %dma_start3A_60 : memref<1x162x64xi32, #tpu.memory_space<hbm>> -> memref<162x64xi32, #tpu.memory_space<hbm>>
      %dma_start3A_62 = arith.constant 0 : i32
      %dma_start3A_63 = arith.constant 0 : i32
      %dma_start3A_64 = tpu.memref_slice %arg4[%add3A, %dma_start3A_62, %dma_start3A_63] : memref<32x162x64xi32, #tpu.memory_space<hbm>> -> memref<1x162x64xi32, #tpu.memory_space<hbm>>
      %dma_start3A_65 = tpu.memref_squeeze %dma_start3A_64 : memref<1x162x64xi32, #tpu.memory_space<hbm>> -> memref<162x64xi32, #tpu.memory_space<hbm>>
      tpu.enqueue_dma source(%dma_start3A_65 : memref<162x64xi32, #tpu.memory_space<hbm>>) target(%arg8 : memref<162x64xi32, #tpu.memory_space<vmem>>) target_semaphore(%run_scoped3A : memref<!tpu.dma_semaphore, #tpu.memory_space<semaphore_mem>>)
      %dma_wait3A_66 = arith.constant 0 : i32
      %dma_wait3A_67 = arith.constant 0 : i32
      %dma_wait3A_68 = tpu.memref_slice %arg4[%add3A, %dma_wait3A_66, %dma_wait3A_67] : memref<32x162x64xi32, #tpu.memory_space<hbm>> -> memref<1x162x64xi32, #tpu.memory_space<hbm>>
      %dma_wait3A_69 = tpu.memref_squeeze %dma_wait3A_68 : memref<1x162x64xi32, #tpu.memory_space<hbm>> -> memref<162x64xi32, #tpu.memory_space<hbm>>
      %dma_wait3A_70 = arith.constant 0 : i32
      %dma_wait3A_71 = arith.constant 0 : i32
      %dma_wait3A_72 = tpu.memref_slice %arg4[%add3A, %dma_wait3A_70, %dma_wait3A_71] : memref<32x162x64xi32, #tpu.memory_space<hbm>> -> memref<1x162x64xi32, #tpu.memory_space<hbm>>
      %dma_wait3A_73 = tpu.memref_squeeze %dma_wait3A_72 : memref<1x162x64xi32, #tpu.memory_space<hbm>> -> memref<162x64xi32, #tpu.memory_space<hbm>>
      tpu.wait_dma2 semaphore(%run_scoped3A : memref<!tpu.dma_semaphore, #tpu.memory_space<semaphore_mem>>) src(%dma_wait3A_73 : memref<162x64xi32, #tpu.memory_space<hbm>>) dst(%arg8 : memref<162x64xi32, #tpu.memory_space<vmem>>)
      tpu.yield
    }) : () -> ()
    %barrier3A = arith.constant 0 : index
    tpu.barrier barrier_id(%barrier3A)
    %dma_start3A = arith.constant 0 : i32
    %dma_start3A_5 = arith.constant 0 : i32
    %dma_start3A_6 = tpu.memref_slice %arg7[%dma_start3A, %dma_start3A_5] : memref<162x64xi32, #tpu.memory_space<vmem>> -> memref<1x64xi32, #tpu.memory_space<vmem>>
    %dma_start3A_7 = tpu.memref_squeeze %dma_start3A_6 : memref<1x64xi32, #tpu.memory_space<vmem>> -> memref<64xi32, #tpu.memory_space<vmem>>
    %dma_start3A_8 = arith.constant 0 : i32
    %dma_start3A_9 = arith.constant 0 : i32
    %dma_start3A_10 = tpu.memref_slice %arg2[%dma_start3A_8, %dma_start3A_9] : memref<10112x16xf32, #tpu.memory_space<hbm>> -> memref<10112x16xf32, #tpu.memory_space<hbm>>
    tpu.enqueue_indirect_dma source(%dma_start3A_10 : memref<10112x16xf32, #tpu.memory_space<hbm>>) target(%arg9 : memref<64x16xf32, #tpu.memory_space<vmem>>) offsets(%dma_start3A_7 : memref<64xi32, #tpu.memory_space<vmem>>) semaphore(%arg13 : memref<!tpu.dma_semaphore, #tpu.memory_space<semaphore_mem>>)
    %dma_start3A_11 = arith.constant 1 : i32
    %dma_start3A_12 = arith.constant 0 : i32
    %dma_start3A_13 = tpu.memref_slice %arg7[%dma_start3A_11, %dma_start3A_12] : memref<162x64xi32, #tpu.memory_space<vmem>> -> memref<1x64xi32, #tpu.memory_space<vmem>>
    %dma_start3A_14 = tpu.memref_squeeze %dma_start3A_13 : memref<1x64xi32, #tpu.memory_space<vmem>> -> memref<64xi32, #tpu.memory_space<vmem>>
    %dma_start3A_15 = arith.constant 0 : i32
    %dma_start3A_16 = arith.constant 0 : i32
    %dma_start3A_17 = tpu.memref_slice %arg2[%dma_start3A_15, %dma_start3A_16] : memref<10112x16xf32, #tpu.memory_space<hbm>> -> memref<10112x16xf32, #tpu.memory_space<hbm>>
    tpu.enqueue_indirect_dma source(%dma_start3A_17 : memref<10112x16xf32, #tpu.memory_space<hbm>>) target(%arg10 : memref<64x16xf32, #tpu.memory_space<vmem>>) offsets(%dma_start3A_14 : memref<64xi32, #tpu.memory_space<vmem>>) semaphore(%arg14 : memref<!tpu.dma_semaphore, #tpu.memory_space<semaphore_mem>>)
    %dma_start3A_18 = arith.constant 2 : i32
    %dma_start3A_19 = arith.constant 0 : i32
    %dma_start3A_20 = tpu.memref_slice %arg7[%dma_start3A_18, %dma_start3A_19] : memref<162x64xi32, #tpu.memory_space<vmem>> -> memref<1x64xi32, #tpu.memory_space<vmem>>
    %dma_start3A_21 = tpu.memref_squeeze %dma_start3A_20 : memref<1x64xi32, #tpu.memory_space<vmem>> -> memref<64xi32, #tpu.memory_space<vmem>>
    %dma_start3A_22 = arith.constant 0 : i32
    %dma_start3A_23 = arith.constant 0 : i32
    %dma_start3A_24 = tpu.memref_slice %arg2[%dma_start3A_22, %dma_start3A_23] : memref<10112x16xf32, #tpu.memory_space<hbm>> -> memref<10112x16xf32, #tpu.memory_space<hbm>>
    tpu.enqueue_indirect_dma source(%dma_start3A_24 : memref<10112x16xf32, #tpu.memory_space<hbm>>) target(%arg11 : memref<64x16xf32, #tpu.memory_space<vmem>>) offsets(%dma_start3A_21 : memref<64xi32, #tpu.memory_space<vmem>>) semaphore(%arg15 : memref<!tpu.dma_semaphore, #tpu.memory_space<semaphore_mem>>)
    %scan3A = arith.constant 0 : i32
    %scan3A_25 = arith.constant 0 : i32
    %scan3A_26 = arith.constant 53 : i32
    %scan3A_27 = arith.addi %scan3A_25, %scan3A_26 : i32
    %scan3A_28 = arith.constant 1 : i32
    scf.for %scan3A_58 = %scan3A_25 to %scan3A_27 step %scan3A_28  : i32 {
      %mul3A_59 = arith.constant 3 : i32
      %mul3A_60 = arith.muli %mul3A_59, %scan3A_58 : i32
      %add3A_61 = arith.constant 0 : i32
      %add3A_62 = arith.addi %mul3A_60, %add3A_61 : i32
      %dma_wait3A_63 = arith.constant 0 : i32
      %dma_wait3A_64 = tpu.memref_slice %arg7[%add3A_62, %dma_wait3A_63] : memref<162x64xi32, #tpu.memory_space<vmem>> -> memref<1x64xi32, #tpu.memory_space<vmem>>
      %dma_wait3A_65 = tpu.memref_squeeze %dma_wait3A_64 : memref<1x64xi32, #tpu.memory_space<vmem>> -> memref<64xi32, #tpu.memory_space<vmem>>
      %dma_wait3A_66 = arith.constant 0 : i32
      %dma_wait3A_67 = arith.constant 0 : i32
      %dma_wait3A_68 = tpu.memref_slice %arg2[%dma_wait3A_66, %dma_wait3A_67] : memref<10112x16xf32, #tpu.memory_space<hbm>> -> memref<10112x16xf32, #tpu.memory_space<hbm>>
      tpu.wait_indirect_dma semaphore(%arg13 : memref<!tpu.dma_semaphore, #tpu.memory_space<semaphore_mem>>) src(%dma_wait3A_68 : memref<10112x16xf32, #tpu.memory_space<hbm>>) dst(%arg9 : memref<64x16xf32, #tpu.memory_space<vmem>>)
      %add3A_69 = arith.constant 0 : i32
      %add3A_70 = arith.addi %mul3A_60, %add3A_69 : i32
      "tpu.region"() ({
        %run_scoped3A = tpu.sem_alloc : memref<!tpu.dma_semaphore, #tpu.memory_space<semaphore_mem>>
        %dma_start3A_121 = arith.constant 0 : i32
        %dma_start3A_122 = tpu.memref_slice %arg8[%add3A_70, %dma_start3A_121] : memref<162x64xi32, #tpu.memory_space<vmem>> -> memref<1x64xi32, #tpu.memory_space<vmem>>
        %dma_start3A_123 = tpu.memref_squeeze %dma_start3A_122 : memref<1x64xi32, #tpu.memory_space<vmem>> -> memref<64xi32, #tpu.memory_space<vmem>>
        %dma_start3A_124 = arith.constant 0 : i32
        %dma_start3A_125 = arith.constant 0 : i32
        %dma_start3A_126 = tpu.memref_slice %arg12[%dma_start3A_124, %dma_start3A_125] : memref<10112x16xf32, #tpu.memory_space<vmem_shared>> -> memref<10112x16xf32, #tpu.memory_space<vmem_shared>>
        tpu.enqueue_indirect_dma source(%arg9 : memref<64x16xf32, #tpu.memory_space<vmem>>) target(%dma_start3A_126 : memref<10112x16xf32, #tpu.memory_space<vmem_shared>>) offsets(%dma_start3A_123 : memref<64xi32, #tpu.memory_space<vmem>>) semaphore(%run_scoped3A : memref<!tpu.dma_semaphore, #tpu.memory_space<semaphore_mem>>) {add = true}
        %dma_wait3A_127 = arith.constant 0 : i32
        %dma_wait3A_128 = tpu.memref_slice %arg8[%add3A_70, %dma_wait3A_127] : memref<162x64xi32, #tpu.memory_space<vmem>> -> memref<1x64xi32, #tpu.memory_space<vmem>>
        %dma_wait3A_129 = tpu.memref_squeeze %dma_wait3A_128 : memref<1x64xi32, #tpu.memory_space<vmem>> -> memref<64xi32, #tpu.memory_space<vmem>>
        %dma_wait3A_130 = arith.constant 0 : i32
        %dma_wait3A_131 = arith.constant 0 : i32
        %dma_wait3A_132 = tpu.memref_slice %arg12[%dma_wait3A_130, %dma_wait3A_131] : memref<10112x16xf32, #tpu.memory_space<vmem_shared>> -> memref<10112x16xf32, #tpu.memory_space<vmem_shared>>
        tpu.wait_indirect_dma semaphore(%run_scoped3A : memref<!tpu.dma_semaphore, #tpu.memory_space<semaphore_mem>>) src(%arg9 : memref<64x16xf32, #tpu.memory_space<vmem>>) dst(%dma_wait3A_132 : memref<10112x16xf32, #tpu.memory_space<vmem_shared>>)
        tpu.yield
      }) : () -> ()
      %add3A_71 = arith.constant 3 : i32
      %add3A_72 = arith.addi %mul3A_60, %add3A_71 : i32
      %add3A_73 = arith.constant 0 : i32
      %add3A_74 = arith.addi %add3A_72, %add3A_73 : i32
      %dma_start3A_75 = arith.constant 0 : i32
      %dma_start3A_76 = tpu.memref_slice %arg7[%add3A_74, %dma_start3A_75] : memref<162x64xi32, #tpu.memory_space<vmem>> -> memref<1x64xi32, #tpu.memory_space<vmem>>
      %dma_start3A_77 = tpu.memref_squeeze %dma_start3A_76 : memref<1x64xi32, #tpu.memory_space<vmem>> -> memref<64xi32, #tpu.memory_space<vmem>>
      %dma_start3A_78 = arith.constant 0 : i32
      %dma_start3A_79 = arith.constant 0 : i32
      %dma_start3A_80 = tpu.memref_slice %arg2[%dma_start3A_78, %dma_start3A_79] : memref<10112x16xf32, #tpu.memory_space<hbm>> -> memref<10112x16xf32, #tpu.memory_space<hbm>>
      tpu.enqueue_indirect_dma source(%dma_start3A_80 : memref<10112x16xf32, #tpu.memory_space<hbm>>) target(%arg9 : memref<64x16xf32, #tpu.memory_space<vmem>>) offsets(%dma_start3A_77 : memref<64xi32, #tpu.memory_space<vmem>>) semaphore(%arg13 : memref<!tpu.dma_semaphore, #tpu.memory_space<semaphore_mem>>)
      %add3A_81 = arith.constant 1 : i32
      %add3A_82 = arith.addi %mul3A_60, %add3A_81 : i32
      %dma_wait3A_83 = arith.constant 0 : i32
      %dma_wait3A_84 = tpu.memref_slice %arg7[%add3A_82, %dma_wait3A_83] : memref<162x64xi32, #tpu.memory_space<vmem>> -> memref<1x64xi32, #tpu.memory_space<vmem>>
      %dma_wait3A_85 = tpu.memref_squeeze %dma_wait3A_84 : memref<1x64xi32, #tpu.memory_space<vmem>> -> memref<64xi32, #tpu.memory_space<vmem>>
      %dma_wait3A_86 = arith.constant 0 : i32
      %dma_wait3A_87 = arith.constant 0 : i32
      %dma_wait3A_88 = tpu.memref_slice %arg2[%dma_wait3A_86, %dma_wait3A_87] : memref<10112x16xf32, #tpu.memory_space<hbm>> -> memref<10112x16xf32, #tpu.memory_space<hbm>>
      tpu.wait_indirect_dma semaphore(%arg14 : memref<!tpu.dma_semaphore, #tpu.memory_space<semaphore_mem>>) src(%dma_wait3A_88 : memref<10112x16xf32, #tpu.memory_space<hbm>>) dst(%arg10 : memref<64x16xf32, #tpu.memory_space<vmem>>)
      %add3A_89 = arith.constant 1 : i32
      %add3A_90 = arith.addi %mul3A_60, %add3A_89 : i32
      "tpu.region"() ({
        %run_scoped3A = tpu.sem_alloc : memref<!tpu.dma_semaphore, #tpu.memory_space<semaphore_mem>>
        %dma_start3A_121 = arith.constant 0 : i32
        %dma_start3A_122 = tpu.memref_slice %arg8[%add3A_90, %dma_start3A_121] : memref<162x64xi32, #tpu.memory_space<vmem>> -> memref<1x64xi32, #tpu.memory_space<vmem>>
        %dma_start3A_123 = tpu.memref_squeeze %dma_start3A_122 : memref<1x64xi32, #tpu.memory_space<vmem>> -> memref<64xi32, #tpu.memory_space<vmem>>
        %dma_start3A_124 = arith.constant 0 : i32
        %dma_start3A_125 = arith.constant 0 : i32
        %dma_start3A_126 = tpu.memref_slice %arg12[%dma_start3A_124, %dma_start3A_125] : memref<10112x16xf32, #tpu.memory_space<vmem_shared>> -> memref<10112x16xf32, #tpu.memory_space<vmem_shared>>
        tpu.enqueue_indirect_dma source(%arg10 : memref<64x16xf32, #tpu.memory_space<vmem>>) target(%dma_start3A_126 : memref<10112x16xf32, #tpu.memory_space<vmem_shared>>) offsets(%dma_start3A_123 : memref<64xi32, #tpu.memory_space<vmem>>) semaphore(%run_scoped3A : memref<!tpu.dma_semaphore, #tpu.memory_space<semaphore_mem>>) {add = true}
        %dma_wait3A_127 = arith.constant 0 : i32
        %dma_wait3A_128 = tpu.memref_slice %arg8[%add3A_90, %dma_wait3A_127] : memref<162x64xi32, #tpu.memory_space<vmem>> -> memref<1x64xi32, #tpu.memory_space<vmem>>
        %dma_wait3A_129 = tpu.memref_squeeze %dma_wait3A_128 : memref<1x64xi32, #tpu.memory_space<vmem>> -> memref<64xi32, #tpu.memory_space<vmem>>
        %dma_wait3A_130 = arith.constant 0 : i32
        %dma_wait3A_131 = arith.constant 0 : i32
        %dma_wait3A_132 = tpu.memref_slice %arg12[%dma_wait3A_130, %dma_wait3A_131] : memref<10112x16xf32, #tpu.memory_space<vmem_shared>> -> memref<10112x16xf32, #tpu.memory_space<vmem_shared>>
        tpu.wait_indirect_dma semaphore(%run_scoped3A : memref<!tpu.dma_semaphore, #tpu.memory_space<semaphore_mem>>) src(%arg10 : memref<64x16xf32, #tpu.memory_space<vmem>>) dst(%dma_wait3A_132 : memref<10112x16xf32, #tpu.memory_space<vmem_shared>>)
        tpu.yield
      }) : () -> ()
      %add3A_91 = arith.constant 3 : i32
      %add3A_92 = arith.addi %mul3A_60, %add3A_91 : i32
      %add3A_93 = arith.constant 1 : i32
      %add3A_94 = arith.addi %add3A_92, %add3A_93 : i32
      %dma_start3A_95 = arith.constant 0 : i32
      %dma_start3A_96 = tpu.memref_slice %arg7[%add3A_94, %dma_start3A_95] : memref<162x64xi32, #tpu.memory_space<vmem>> -> memref<1x64xi32, #tpu.memory_space<vmem>>
      %dma_start3A_97 = tpu.memref_squeeze %dma_start3A_96 : memref<1x64xi32, #tpu.memory_space<vmem>> -> memref<64xi32, #tpu.memory_space<vmem>>
      %dma_start3A_98 = arith.constant 0 : i32
      %dma_start3A_99 = arith.constant 0 : i32
      %dma_start3A_100 = tpu.memref_slice %arg2[%dma_start3A_98, %dma_start3A_99] : memref<10112x16xf32, #tpu.memory_space<hbm>> -> memref<10112x16xf32, #tpu.memory_space<hbm>>
      tpu.enqueue_indirect_dma source(%dma_start3A_100 : memref<10112x16xf32, #tpu.memory_space<hbm>>) target(%arg10 : memref<64x16xf32, #tpu.memory_space<vmem>>) offsets(%dma_start3A_97 : memref<64xi32, #tpu.memory_space<vmem>>) semaphore(%arg14 : memref<!tpu.dma_semaphore, #tpu.memory_space<semaphore_mem>>)
      %add3A_101 = arith.constant 2 : i32
      %add3A_102 = arith.addi %mul3A_60, %add3A_101 : i32
      %dma_wait3A_103 = arith.constant 0 : i32
      %dma_wait3A_104 = tpu.memref_slice %arg7[%add3A_102, %dma_wait3A_103] : memref<162x64xi32, #tpu.memory_space<vmem>> -> memref<1x64xi32, #tpu.memory_space<vmem>>
      %dma_wait3A_105 = tpu.memref_squeeze %dma_wait3A_104 : memref<1x64xi32, #tpu.memory_space<vmem>> -> memref<64xi32, #tpu.memory_space<vmem>>
      %dma_wait3A_106 = arith.constant 0 : i32
      %dma_wait3A_107 = arith.constant 0 : i32
      %dma_wait3A_108 = tpu.memref_slice %arg2[%dma_wait3A_106, %dma_wait3A_107] : memref<10112x16xf32, #tpu.memory_space<hbm>> -> memref<10112x16xf32, #tpu.memory_space<hbm>>
      tpu.wait_indirect_dma semaphore(%arg15 : memref<!tpu.dma_semaphore, #tpu.memory_space<semaphore_mem>>) src(%dma_wait3A_108 : memref<10112x16xf32, #tpu.memory_space<hbm>>) dst(%arg11 : memref<64x16xf32, #tpu.memory_space<vmem>>)
      %add3A_109 = arith.constant 2 : i32
      %add3A_110 = arith.addi %mul3A_60, %add3A_109 : i32
      "tpu.region"() ({
        %run_scoped3A = tpu.sem_alloc : memref<!tpu.dma_semaphore, #tpu.memory_space<semaphore_mem>>
        %dma_start3A_121 = arith.constant 0 : i32
        %dma_start3A_122 = tpu.memref_slice %arg8[%add3A_110, %dma_start3A_121] : memref<162x64xi32, #tpu.memory_space<vmem>> -> memref<1x64xi32, #tpu.memory_space<vmem>>
        %dma_start3A_123 = tpu.memref_squeeze %dma_start3A_122 : memref<1x64xi32, #tpu.memory_space<vmem>> -> memref<64xi32, #tpu.memory_space<vmem>>
        %dma_start3A_124 = arith.constant 0 : i32
        %dma_start3A_125 = arith.constant 0 : i32
        %dma_start3A_126 = tpu.memref_slice %arg12[%dma_start3A_124, %dma_start3A_125] : memref<10112x16xf32, #tpu.memory_space<vmem_shared>> -> memref<10112x16xf32, #tpu.memory_space<vmem_shared>>
        tpu.enqueue_indirect_dma source(%arg11 : memref<64x16xf32, #tpu.memory_space<vmem>>) target(%dma_start3A_126 : memref<10112x16xf32, #tpu.memory_space<vmem_shared>>) offsets(%dma_start3A_123 : memref<64xi32, #tpu.memory_space<vmem>>) semaphore(%run_scoped3A : memref<!tpu.dma_semaphore, #tpu.memory_space<semaphore_mem>>) {add = true}
        %dma_wait3A_127 = arith.constant 0 : i32
        %dma_wait3A_128 = tpu.memref_slice %arg8[%add3A_110, %dma_wait3A_127] : memref<162x64xi32, #tpu.memory_space<vmem>> -> memref<1x64xi32, #tpu.memory_space<vmem>>
        %dma_wait3A_129 = tpu.memref_squeeze %dma_wait3A_128 : memref<1x64xi32, #tpu.memory_space<vmem>> -> memref<64xi32, #tpu.memory_space<vmem>>
        %dma_wait3A_130 = arith.constant 0 : i32
        %dma_wait3A_131 = arith.constant 0 : i32
        %dma_wait3A_132 = tpu.memref_slice %arg12[%dma_wait3A_130, %dma_wait3A_131] : memref<10112x16xf32, #tpu.memory_space<vmem_shared>> -> memref<10112x16xf32, #tpu.memory_space<vmem_shared>>
        tpu.wait_indirect_dma semaphore(%run_scoped3A : memref<!tpu.dma_semaphore, #tpu.memory_space<semaphore_mem>>) src(%arg11 : memref<64x16xf32, #tpu.memory_space<vmem>>) dst(%dma_wait3A_132 : memref<10112x16xf32, #tpu.memory_space<vmem_shared>>)
        tpu.yield
      }) : () -> ()
      %add3A_111 = arith.constant 3 : i32
      %add3A_112 = arith.addi %mul3A_60, %add3A_111 : i32
      %add3A_113 = arith.constant 2 : i32
      %add3A_114 = arith.addi %add3A_112, %add3A_113 : i32
      %dma_start3A_115 = arith.constant 0 : i32
      %dma_start3A_116 = tpu.memref_slice %arg7[%add3A_114, %dma_start3A_115] : memref<162x64xi32, #tpu.memory_space<vmem>> -> memref<1x64xi32, #tpu.memory_space<vmem>>
      %dma_start3A_117 = tpu.memref_squeeze %dma_start3A_116 : memref<1x64xi32, #tpu.memory_space<vmem>> -> memref<64xi32, #tpu.memory_space<vmem>>
      %dma_start3A_118 = arith.constant 0 : i32
      %dma_start3A_119 = arith.constant 0 : i32
      %dma_start3A_120 = tpu.memref_slice %arg2[%dma_start3A_118, %dma_start3A_119] : memref<10112x16xf32, #tpu.memory_space<hbm>> -> memref<10112x16xf32, #tpu.memory_space<hbm>>
      tpu.enqueue_indirect_dma source(%dma_start3A_120 : memref<10112x16xf32, #tpu.memory_space<hbm>>) target(%arg11 : memref<64x16xf32, #tpu.memory_space<vmem>>) offsets(%dma_start3A_117 : memref<64xi32, #tpu.memory_space<vmem>>) semaphore(%arg15 : memref<!tpu.dma_semaphore, #tpu.memory_space<semaphore_mem>>)
    }
    %scan3A_29 = arith.constant 53 : i32
    %dma_wait3A = arith.constant 159 : i32
    %dma_wait3A_30 = arith.constant 0 : i32
    %dma_wait3A_31 = tpu.memref_slice %arg7[%dma_wait3A, %dma_wait3A_30] : memref<162x64xi32, #tpu.memory_space<vmem>> -> memref<1x64xi32, #tpu.memory_space<vmem>>
    %dma_wait3A_32 = tpu.memref_squeeze %dma_wait3A_31 : memref<1x64xi32, #tpu.memory_space<vmem>> -> memref<64xi32, #tpu.memory_space<vmem>>
    %dma_wait3A_33 = arith.constant 0 : i32
    %dma_wait3A_34 = arith.constant 0 : i32
    %dma_wait3A_35 = tpu.memref_slice %arg2[%dma_wait3A_33, %dma_wait3A_34] : memref<10112x16xf32, #tpu.memory_space<hbm>> -> memref<10112x16xf32, #tpu.memory_space<hbm>>
    tpu.wait_indirect_dma semaphore(%arg13 : memref<!tpu.dma_semaphore, #tpu.memory_space<semaphore_mem>>) src(%dma_wait3A_35 : memref<10112x16xf32, #tpu.memory_space<hbm>>) dst(%arg9 : memref<64x16xf32, #tpu.memory_space<vmem>>)
    %dma_wait3A_36 = arith.constant 160 : i32
    %dma_wait3A_37 = arith.constant 0 : i32
    %dma_wait3A_38 = tpu.memref_slice %arg7[%dma_wait3A_36, %dma_wait3A_37] : memref<162x64xi32, #tpu.memory_space<vmem>> -> memref<1x64xi32, #tpu.memory_space<vmem>>
    %dma_wait3A_39 = tpu.memref_squeeze %dma_wait3A_38 : memref<1x64xi32, #tpu.memory_space<vmem>> -> memref<64xi32, #tpu.memory_space<vmem>>
    %dma_wait3A_40 = arith.constant 0 : i32
    %dma_wait3A_41 = arith.constant 0 : i32
    %dma_wait3A_42 = tpu.memref_slice %arg2[%dma_wait3A_40, %dma_wait3A_41] : memref<10112x16xf32, #tpu.memory_space<hbm>> -> memref<10112x16xf32, #tpu.memory_space<hbm>>
    tpu.wait_indirect_dma semaphore(%arg14 : memref<!tpu.dma_semaphore, #tpu.memory_space<semaphore_mem>>) src(%dma_wait3A_42 : memref<10112x16xf32, #tpu.memory_space<hbm>>) dst(%arg10 : memref<64x16xf32, #tpu.memory_space<vmem>>)
    %dma_wait3A_43 = arith.constant 161 : i32
    %dma_wait3A_44 = arith.constant 0 : i32
    %dma_wait3A_45 = tpu.memref_slice %arg7[%dma_wait3A_43, %dma_wait3A_44] : memref<162x64xi32, #tpu.memory_space<vmem>> -> memref<1x64xi32, #tpu.memory_space<vmem>>
    %dma_wait3A_46 = tpu.memref_squeeze %dma_wait3A_45 : memref<1x64xi32, #tpu.memory_space<vmem>> -> memref<64xi32, #tpu.memory_space<vmem>>
    %dma_wait3A_47 = arith.constant 0 : i32
    %dma_wait3A_48 = arith.constant 0 : i32
    %dma_wait3A_49 = tpu.memref_slice %arg2[%dma_wait3A_47, %dma_wait3A_48] : memref<10112x16xf32, #tpu.memory_space<hbm>> -> memref<10112x16xf32, #tpu.memory_space<hbm>>
    tpu.wait_indirect_dma semaphore(%arg15 : memref<!tpu.dma_semaphore, #tpu.memory_space<semaphore_mem>>) src(%dma_wait3A_49 : memref<10112x16xf32, #tpu.memory_space<hbm>>) dst(%arg11 : memref<64x16xf32, #tpu.memory_space<vmem>>)
    %barrier3A_50 = arith.constant 0 : index
    tpu.barrier barrier_id(%barrier3A_50)
    %mul3A_51 = arith.constant 632 : i32
    %mul3A_52 = arith.muli %arg1, %mul3A_51 : i32
    %mul3A_53 = arith.constant 10112 : i32
    %mul3A_54 = arith.muli %arg0, %mul3A_53 : i32
    %mul3A_55 = arith.constant 632 : i32
    %mul3A_56 = arith.muli %arg1, %mul3A_55 : i32
    %add3A_57 = arith.addi %mul3A_54, %mul3A_56 : i32
    "tpu.region"() ({
      %run_scoped3A = tpu.sem_alloc : memref<!tpu.dma_semaphore, #tpu.memory_space<semaphore_mem>>
      %dma_start3A_58 = arith.constant 0 : i32
      %dma_start3A_59 = tpu.memref_slice %arg6[%add3A_57, %dma_start3A_58] : memref<20224x16xf32, #tpu.memory_space<hbm>> -> memref<632x16xf32, #tpu.memory_space<hbm>>
      %dma_start3A_60 = arith.constant 0 : i32
      %dma_start3A_61 = tpu.memref_slice %arg12[%mul3A_52, %dma_start3A_60] : memref<10112x16xf32, #tpu.memory_space<vmem_shared>> -> memref<632x16xf32, #tpu.memory_space<vmem_shared>>
      tpu.enqueue_dma source(%dma_start3A_61 : memref<632x16xf32, #tpu.memory_space<vmem_shared>>) target(%dma_start3A_59 : memref<632x16xf32, #tpu.memory_space<hbm>>) target_semaphore(%run_scoped3A : memref<!tpu.dma_semaphore, #tpu.memory_space<semaphore_mem>>)
      %dma_wait3A_62 = arith.constant 0 : i32
      %dma_wait3A_63 = tpu.memref_slice %arg6[%add3A_57, %dma_wait3A_62] : memref<20224x16xf32, #tpu.memory_space<hbm>> -> memref<632x16xf32, #tpu.memory_space<hbm>>
      %dma_wait3A_64 = arith.constant 0 : i32
      %dma_wait3A_65 = tpu.memref_slice %arg12[%mul3A_52, %dma_wait3A_64] : memref<10112x16xf32, #tpu.memory_space<vmem_shared>> -> memref<632x16xf32, #tpu.memory_space<vmem_shared>>
      tpu.wait_dma2 semaphore(%run_scoped3A : memref<!tpu.dma_semaphore, #tpu.memory_space<semaphore_mem>>) src(%dma_wait3A_65 : memref<632x16xf32, #tpu.memory_space<vmem_shared>>) dst(%dma_wait3A_63 : memref<632x16xf32, #tpu.memory_space<hbm>>)
      tpu.yield
    }) : () -> ()
    return
  }
}

#map = affine_map<(d0, d1) -> (0, 0)>
#map1 = affine_map<(d0, d1) -> (0, 0, 0)>
module attributes {stable_mosaic.version = 14 : i64} {
  func.func @body(%arg0: i32, %arg1: i32, %arg2: memref<10112x16xf32, #tpu.memory_space<hbm>>, %arg3: memref<32x162x64xi32, #tpu.memory_space<hbm>>, %arg4: memref<32x162x64xi32, #tpu.memory_space<hbm>>, %arg5: memref<10112x16xf32, #tpu.memory_space<hbm>>, %arg6: memref<20224x16xf32, #tpu.memory_space<hbm>>, %arg7: memref<162x64xi32, #tpu.memory_space<vmem>>, %arg8: memref<162x64xi32, #tpu.memory_space<vmem>>, %arg9: memref<64x16xf32, #tpu.memory_space<vmem>>, %arg10: memref<64x16xf32, #tpu.memory_space<vmem>>, %arg11: memref<64x16xf32, #tpu.memory_space<vmem>>, %arg12: memref<10112x16xf32, #tpu.memory_space<vmem_shared>>, %arg13: memref<!tpu.dma_semaphore, #tpu.memory_space<semaphore_mem>>, %arg14: memref<!tpu.dma_semaphore, #tpu.memory_space<semaphore_mem>>, %arg15: memref<!tpu.dma_semaphore, #tpu.memory_space<semaphore_mem>>) attributes {dimension_semantics = [#tpu.dimension_semantics<core_parallel>, #tpu.dimension_semantics<subcore_parallel>], iteration_bounds = array<i64: 2, 16>, scalar_prefetch = 0 : i64, scratch_operands = 9 : i64, tpu.core_type = #tpu.core_type<sc_vector_subcore>, window_params = [{transform_indices = #map}, {transform_indices = #map1}, {transform_indices = #map1}, {transform_indices = #map}, {transform_indices = #map}]} {
    %mul3A = arith.constant 16 : i32
    %mul3A_0 = arith.muli %arg0, %mul3A : i32
    %add3A = arith.addi %mul3A_0, %arg1 : i32
    %mul3A_1 = arith.constant 632 : i32
    %mul3A_2 = arith.muli %arg1, %mul3A_1 : i32
    %mul3A_3 = arith.constant 632 : i32
    %mul3A_4 = arith.muli %arg1, %mul3A_3 : i32
    "tpu.region"() ({
      %run_scoped3A = tpu.sem_alloc : memref<!tpu.dma_semaphore, #tpu.memory_space<semaphore_mem>>
      %dma_start3A_58 = arith.constant 0 : i32
      %dma_start3A_59 = tpu.memref_slice %arg12[%mul3A_4, %dma_start3A_58] : memref<10112x16xf32, #tpu.memory_space<vmem_shared>> -> memref<632x16xf32, #tpu.memory_space<vmem_shared>>
      %dma_start3A_60 = arith.constant 0 : i32
      %dma_start3A_61 = tpu.memref_slice %arg5[%mul3A_2, %dma_start3A_60] : memref<10112x16xf32, #tpu.memory_space<hbm>> -> memref<632x16xf32, #tpu.memory_space<hbm>>
      tpu.enqueue_dma source(%dma_start3A_61 : memref<632x16xf32, #tpu.memory_space<hbm>>) target(%dma_start3A_59 : memref<632x16xf32, #tpu.memory_space<vmem_shared>>) target_semaphore(%run_scoped3A : memref<!tpu.dma_semaphore, #tpu.memory_space<semaphore_mem>>)
      %dma_wait3A_62 = arith.constant 0 : i32
      %dma_wait3A_63 = tpu.memref_slice %arg12[%mul3A_4, %dma_wait3A_62] : memref<10112x16xf32, #tpu.memory_space<vmem_shared>> -> memref<632x16xf32, #tpu.memory_space<vmem_shared>>
      %dma_wait3A_64 = arith.constant 0 : i32
      %dma_wait3A_65 = tpu.memref_slice %arg5[%mul3A_2, %dma_wait3A_64] : memref<10112x16xf32, #tpu.memory_space<hbm>> -> memref<632x16xf32, #tpu.memory_space<hbm>>
      tpu.wait_dma2 semaphore(%run_scoped3A : memref<!tpu.dma_semaphore, #tpu.memory_space<semaphore_mem>>) src(%dma_wait3A_65 : memref<632x16xf32, #tpu.memory_space<hbm>>) dst(%dma_wait3A_63 : memref<632x16xf32, #tpu.memory_space<vmem_shared>>)
      tpu.yield
    }) : () -> ()
    "tpu.region"() ({
      %run_scoped3A = tpu.sem_alloc : memref<!tpu.dma_semaphore, #tpu.memory_space<semaphore_mem>>
      %dma_start3A_58 = arith.constant 0 : i32
      %dma_start3A_59 = arith.constant 0 : i32
      %dma_start3A_60 = tpu.memref_slice %arg3[%add3A, %dma_start3A_58, %dma_start3A_59] : memref<32x162x64xi32, #tpu.memory_space<hbm>> -> memref<1x162x64xi32, #tpu.memory_space<hbm>>
      %dma_start3A_61 = tpu.memref_squeeze %dma_start3A_60 : memref<1x162x64xi32, #tpu.memory_space<hbm>> -> memref<162x64xi32, #tpu.memory_space<hbm>>
      %dma_start3A_62 = arith.constant 0 : i32
      %dma_start3A_63 = arith.constant 0 : i32
      %dma_start3A_64 = tpu.memref_slice %arg3[%add3A, %dma_start3A_62, %dma_start3A_63] : memref<32x162x64xi32, #tpu.memory_space<hbm>> -> memref<1x162x64xi32, #tpu.memory_space<hbm>>
      %dma_start3A_65 = tpu.memref_squeeze %dma_start3A_64 : memref<1x162x64xi32, #tpu.memory_space<hbm>> -> memref<162x64xi32, #tpu.memory_space<hbm>>
      tpu.enqueue_dma source(%dma_start3A_65 : memref<162x64xi32, #tpu.memory_space<hbm>>) target(%arg7 : memref<162x64xi32, #tpu.memory_space<vmem>>) target_semaphore(%run_scoped3A : memref<!tpu.dma_semaphore, #tpu.memory_space<semaphore_mem>>)
      %dma_wait3A_66 = arith.constant 0 : i32
      %dma_wait3A_67 = arith.constant 0 : i32
      %dma_wait3A_68 = tpu.memref_slice %arg3[%add3A, %dma_wait3A_66, %dma_wait3A_67] : memref<32x162x64xi32, #tpu.memory_space<hbm>> -> memref<1x162x64xi32, #tpu.memory_space<hbm>>
      %dma_wait3A_69 = tpu.memref_squeeze %dma_wait3A_68 : memref<1x162x64xi32, #tpu.memory_space<hbm>> -> memref<162x64xi32, #tpu.memory_space<hbm>>
      %dma_wait3A_70 = arith.constant 0 : i32
      %dma_wait3A_71 = arith.constant 0 : i32
      %dma_wait3A_72 = tpu.memref_slice %arg3[%add3A, %dma_wait3A_70, %dma_wait3A_71] : memref<32x162x64xi32, #tpu.memory_space<hbm>> -> memref<1x162x64xi32, #tpu.memory_space<hbm>>
      %dma_wait3A_73 = tpu.memref_squeeze %dma_wait3A_72 : memref<1x162x64xi32, #tpu.memory_space<hbm>> -> memref<162x64xi32, #tpu.memory_space<hbm>>
      tpu.wait_dma2 semaphore(%run_scoped3A : memref<!tpu.dma_semaphore, #tpu.memory_space<semaphore_mem>>) src(%dma_wait3A_73 : memref<162x64xi32, #tpu.memory_space<hbm>>) dst(%arg7 : memref<162x64xi32, #tpu.memory_space<vmem>>)
      tpu.yield
    }) : () -> ()
    "tpu.region"() ({
      %run_scoped3A = tpu.sem_alloc : memref<!tpu.dma_semaphore, #tpu.memory_space<semaphore_mem>>
      %dma_start3A_58 = arith.constant 0 : i32
      %dma_start3A_59 = arith.constant 0 : i32
      %dma_start3A_60 = tpu.memref_slice %arg4[%add3A, %dma_start3A_58, %dma_start3A_59] : memref<32x162x64xi32, #tpu.memory_space<hbm>> -> memref<1x162x64xi32, #tpu.memory_space<hbm>>
      %dma_start3A_61 = tpu.memref_squeeze %dma_start3A_60 : memref<1x162x64xi32, #tpu.memory_space<hbm>> -> memref<162x64xi32, #tpu.memory_space<hbm>>
      %dma_start3A_62 = arith.constant 0 : i32
      %dma_start3A_63 = arith.constant 0 : i32
      %dma_start3A_64 = tpu.memref_slice %arg4[%add3A, %dma_start3A_62, %dma_start3A_63] : memref<32x162x64xi32, #tpu.memory_space<hbm>> -> memref<1x162x64xi32, #tpu.memory_space<hbm>>
      %dma_start3A_65 = tpu.memref_squeeze %dma_start3A_64 : memref<1x162x64xi32, #tpu.memory_space<hbm>> -> memref<162x64xi32, #tpu.memory_space<hbm>>
      tpu.enqueue_dma source(%dma_start3A_65 : memref<162x64xi32, #tpu.memory_space<hbm>>) target(%arg8 : memref<162x64xi32, #tpu.memory_space<vmem>>) target_semaphore(%run_scoped3A : memref<!tpu.dma_semaphore, #tpu.memory_space<semaphore_mem>>)
      %dma_wait3A_66 = arith.constant 0 : i32
      %dma_wait3A_67 = arith.constant 0 : i32
      %dma_wait3A_68 = tpu.memref_slice %arg4[%add3A, %dma_wait3A_66, %dma_wait3A_67] : memref<32x162x64xi32, #tpu.memory_space<hbm>> -> memref<1x162x64xi32, #tpu.memory_space<hbm>>
      %dma_wait3A_69 = tpu.memref_squeeze %dma_wait3A_68 : memref<1x162x64xi32, #tpu.memory_space<hbm>> -> memref<162x64xi32, #tpu.memory_space<hbm>>
      %dma_wait3A_70 = arith.constant 0 : i32
      %dma_wait3A_71 = arith.constant 0 : i32
      %dma_wait3A_72 = tpu.memref_slice %arg4[%add3A, %dma_wait3A_70, %dma_wait3A_71] : memref<32x162x64xi32, #tpu.memory_space<hbm>> -> memref<1x162x64xi32, #tpu.memory_space<hbm>>
      %dma_wait3A_73 = tpu.memref_squeeze %dma_wait3A_72 : memref<1x162x64xi32, #tpu.memory_space<hbm>> -> memref<162x64xi32, #tpu.memory_space<hbm>>
      tpu.wait_dma2 semaphore(%run_scoped3A : memref<!tpu.dma_semaphore, #tpu.memory_space<semaphore_mem>>) src(%dma_wait3A_73 : memref<162x64xi32, #tpu.memory_space<hbm>>) dst(%arg8 : memref<162x64xi32, #tpu.memory_space<vmem>>)
      tpu.yield
    }) : () -> ()
    %barrier3A = arith.constant 0 : index
    tpu.barrier barrier_id(%barrier3A)
    %dma_start3A = arith.constant 0 : i32
    %dma_start3A_5 = arith.constant 0 : i32
    %dma_start3A_6 = tpu.memref_slice %arg7[%dma_start3A, %dma_start3A_5] : memref<162x64xi32, #tpu.memory_space<vmem>> -> memref<1x64xi32, #tpu.memory_space<vmem>>
    %dma_start3A_7 = tpu.memref_squeeze %dma_start3A_6 : memref<1x64xi32, #tpu.memory_space<vmem>> -> memref<64xi32, #tpu.memory_space<vmem>>
    %dma_start3A_8 = arith.constant 0 : i32
    %dma_start3A_9 = arith.constant 0 : i32
    %dma_start3A_10 = tpu.memref_slice %arg2[%dma_start3A_8, %dma_start3A_9] : memref<10112x16xf32, #tpu.memory_space<hbm>> -> memref<10112x16xf32, #tpu.memory_space<hbm>>
    tpu.enqueue_indirect_dma source(%dma_start3A_10 : memref<10112x16xf32, #tpu.memory_space<hbm>>) target(%arg9 : memref<64x16xf32, #tpu.memory_space<vmem>>) offsets(%dma_start3A_7 : memref<64xi32, #tpu.memory_space<vmem>>) semaphore(%arg13 : memref<!tpu.dma_semaphore, #tpu.memory_space<semaphore_mem>>)
    %dma_start3A_11 = arith.constant 1 : i32
    %dma_start3A_12 = arith.constant 0 : i32
    %dma_start3A_13 = tpu.memref_slice %arg7[%dma_start3A_11, %dma_start3A_12] : memref<162x64xi32, #tpu.memory_space<vmem>> -> memref<1x64xi32, #tpu.memory_space<vmem>>
    %dma_start3A_14 = tpu.memref_squeeze %dma_start3A_13 : memref<1x64xi32, #tpu.memory_space<vmem>> -> memref<64xi32, #tpu.memory_space<vmem>>
    %dma_start3A_15 = arith.constant 0 : i32
    %dma_start3A_16 = arith.constant 0 : i32
    %dma_start3A_17 = tpu.memref_slice %arg2[%dma_start3A_15, %dma_start3A_16] : memref<10112x16xf32, #tpu.memory_space<hbm>> -> memref<10112x16xf32, #tpu.memory_space<hbm>>
    tpu.enqueue_indirect_dma source(%dma_start3A_17 : memref<10112x16xf32, #tpu.memory_space<hbm>>) target(%arg10 : memref<64x16xf32, #tpu.memory_space<vmem>>) offsets(%dma_start3A_14 : memref<64xi32, #tpu.memory_space<vmem>>) semaphore(%arg14 : memref<!tpu.dma_semaphore, #tpu.memory_space<semaphore_mem>>)
    %dma_start3A_18 = arith.constant 2 : i32
    %dma_start3A_19 = arith.constant 0 : i32
    %dma_start3A_20 = tpu.memref_slice %arg7[%dma_start3A_18, %dma_start3A_19] : memref<162x64xi32, #tpu.memory_space<vmem>> -> memref<1x64xi32, #tpu.memory_space<vmem>>
    %dma_start3A_21 = tpu.memref_squeeze %dma_start3A_20 : memref<1x64xi32, #tpu.memory_space<vmem>> -> memref<64xi32, #tpu.memory_space<vmem>>
    %dma_start3A_22 = arith.constant 0 : i32
    %dma_start3A_23 = arith.constant 0 : i32
    %dma_start3A_24 = tpu.memref_slice %arg2[%dma_start3A_22, %dma_start3A_23] : memref<10112x16xf32, #tpu.memory_space<hbm>> -> memref<10112x16xf32, #tpu.memory_space<hbm>>
    tpu.enqueue_indirect_dma source(%dma_start3A_24 : memref<10112x16xf32, #tpu.memory_space<hbm>>) target(%arg11 : memref<64x16xf32, #tpu.memory_space<vmem>>) offsets(%dma_start3A_21 : memref<64xi32, #tpu.memory_space<vmem>>) semaphore(%arg15 : memref<!tpu.dma_semaphore, #tpu.memory_space<semaphore_mem>>)
    %scan3A = arith.constant 0 : i32
    %scan3A_25 = arith.constant 0 : i32
    %scan3A_26 = arith.constant 53 : i32
    %scan3A_27 = arith.addi %scan3A_25, %scan3A_26 : i32
    %scan3A_28 = arith.constant 1 : i32
    scf.for %scan3A_58 = %scan3A_25 to %scan3A_27 step %scan3A_28  : i32 {
      %mul3A_59 = arith.constant 3 : i32
      %mul3A_60 = arith.muli %mul3A_59, %scan3A_58 : i32
      %add3A_61 = arith.constant 0 : i32
      %add3A_62 = arith.addi %mul3A_60, %add3A_61 : i32
      %dma_wait3A_63 = arith.constant 0 : i32
      %dma_wait3A_64 = tpu.memref_slice %arg7[%add3A_62, %dma_wait3A_63] : memref<162x64xi32, #tpu.memory_space<vmem>> -> memref<1x64xi32, #tpu.memory_space<vmem>>
      %dma_wait3A_65 = tpu.memref_squeeze %dma_wait3A_64 : memref<1x64xi32, #tpu.memory_space<vmem>> -> memref<64xi32, #tpu.memory_space<vmem>>
      %dma_wait3A_66 = arith.constant 0 : i32
      %dma_wait3A_67 = arith.constant 0 : i32
      %dma_wait3A_68 = tpu.memref_slice %arg2[%dma_wait3A_66, %dma_wait3A_67] : memref<10112x16xf32, #tpu.memory_space<hbm>> -> memref<10112x16xf32, #tpu.memory_space<hbm>>
      tpu.wait_indirect_dma semaphore(%arg13 : memref<!tpu.dma_semaphore, #tpu.memory_space<semaphore_mem>>) src(%dma_wait3A_68 : memref<10112x16xf32, #tpu.memory_space<hbm>>) dst(%arg9 : memref<64x16xf32, #tpu.memory_space<vmem>>)
      %add3A_69 = arith.constant 0 : i32
      %add3A_70 = arith.addi %mul3A_60, %add3A_69 : i32
      "tpu.region"() ({
        %run_scoped3A = tpu.sem_alloc : memref<!tpu.dma_semaphore, #tpu.memory_space<semaphore_mem>>
        %dma_start3A_121 = arith.constant 0 : i32
        %dma_start3A_122 = tpu.memref_slice %arg8[%add3A_70, %dma_start3A_121] : memref<162x64xi32, #tpu.memory_space<vmem>> -> memref<1x64xi32, #tpu.memory_space<vmem>>
        %dma_start3A_123 = tpu.memref_squeeze %dma_start3A_122 : memref<1x64xi32, #tpu.memory_space<vmem>> -> memref<64xi32, #tpu.memory_space<vmem>>
        %dma_start3A_124 = arith.constant 0 : i32
        %dma_start3A_125 = arith.constant 0 : i32
        %dma_start3A_126 = tpu.memref_slice %arg12[%dma_start3A_124, %dma_start3A_125] : memref<10112x16xf32, #tpu.memory_space<vmem_shared>> -> memref<10112x16xf32, #tpu.memory_space<vmem_shared>>
        tpu.enqueue_indirect_dma source(%arg9 : memref<64x16xf32, #tpu.memory_space<vmem>>) target(%dma_start3A_126 : memref<10112x16xf32, #tpu.memory_space<vmem_shared>>) offsets(%dma_start3A_123 : memref<64xi32, #tpu.memory_space<vmem>>) semaphore(%run_scoped3A : memref<!tpu.dma_semaphore, #tpu.memory_space<semaphore_mem>>) {add = true}
        %dma_wait3A_127 = arith.constant 0 : i32
        %dma_wait3A_128 = tpu.memref_slice %arg8[%add3A_70, %dma_wait3A_127] : memref<162x64xi32, #tpu.memory_space<vmem>> -> memref<1x64xi32, #tpu.memory_space<vmem>>
        %dma_wait3A_129 = tpu.memref_squeeze %dma_wait3A_128 : memref<1x64xi32, #tpu.memory_space<vmem>> -> memref<64xi32, #tpu.memory_space<vmem>>
        %dma_wait3A_130 = arith.constant 0 : i32
        %dma_wait3A_131 = arith.constant 0 : i32
        %dma_wait3A_132 = tpu.memref_slice %arg12[%dma_wait3A_130, %dma_wait3A_131] : memref<10112x16xf32, #tpu.memory_space<vmem_shared>> -> memref<10112x16xf32, #tpu.memory_space<vmem_shared>>
        tpu.wait_indirect_dma semaphore(%run_scoped3A : memref<!tpu.dma_semaphore, #tpu.memory_space<semaphore_mem>>) src(%arg9 : memref<64x16xf32, #tpu.memory_space<vmem>>) dst(%dma_wait3A_132 : memref<10112x16xf32, #tpu.memory_space<vmem_shared>>)
        tpu.yield
      }) : () -> ()
      %add3A_71 = arith.constant 3 : i32
      %add3A_72 = arith.addi %mul3A_60, %add3A_71 : i32
      %add3A_73 = arith.constant 0 : i32
      %add3A_74 = arith.addi %add3A_72, %add3A_73 : i32
      %dma_start3A_75 = arith.constant 0 : i32
      %dma_start3A_76 = tpu.memref_slice %arg7[%add3A_74, %dma_start3A_75] : memref<162x64xi32, #tpu.memory_space<vmem>> -> memref<1x64xi32, #tpu.memory_space<vmem>>
      %dma_start3A_77 = tpu.memref_squeeze %dma_start3A_76 : memref<1x64xi32, #tpu.memory_space<vmem>> -> memref<64xi32, #tpu.memory_space<vmem>>
      %dma_start3A_78 = arith.constant 0 : i32
      %dma_start3A_79 = arith.constant 0 : i32
      %dma_start3A_80 = tpu.memref_slice %arg2[%dma_start3A_78, %dma_start3A_79] : memref<10112x16xf32, #tpu.memory_space<hbm>> -> memref<10112x16xf32, #tpu.memory_space<hbm>>
      tpu.enqueue_indirect_dma source(%dma_start3A_80 : memref<10112x16xf32, #tpu.memory_space<hbm>>) target(%arg9 : memref<64x16xf32, #tpu.memory_space<vmem>>) offsets(%dma_start3A_77 : memref<64xi32, #tpu.memory_space<vmem>>) semaphore(%arg13 : memref<!tpu.dma_semaphore, #tpu.memory_space<semaphore_mem>>)
      %add3A_81 = arith.constant 1 : i32
      %add3A_82 = arith.addi %mul3A_60, %add3A_81 : i32
      %dma_wait3A_83 = arith.constant 0 : i32
      %dma_wait3A_84 = tpu.memref_slice %arg7[%add3A_82, %dma_wait3A_83] : memref<162x64xi32, #tpu.memory_space<vmem>> -> memref<1x64xi32, #tpu.memory_space<vmem>>
      %dma_wait3A_85 = tpu.memref_squeeze %dma_wait3A_84 : memref<1x64xi32, #tpu.memory_space<vmem>> -> memref<64xi32, #tpu.memory_space<vmem>>
      %dma_wait3A_86 = arith.constant 0 : i32
      %dma_wait3A_87 = arith.constant 0 : i32
      %dma_wait3A_88 = tpu.memref_slice %arg2[%dma_wait3A_86, %dma_wait3A_87] : memref<10112x16xf32, #tpu.memory_space<hbm>> -> memref<10112x16xf32, #tpu.memory_space<hbm>>
      tpu.wait_indirect_dma semaphore(%arg14 : memref<!tpu.dma_semaphore, #tpu.memory_space<semaphore_mem>>) src(%dma_wait3A_88 : memref<10112x16xf32, #tpu.memory_space<hbm>>) dst(%arg10 : memref<64x16xf32, #tpu.memory_space<vmem>>)
      %add3A_89 = arith.constant 1 : i32
      %add3A_90 = arith.addi %mul3A_60, %add3A_89 : i32
      "tpu.region"() ({
        %run_scoped3A = tpu.sem_alloc : memref<!tpu.dma_semaphore, #tpu.memory_space<semaphore_mem>>
        %dma_start3A_121 = arith.constant 0 : i32
        %dma_start3A_122 = tpu.memref_slice %arg8[%add3A_90, %dma_start3A_121] : memref<162x64xi32, #tpu.memory_space<vmem>> -> memref<1x64xi32, #tpu.memory_space<vmem>>
        %dma_start3A_123 = tpu.memref_squeeze %dma_start3A_122 : memref<1x64xi32, #tpu.memory_space<vmem>> -> memref<64xi32, #tpu.memory_space<vmem>>
        %dma_start3A_124 = arith.constant 0 : i32
        %dma_start3A_125 = arith.constant 0 : i32
        %dma_start3A_126 = tpu.memref_slice %arg12[%dma_start3A_124, %dma_start3A_125] : memref<10112x16xf32, #tpu.memory_space<vmem_shared>> -> memref<10112x16xf32, #tpu.memory_space<vmem_shared>>
        tpu.enqueue_indirect_dma source(%arg10 : memref<64x16xf32, #tpu.memory_space<vmem>>) target(%dma_start3A_126 : memref<10112x16xf32, #tpu.memory_space<vmem_shared>>) offsets(%dma_start3A_123 : memref<64xi32, #tpu.memory_space<vmem>>) semaphore(%run_scoped3A : memref<!tpu.dma_semaphore, #tpu.memory_space<semaphore_mem>>) {add = true}
        %dma_wait3A_127 = arith.constant 0 : i32
        %dma_wait3A_128 = tpu.memref_slice %arg8[%add3A_90, %dma_wait3A_127] : memref<162x64xi32, #tpu.memory_space<vmem>> -> memref<1x64xi32, #tpu.memory_space<vmem>>
        %dma_wait3A_129 = tpu.memref_squeeze %dma_wait3A_128 : memref<1x64xi32, #tpu.memory_space<vmem>> -> memref<64xi32, #tpu.memory_space<vmem>>
        %dma_wait3A_130 = arith.constant 0 : i32
        %dma_wait3A_131 = arith.constant 0 : i32
        %dma_wait3A_132 = tpu.memref_slice %arg12[%dma_wait3A_130, %dma_wait3A_131] : memref<10112x16xf32, #tpu.memory_space<vmem_shared>> -> memref<10112x16xf32, #tpu.memory_space<vmem_shared>>
        tpu.wait_indirect_dma semaphore(%run_scoped3A : memref<!tpu.dma_semaphore, #tpu.memory_space<semaphore_mem>>) src(%arg10 : memref<64x16xf32, #tpu.memory_space<vmem>>) dst(%dma_wait3A_132 : memref<10112x16xf32, #tpu.memory_space<vmem_shared>>)
        tpu.yield
      }) : () -> ()
      %add3A_91 = arith.constant 3 : i32
      %add3A_92 = arith.addi %mul3A_60, %add3A_91 : i32
      %add3A_93 = arith.constant 1 : i32
      %add3A_94 = arith.addi %add3A_92, %add3A_93 : i32
      %dma_start3A_95 = arith.constant 0 : i32
      %dma_start3A_96 = tpu.memref_slice %arg7[%add3A_94, %dma_start3A_95] : memref<162x64xi32, #tpu.memory_space<vmem>> -> memref<1x64xi32, #tpu.memory_space<vmem>>
      %dma_start3A_97 = tpu.memref_squeeze %dma_start3A_96 : memref<1x64xi32, #tpu.memory_space<vmem>> -> memref<64xi32, #tpu.memory_space<vmem>>
      %dma_start3A_98 = arith.constant 0 : i32
      %dma_start3A_99 = arith.constant 0 : i32
      %dma_start3A_100 = tpu.memref_slice %arg2[%dma_start3A_98, %dma_start3A_99] : memref<10112x16xf32, #tpu.memory_space<hbm>> -> memref<10112x16xf32, #tpu.memory_space<hbm>>
      tpu.enqueue_indirect_dma source(%dma_start3A_100 : memref<10112x16xf32, #tpu.memory_space<hbm>>) target(%arg10 : memref<64x16xf32, #tpu.memory_space<vmem>>) offsets(%dma_start3A_97 : memref<64xi32, #tpu.memory_space<vmem>>) semaphore(%arg14 : memref<!tpu.dma_semaphore, #tpu.memory_space<semaphore_mem>>)
      %add3A_101 = arith.constant 2 : i32
      %add3A_102 = arith.addi %mul3A_60, %add3A_101 : i32
      %dma_wait3A_103 = arith.constant 0 : i32
      %dma_wait3A_104 = tpu.memref_slice %arg7[%add3A_102, %dma_wait3A_103] : memref<162x64xi32, #tpu.memory_space<vmem>> -> memref<1x64xi32, #tpu.memory_space<vmem>>
      %dma_wait3A_105 = tpu.memref_squeeze %dma_wait3A_104 : memref<1x64xi32, #tpu.memory_space<vmem>> -> memref<64xi32, #tpu.memory_space<vmem>>
      %dma_wait3A_106 = arith.constant 0 : i32
      %dma_wait3A_107 = arith.constant 0 : i32
      %dma_wait3A_108 = tpu.memref_slice %arg2[%dma_wait3A_106, %dma_wait3A_107] : memref<10112x16xf32, #tpu.memory_space<hbm>> -> memref<10112x16xf32, #tpu.memory_space<hbm>>
      tpu.wait_indirect_dma semaphore(%arg15 : memref<!tpu.dma_semaphore, #tpu.memory_space<semaphore_mem>>) src(%dma_wait3A_108 : memref<10112x16xf32, #tpu.memory_space<hbm>>) dst(%arg11 : memref<64x16xf32, #tpu.memory_space<vmem>>)
      %add3A_109 = arith.constant 2 : i32
      %add3A_110 = arith.addi %mul3A_60, %add3A_109 : i32
      "tpu.region"() ({
        %run_scoped3A = tpu.sem_alloc : memref<!tpu.dma_semaphore, #tpu.memory_space<semaphore_mem>>
        %dma_start3A_121 = arith.constant 0 : i32
        %dma_start3A_122 = tpu.memref_slice %arg8[%add3A_110, %dma_start3A_121] : memref<162x64xi32, #tpu.memory_space<vmem>> -> memref<1x64xi32, #tpu.memory_space<vmem>>
        %dma_start3A_123 = tpu.memref_squeeze %dma_start3A_122 : memref<1x64xi32, #tpu.memory_space<vmem>> -> memref<64xi32, #tpu.memory_space<vmem>>
        %dma_start3A_124 = arith.constant 0 : i32
        %dma_start3A_125 = arith.constant 0 : i32
        %dma_start3A_126 = tpu.memref_slice %arg12[%dma_start3A_124, %dma_start3A_125] : memref<10112x16xf32, #tpu.memory_space<vmem_shared>> -> memref<10112x16xf32, #tpu.memory_space<vmem_shared>>
        tpu.enqueue_indirect_dma source(%arg11 : memref<64x16xf32, #tpu.memory_space<vmem>>) target(%dma_start3A_126 : memref<10112x16xf32, #tpu.memory_space<vmem_shared>>) offsets(%dma_start3A_123 : memref<64xi32, #tpu.memory_space<vmem>>) semaphore(%run_scoped3A : memref<!tpu.dma_semaphore, #tpu.memory_space<semaphore_mem>>) {add = true}
        %dma_wait3A_127 = arith.constant 0 : i32
        %dma_wait3A_128 = tpu.memref_slice %arg8[%add3A_110, %dma_wait3A_127] : memref<162x64xi32, #tpu.memory_space<vmem>> -> memref<1x64xi32, #tpu.memory_space<vmem>>
        %dma_wait3A_129 = tpu.memref_squeeze %dma_wait3A_128 : memref<1x64xi32, #tpu.memory_space<vmem>> -> memref<64xi32, #tpu.memory_space<vmem>>
        %dma_wait3A_130 = arith.constant 0 : i32
        %dma_wait3A_131 = arith.constant 0 : i32
        %dma_wait3A_132 = tpu.memref_slice %arg12[%dma_wait3A_130, %dma_wait3A_131] : memref<10112x16xf32, #tpu.memory_space<vmem_shared>> -> memref<10112x16xf32, #tpu.memory_space<vmem_shared>>
        tpu.wait_indirect_dma semaphore(%run_scoped3A : memref<!tpu.dma_semaphore, #tpu.memory_space<semaphore_mem>>) src(%arg11 : memref<64x16xf32, #tpu.memory_space<vmem>>) dst(%dma_wait3A_132 : memref<10112x16xf32, #tpu.memory_space<vmem_shared>>)
        tpu.yield
      }) : () -> ()
      %add3A_111 = arith.constant 3 : i32
      %add3A_112 = arith.addi %mul3A_60, %add3A_111 : i32
      %add3A_113 = arith.constant 2 : i32
      %add3A_114 = arith.addi %add3A_112, %add3A_113 : i32
      %dma_start3A_115 = arith.constant 0 : i32
      %dma_start3A_116 = tpu.memref_slice %arg7[%add3A_114, %dma_start3A_115] : memref<162x64xi32, #tpu.memory_space<vmem>> -> memref<1x64xi32, #tpu.memory_space<vmem>>
      %dma_start3A_117 = tpu.memref_squeeze %dma_start3A_116 : memref<1x64xi32, #tpu.memory_space<vmem>> -> memref<64xi32, #tpu.memory_space<vmem>>
      %dma_start3A_118 = arith.constant 0 : i32
      %dma_start3A_119 = arith.constant 0 : i32
      %dma_start3A_120 = tpu.memref_slice %arg2[%dma_start3A_118, %dma_start3A_119] : memref<10112x16xf32, #tpu.memory_space<hbm>> -> memref<10112x16xf32, #tpu.memory_space<hbm>>
      tpu.enqueue_indirect_dma source(%dma_start3A_120 : memref<10112x16xf32, #tpu.memory_space<hbm>>) target(%arg11 : memref<64x16xf32, #tpu.memory_space<vmem>>) offsets(%dma_start3A_117 : memref<64xi32, #tpu.memory_space<vmem>>) semaphore(%arg15 : memref<!tpu.dma_semaphore, #tpu.memory_space<semaphore_mem>>)
    }
    %scan3A_29 = arith.constant 53 : i32
    %dma_wait3A = arith.constant 159 : i32
    %dma_wait3A_30 = arith.constant 0 : i32
    %dma_wait3A_31 = tpu.memref_slice %arg7[%dma_wait3A, %dma_wait3A_30] : memref<162x64xi32, #tpu.memory_space<vmem>> -> memref<1x64xi32, #tpu.memory_space<vmem>>
    %dma_wait3A_32 = tpu.memref_squeeze %dma_wait3A_31 : memref<1x64xi32, #tpu.memory_space<vmem>> -> memref<64xi32, #tpu.memory_space<vmem>>
    %dma_wait3A_33 = arith.constant 0 : i32
    %dma_wait3A_34 = arith.constant 0 : i32
    %dma_wait3A_35 = tpu.memref_slice %arg2[%dma_wait3A_33, %dma_wait3A_34] : memref<10112x16xf32, #tpu.memory_space<hbm>> -> memref<10112x16xf32, #tpu.memory_space<hbm>>
    tpu.wait_indirect_dma semaphore(%arg13 : memref<!tpu.dma_semaphore, #tpu.memory_space<semaphore_mem>>) src(%dma_wait3A_35 : memref<10112x16xf32, #tpu.memory_space<hbm>>) dst(%arg9 : memref<64x16xf32, #tpu.memory_space<vmem>>)
    %dma_wait3A_36 = arith.constant 160 : i32
    %dma_wait3A_37 = arith.constant 0 : i32
    %dma_wait3A_38 = tpu.memref_slice %arg7[%dma_wait3A_36, %dma_wait3A_37] : memref<162x64xi32, #tpu.memory_space<vmem>> -> memref<1x64xi32, #tpu.memory_space<vmem>>
    %dma_wait3A_39 = tpu.memref_squeeze %dma_wait3A_38 : memref<1x64xi32, #tpu.memory_space<vmem>> -> memref<64xi32, #tpu.memory_space<vmem>>
    %dma_wait3A_40 = arith.constant 0 : i32
    %dma_wait3A_41 = arith.constant 0 : i32
    %dma_wait3A_42 = tpu.memref_slice %arg2[%dma_wait3A_40, %dma_wait3A_41] : memref<10112x16xf32, #tpu.memory_space<hbm>> -> memref<10112x16xf32, #tpu.memory_space<hbm>>
    tpu.wait_indirect_dma semaphore(%arg14 : memref<!tpu.dma_semaphore, #tpu.memory_space<semaphore_mem>>) src(%dma_wait3A_42 : memref<10112x16xf32, #tpu.memory_space<hbm>>) dst(%arg10 : memref<64x16xf32, #tpu.memory_space<vmem>>)
    %dma_wait3A_43 = arith.constant 161 : i32
    %dma_wait3A_44 = arith.constant 0 : i32
    %dma_wait3A_45 = tpu.memref_slice %arg7[%dma_wait3A_43, %dma_wait3A_44] : memref<162x64xi32, #tpu.memory_space<vmem>> -> memref<1x64xi32, #tpu.memory_space<vmem>>
    %dma_wait3A_46 = tpu.memref_squeeze %dma_wait3A_45 : memref<1x64xi32, #tpu.memory_space<vmem>> -> memref<64xi32, #tpu.memory_space<vmem>>
    %dma_wait3A_47 = arith.constant 0 : i32
    %dma_wait3A_48 = arith.constant 0 : i32
    %dma_wait3A_49 = tpu.memref_slice %arg2[%dma_wait3A_47, %dma_wait3A_48] : memref<10112x16xf32, #tpu.memory_space<hbm>> -> memref<10112x16xf32, #tpu.memory_space<hbm>>
    tpu.wait_indirect_dma semaphore(%arg15 : memref<!tpu.dma_semaphore, #tpu.memory_space<semaphore_mem>>) src(%dma_wait3A_49 : memref<10112x16xf32, #tpu.memory_space<hbm>>) dst(%arg11 : memref<64x16xf32, #tpu.memory_space<vmem>>)
    %barrier3A_50 = arith.constant 0 : index
    tpu.barrier barrier_id(%barrier3A_50)
    %mul3A_51 = arith.constant 632 : i32
    %mul3A_52 = arith.muli %arg1, %mul3A_51 : i32
    %mul3A_53 = arith.constant 10112 : i32
    %mul3A_54 = arith.muli %arg0, %mul3A_53 : i32
    %mul3A_55 = arith.constant 632 : i32
    %mul3A_56 = arith.muli %arg1, %mul3A_55 : i32
    %add3A_57 = arith.addi %mul3A_54, %mul3A_56 : i32
    "tpu.region"() ({
      %run_scoped3A = tpu.sem_alloc : memref<!tpu.dma_semaphore, #tpu.memory_space<semaphore_mem>>
      %dma_start3A_58 = arith.constant 0 : i32
      %dma_start3A_59 = tpu.memref_slice %arg6[%add3A_57, %dma_start3A_58] : memref<20224x16xf32, #tpu.memory_space<hbm>> -> memref<632x16xf32, #tpu.memory_space<hbm>>
      %dma_start3A_60 = arith.constant 0 : i32
      %dma_start3A_61 = tpu.memref_slice %arg12[%mul3A_52, %dma_start3A_60] : memref<10112x16xf32, #tpu.memory_space<vmem_shared>> -> memref<632x16xf32, #tpu.memory_space<vmem_shared>>
      tpu.enqueue_dma source(%dma_start3A_61 : memref<632x16xf32, #tpu.memory_space<vmem_shared>>) target(%dma_start3A_59 : memref<632x16xf32, #tpu.memory_space<hbm>>) target_semaphore(%run_scoped3A : memref<!tpu.dma_semaphore, #tpu.memory_space<semaphore_mem>>)
      %dma_wait3A_62 = arith.constant 0 : i32
      %dma_wait3A_63 = tpu.memref_slice %arg6[%add3A_57, %dma_wait3A_62] : memref<20224x16xf32, #tpu.memory_space<hbm>> -> memref<632x16xf32, #tpu.memory_space<hbm>>
      %dma_wait3A_64 = arith.constant 0 : i32
      %dma_wait3A_65 = tpu.memref_slice %arg12[%mul3A_52, %dma_wait3A_64] : memref<10112x16xf32, #tpu.memory_space<vmem_shared>> -> memref<632x16xf32, #tpu.memory_space<vmem_shared>>
      tpu.wait_dma2 semaphore(%run_scoped3A : memref<!tpu.dma_semaphore, #tpu.memory_space<semaphore_mem>>) src(%dma_wait3A_65 : memref<632x16xf32, #tpu.memory_space<vmem_shared>>) dst(%dma_wait3A_63 : memref<632x16xf32, #tpu.memory_space<hbm>>)
      tpu.yield
    }) : () -> ()
    return
  }
}

#map = affine_map<(d0, d1) -> (0, 0)>
#map1 = affine_map<(d0, d1) -> (0, 0, 0)>
module attributes {stable_mosaic.version = 14 : i64} {
  func.func @body(%arg0: i32, %arg1: i32, %arg2: memref<10112x8xf32, #tpu.memory_space<hbm>>, %arg3: memref<32x162x64xi32, #tpu.memory_space<hbm>>, %arg4: memref<32x162x64xi32, #tpu.memory_space<hbm>>, %arg5: memref<10112x8xf32, #tpu.memory_space<hbm>>, %arg6: memref<20224x8xf32, #tpu.memory_space<hbm>>, %arg7: memref<162x64xi32, #tpu.memory_space<vmem>>, %arg8: memref<162x64xi32, #tpu.memory_space<vmem>>, %arg9: memref<64x8xf32, #tpu.memory_space<vmem>>, %arg10: memref<64x8xf32, #tpu.memory_space<vmem>>, %arg11: memref<64x8xf32, #tpu.memory_space<vmem>>, %arg12: memref<10112x8xf32, #tpu.memory_space<vmem_shared>>, %arg13: memref<!tpu.dma_semaphore, #tpu.memory_space<semaphore_mem>>, %arg14: memref<!tpu.dma_semaphore, #tpu.memory_space<semaphore_mem>>, %arg15: memref<!tpu.dma_semaphore, #tpu.memory_space<semaphore_mem>>) attributes {dimension_semantics = [#tpu.dimension_semantics<core_parallel>, #tpu.dimension_semantics<subcore_parallel>], iteration_bounds = array<i64: 2, 16>, scalar_prefetch = 0 : i64, scratch_operands = 9 : i64, tpu.core_type = #tpu.core_type<sc_vector_subcore>, window_params = [{transform_indices = #map}, {transform_indices = #map1}, {transform_indices = #map1}, {transform_indices = #map}, {transform_indices = #map}]} {
    %mul3A = arith.constant 16 : i32
    %mul3A_0 = arith.muli %arg0, %mul3A : i32
    %add3A = arith.addi %mul3A_0, %arg1 : i32
    %mul3A_1 = arith.constant 632 : i32
    %mul3A_2 = arith.muli %arg1, %mul3A_1 : i32
    %mul3A_3 = arith.constant 632 : i32
    %mul3A_4 = arith.muli %arg1, %mul3A_3 : i32
    "tpu.region"() ({
      %run_scoped3A = tpu.sem_alloc : memref<!tpu.dma_semaphore, #tpu.memory_space<semaphore_mem>>
      %dma_start3A_58 = arith.constant 0 : i32
      %dma_start3A_59 = tpu.memref_slice %arg12[%mul3A_4, %dma_start3A_58] : memref<10112x8xf32, #tpu.memory_space<vmem_shared>> -> memref<632x8xf32, #tpu.memory_space<vmem_shared>>
      %dma_start3A_60 = arith.constant 0 : i32
      %dma_start3A_61 = tpu.memref_slice %arg5[%mul3A_2, %dma_start3A_60] : memref<10112x8xf32, #tpu.memory_space<hbm>> -> memref<632x8xf32, #tpu.memory_space<hbm>>
      tpu.enqueue_dma source(%dma_start3A_61 : memref<632x8xf32, #tpu.memory_space<hbm>>) target(%dma_start3A_59 : memref<632x8xf32, #tpu.memory_space<vmem_shared>>) target_semaphore(%run_scoped3A : memref<!tpu.dma_semaphore, #tpu.memory_space<semaphore_mem>>)
      %dma_wait3A_62 = arith.constant 0 : i32
      %dma_wait3A_63 = tpu.memref_slice %arg12[%mul3A_4, %dma_wait3A_62] : memref<10112x8xf32, #tpu.memory_space<vmem_shared>> -> memref<632x8xf32, #tpu.memory_space<vmem_shared>>
      %dma_wait3A_64 = arith.constant 0 : i32
      %dma_wait3A_65 = tpu.memref_slice %arg5[%mul3A_2, %dma_wait3A_64] : memref<10112x8xf32, #tpu.memory_space<hbm>> -> memref<632x8xf32, #tpu.memory_space<hbm>>
      tpu.wait_dma2 semaphore(%run_scoped3A : memref<!tpu.dma_semaphore, #tpu.memory_space<semaphore_mem>>) src(%dma_wait3A_65 : memref<632x8xf32, #tpu.memory_space<hbm>>) dst(%dma_wait3A_63 : memref<632x8xf32, #tpu.memory_space<vmem_shared>>)
      tpu.yield
    }) : () -> ()
    "tpu.region"() ({
      %run_scoped3A = tpu.sem_alloc : memref<!tpu.dma_semaphore, #tpu.memory_space<semaphore_mem>>
      %dma_start3A_58 = arith.constant 0 : i32
      %dma_start3A_59 = arith.constant 0 : i32
      %dma_start3A_60 = tpu.memref_slice %arg3[%add3A, %dma_start3A_58, %dma_start3A_59] : memref<32x162x64xi32, #tpu.memory_space<hbm>> -> memref<1x162x64xi32, #tpu.memory_space<hbm>>
      %dma_start3A_61 = tpu.memref_squeeze %dma_start3A_60 : memref<1x162x64xi32, #tpu.memory_space<hbm>> -> memref<162x64xi32, #tpu.memory_space<hbm>>
      %dma_start3A_62 = arith.constant 0 : i32
      %dma_start3A_63 = arith.constant 0 : i32
      %dma_start3A_64 = tpu.memref_slice %arg3[%add3A, %dma_start3A_62, %dma_start3A_63] : memref<32x162x64xi32, #tpu.memory_space<hbm>> -> memref<1x162x64xi32, #tpu.memory_space<hbm>>
      %dma_start3A_65 = tpu.memref_squeeze %dma_start3A_64 : memref<1x162x64xi32, #tpu.memory_space<hbm>> -> memref<162x64xi32, #tpu.memory_space<hbm>>
      tpu.enqueue_dma source(%dma_start3A_65 : memref<162x64xi32, #tpu.memory_space<hbm>>) target(%arg7 : memref<162x64xi32, #tpu.memory_space<vmem>>) target_semaphore(%run_scoped3A : memref<!tpu.dma_semaphore, #tpu.memory_space<semaphore_mem>>)
      %dma_wait3A_66 = arith.constant 0 : i32
      %dma_wait3A_67 = arith.constant 0 : i32
      %dma_wait3A_68 = tpu.memref_slice %arg3[%add3A, %dma_wait3A_66, %dma_wait3A_67] : memref<32x162x64xi32, #tpu.memory_space<hbm>> -> memref<1x162x64xi32, #tpu.memory_space<hbm>>
      %dma_wait3A_69 = tpu.memref_squeeze %dma_wait3A_68 : memref<1x162x64xi32, #tpu.memory_space<hbm>> -> memref<162x64xi32, #tpu.memory_space<hbm>>
      %dma_wait3A_70 = arith.constant 0 : i32
      %dma_wait3A_71 = arith.constant 0 : i32
      %dma_wait3A_72 = tpu.memref_slice %arg3[%add3A, %dma_wait3A_70, %dma_wait3A_71] : memref<32x162x64xi32, #tpu.memory_space<hbm>> -> memref<1x162x64xi32, #tpu.memory_space<hbm>>
      %dma_wait3A_73 = tpu.memref_squeeze %dma_wait3A_72 : memref<1x162x64xi32, #tpu.memory_space<hbm>> -> memref<162x64xi32, #tpu.memory_space<hbm>>
      tpu.wait_dma2 semaphore(%run_scoped3A : memref<!tpu.dma_semaphore, #tpu.memory_space<semaphore_mem>>) src(%dma_wait3A_73 : memref<162x64xi32, #tpu.memory_space<hbm>>) dst(%arg7 : memref<162x64xi32, #tpu.memory_space<vmem>>)
      tpu.yield
    }) : () -> ()
    "tpu.region"() ({
      %run_scoped3A = tpu.sem_alloc : memref<!tpu.dma_semaphore, #tpu.memory_space<semaphore_mem>>
      %dma_start3A_58 = arith.constant 0 : i32
      %dma_start3A_59 = arith.constant 0 : i32
      %dma_start3A_60 = tpu.memref_slice %arg4[%add3A, %dma_start3A_58, %dma_start3A_59] : memref<32x162x64xi32, #tpu.memory_space<hbm>> -> memref<1x162x64xi32, #tpu.memory_space<hbm>>
      %dma_start3A_61 = tpu.memref_squeeze %dma_start3A_60 : memref<1x162x64xi32, #tpu.memory_space<hbm>> -> memref<162x64xi32, #tpu.memory_space<hbm>>
      %dma_start3A_62 = arith.constant 0 : i32
      %dma_start3A_63 = arith.constant 0 : i32
      %dma_start3A_64 = tpu.memref_slice %arg4[%add3A, %dma_start3A_62, %dma_start3A_63] : memref<32x162x64xi32, #tpu.memory_space<hbm>> -> memref<1x162x64xi32, #tpu.memory_space<hbm>>
      %dma_start3A_65 = tpu.memref_squeeze %dma_start3A_64 : memref<1x162x64xi32, #tpu.memory_space<hbm>> -> memref<162x64xi32, #tpu.memory_space<hbm>>
      tpu.enqueue_dma source(%dma_start3A_65 : memref<162x64xi32, #tpu.memory_space<hbm>>) target(%arg8 : memref<162x64xi32, #tpu.memory_space<vmem>>) target_semaphore(%run_scoped3A : memref<!tpu.dma_semaphore, #tpu.memory_space<semaphore_mem>>)
      %dma_wait3A_66 = arith.constant 0 : i32
      %dma_wait3A_67 = arith.constant 0 : i32
      %dma_wait3A_68 = tpu.memref_slice %arg4[%add3A, %dma_wait3A_66, %dma_wait3A_67] : memref<32x162x64xi32, #tpu.memory_space<hbm>> -> memref<1x162x64xi32, #tpu.memory_space<hbm>>
      %dma_wait3A_69 = tpu.memref_squeeze %dma_wait3A_68 : memref<1x162x64xi32, #tpu.memory_space<hbm>> -> memref<162x64xi32, #tpu.memory_space<hbm>>
      %dma_wait3A_70 = arith.constant 0 : i32
      %dma_wait3A_71 = arith.constant 0 : i32
      %dma_wait3A_72 = tpu.memref_slice %arg4[%add3A, %dma_wait3A_70, %dma_wait3A_71] : memref<32x162x64xi32, #tpu.memory_space<hbm>> -> memref<1x162x64xi32, #tpu.memory_space<hbm>>
      %dma_wait3A_73 = tpu.memref_squeeze %dma_wait3A_72 : memref<1x162x64xi32, #tpu.memory_space<hbm>> -> memref<162x64xi32, #tpu.memory_space<hbm>>
      tpu.wait_dma2 semaphore(%run_scoped3A : memref<!tpu.dma_semaphore, #tpu.memory_space<semaphore_mem>>) src(%dma_wait3A_73 : memref<162x64xi32, #tpu.memory_space<hbm>>) dst(%arg8 : memref<162x64xi32, #tpu.memory_space<vmem>>)
      tpu.yield
    }) : () -> ()
    %barrier3A = arith.constant 0 : index
    tpu.barrier barrier_id(%barrier3A)
    %dma_start3A = arith.constant 0 : i32
    %dma_start3A_5 = arith.constant 0 : i32
    %dma_start3A_6 = tpu.memref_slice %arg7[%dma_start3A, %dma_start3A_5] : memref<162x64xi32, #tpu.memory_space<vmem>> -> memref<1x64xi32, #tpu.memory_space<vmem>>
    %dma_start3A_7 = tpu.memref_squeeze %dma_start3A_6 : memref<1x64xi32, #tpu.memory_space<vmem>> -> memref<64xi32, #tpu.memory_space<vmem>>
    %dma_start3A_8 = arith.constant 0 : i32
    %dma_start3A_9 = arith.constant 0 : i32
    %dma_start3A_10 = tpu.memref_slice %arg2[%dma_start3A_8, %dma_start3A_9] : memref<10112x8xf32, #tpu.memory_space<hbm>> -> memref<10112x8xf32, #tpu.memory_space<hbm>>
    tpu.enqueue_indirect_dma source(%dma_start3A_10 : memref<10112x8xf32, #tpu.memory_space<hbm>>) target(%arg9 : memref<64x8xf32, #tpu.memory_space<vmem>>) offsets(%dma_start3A_7 : memref<64xi32, #tpu.memory_space<vmem>>) semaphore(%arg13 : memref<!tpu.dma_semaphore, #tpu.memory_space<semaphore_mem>>)
    %dma_start3A_11 = arith.constant 1 : i32
    %dma_start3A_12 = arith.constant 0 : i32
    %dma_start3A_13 = tpu.memref_slice %arg7[%dma_start3A_11, %dma_start3A_12] : memref<162x64xi32, #tpu.memory_space<vmem>> -> memref<1x64xi32, #tpu.memory_space<vmem>>
    %dma_start3A_14 = tpu.memref_squeeze %dma_start3A_13 : memref<1x64xi32, #tpu.memory_space<vmem>> -> memref<64xi32, #tpu.memory_space<vmem>>
    %dma_start3A_15 = arith.constant 0 : i32
    %dma_start3A_16 = arith.constant 0 : i32
    %dma_start3A_17 = tpu.memref_slice %arg2[%dma_start3A_15, %dma_start3A_16] : memref<10112x8xf32, #tpu.memory_space<hbm>> -> memref<10112x8xf32, #tpu.memory_space<hbm>>
    tpu.enqueue_indirect_dma source(%dma_start3A_17 : memref<10112x8xf32, #tpu.memory_space<hbm>>) target(%arg10 : memref<64x8xf32, #tpu.memory_space<vmem>>) offsets(%dma_start3A_14 : memref<64xi32, #tpu.memory_space<vmem>>) semaphore(%arg14 : memref<!tpu.dma_semaphore, #tpu.memory_space<semaphore_mem>>)
    %dma_start3A_18 = arith.constant 2 : i32
    %dma_start3A_19 = arith.constant 0 : i32
    %dma_start3A_20 = tpu.memref_slice %arg7[%dma_start3A_18, %dma_start3A_19] : memref<162x64xi32, #tpu.memory_space<vmem>> -> memref<1x64xi32, #tpu.memory_space<vmem>>
    %dma_start3A_21 = tpu.memref_squeeze %dma_start3A_20 : memref<1x64xi32, #tpu.memory_space<vmem>> -> memref<64xi32, #tpu.memory_space<vmem>>
    %dma_start3A_22 = arith.constant 0 : i32
    %dma_start3A_23 = arith.constant 0 : i32
    %dma_start3A_24 = tpu.memref_slice %arg2[%dma_start3A_22, %dma_start3A_23] : memref<10112x8xf32, #tpu.memory_space<hbm>> -> memref<10112x8xf32, #tpu.memory_space<hbm>>
    tpu.enqueue_indirect_dma source(%dma_start3A_24 : memref<10112x8xf32, #tpu.memory_space<hbm>>) target(%arg11 : memref<64x8xf32, #tpu.memory_space<vmem>>) offsets(%dma_start3A_21 : memref<64xi32, #tpu.memory_space<vmem>>) semaphore(%arg15 : memref<!tpu.dma_semaphore, #tpu.memory_space<semaphore_mem>>)
    %scan3A = arith.constant 0 : i32
    %scan3A_25 = arith.constant 0 : i32
    %scan3A_26 = arith.constant 53 : i32
    %scan3A_27 = arith.addi %scan3A_25, %scan3A_26 : i32
    %scan3A_28 = arith.constant 1 : i32
    scf.for %scan3A_58 = %scan3A_25 to %scan3A_27 step %scan3A_28  : i32 {
      %mul3A_59 = arith.constant 3 : i32
      %mul3A_60 = arith.muli %mul3A_59, %scan3A_58 : i32
      %add3A_61 = arith.constant 0 : i32
      %add3A_62 = arith.addi %mul3A_60, %add3A_61 : i32
      %dma_wait3A_63 = arith.constant 0 : i32
      %dma_wait3A_64 = tpu.memref_slice %arg7[%add3A_62, %dma_wait3A_63] : memref<162x64xi32, #tpu.memory_space<vmem>> -> memref<1x64xi32, #tpu.memory_space<vmem>>
      %dma_wait3A_65 = tpu.memref_squeeze %dma_wait3A_64 : memref<1x64xi32, #tpu.memory_space<vmem>> -> memref<64xi32, #tpu.memory_space<vmem>>
      %dma_wait3A_66 = arith.constant 0 : i32
      %dma_wait3A_67 = arith.constant 0 : i32
      %dma_wait3A_68 = tpu.memref_slice %arg2[%dma_wait3A_66, %dma_wait3A_67] : memref<10112x8xf32, #tpu.memory_space<hbm>> -> memref<10112x8xf32, #tpu.memory_space<hbm>>
      tpu.wait_indirect_dma semaphore(%arg13 : memref<!tpu.dma_semaphore, #tpu.memory_space<semaphore_mem>>) src(%dma_wait3A_68 : memref<10112x8xf32, #tpu.memory_space<hbm>>) dst(%arg9 : memref<64x8xf32, #tpu.memory_space<vmem>>)
      %add3A_69 = arith.constant 0 : i32
      %add3A_70 = arith.addi %mul3A_60, %add3A_69 : i32
      "tpu.region"() ({
        %run_scoped3A = tpu.sem_alloc : memref<!tpu.dma_semaphore, #tpu.memory_space<semaphore_mem>>
        %dma_start3A_121 = arith.constant 0 : i32
        %dma_start3A_122 = tpu.memref_slice %arg8[%add3A_70, %dma_start3A_121] : memref<162x64xi32, #tpu.memory_space<vmem>> -> memref<1x64xi32, #tpu.memory_space<vmem>>
        %dma_start3A_123 = tpu.memref_squeeze %dma_start3A_122 : memref<1x64xi32, #tpu.memory_space<vmem>> -> memref<64xi32, #tpu.memory_space<vmem>>
        %dma_start3A_124 = arith.constant 0 : i32
        %dma_start3A_125 = arith.constant 0 : i32
        %dma_start3A_126 = tpu.memref_slice %arg12[%dma_start3A_124, %dma_start3A_125] : memref<10112x8xf32, #tpu.memory_space<vmem_shared>> -> memref<10112x8xf32, #tpu.memory_space<vmem_shared>>
        tpu.enqueue_indirect_dma source(%arg9 : memref<64x8xf32, #tpu.memory_space<vmem>>) target(%dma_start3A_126 : memref<10112x8xf32, #tpu.memory_space<vmem_shared>>) offsets(%dma_start3A_123 : memref<64xi32, #tpu.memory_space<vmem>>) semaphore(%run_scoped3A : memref<!tpu.dma_semaphore, #tpu.memory_space<semaphore_mem>>) {add = true}
        %dma_wait3A_127 = arith.constant 0 : i32
        %dma_wait3A_128 = tpu.memref_slice %arg8[%add3A_70, %dma_wait3A_127] : memref<162x64xi32, #tpu.memory_space<vmem>> -> memref<1x64xi32, #tpu.memory_space<vmem>>
        %dma_wait3A_129 = tpu.memref_squeeze %dma_wait3A_128 : memref<1x64xi32, #tpu.memory_space<vmem>> -> memref<64xi32, #tpu.memory_space<vmem>>
        %dma_wait3A_130 = arith.constant 0 : i32
        %dma_wait3A_131 = arith.constant 0 : i32
        %dma_wait3A_132 = tpu.memref_slice %arg12[%dma_wait3A_130, %dma_wait3A_131] : memref<10112x8xf32, #tpu.memory_space<vmem_shared>> -> memref<10112x8xf32, #tpu.memory_space<vmem_shared>>
        tpu.wait_indirect_dma semaphore(%run_scoped3A : memref<!tpu.dma_semaphore, #tpu.memory_space<semaphore_mem>>) src(%arg9 : memref<64x8xf32, #tpu.memory_space<vmem>>) dst(%dma_wait3A_132 : memref<10112x8xf32, #tpu.memory_space<vmem_shared>>)
        tpu.yield
      }) : () -> ()
      %add3A_71 = arith.constant 3 : i32
      %add3A_72 = arith.addi %mul3A_60, %add3A_71 : i32
      %add3A_73 = arith.constant 0 : i32
      %add3A_74 = arith.addi %add3A_72, %add3A_73 : i32
      %dma_start3A_75 = arith.constant 0 : i32
      %dma_start3A_76 = tpu.memref_slice %arg7[%add3A_74, %dma_start3A_75] : memref<162x64xi32, #tpu.memory_space<vmem>> -> memref<1x64xi32, #tpu.memory_space<vmem>>
      %dma_start3A_77 = tpu.memref_squeeze %dma_start3A_76 : memref<1x64xi32, #tpu.memory_space<vmem>> -> memref<64xi32, #tpu.memory_space<vmem>>
      %dma_start3A_78 = arith.constant 0 : i32
      %dma_start3A_79 = arith.constant 0 : i32
      %dma_start3A_80 = tpu.memref_slice %arg2[%dma_start3A_78, %dma_start3A_79] : memref<10112x8xf32, #tpu.memory_space<hbm>> -> memref<10112x8xf32, #tpu.memory_space<hbm>>
      tpu.enqueue_indirect_dma source(%dma_start3A_80 : memref<10112x8xf32, #tpu.memory_space<hbm>>) target(%arg9 : memref<64x8xf32, #tpu.memory_space<vmem>>) offsets(%dma_start3A_77 : memref<64xi32, #tpu.memory_space<vmem>>) semaphore(%arg13 : memref<!tpu.dma_semaphore, #tpu.memory_space<semaphore_mem>>)
      %add3A_81 = arith.constant 1 : i32
      %add3A_82 = arith.addi %mul3A_60, %add3A_81 : i32
      %dma_wait3A_83 = arith.constant 0 : i32
      %dma_wait3A_84 = tpu.memref_slice %arg7[%add3A_82, %dma_wait3A_83] : memref<162x64xi32, #tpu.memory_space<vmem>> -> memref<1x64xi32, #tpu.memory_space<vmem>>
      %dma_wait3A_85 = tpu.memref_squeeze %dma_wait3A_84 : memref<1x64xi32, #tpu.memory_space<vmem>> -> memref<64xi32, #tpu.memory_space<vmem>>
      %dma_wait3A_86 = arith.constant 0 : i32
      %dma_wait3A_87 = arith.constant 0 : i32
      %dma_wait3A_88 = tpu.memref_slice %arg2[%dma_wait3A_86, %dma_wait3A_87] : memref<10112x8xf32, #tpu.memory_space<hbm>> -> memref<10112x8xf32, #tpu.memory_space<hbm>>
      tpu.wait_indirect_dma semaphore(%arg14 : memref<!tpu.dma_semaphore, #tpu.memory_space<semaphore_mem>>) src(%dma_wait3A_88 : memref<10112x8xf32, #tpu.memory_space<hbm>>) dst(%arg10 : memref<64x8xf32, #tpu.memory_space<vmem>>)
      %add3A_89 = arith.constant 1 : i32
      %add3A_90 = arith.addi %mul3A_60, %add3A_89 : i32
      "tpu.region"() ({
        %run_scoped3A = tpu.sem_alloc : memref<!tpu.dma_semaphore, #tpu.memory_space<semaphore_mem>>
        %dma_start3A_121 = arith.constant 0 : i32
        %dma_start3A_122 = tpu.memref_slice %arg8[%add3A_90, %dma_start3A_121] : memref<162x64xi32, #tpu.memory_space<vmem>> -> memref<1x64xi32, #tpu.memory_space<vmem>>
        %dma_start3A_123 = tpu.memref_squeeze %dma_start3A_122 : memref<1x64xi32, #tpu.memory_space<vmem>> -> memref<64xi32, #tpu.memory_space<vmem>>
        %dma_start3A_124 = arith.constant 0 : i32
        %dma_start3A_125 = arith.constant 0 : i32
        %dma_start3A_126 = tpu.memref_slice %arg12[%dma_start3A_124, %dma_start3A_125] : memref<10112x8xf32, #tpu.memory_space<vmem_shared>> -> memref<10112x8xf32, #tpu.memory_space<vmem_shared>>
        tpu.enqueue_indirect_dma source(%arg10 : memref<64x8xf32, #tpu.memory_space<vmem>>) target(%dma_start3A_126 : memref<10112x8xf32, #tpu.memory_space<vmem_shared>>) offsets(%dma_start3A_123 : memref<64xi32, #tpu.memory_space<vmem>>) semaphore(%run_scoped3A : memref<!tpu.dma_semaphore, #tpu.memory_space<semaphore_mem>>) {add = true}
        %dma_wait3A_127 = arith.constant 0 : i32
        %dma_wait3A_128 = tpu.memref_slice %arg8[%add3A_90, %dma_wait3A_127] : memref<162x64xi32, #tpu.memory_space<vmem>> -> memref<1x64xi32, #tpu.memory_space<vmem>>
        %dma_wait3A_129 = tpu.memref_squeeze %dma_wait3A_128 : memref<1x64xi32, #tpu.memory_space<vmem>> -> memref<64xi32, #tpu.memory_space<vmem>>
        %dma_wait3A_130 = arith.constant 0 : i32
        %dma_wait3A_131 = arith.constant 0 : i32
        %dma_wait3A_132 = tpu.memref_slice %arg12[%dma_wait3A_130, %dma_wait3A_131] : memref<10112x8xf32, #tpu.memory_space<vmem_shared>> -> memref<10112x8xf32, #tpu.memory_space<vmem_shared>>
        tpu.wait_indirect_dma semaphore(%run_scoped3A : memref<!tpu.dma_semaphore, #tpu.memory_space<semaphore_mem>>) src(%arg10 : memref<64x8xf32, #tpu.memory_space<vmem>>) dst(%dma_wait3A_132 : memref<10112x8xf32, #tpu.memory_space<vmem_shared>>)
        tpu.yield
      }) : () -> ()
      %add3A_91 = arith.constant 3 : i32
      %add3A_92 = arith.addi %mul3A_60, %add3A_91 : i32
      %add3A_93 = arith.constant 1 : i32
      %add3A_94 = arith.addi %add3A_92, %add3A_93 : i32
      %dma_start3A_95 = arith.constant 0 : i32
      %dma_start3A_96 = tpu.memref_slice %arg7[%add3A_94, %dma_start3A_95] : memref<162x64xi32, #tpu.memory_space<vmem>> -> memref<1x64xi32, #tpu.memory_space<vmem>>
      %dma_start3A_97 = tpu.memref_squeeze %dma_start3A_96 : memref<1x64xi32, #tpu.memory_space<vmem>> -> memref<64xi32, #tpu.memory_space<vmem>>
      %dma_start3A_98 = arith.constant 0 : i32
      %dma_start3A_99 = arith.constant 0 : i32
      %dma_start3A_100 = tpu.memref_slice %arg2[%dma_start3A_98, %dma_start3A_99] : memref<10112x8xf32, #tpu.memory_space<hbm>> -> memref<10112x8xf32, #tpu.memory_space<hbm>>
      tpu.enqueue_indirect_dma source(%dma_start3A_100 : memref<10112x8xf32, #tpu.memory_space<hbm>>) target(%arg10 : memref<64x8xf32, #tpu.memory_space<vmem>>) offsets(%dma_start3A_97 : memref<64xi32, #tpu.memory_space<vmem>>) semaphore(%arg14 : memref<!tpu.dma_semaphore, #tpu.memory_space<semaphore_mem>>)
      %add3A_101 = arith.constant 2 : i32
      %add3A_102 = arith.addi %mul3A_60, %add3A_101 : i32
      %dma_wait3A_103 = arith.constant 0 : i32
      %dma_wait3A_104 = tpu.memref_slice %arg7[%add3A_102, %dma_wait3A_103] : memref<162x64xi32, #tpu.memory_space<vmem>> -> memref<1x64xi32, #tpu.memory_space<vmem>>
      %dma_wait3A_105 = tpu.memref_squeeze %dma_wait3A_104 : memref<1x64xi32, #tpu.memory_space<vmem>> -> memref<64xi32, #tpu.memory_space<vmem>>
      %dma_wait3A_106 = arith.constant 0 : i32
      %dma_wait3A_107 = arith.constant 0 : i32
      %dma_wait3A_108 = tpu.memref_slice %arg2[%dma_wait3A_106, %dma_wait3A_107] : memref<10112x8xf32, #tpu.memory_space<hbm>> -> memref<10112x8xf32, #tpu.memory_space<hbm>>
      tpu.wait_indirect_dma semaphore(%arg15 : memref<!tpu.dma_semaphore, #tpu.memory_space<semaphore_mem>>) src(%dma_wait3A_108 : memref<10112x8xf32, #tpu.memory_space<hbm>>) dst(%arg11 : memref<64x8xf32, #tpu.memory_space<vmem>>)
      %add3A_109 = arith.constant 2 : i32
      %add3A_110 = arith.addi %mul3A_60, %add3A_109 : i32
      "tpu.region"() ({
        %run_scoped3A = tpu.sem_alloc : memref<!tpu.dma_semaphore, #tpu.memory_space<semaphore_mem>>
        %dma_start3A_121 = arith.constant 0 : i32
        %dma_start3A_122 = tpu.memref_slice %arg8[%add3A_110, %dma_start3A_121] : memref<162x64xi32, #tpu.memory_space<vmem>> -> memref<1x64xi32, #tpu.memory_space<vmem>>
        %dma_start3A_123 = tpu.memref_squeeze %dma_start3A_122 : memref<1x64xi32, #tpu.memory_space<vmem>> -> memref<64xi32, #tpu.memory_space<vmem>>
        %dma_start3A_124 = arith.constant 0 : i32
        %dma_start3A_125 = arith.constant 0 : i32
        %dma_start3A_126 = tpu.memref_slice %arg12[%dma_start3A_124, %dma_start3A_125] : memref<10112x8xf32, #tpu.memory_space<vmem_shared>> -> memref<10112x8xf32, #tpu.memory_space<vmem_shared>>
        tpu.enqueue_indirect_dma source(%arg11 : memref<64x8xf32, #tpu.memory_space<vmem>>) target(%dma_start3A_126 : memref<10112x8xf32, #tpu.memory_space<vmem_shared>>) offsets(%dma_start3A_123 : memref<64xi32, #tpu.memory_space<vmem>>) semaphore(%run_scoped3A : memref<!tpu.dma_semaphore, #tpu.memory_space<semaphore_mem>>) {add = true}
        %dma_wait3A_127 = arith.constant 0 : i32
        %dma_wait3A_128 = tpu.memref_slice %arg8[%add3A_110, %dma_wait3A_127] : memref<162x64xi32, #tpu.memory_space<vmem>> -> memref<1x64xi32, #tpu.memory_space<vmem>>
        %dma_wait3A_129 = tpu.memref_squeeze %dma_wait3A_128 : memref<1x64xi32, #tpu.memory_space<vmem>> -> memref<64xi32, #tpu.memory_space<vmem>>
        %dma_wait3A_130 = arith.constant 0 : i32
        %dma_wait3A_131 = arith.constant 0 : i32
        %dma_wait3A_132 = tpu.memref_slice %arg12[%dma_wait3A_130, %dma_wait3A_131] : memref<10112x8xf32, #tpu.memory_space<vmem_shared>> -> memref<10112x8xf32, #tpu.memory_space<vmem_shared>>
        tpu.wait_indirect_dma semaphore(%run_scoped3A : memref<!tpu.dma_semaphore, #tpu.memory_space<semaphore_mem>>) src(%arg11 : memref<64x8xf32, #tpu.memory_space<vmem>>) dst(%dma_wait3A_132 : memref<10112x8xf32, #tpu.memory_space<vmem_shared>>)
        tpu.yield
      }) : () -> ()
      %add3A_111 = arith.constant 3 : i32
      %add3A_112 = arith.addi %mul3A_60, %add3A_111 : i32
      %add3A_113 = arith.constant 2 : i32
      %add3A_114 = arith.addi %add3A_112, %add3A_113 : i32
      %dma_start3A_115 = arith.constant 0 : i32
      %dma_start3A_116 = tpu.memref_slice %arg7[%add3A_114, %dma_start3A_115] : memref<162x64xi32, #tpu.memory_space<vmem>> -> memref<1x64xi32, #tpu.memory_space<vmem>>
      %dma_start3A_117 = tpu.memref_squeeze %dma_start3A_116 : memref<1x64xi32, #tpu.memory_space<vmem>> -> memref<64xi32, #tpu.memory_space<vmem>>
      %dma_start3A_118 = arith.constant 0 : i32
      %dma_start3A_119 = arith.constant 0 : i32
      %dma_start3A_120 = tpu.memref_slice %arg2[%dma_start3A_118, %dma_start3A_119] : memref<10112x8xf32, #tpu.memory_space<hbm>> -> memref<10112x8xf32, #tpu.memory_space<hbm>>
      tpu.enqueue_indirect_dma source(%dma_start3A_120 : memref<10112x8xf32, #tpu.memory_space<hbm>>) target(%arg11 : memref<64x8xf32, #tpu.memory_space<vmem>>) offsets(%dma_start3A_117 : memref<64xi32, #tpu.memory_space<vmem>>) semaphore(%arg15 : memref<!tpu.dma_semaphore, #tpu.memory_space<semaphore_mem>>)
    }
    %scan3A_29 = arith.constant 53 : i32
    %dma_wait3A = arith.constant 159 : i32
    %dma_wait3A_30 = arith.constant 0 : i32
    %dma_wait3A_31 = tpu.memref_slice %arg7[%dma_wait3A, %dma_wait3A_30] : memref<162x64xi32, #tpu.memory_space<vmem>> -> memref<1x64xi32, #tpu.memory_space<vmem>>
    %dma_wait3A_32 = tpu.memref_squeeze %dma_wait3A_31 : memref<1x64xi32, #tpu.memory_space<vmem>> -> memref<64xi32, #tpu.memory_space<vmem>>
    %dma_wait3A_33 = arith.constant 0 : i32
    %dma_wait3A_34 = arith.constant 0 : i32
    %dma_wait3A_35 = tpu.memref_slice %arg2[%dma_wait3A_33, %dma_wait3A_34] : memref<10112x8xf32, #tpu.memory_space<hbm>> -> memref<10112x8xf32, #tpu.memory_space<hbm>>
    tpu.wait_indirect_dma semaphore(%arg13 : memref<!tpu.dma_semaphore, #tpu.memory_space<semaphore_mem>>) src(%dma_wait3A_35 : memref<10112x8xf32, #tpu.memory_space<hbm>>) dst(%arg9 : memref<64x8xf32, #tpu.memory_space<vmem>>)
    %dma_wait3A_36 = arith.constant 160 : i32
    %dma_wait3A_37 = arith.constant 0 : i32
    %dma_wait3A_38 = tpu.memref_slice %arg7[%dma_wait3A_36, %dma_wait3A_37] : memref<162x64xi32, #tpu.memory_space<vmem>> -> memref<1x64xi32, #tpu.memory_space<vmem>>
    %dma_wait3A_39 = tpu.memref_squeeze %dma_wait3A_38 : memref<1x64xi32, #tpu.memory_space<vmem>> -> memref<64xi32, #tpu.memory_space<vmem>>
    %dma_wait3A_40 = arith.constant 0 : i32
    %dma_wait3A_41 = arith.constant 0 : i32
    %dma_wait3A_42 = tpu.memref_slice %arg2[%dma_wait3A_40, %dma_wait3A_41] : memref<10112x8xf32, #tpu.memory_space<hbm>> -> memref<10112x8xf32, #tpu.memory_space<hbm>>
    tpu.wait_indirect_dma semaphore(%arg14 : memref<!tpu.dma_semaphore, #tpu.memory_space<semaphore_mem>>) src(%dma_wait3A_42 : memref<10112x8xf32, #tpu.memory_space<hbm>>) dst(%arg10 : memref<64x8xf32, #tpu.memory_space<vmem>>)
    %dma_wait3A_43 = arith.constant 161 : i32
    %dma_wait3A_44 = arith.constant 0 : i32
    %dma_wait3A_45 = tpu.memref_slice %arg7[%dma_wait3A_43, %dma_wait3A_44] : memref<162x64xi32, #tpu.memory_space<vmem>> -> memref<1x64xi32, #tpu.memory_space<vmem>>
    %dma_wait3A_46 = tpu.memref_squeeze %dma_wait3A_45 : memref<1x64xi32, #tpu.memory_space<vmem>> -> memref<64xi32, #tpu.memory_space<vmem>>
    %dma_wait3A_47 = arith.constant 0 : i32
    %dma_wait3A_48 = arith.constant 0 : i32
    %dma_wait3A_49 = tpu.memref_slice %arg2[%dma_wait3A_47, %dma_wait3A_48] : memref<10112x8xf32, #tpu.memory_space<hbm>> -> memref<10112x8xf32, #tpu.memory_space<hbm>>
    tpu.wait_indirect_dma semaphore(%arg15 : memref<!tpu.dma_semaphore, #tpu.memory_space<semaphore_mem>>) src(%dma_wait3A_49 : memref<10112x8xf32, #tpu.memory_space<hbm>>) dst(%arg11 : memref<64x8xf32, #tpu.memory_space<vmem>>)
    %barrier3A_50 = arith.constant 0 : index
    tpu.barrier barrier_id(%barrier3A_50)
    %mul3A_51 = arith.constant 632 : i32
    %mul3A_52 = arith.muli %arg1, %mul3A_51 : i32
    %mul3A_53 = arith.constant 10112 : i32
    %mul3A_54 = arith.muli %arg0, %mul3A_53 : i32
    %mul3A_55 = arith.constant 632 : i32
    %mul3A_56 = arith.muli %arg1, %mul3A_55 : i32
    %add3A_57 = arith.addi %mul3A_54, %mul3A_56 : i32
    "tpu.region"() ({
      %run_scoped3A = tpu.sem_alloc : memref<!tpu.dma_semaphore, #tpu.memory_space<semaphore_mem>>
      %dma_start3A_58 = arith.constant 0 : i32
      %dma_start3A_59 = tpu.memref_slice %arg6[%add3A_57, %dma_start3A_58] : memref<20224x8xf32, #tpu.memory_space<hbm>> -> memref<632x8xf32, #tpu.memory_space<hbm>>
      %dma_start3A_60 = arith.constant 0 : i32
      %dma_start3A_61 = tpu.memref_slice %arg12[%mul3A_52, %dma_start3A_60] : memref<10112x8xf32, #tpu.memory_space<vmem_shared>> -> memref<632x8xf32, #tpu.memory_space<vmem_shared>>
      tpu.enqueue_dma source(%dma_start3A_61 : memref<632x8xf32, #tpu.memory_space<vmem_shared>>) target(%dma_start3A_59 : memref<632x8xf32, #tpu.memory_space<hbm>>) target_semaphore(%run_scoped3A : memref<!tpu.dma_semaphore, #tpu.memory_space<semaphore_mem>>)
      %dma_wait3A_62 = arith.constant 0 : i32
      %dma_wait3A_63 = tpu.memref_slice %arg6[%add3A_57, %dma_wait3A_62] : memref<20224x8xf32, #tpu.memory_space<hbm>> -> memref<632x8xf32, #tpu.memory_space<hbm>>
      %dma_wait3A_64 = arith.constant 0 : i32
      %dma_wait3A_65 = tpu.memref_slice %arg12[%mul3A_52, %dma_wait3A_64] : memref<10112x8xf32, #tpu.memory_space<vmem_shared>> -> memref<632x8xf32, #tpu.memory_space<vmem_shared>>
      tpu.wait_dma2 semaphore(%run_scoped3A : memref<!tpu.dma_semaphore, #tpu.memory_space<semaphore_mem>>) src(%dma_wait3A_65 : memref<632x8xf32, #tpu.memory_space<vmem_shared>>) dst(%dma_wait3A_63 : memref<632x8xf32, #tpu.memory_space<hbm>>)
      tpu.yield
    }) : () -> ()
    return
  }
}

#map = affine_map<(d0, d1) -> (0, 0)>
#map1 = affine_map<(d0, d1) -> (0, 0, 0)>
module attributes {stable_mosaic.version = 14 : i64} {
  func.func @body(%arg0: i32, %arg1: i32, %arg2: memref<10112x8xf32, #tpu.memory_space<hbm>>, %arg3: memref<32x162x64xi32, #tpu.memory_space<hbm>>, %arg4: memref<32x162x64xi32, #tpu.memory_space<hbm>>, %arg5: memref<10112x8xf32, #tpu.memory_space<hbm>>, %arg6: memref<20224x8xf32, #tpu.memory_space<hbm>>, %arg7: memref<162x64xi32, #tpu.memory_space<vmem>>, %arg8: memref<162x64xi32, #tpu.memory_space<vmem>>, %arg9: memref<64x8xf32, #tpu.memory_space<vmem>>, %arg10: memref<64x8xf32, #tpu.memory_space<vmem>>, %arg11: memref<64x8xf32, #tpu.memory_space<vmem>>, %arg12: memref<10112x8xf32, #tpu.memory_space<vmem_shared>>, %arg13: memref<!tpu.dma_semaphore, #tpu.memory_space<semaphore_mem>>, %arg14: memref<!tpu.dma_semaphore, #tpu.memory_space<semaphore_mem>>, %arg15: memref<!tpu.dma_semaphore, #tpu.memory_space<semaphore_mem>>) attributes {dimension_semantics = [#tpu.dimension_semantics<core_parallel>, #tpu.dimension_semantics<subcore_parallel>], iteration_bounds = array<i64: 2, 16>, scalar_prefetch = 0 : i64, scratch_operands = 9 : i64, tpu.core_type = #tpu.core_type<sc_vector_subcore>, window_params = [{transform_indices = #map}, {transform_indices = #map1}, {transform_indices = #map1}, {transform_indices = #map}, {transform_indices = #map}]} {
    %mul3A = arith.constant 16 : i32
    %mul3A_0 = arith.muli %arg0, %mul3A : i32
    %add3A = arith.addi %mul3A_0, %arg1 : i32
    %mul3A_1 = arith.constant 632 : i32
    %mul3A_2 = arith.muli %arg1, %mul3A_1 : i32
    %mul3A_3 = arith.constant 632 : i32
    %mul3A_4 = arith.muli %arg1, %mul3A_3 : i32
    "tpu.region"() ({
      %run_scoped3A = tpu.sem_alloc : memref<!tpu.dma_semaphore, #tpu.memory_space<semaphore_mem>>
      %dma_start3A_58 = arith.constant 0 : i32
      %dma_start3A_59 = tpu.memref_slice %arg12[%mul3A_4, %dma_start3A_58] : memref<10112x8xf32, #tpu.memory_space<vmem_shared>> -> memref<632x8xf32, #tpu.memory_space<vmem_shared>>
      %dma_start3A_60 = arith.constant 0 : i32
      %dma_start3A_61 = tpu.memref_slice %arg5[%mul3A_2, %dma_start3A_60] : memref<10112x8xf32, #tpu.memory_space<hbm>> -> memref<632x8xf32, #tpu.memory_space<hbm>>
      tpu.enqueue_dma source(%dma_start3A_61 : memref<632x8xf32, #tpu.memory_space<hbm>>) target(%dma_start3A_59 : memref<632x8xf32, #tpu.memory_space<vmem_shared>>) target_semaphore(%run_scoped3A : memref<!tpu.dma_semaphore, #tpu.memory_space<semaphore_mem>>)
      %dma_wait3A_62 = arith.constant 0 : i32
      %dma_wait3A_63 = tpu.memref_slice %arg12[%mul3A_4, %dma_wait3A_62] : memref<10112x8xf32, #tpu.memory_space<vmem_shared>> -> memref<632x8xf32, #tpu.memory_space<vmem_shared>>
      %dma_wait3A_64 = arith.constant 0 : i32
      %dma_wait3A_65 = tpu.memref_slice %arg5[%mul3A_2, %dma_wait3A_64] : memref<10112x8xf32, #tpu.memory_space<hbm>> -> memref<632x8xf32, #tpu.memory_space<hbm>>
      tpu.wait_dma2 semaphore(%run_scoped3A : memref<!tpu.dma_semaphore, #tpu.memory_space<semaphore_mem>>) src(%dma_wait3A_65 : memref<632x8xf32, #tpu.memory_space<hbm>>) dst(%dma_wait3A_63 : memref<632x8xf32, #tpu.memory_space<vmem_shared>>)
      tpu.yield
    }) : () -> ()
    "tpu.region"() ({
      %run_scoped3A = tpu.sem_alloc : memref<!tpu.dma_semaphore, #tpu.memory_space<semaphore_mem>>
      %dma_start3A_58 = arith.constant 0 : i32
      %dma_start3A_59 = arith.constant 0 : i32
      %dma_start3A_60 = tpu.memref_slice %arg3[%add3A, %dma_start3A_58, %dma_start3A_59] : memref<32x162x64xi32, #tpu.memory_space<hbm>> -> memref<1x162x64xi32, #tpu.memory_space<hbm>>
      %dma_start3A_61 = tpu.memref_squeeze %dma_start3A_60 : memref<1x162x64xi32, #tpu.memory_space<hbm>> -> memref<162x64xi32, #tpu.memory_space<hbm>>
      %dma_start3A_62 = arith.constant 0 : i32
      %dma_start3A_63 = arith.constant 0 : i32
      %dma_start3A_64 = tpu.memref_slice %arg3[%add3A, %dma_start3A_62, %dma_start3A_63] : memref<32x162x64xi32, #tpu.memory_space<hbm>> -> memref<1x162x64xi32, #tpu.memory_space<hbm>>
      %dma_start3A_65 = tpu.memref_squeeze %dma_start3A_64 : memref<1x162x64xi32, #tpu.memory_space<hbm>> -> memref<162x64xi32, #tpu.memory_space<hbm>>
      tpu.enqueue_dma source(%dma_start3A_65 : memref<162x64xi32, #tpu.memory_space<hbm>>) target(%arg7 : memref<162x64xi32, #tpu.memory_space<vmem>>) target_semaphore(%run_scoped3A : memref<!tpu.dma_semaphore, #tpu.memory_space<semaphore_mem>>)
      %dma_wait3A_66 = arith.constant 0 : i32
      %dma_wait3A_67 = arith.constant 0 : i32
      %dma_wait3A_68 = tpu.memref_slice %arg3[%add3A, %dma_wait3A_66, %dma_wait3A_67] : memref<32x162x64xi32, #tpu.memory_space<hbm>> -> memref<1x162x64xi32, #tpu.memory_space<hbm>>
      %dma_wait3A_69 = tpu.memref_squeeze %dma_wait3A_68 : memref<1x162x64xi32, #tpu.memory_space<hbm>> -> memref<162x64xi32, #tpu.memory_space<hbm>>
      %dma_wait3A_70 = arith.constant 0 : i32
      %dma_wait3A_71 = arith.constant 0 : i32
      %dma_wait3A_72 = tpu.memref_slice %arg3[%add3A, %dma_wait3A_70, %dma_wait3A_71] : memref<32x162x64xi32, #tpu.memory_space<hbm>> -> memref<1x162x64xi32, #tpu.memory_space<hbm>>
      %dma_wait3A_73 = tpu.memref_squeeze %dma_wait3A_72 : memref<1x162x64xi32, #tpu.memory_space<hbm>> -> memref<162x64xi32, #tpu.memory_space<hbm>>
      tpu.wait_dma2 semaphore(%run_scoped3A : memref<!tpu.dma_semaphore, #tpu.memory_space<semaphore_mem>>) src(%dma_wait3A_73 : memref<162x64xi32, #tpu.memory_space<hbm>>) dst(%arg7 : memref<162x64xi32, #tpu.memory_space<vmem>>)
      tpu.yield
    }) : () -> ()
    "tpu.region"() ({
      %run_scoped3A = tpu.sem_alloc : memref<!tpu.dma_semaphore, #tpu.memory_space<semaphore_mem>>
      %dma_start3A_58 = arith.constant 0 : i32
      %dma_start3A_59 = arith.constant 0 : i32
      %dma_start3A_60 = tpu.memref_slice %arg4[%add3A, %dma_start3A_58, %dma_start3A_59] : memref<32x162x64xi32, #tpu.memory_space<hbm>> -> memref<1x162x64xi32, #tpu.memory_space<hbm>>
      %dma_start3A_61 = tpu.memref_squeeze %dma_start3A_60 : memref<1x162x64xi32, #tpu.memory_space<hbm>> -> memref<162x64xi32, #tpu.memory_space<hbm>>
      %dma_start3A_62 = arith.constant 0 : i32
      %dma_start3A_63 = arith.constant 0 : i32
      %dma_start3A_64 = tpu.memref_slice %arg4[%add3A, %dma_start3A_62, %dma_start3A_63] : memref<32x162x64xi32, #tpu.memory_space<hbm>> -> memref<1x162x64xi32, #tpu.memory_space<hbm>>
      %dma_start3A_65 = tpu.memref_squeeze %dma_start3A_64 : memref<1x162x64xi32, #tpu.memory_space<hbm>> -> memref<162x64xi32, #tpu.memory_space<hbm>>
      tpu.enqueue_dma source(%dma_start3A_65 : memref<162x64xi32, #tpu.memory_space<hbm>>) target(%arg8 : memref<162x64xi32, #tpu.memory_space<vmem>>) target_semaphore(%run_scoped3A : memref<!tpu.dma_semaphore, #tpu.memory_space<semaphore_mem>>)
      %dma_wait3A_66 = arith.constant 0 : i32
      %dma_wait3A_67 = arith.constant 0 : i32
      %dma_wait3A_68 = tpu.memref_slice %arg4[%add3A, %dma_wait3A_66, %dma_wait3A_67] : memref<32x162x64xi32, #tpu.memory_space<hbm>> -> memref<1x162x64xi32, #tpu.memory_space<hbm>>
      %dma_wait3A_69 = tpu.memref_squeeze %dma_wait3A_68 : memref<1x162x64xi32, #tpu.memory_space<hbm>> -> memref<162x64xi32, #tpu.memory_space<hbm>>
      %dma_wait3A_70 = arith.constant 0 : i32
      %dma_wait3A_71 = arith.constant 0 : i32
      %dma_wait3A_72 = tpu.memref_slice %arg4[%add3A, %dma_wait3A_70, %dma_wait3A_71] : memref<32x162x64xi32, #tpu.memory_space<hbm>> -> memref<1x162x64xi32, #tpu.memory_space<hbm>>
      %dma_wait3A_73 = tpu.memref_squeeze %dma_wait3A_72 : memref<1x162x64xi32, #tpu.memory_space<hbm>> -> memref<162x64xi32, #tpu.memory_space<hbm>>
      tpu.wait_dma2 semaphore(%run_scoped3A : memref<!tpu.dma_semaphore, #tpu.memory_space<semaphore_mem>>) src(%dma_wait3A_73 : memref<162x64xi32, #tpu.memory_space<hbm>>) dst(%arg8 : memref<162x64xi32, #tpu.memory_space<vmem>>)
      tpu.yield
    }) : () -> ()
    %barrier3A = arith.constant 0 : index
    tpu.barrier barrier_id(%barrier3A)
    %dma_start3A = arith.constant 0 : i32
    %dma_start3A_5 = arith.constant 0 : i32
    %dma_start3A_6 = tpu.memref_slice %arg7[%dma_start3A, %dma_start3A_5] : memref<162x64xi32, #tpu.memory_space<vmem>> -> memref<1x64xi32, #tpu.memory_space<vmem>>
    %dma_start3A_7 = tpu.memref_squeeze %dma_start3A_6 : memref<1x64xi32, #tpu.memory_space<vmem>> -> memref<64xi32, #tpu.memory_space<vmem>>
    %dma_start3A_8 = arith.constant 0 : i32
    %dma_start3A_9 = arith.constant 0 : i32
    %dma_start3A_10 = tpu.memref_slice %arg2[%dma_start3A_8, %dma_start3A_9] : memref<10112x8xf32, #tpu.memory_space<hbm>> -> memref<10112x8xf32, #tpu.memory_space<hbm>>
    tpu.enqueue_indirect_dma source(%dma_start3A_10 : memref<10112x8xf32, #tpu.memory_space<hbm>>) target(%arg9 : memref<64x8xf32, #tpu.memory_space<vmem>>) offsets(%dma_start3A_7 : memref<64xi32, #tpu.memory_space<vmem>>) semaphore(%arg13 : memref<!tpu.dma_semaphore, #tpu.memory_space<semaphore_mem>>)
    %dma_start3A_11 = arith.constant 1 : i32
    %dma_start3A_12 = arith.constant 0 : i32
    %dma_start3A_13 = tpu.memref_slice %arg7[%dma_start3A_11, %dma_start3A_12] : memref<162x64xi32, #tpu.memory_space<vmem>> -> memref<1x64xi32, #tpu.memory_space<vmem>>
    %dma_start3A_14 = tpu.memref_squeeze %dma_start3A_13 : memref<1x64xi32, #tpu.memory_space<vmem>> -> memref<64xi32, #tpu.memory_space<vmem>>
    %dma_start3A_15 = arith.constant 0 : i32
    %dma_start3A_16 = arith.constant 0 : i32
    %dma_start3A_17 = tpu.memref_slice %arg2[%dma_start3A_15, %dma_start3A_16] : memref<10112x8xf32, #tpu.memory_space<hbm>> -> memref<10112x8xf32, #tpu.memory_space<hbm>>
    tpu.enqueue_indirect_dma source(%dma_start3A_17 : memref<10112x8xf32, #tpu.memory_space<hbm>>) target(%arg10 : memref<64x8xf32, #tpu.memory_space<vmem>>) offsets(%dma_start3A_14 : memref<64xi32, #tpu.memory_space<vmem>>) semaphore(%arg14 : memref<!tpu.dma_semaphore, #tpu.memory_space<semaphore_mem>>)
    %dma_start3A_18 = arith.constant 2 : i32
    %dma_start3A_19 = arith.constant 0 : i32
    %dma_start3A_20 = tpu.memref_slice %arg7[%dma_start3A_18, %dma_start3A_19] : memref<162x64xi32, #tpu.memory_space<vmem>> -> memref<1x64xi32, #tpu.memory_space<vmem>>
    %dma_start3A_21 = tpu.memref_squeeze %dma_start3A_20 : memref<1x64xi32, #tpu.memory_space<vmem>> -> memref<64xi32, #tpu.memory_space<vmem>>
    %dma_start3A_22 = arith.constant 0 : i32
    %dma_start3A_23 = arith.constant 0 : i32
    %dma_start3A_24 = tpu.memref_slice %arg2[%dma_start3A_22, %dma_start3A_23] : memref<10112x8xf32, #tpu.memory_space<hbm>> -> memref<10112x8xf32, #tpu.memory_space<hbm>>
    tpu.enqueue_indirect_dma source(%dma_start3A_24 : memref<10112x8xf32, #tpu.memory_space<hbm>>) target(%arg11 : memref<64x8xf32, #tpu.memory_space<vmem>>) offsets(%dma_start3A_21 : memref<64xi32, #tpu.memory_space<vmem>>) semaphore(%arg15 : memref<!tpu.dma_semaphore, #tpu.memory_space<semaphore_mem>>)
    %scan3A = arith.constant 0 : i32
    %scan3A_25 = arith.constant 0 : i32
    %scan3A_26 = arith.constant 53 : i32
    %scan3A_27 = arith.addi %scan3A_25, %scan3A_26 : i32
    %scan3A_28 = arith.constant 1 : i32
    scf.for %scan3A_58 = %scan3A_25 to %scan3A_27 step %scan3A_28  : i32 {
      %mul3A_59 = arith.constant 3 : i32
      %mul3A_60 = arith.muli %mul3A_59, %scan3A_58 : i32
      %add3A_61 = arith.constant 0 : i32
      %add3A_62 = arith.addi %mul3A_60, %add3A_61 : i32
      %dma_wait3A_63 = arith.constant 0 : i32
      %dma_wait3A_64 = tpu.memref_slice %arg7[%add3A_62, %dma_wait3A_63] : memref<162x64xi32, #tpu.memory_space<vmem>> -> memref<1x64xi32, #tpu.memory_space<vmem>>
      %dma_wait3A_65 = tpu.memref_squeeze %dma_wait3A_64 : memref<1x64xi32, #tpu.memory_space<vmem>> -> memref<64xi32, #tpu.memory_space<vmem>>
      %dma_wait3A_66 = arith.constant 0 : i32
      %dma_wait3A_67 = arith.constant 0 : i32
      %dma_wait3A_68 = tpu.memref_slice %arg2[%dma_wait3A_66, %dma_wait3A_67] : memref<10112x8xf32, #tpu.memory_space<hbm>> -> memref<10112x8xf32, #tpu.memory_space<hbm>>
      tpu.wait_indirect_dma semaphore(%arg13 : memref<!tpu.dma_semaphore, #tpu.memory_space<semaphore_mem>>) src(%dma_wait3A_68 : memref<10112x8xf32, #tpu.memory_space<hbm>>) dst(%arg9 : memref<64x8xf32, #tpu.memory_space<vmem>>)
      %add3A_69 = arith.constant 0 : i32
      %add3A_70 = arith.addi %mul3A_60, %add3A_69 : i32
      "tpu.region"() ({
        %run_scoped3A = tpu.sem_alloc : memref<!tpu.dma_semaphore, #tpu.memory_space<semaphore_mem>>
        %dma_start3A_121 = arith.constant 0 : i32
        %dma_start3A_122 = tpu.memref_slice %arg8[%add3A_70, %dma_start3A_121] : memref<162x64xi32, #tpu.memory_space<vmem>> -> memref<1x64xi32, #tpu.memory_space<vmem>>
        %dma_start3A_123 = tpu.memref_squeeze %dma_start3A_122 : memref<1x64xi32, #tpu.memory_space<vmem>> -> memref<64xi32, #tpu.memory_space<vmem>>
        %dma_start3A_124 = arith.constant 0 : i32
        %dma_start3A_125 = arith.constant 0 : i32
        %dma_start3A_126 = tpu.memref_slice %arg12[%dma_start3A_124, %dma_start3A_125] : memref<10112x8xf32, #tpu.memory_space<vmem_shared>> -> memref<10112x8xf32, #tpu.memory_space<vmem_shared>>
        tpu.enqueue_indirect_dma source(%arg9 : memref<64x8xf32, #tpu.memory_space<vmem>>) target(%dma_start3A_126 : memref<10112x8xf32, #tpu.memory_space<vmem_shared>>) offsets(%dma_start3A_123 : memref<64xi32, #tpu.memory_space<vmem>>) semaphore(%run_scoped3A : memref<!tpu.dma_semaphore, #tpu.memory_space<semaphore_mem>>) {add = true}
        %dma_wait3A_127 = arith.constant 0 : i32
        %dma_wait3A_128 = tpu.memref_slice %arg8[%add3A_70, %dma_wait3A_127] : memref<162x64xi32, #tpu.memory_space<vmem>> -> memref<1x64xi32, #tpu.memory_space<vmem>>
        %dma_wait3A_129 = tpu.memref_squeeze %dma_wait3A_128 : memref<1x64xi32, #tpu.memory_space<vmem>> -> memref<64xi32, #tpu.memory_space<vmem>>
        %dma_wait3A_130 = arith.constant 0 : i32
        %dma_wait3A_131 = arith.constant 0 : i32
        %dma_wait3A_132 = tpu.memref_slice %arg12[%dma_wait3A_130, %dma_wait3A_131] : memref<10112x8xf32, #tpu.memory_space<vmem_shared>> -> memref<10112x8xf32, #tpu.memory_space<vmem_shared>>
        tpu.wait_indirect_dma semaphore(%run_scoped3A : memref<!tpu.dma_semaphore, #tpu.memory_space<semaphore_mem>>) src(%arg9 : memref<64x8xf32, #tpu.memory_space<vmem>>) dst(%dma_wait3A_132 : memref<10112x8xf32, #tpu.memory_space<vmem_shared>>)
        tpu.yield
      }) : () -> ()
      %add3A_71 = arith.constant 3 : i32
      %add3A_72 = arith.addi %mul3A_60, %add3A_71 : i32
      %add3A_73 = arith.constant 0 : i32
      %add3A_74 = arith.addi %add3A_72, %add3A_73 : i32
      %dma_start3A_75 = arith.constant 0 : i32
      %dma_start3A_76 = tpu.memref_slice %arg7[%add3A_74, %dma_start3A_75] : memref<162x64xi32, #tpu.memory_space<vmem>> -> memref<1x64xi32, #tpu.memory_space<vmem>>
      %dma_start3A_77 = tpu.memref_squeeze %dma_start3A_76 : memref<1x64xi32, #tpu.memory_space<vmem>> -> memref<64xi32, #tpu.memory_space<vmem>>
      %dma_start3A_78 = arith.constant 0 : i32
      %dma_start3A_79 = arith.constant 0 : i32
      %dma_start3A_80 = tpu.memref_slice %arg2[%dma_start3A_78, %dma_start3A_79] : memref<10112x8xf32, #tpu.memory_space<hbm>> -> memref<10112x8xf32, #tpu.memory_space<hbm>>
      tpu.enqueue_indirect_dma source(%dma_start3A_80 : memref<10112x8xf32, #tpu.memory_space<hbm>>) target(%arg9 : memref<64x8xf32, #tpu.memory_space<vmem>>) offsets(%dma_start3A_77 : memref<64xi32, #tpu.memory_space<vmem>>) semaphore(%arg13 : memref<!tpu.dma_semaphore, #tpu.memory_space<semaphore_mem>>)
      %add3A_81 = arith.constant 1 : i32
      %add3A_82 = arith.addi %mul3A_60, %add3A_81 : i32
      %dma_wait3A_83 = arith.constant 0 : i32
      %dma_wait3A_84 = tpu.memref_slice %arg7[%add3A_82, %dma_wait3A_83] : memref<162x64xi32, #tpu.memory_space<vmem>> -> memref<1x64xi32, #tpu.memory_space<vmem>>
      %dma_wait3A_85 = tpu.memref_squeeze %dma_wait3A_84 : memref<1x64xi32, #tpu.memory_space<vmem>> -> memref<64xi32, #tpu.memory_space<vmem>>
      %dma_wait3A_86 = arith.constant 0 : i32
      %dma_wait3A_87 = arith.constant 0 : i32
      %dma_wait3A_88 = tpu.memref_slice %arg2[%dma_wait3A_86, %dma_wait3A_87] : memref<10112x8xf32, #tpu.memory_space<hbm>> -> memref<10112x8xf32, #tpu.memory_space<hbm>>
      tpu.wait_indirect_dma semaphore(%arg14 : memref<!tpu.dma_semaphore, #tpu.memory_space<semaphore_mem>>) src(%dma_wait3A_88 : memref<10112x8xf32, #tpu.memory_space<hbm>>) dst(%arg10 : memref<64x8xf32, #tpu.memory_space<vmem>>)
      %add3A_89 = arith.constant 1 : i32
      %add3A_90 = arith.addi %mul3A_60, %add3A_89 : i32
      "tpu.region"() ({
        %run_scoped3A = tpu.sem_alloc : memref<!tpu.dma_semaphore, #tpu.memory_space<semaphore_mem>>
        %dma_start3A_121 = arith.constant 0 : i32
        %dma_start3A_122 = tpu.memref_slice %arg8[%add3A_90, %dma_start3A_121] : memref<162x64xi32, #tpu.memory_space<vmem>> -> memref<1x64xi32, #tpu.memory_space<vmem>>
        %dma_start3A_123 = tpu.memref_squeeze %dma_start3A_122 : memref<1x64xi32, #tpu.memory_space<vmem>> -> memref<64xi32, #tpu.memory_space<vmem>>
        %dma_start3A_124 = arith.constant 0 : i32
        %dma_start3A_125 = arith.constant 0 : i32
        %dma_start3A_126 = tpu.memref_slice %arg12[%dma_start3A_124, %dma_start3A_125] : memref<10112x8xf32, #tpu.memory_space<vmem_shared>> -> memref<10112x8xf32, #tpu.memory_space<vmem_shared>>
        tpu.enqueue_indirect_dma source(%arg10 : memref<64x8xf32, #tpu.memory_space<vmem>>) target(%dma_start3A_126 : memref<10112x8xf32, #tpu.memory_space<vmem_shared>>) offsets(%dma_start3A_123 : memref<64xi32, #tpu.memory_space<vmem>>) semaphore(%run_scoped3A : memref<!tpu.dma_semaphore, #tpu.memory_space<semaphore_mem>>) {add = true}
        %dma_wait3A_127 = arith.constant 0 : i32
        %dma_wait3A_128 = tpu.memref_slice %arg8[%add3A_90, %dma_wait3A_127] : memref<162x64xi32, #tpu.memory_space<vmem>> -> memref<1x64xi32, #tpu.memory_space<vmem>>
        %dma_wait3A_129 = tpu.memref_squeeze %dma_wait3A_128 : memref<1x64xi32, #tpu.memory_space<vmem>> -> memref<64xi32, #tpu.memory_space<vmem>>
        %dma_wait3A_130 = arith.constant 0 : i32
        %dma_wait3A_131 = arith.constant 0 : i32
        %dma_wait3A_132 = tpu.memref_slice %arg12[%dma_wait3A_130, %dma_wait3A_131] : memref<10112x8xf32, #tpu.memory_space<vmem_shared>> -> memref<10112x8xf32, #tpu.memory_space<vmem_shared>>
        tpu.wait_indirect_dma semaphore(%run_scoped3A : memref<!tpu.dma_semaphore, #tpu.memory_space<semaphore_mem>>) src(%arg10 : memref<64x8xf32, #tpu.memory_space<vmem>>) dst(%dma_wait3A_132 : memref<10112x8xf32, #tpu.memory_space<vmem_shared>>)
        tpu.yield
      }) : () -> ()
      %add3A_91 = arith.constant 3 : i32
      %add3A_92 = arith.addi %mul3A_60, %add3A_91 : i32
      %add3A_93 = arith.constant 1 : i32
      %add3A_94 = arith.addi %add3A_92, %add3A_93 : i32
      %dma_start3A_95 = arith.constant 0 : i32
      %dma_start3A_96 = tpu.memref_slice %arg7[%add3A_94, %dma_start3A_95] : memref<162x64xi32, #tpu.memory_space<vmem>> -> memref<1x64xi32, #tpu.memory_space<vmem>>
      %dma_start3A_97 = tpu.memref_squeeze %dma_start3A_96 : memref<1x64xi32, #tpu.memory_space<vmem>> -> memref<64xi32, #tpu.memory_space<vmem>>
      %dma_start3A_98 = arith.constant 0 : i32
      %dma_start3A_99 = arith.constant 0 : i32
      %dma_start3A_100 = tpu.memref_slice %arg2[%dma_start3A_98, %dma_start3A_99] : memref<10112x8xf32, #tpu.memory_space<hbm>> -> memref<10112x8xf32, #tpu.memory_space<hbm>>
      tpu.enqueue_indirect_dma source(%dma_start3A_100 : memref<10112x8xf32, #tpu.memory_space<hbm>>) target(%arg10 : memref<64x8xf32, #tpu.memory_space<vmem>>) offsets(%dma_start3A_97 : memref<64xi32, #tpu.memory_space<vmem>>) semaphore(%arg14 : memref<!tpu.dma_semaphore, #tpu.memory_space<semaphore_mem>>)
      %add3A_101 = arith.constant 2 : i32
      %add3A_102 = arith.addi %mul3A_60, %add3A_101 : i32
      %dma_wait3A_103 = arith.constant 0 : i32
      %dma_wait3A_104 = tpu.memref_slice %arg7[%add3A_102, %dma_wait3A_103] : memref<162x64xi32, #tpu.memory_space<vmem>> -> memref<1x64xi32, #tpu.memory_space<vmem>>
      %dma_wait3A_105 = tpu.memref_squeeze %dma_wait3A_104 : memref<1x64xi32, #tpu.memory_space<vmem>> -> memref<64xi32, #tpu.memory_space<vmem>>
      %dma_wait3A_106 = arith.constant 0 : i32
      %dma_wait3A_107 = arith.constant 0 : i32
      %dma_wait3A_108 = tpu.memref_slice %arg2[%dma_wait3A_106, %dma_wait3A_107] : memref<10112x8xf32, #tpu.memory_space<hbm>> -> memref<10112x8xf32, #tpu.memory_space<hbm>>
      tpu.wait_indirect_dma semaphore(%arg15 : memref<!tpu.dma_semaphore, #tpu.memory_space<semaphore_mem>>) src(%dma_wait3A_108 : memref<10112x8xf32, #tpu.memory_space<hbm>>) dst(%arg11 : memref<64x8xf32, #tpu.memory_space<vmem>>)
      %add3A_109 = arith.constant 2 : i32
      %add3A_110 = arith.addi %mul3A_60, %add3A_109 : i32
      "tpu.region"() ({
        %run_scoped3A = tpu.sem_alloc : memref<!tpu.dma_semaphore, #tpu.memory_space<semaphore_mem>>
        %dma_start3A_121 = arith.constant 0 : i32
        %dma_start3A_122 = tpu.memref_slice %arg8[%add3A_110, %dma_start3A_121] : memref<162x64xi32, #tpu.memory_space<vmem>> -> memref<1x64xi32, #tpu.memory_space<vmem>>
        %dma_start3A_123 = tpu.memref_squeeze %dma_start3A_122 : memref<1x64xi32, #tpu.memory_space<vmem>> -> memref<64xi32, #tpu.memory_space<vmem>>
        %dma_start3A_124 = arith.constant 0 : i32
        %dma_start3A_125 = arith.constant 0 : i32
        %dma_start3A_126 = tpu.memref_slice %arg12[%dma_start3A_124, %dma_start3A_125] : memref<10112x8xf32, #tpu.memory_space<vmem_shared>> -> memref<10112x8xf32, #tpu.memory_space<vmem_shared>>
        tpu.enqueue_indirect_dma source(%arg11 : memref<64x8xf32, #tpu.memory_space<vmem>>) target(%dma_start3A_126 : memref<10112x8xf32, #tpu.memory_space<vmem_shared>>) offsets(%dma_start3A_123 : memref<64xi32, #tpu.memory_space<vmem>>) semaphore(%run_scoped3A : memref<!tpu.dma_semaphore, #tpu.memory_space<semaphore_mem>>) {add = true}
        %dma_wait3A_127 = arith.constant 0 : i32
        %dma_wait3A_128 = tpu.memref_slice %arg8[%add3A_110, %dma_wait3A_127] : memref<162x64xi32, #tpu.memory_space<vmem>> -> memref<1x64xi32, #tpu.memory_space<vmem>>
        %dma_wait3A_129 = tpu.memref_squeeze %dma_wait3A_128 : memref<1x64xi32, #tpu.memory_space<vmem>> -> memref<64xi32, #tpu.memory_space<vmem>>
        %dma_wait3A_130 = arith.constant 0 : i32
        %dma_wait3A_131 = arith.constant 0 : i32
        %dma_wait3A_132 = tpu.memref_slice %arg12[%dma_wait3A_130, %dma_wait3A_131] : memref<10112x8xf32, #tpu.memory_space<vmem_shared>> -> memref<10112x8xf32, #tpu.memory_space<vmem_shared>>
        tpu.wait_indirect_dma semaphore(%run_scoped3A : memref<!tpu.dma_semaphore, #tpu.memory_space<semaphore_mem>>) src(%arg11 : memref<64x8xf32, #tpu.memory_space<vmem>>) dst(%dma_wait3A_132 : memref<10112x8xf32, #tpu.memory_space<vmem_shared>>)
        tpu.yield
      }) : () -> ()
      %add3A_111 = arith.constant 3 : i32
      %add3A_112 = arith.addi %mul3A_60, %add3A_111 : i32
      %add3A_113 = arith.constant 2 : i32
      %add3A_114 = arith.addi %add3A_112, %add3A_113 : i32
      %dma_start3A_115 = arith.constant 0 : i32
      %dma_start3A_116 = tpu.memref_slice %arg7[%add3A_114, %dma_start3A_115] : memref<162x64xi32, #tpu.memory_space<vmem>> -> memref<1x64xi32, #tpu.memory_space<vmem>>
      %dma_start3A_117 = tpu.memref_squeeze %dma_start3A_116 : memref<1x64xi32, #tpu.memory_space<vmem>> -> memref<64xi32, #tpu.memory_space<vmem>>
      %dma_start3A_118 = arith.constant 0 : i32
      %dma_start3A_119 = arith.constant 0 : i32
      %dma_start3A_120 = tpu.memref_slice %arg2[%dma_start3A_118, %dma_start3A_119] : memref<10112x8xf32, #tpu.memory_space<hbm>> -> memref<10112x8xf32, #tpu.memory_space<hbm>>
      tpu.enqueue_indirect_dma source(%dma_start3A_120 : memref<10112x8xf32, #tpu.memory_space<hbm>>) target(%arg11 : memref<64x8xf32, #tpu.memory_space<vmem>>) offsets(%dma_start3A_117 : memref<64xi32, #tpu.memory_space<vmem>>) semaphore(%arg15 : memref<!tpu.dma_semaphore, #tpu.memory_space<semaphore_mem>>)
    }
    %scan3A_29 = arith.constant 53 : i32
    %dma_wait3A = arith.constant 159 : i32
    %dma_wait3A_30 = arith.constant 0 : i32
    %dma_wait3A_31 = tpu.memref_slice %arg7[%dma_wait3A, %dma_wait3A_30] : memref<162x64xi32, #tpu.memory_space<vmem>> -> memref<1x64xi32, #tpu.memory_space<vmem>>
    %dma_wait3A_32 = tpu.memref_squeeze %dma_wait3A_31 : memref<1x64xi32, #tpu.memory_space<vmem>> -> memref<64xi32, #tpu.memory_space<vmem>>
    %dma_wait3A_33 = arith.constant 0 : i32
    %dma_wait3A_34 = arith.constant 0 : i32
    %dma_wait3A_35 = tpu.memref_slice %arg2[%dma_wait3A_33, %dma_wait3A_34] : memref<10112x8xf32, #tpu.memory_space<hbm>> -> memref<10112x8xf32, #tpu.memory_space<hbm>>
    tpu.wait_indirect_dma semaphore(%arg13 : memref<!tpu.dma_semaphore, #tpu.memory_space<semaphore_mem>>) src(%dma_wait3A_35 : memref<10112x8xf32, #tpu.memory_space<hbm>>) dst(%arg9 : memref<64x8xf32, #tpu.memory_space<vmem>>)
    %dma_wait3A_36 = arith.constant 160 : i32
    %dma_wait3A_37 = arith.constant 0 : i32
    %dma_wait3A_38 = tpu.memref_slice %arg7[%dma_wait3A_36, %dma_wait3A_37] : memref<162x64xi32, #tpu.memory_space<vmem>> -> memref<1x64xi32, #tpu.memory_space<vmem>>
    %dma_wait3A_39 = tpu.memref_squeeze %dma_wait3A_38 : memref<1x64xi32, #tpu.memory_space<vmem>> -> memref<64xi32, #tpu.memory_space<vmem>>
    %dma_wait3A_40 = arith.constant 0 : i32
    %dma_wait3A_41 = arith.constant 0 : i32
    %dma_wait3A_42 = tpu.memref_slice %arg2[%dma_wait3A_40, %dma_wait3A_41] : memref<10112x8xf32, #tpu.memory_space<hbm>> -> memref<10112x8xf32, #tpu.memory_space<hbm>>
    tpu.wait_indirect_dma semaphore(%arg14 : memref<!tpu.dma_semaphore, #tpu.memory_space<semaphore_mem>>) src(%dma_wait3A_42 : memref<10112x8xf32, #tpu.memory_space<hbm>>) dst(%arg10 : memref<64x8xf32, #tpu.memory_space<vmem>>)
    %dma_wait3A_43 = arith.constant 161 : i32
    %dma_wait3A_44 = arith.constant 0 : i32
    %dma_wait3A_45 = tpu.memref_slice %arg7[%dma_wait3A_43, %dma_wait3A_44] : memref<162x64xi32, #tpu.memory_space<vmem>> -> memref<1x64xi32, #tpu.memory_space<vmem>>
    %dma_wait3A_46 = tpu.memref_squeeze %dma_wait3A_45 : memref<1x64xi32, #tpu.memory_space<vmem>> -> memref<64xi32, #tpu.memory_space<vmem>>
    %dma_wait3A_47 = arith.constant 0 : i32
    %dma_wait3A_48 = arith.constant 0 : i32
    %dma_wait3A_49 = tpu.memref_slice %arg2[%dma_wait3A_47, %dma_wait3A_48] : memref<10112x8xf32, #tpu.memory_space<hbm>> -> memref<10112x8xf32, #tpu.memory_space<hbm>>
    tpu.wait_indirect_dma semaphore(%arg15 : memref<!tpu.dma_semaphore, #tpu.memory_space<semaphore_mem>>) src(%dma_wait3A_49 : memref<10112x8xf32, #tpu.memory_space<hbm>>) dst(%arg11 : memref<64x8xf32, #tpu.memory_space<vmem>>)
    %barrier3A_50 = arith.constant 0 : index
    tpu.barrier barrier_id(%barrier3A_50)
    %mul3A_51 = arith.constant 632 : i32
    %mul3A_52 = arith.muli %arg1, %mul3A_51 : i32
    %mul3A_53 = arith.constant 10112 : i32
    %mul3A_54 = arith.muli %arg0, %mul3A_53 : i32
    %mul3A_55 = arith.constant 632 : i32
    %mul3A_56 = arith.muli %arg1, %mul3A_55 : i32
    %add3A_57 = arith.addi %mul3A_54, %mul3A_56 : i32
    "tpu.region"() ({
      %run_scoped3A = tpu.sem_alloc : memref<!tpu.dma_semaphore, #tpu.memory_space<semaphore_mem>>
      %dma_start3A_58 = arith.constant 0 : i32
      %dma_start3A_59 = tpu.memref_slice %arg6[%add3A_57, %dma_start3A_58] : memref<20224x8xf32, #tpu.memory_space<hbm>> -> memref<632x8xf32, #tpu.memory_space<hbm>>
      %dma_start3A_60 = arith.constant 0 : i32
      %dma_start3A_61 = tpu.memref_slice %arg12[%mul3A_52, %dma_start3A_60] : memref<10112x8xf32, #tpu.memory_space<vmem_shared>> -> memref<632x8xf32, #tpu.memory_space<vmem_shared>>
      tpu.enqueue_dma source(%dma_start3A_61 : memref<632x8xf32, #tpu.memory_space<vmem_shared>>) target(%dma_start3A_59 : memref<632x8xf32, #tpu.memory_space<hbm>>) target_semaphore(%run_scoped3A : memref<!tpu.dma_semaphore, #tpu.memory_space<semaphore_mem>>)
      %dma_wait3A_62 = arith.constant 0 : i32
      %dma_wait3A_63 = tpu.memref_slice %arg6[%add3A_57, %dma_wait3A_62] : memref<20224x8xf32, #tpu.memory_space<hbm>> -> memref<632x8xf32, #tpu.memory_space<hbm>>
      %dma_wait3A_64 = arith.constant 0 : i32
      %dma_wait3A_65 = tpu.memref_slice %arg12[%mul3A_52, %dma_wait3A_64] : memref<10112x8xf32, #tpu.memory_space<vmem_shared>> -> memref<632x8xf32, #tpu.memory_space<vmem_shared>>
      tpu.wait_dma2 semaphore(%run_scoped3A : memref<!tpu.dma_semaphore, #tpu.memory_space<semaphore_mem>>) src(%dma_wait3A_65 : memref<632x8xf32, #tpu.memory_space<vmem_shared>>) dst(%dma_wait3A_63 : memref<632x8xf32, #tpu.memory_space<hbm>>)
      tpu.yield
    }) : () -> ()
    return
  }
}

#map = affine_map<(d0, d1) -> (0, 0)>
#map1 = affine_map<(d0, d1) -> (0, 0, 0)>
module attributes {stable_mosaic.version = 14 : i64} {
  func.func @body(%arg0: i32, %arg1: i32, %arg2: memref<10112x8xf32, #tpu.memory_space<hbm>>, %arg3: memref<32x162x64xi32, #tpu.memory_space<hbm>>, %arg4: memref<32x162x64xi32, #tpu.memory_space<hbm>>, %arg5: memref<10112x8xf32, #tpu.memory_space<hbm>>, %arg6: memref<20224x8xf32, #tpu.memory_space<hbm>>, %arg7: memref<162x64xi32, #tpu.memory_space<vmem>>, %arg8: memref<162x64xi32, #tpu.memory_space<vmem>>, %arg9: memref<64x8xf32, #tpu.memory_space<vmem>>, %arg10: memref<64x8xf32, #tpu.memory_space<vmem>>, %arg11: memref<64x8xf32, #tpu.memory_space<vmem>>, %arg12: memref<10112x8xf32, #tpu.memory_space<vmem_shared>>, %arg13: memref<!tpu.dma_semaphore, #tpu.memory_space<semaphore_mem>>, %arg14: memref<!tpu.dma_semaphore, #tpu.memory_space<semaphore_mem>>, %arg15: memref<!tpu.dma_semaphore, #tpu.memory_space<semaphore_mem>>) attributes {dimension_semantics = [#tpu.dimension_semantics<core_parallel>, #tpu.dimension_semantics<subcore_parallel>], iteration_bounds = array<i64: 2, 16>, scalar_prefetch = 0 : i64, scratch_operands = 9 : i64, tpu.core_type = #tpu.core_type<sc_vector_subcore>, window_params = [{transform_indices = #map}, {transform_indices = #map1}, {transform_indices = #map1}, {transform_indices = #map}, {transform_indices = #map}]} {
    %mul3A = arith.constant 16 : i32
    %mul3A_0 = arith.muli %arg0, %mul3A : i32
    %add3A = arith.addi %mul3A_0, %arg1 : i32
    %mul3A_1 = arith.constant 632 : i32
    %mul3A_2 = arith.muli %arg1, %mul3A_1 : i32
    %mul3A_3 = arith.constant 632 : i32
    %mul3A_4 = arith.muli %arg1, %mul3A_3 : i32
    "tpu.region"() ({
      %run_scoped3A = tpu.sem_alloc : memref<!tpu.dma_semaphore, #tpu.memory_space<semaphore_mem>>
      %dma_start3A_58 = arith.constant 0 : i32
      %dma_start3A_59 = tpu.memref_slice %arg12[%mul3A_4, %dma_start3A_58] : memref<10112x8xf32, #tpu.memory_space<vmem_shared>> -> memref<632x8xf32, #tpu.memory_space<vmem_shared>>
      %dma_start3A_60 = arith.constant 0 : i32
      %dma_start3A_61 = tpu.memref_slice %arg5[%mul3A_2, %dma_start3A_60] : memref<10112x8xf32, #tpu.memory_space<hbm>> -> memref<632x8xf32, #tpu.memory_space<hbm>>
      tpu.enqueue_dma source(%dma_start3A_61 : memref<632x8xf32, #tpu.memory_space<hbm>>) target(%dma_start3A_59 : memref<632x8xf32, #tpu.memory_space<vmem_shared>>) target_semaphore(%run_scoped3A : memref<!tpu.dma_semaphore, #tpu.memory_space<semaphore_mem>>)
      %dma_wait3A_62 = arith.constant 0 : i32
      %dma_wait3A_63 = tpu.memref_slice %arg12[%mul3A_4, %dma_wait3A_62] : memref<10112x8xf32, #tpu.memory_space<vmem_shared>> -> memref<632x8xf32, #tpu.memory_space<vmem_shared>>
      %dma_wait3A_64 = arith.constant 0 : i32
      %dma_wait3A_65 = tpu.memref_slice %arg5[%mul3A_2, %dma_wait3A_64] : memref<10112x8xf32, #tpu.memory_space<hbm>> -> memref<632x8xf32, #tpu.memory_space<hbm>>
      tpu.wait_dma2 semaphore(%run_scoped3A : memref<!tpu.dma_semaphore, #tpu.memory_space<semaphore_mem>>) src(%dma_wait3A_65 : memref<632x8xf32, #tpu.memory_space<hbm>>) dst(%dma_wait3A_63 : memref<632x8xf32, #tpu.memory_space<vmem_shared>>)
      tpu.yield
    }) : () -> ()
    "tpu.region"() ({
      %run_scoped3A = tpu.sem_alloc : memref<!tpu.dma_semaphore, #tpu.memory_space<semaphore_mem>>
      %dma_start3A_58 = arith.constant 0 : i32
      %dma_start3A_59 = arith.constant 0 : i32
      %dma_start3A_60 = tpu.memref_slice %arg3[%add3A, %dma_start3A_58, %dma_start3A_59] : memref<32x162x64xi32, #tpu.memory_space<hbm>> -> memref<1x162x64xi32, #tpu.memory_space<hbm>>
      %dma_start3A_61 = tpu.memref_squeeze %dma_start3A_60 : memref<1x162x64xi32, #tpu.memory_space<hbm>> -> memref<162x64xi32, #tpu.memory_space<hbm>>
      %dma_start3A_62 = arith.constant 0 : i32
      %dma_start3A_63 = arith.constant 0 : i32
      %dma_start3A_64 = tpu.memref_slice %arg3[%add3A, %dma_start3A_62, %dma_start3A_63] : memref<32x162x64xi32, #tpu.memory_space<hbm>> -> memref<1x162x64xi32, #tpu.memory_space<hbm>>
      %dma_start3A_65 = tpu.memref_squeeze %dma_start3A_64 : memref<1x162x64xi32, #tpu.memory_space<hbm>> -> memref<162x64xi32, #tpu.memory_space<hbm>>
      tpu.enqueue_dma source(%dma_start3A_65 : memref<162x64xi32, #tpu.memory_space<hbm>>) target(%arg7 : memref<162x64xi32, #tpu.memory_space<vmem>>) target_semaphore(%run_scoped3A : memref<!tpu.dma_semaphore, #tpu.memory_space<semaphore_mem>>)
      %dma_wait3A_66 = arith.constant 0 : i32
      %dma_wait3A_67 = arith.constant 0 : i32
      %dma_wait3A_68 = tpu.memref_slice %arg3[%add3A, %dma_wait3A_66, %dma_wait3A_67] : memref<32x162x64xi32, #tpu.memory_space<hbm>> -> memref<1x162x64xi32, #tpu.memory_space<hbm>>
      %dma_wait3A_69 = tpu.memref_squeeze %dma_wait3A_68 : memref<1x162x64xi32, #tpu.memory_space<hbm>> -> memref<162x64xi32, #tpu.memory_space<hbm>>
      %dma_wait3A_70 = arith.constant 0 : i32
      %dma_wait3A_71 = arith.constant 0 : i32
      %dma_wait3A_72 = tpu.memref_slice %arg3[%add3A, %dma_wait3A_70, %dma_wait3A_71] : memref<32x162x64xi32, #tpu.memory_space<hbm>> -> memref<1x162x64xi32, #tpu.memory_space<hbm>>
      %dma_wait3A_73 = tpu.memref_squeeze %dma_wait3A_72 : memref<1x162x64xi32, #tpu.memory_space<hbm>> -> memref<162x64xi32, #tpu.memory_space<hbm>>
      tpu.wait_dma2 semaphore(%run_scoped3A : memref<!tpu.dma_semaphore, #tpu.memory_space<semaphore_mem>>) src(%dma_wait3A_73 : memref<162x64xi32, #tpu.memory_space<hbm>>) dst(%arg7 : memref<162x64xi32, #tpu.memory_space<vmem>>)
      tpu.yield
    }) : () -> ()
    "tpu.region"() ({
      %run_scoped3A = tpu.sem_alloc : memref<!tpu.dma_semaphore, #tpu.memory_space<semaphore_mem>>
      %dma_start3A_58 = arith.constant 0 : i32
      %dma_start3A_59 = arith.constant 0 : i32
      %dma_start3A_60 = tpu.memref_slice %arg4[%add3A, %dma_start3A_58, %dma_start3A_59] : memref<32x162x64xi32, #tpu.memory_space<hbm>> -> memref<1x162x64xi32, #tpu.memory_space<hbm>>
      %dma_start3A_61 = tpu.memref_squeeze %dma_start3A_60 : memref<1x162x64xi32, #tpu.memory_space<hbm>> -> memref<162x64xi32, #tpu.memory_space<hbm>>
      %dma_start3A_62 = arith.constant 0 : i32
      %dma_start3A_63 = arith.constant 0 : i32
      %dma_start3A_64 = tpu.memref_slice %arg4[%add3A, %dma_start3A_62, %dma_start3A_63] : memref<32x162x64xi32, #tpu.memory_space<hbm>> -> memref<1x162x64xi32, #tpu.memory_space<hbm>>
      %dma_start3A_65 = tpu.memref_squeeze %dma_start3A_64 : memref<1x162x64xi32, #tpu.memory_space<hbm>> -> memref<162x64xi32, #tpu.memory_space<hbm>>
      tpu.enqueue_dma source(%dma_start3A_65 : memref<162x64xi32, #tpu.memory_space<hbm>>) target(%arg8 : memref<162x64xi32, #tpu.memory_space<vmem>>) target_semaphore(%run_scoped3A : memref<!tpu.dma_semaphore, #tpu.memory_space<semaphore_mem>>)
      %dma_wait3A_66 = arith.constant 0 : i32
      %dma_wait3A_67 = arith.constant 0 : i32
      %dma_wait3A_68 = tpu.memref_slice %arg4[%add3A, %dma_wait3A_66, %dma_wait3A_67] : memref<32x162x64xi32, #tpu.memory_space<hbm>> -> memref<1x162x64xi32, #tpu.memory_space<hbm>>
      %dma_wait3A_69 = tpu.memref_squeeze %dma_wait3A_68 : memref<1x162x64xi32, #tpu.memory_space<hbm>> -> memref<162x64xi32, #tpu.memory_space<hbm>>
      %dma_wait3A_70 = arith.constant 0 : i32
      %dma_wait3A_71 = arith.constant 0 : i32
      %dma_wait3A_72 = tpu.memref_slice %arg4[%add3A, %dma_wait3A_70, %dma_wait3A_71] : memref<32x162x64xi32, #tpu.memory_space<hbm>> -> memref<1x162x64xi32, #tpu.memory_space<hbm>>
      %dma_wait3A_73 = tpu.memref_squeeze %dma_wait3A_72 : memref<1x162x64xi32, #tpu.memory_space<hbm>> -> memref<162x64xi32, #tpu.memory_space<hbm>>
      tpu.wait_dma2 semaphore(%run_scoped3A : memref<!tpu.dma_semaphore, #tpu.memory_space<semaphore_mem>>) src(%dma_wait3A_73 : memref<162x64xi32, #tpu.memory_space<hbm>>) dst(%arg8 : memref<162x64xi32, #tpu.memory_space<vmem>>)
      tpu.yield
    }) : () -> ()
    %barrier3A = arith.constant 0 : index
    tpu.barrier barrier_id(%barrier3A)
    %dma_start3A = arith.constant 0 : i32
    %dma_start3A_5 = arith.constant 0 : i32
    %dma_start3A_6 = tpu.memref_slice %arg7[%dma_start3A, %dma_start3A_5] : memref<162x64xi32, #tpu.memory_space<vmem>> -> memref<1x64xi32, #tpu.memory_space<vmem>>
    %dma_start3A_7 = tpu.memref_squeeze %dma_start3A_6 : memref<1x64xi32, #tpu.memory_space<vmem>> -> memref<64xi32, #tpu.memory_space<vmem>>
    %dma_start3A_8 = arith.constant 0 : i32
    %dma_start3A_9 = arith.constant 0 : i32
    %dma_start3A_10 = tpu.memref_slice %arg2[%dma_start3A_8, %dma_start3A_9] : memref<10112x8xf32, #tpu.memory_space<hbm>> -> memref<10112x8xf32, #tpu.memory_space<hbm>>
    tpu.enqueue_indirect_dma source(%dma_start3A_10 : memref<10112x8xf32, #tpu.memory_space<hbm>>) target(%arg9 : memref<64x8xf32, #tpu.memory_space<vmem>>) offsets(%dma_start3A_7 : memref<64xi32, #tpu.memory_space<vmem>>) semaphore(%arg13 : memref<!tpu.dma_semaphore, #tpu.memory_space<semaphore_mem>>)
    %dma_start3A_11 = arith.constant 1 : i32
    %dma_start3A_12 = arith.constant 0 : i32
    %dma_start3A_13 = tpu.memref_slice %arg7[%dma_start3A_11, %dma_start3A_12] : memref<162x64xi32, #tpu.memory_space<vmem>> -> memref<1x64xi32, #tpu.memory_space<vmem>>
    %dma_start3A_14 = tpu.memref_squeeze %dma_start3A_13 : memref<1x64xi32, #tpu.memory_space<vmem>> -> memref<64xi32, #tpu.memory_space<vmem>>
    %dma_start3A_15 = arith.constant 0 : i32
    %dma_start3A_16 = arith.constant 0 : i32
    %dma_start3A_17 = tpu.memref_slice %arg2[%dma_start3A_15, %dma_start3A_16] : memref<10112x8xf32, #tpu.memory_space<hbm>> -> memref<10112x8xf32, #tpu.memory_space<hbm>>
    tpu.enqueue_indirect_dma source(%dma_start3A_17 : memref<10112x8xf32, #tpu.memory_space<hbm>>) target(%arg10 : memref<64x8xf32, #tpu.memory_space<vmem>>) offsets(%dma_start3A_14 : memref<64xi32, #tpu.memory_space<vmem>>) semaphore(%arg14 : memref<!tpu.dma_semaphore, #tpu.memory_space<semaphore_mem>>)
    %dma_start3A_18 = arith.constant 2 : i32
    %dma_start3A_19 = arith.constant 0 : i32
    %dma_start3A_20 = tpu.memref_slice %arg7[%dma_start3A_18, %dma_start3A_19] : memref<162x64xi32, #tpu.memory_space<vmem>> -> memref<1x64xi32, #tpu.memory_space<vmem>>
    %dma_start3A_21 = tpu.memref_squeeze %dma_start3A_20 : memref<1x64xi32, #tpu.memory_space<vmem>> -> memref<64xi32, #tpu.memory_space<vmem>>
    %dma_start3A_22 = arith.constant 0 : i32
    %dma_start3A_23 = arith.constant 0 : i32
    %dma_start3A_24 = tpu.memref_slice %arg2[%dma_start3A_22, %dma_start3A_23] : memref<10112x8xf32, #tpu.memory_space<hbm>> -> memref<10112x8xf32, #tpu.memory_space<hbm>>
    tpu.enqueue_indirect_dma source(%dma_start3A_24 : memref<10112x8xf32, #tpu.memory_space<hbm>>) target(%arg11 : memref<64x8xf32, #tpu.memory_space<vmem>>) offsets(%dma_start3A_21 : memref<64xi32, #tpu.memory_space<vmem>>) semaphore(%arg15 : memref<!tpu.dma_semaphore, #tpu.memory_space<semaphore_mem>>)
    %scan3A = arith.constant 0 : i32
    %scan3A_25 = arith.constant 0 : i32
    %scan3A_26 = arith.constant 53 : i32
    %scan3A_27 = arith.addi %scan3A_25, %scan3A_26 : i32
    %scan3A_28 = arith.constant 1 : i32
    scf.for %scan3A_58 = %scan3A_25 to %scan3A_27 step %scan3A_28  : i32 {
      %mul3A_59 = arith.constant 3 : i32
      %mul3A_60 = arith.muli %mul3A_59, %scan3A_58 : i32
      %add3A_61 = arith.constant 0 : i32
      %add3A_62 = arith.addi %mul3A_60, %add3A_61 : i32
      %dma_wait3A_63 = arith.constant 0 : i32
      %dma_wait3A_64 = tpu.memref_slice %arg7[%add3A_62, %dma_wait3A_63] : memref<162x64xi32, #tpu.memory_space<vmem>> -> memref<1x64xi32, #tpu.memory_space<vmem>>
      %dma_wait3A_65 = tpu.memref_squeeze %dma_wait3A_64 : memref<1x64xi32, #tpu.memory_space<vmem>> -> memref<64xi32, #tpu.memory_space<vmem>>
      %dma_wait3A_66 = arith.constant 0 : i32
      %dma_wait3A_67 = arith.constant 0 : i32
      %dma_wait3A_68 = tpu.memref_slice %arg2[%dma_wait3A_66, %dma_wait3A_67] : memref<10112x8xf32, #tpu.memory_space<hbm>> -> memref<10112x8xf32, #tpu.memory_space<hbm>>
      tpu.wait_indirect_dma semaphore(%arg13 : memref<!tpu.dma_semaphore, #tpu.memory_space<semaphore_mem>>) src(%dma_wait3A_68 : memref<10112x8xf32, #tpu.memory_space<hbm>>) dst(%arg9 : memref<64x8xf32, #tpu.memory_space<vmem>>)
      %add3A_69 = arith.constant 0 : i32
      %add3A_70 = arith.addi %mul3A_60, %add3A_69 : i32
      "tpu.region"() ({
        %run_scoped3A = tpu.sem_alloc : memref<!tpu.dma_semaphore, #tpu.memory_space<semaphore_mem>>
        %dma_start3A_121 = arith.constant 0 : i32
        %dma_start3A_122 = tpu.memref_slice %arg8[%add3A_70, %dma_start3A_121] : memref<162x64xi32, #tpu.memory_space<vmem>> -> memref<1x64xi32, #tpu.memory_space<vmem>>
        %dma_start3A_123 = tpu.memref_squeeze %dma_start3A_122 : memref<1x64xi32, #tpu.memory_space<vmem>> -> memref<64xi32, #tpu.memory_space<vmem>>
        %dma_start3A_124 = arith.constant 0 : i32
        %dma_start3A_125 = arith.constant 0 : i32
        %dma_start3A_126 = tpu.memref_slice %arg12[%dma_start3A_124, %dma_start3A_125] : memref<10112x8xf32, #tpu.memory_space<vmem_shared>> -> memref<10112x8xf32, #tpu.memory_space<vmem_shared>>
        tpu.enqueue_indirect_dma source(%arg9 : memref<64x8xf32, #tpu.memory_space<vmem>>) target(%dma_start3A_126 : memref<10112x8xf32, #tpu.memory_space<vmem_shared>>) offsets(%dma_start3A_123 : memref<64xi32, #tpu.memory_space<vmem>>) semaphore(%run_scoped3A : memref<!tpu.dma_semaphore, #tpu.memory_space<semaphore_mem>>) {add = true}
        %dma_wait3A_127 = arith.constant 0 : i32
        %dma_wait3A_128 = tpu.memref_slice %arg8[%add3A_70, %dma_wait3A_127] : memref<162x64xi32, #tpu.memory_space<vmem>> -> memref<1x64xi32, #tpu.memory_space<vmem>>
        %dma_wait3A_129 = tpu.memref_squeeze %dma_wait3A_128 : memref<1x64xi32, #tpu.memory_space<vmem>> -> memref<64xi32, #tpu.memory_space<vmem>>
        %dma_wait3A_130 = arith.constant 0 : i32
        %dma_wait3A_131 = arith.constant 0 : i32
        %dma_wait3A_132 = tpu.memref_slice %arg12[%dma_wait3A_130, %dma_wait3A_131] : memref<10112x8xf32, #tpu.memory_space<vmem_shared>> -> memref<10112x8xf32, #tpu.memory_space<vmem_shared>>
        tpu.wait_indirect_dma semaphore(%run_scoped3A : memref<!tpu.dma_semaphore, #tpu.memory_space<semaphore_mem>>) src(%arg9 : memref<64x8xf32, #tpu.memory_space<vmem>>) dst(%dma_wait3A_132 : memref<10112x8xf32, #tpu.memory_space<vmem_shared>>)
        tpu.yield
      }) : () -> ()
      %add3A_71 = arith.constant 3 : i32
      %add3A_72 = arith.addi %mul3A_60, %add3A_71 : i32
      %add3A_73 = arith.constant 0 : i32
      %add3A_74 = arith.addi %add3A_72, %add3A_73 : i32
      %dma_start3A_75 = arith.constant 0 : i32
      %dma_start3A_76 = tpu.memref_slice %arg7[%add3A_74, %dma_start3A_75] : memref<162x64xi32, #tpu.memory_space<vmem>> -> memref<1x64xi32, #tpu.memory_space<vmem>>
      %dma_start3A_77 = tpu.memref_squeeze %dma_start3A_76 : memref<1x64xi32, #tpu.memory_space<vmem>> -> memref<64xi32, #tpu.memory_space<vmem>>
      %dma_start3A_78 = arith.constant 0 : i32
      %dma_start3A_79 = arith.constant 0 : i32
      %dma_start3A_80 = tpu.memref_slice %arg2[%dma_start3A_78, %dma_start3A_79] : memref<10112x8xf32, #tpu.memory_space<hbm>> -> memref<10112x8xf32, #tpu.memory_space<hbm>>
      tpu.enqueue_indirect_dma source(%dma_start3A_80 : memref<10112x8xf32, #tpu.memory_space<hbm>>) target(%arg9 : memref<64x8xf32, #tpu.memory_space<vmem>>) offsets(%dma_start3A_77 : memref<64xi32, #tpu.memory_space<vmem>>) semaphore(%arg13 : memref<!tpu.dma_semaphore, #tpu.memory_space<semaphore_mem>>)
      %add3A_81 = arith.constant 1 : i32
      %add3A_82 = arith.addi %mul3A_60, %add3A_81 : i32
      %dma_wait3A_83 = arith.constant 0 : i32
      %dma_wait3A_84 = tpu.memref_slice %arg7[%add3A_82, %dma_wait3A_83] : memref<162x64xi32, #tpu.memory_space<vmem>> -> memref<1x64xi32, #tpu.memory_space<vmem>>
      %dma_wait3A_85 = tpu.memref_squeeze %dma_wait3A_84 : memref<1x64xi32, #tpu.memory_space<vmem>> -> memref<64xi32, #tpu.memory_space<vmem>>
      %dma_wait3A_86 = arith.constant 0 : i32
      %dma_wait3A_87 = arith.constant 0 : i32
      %dma_wait3A_88 = tpu.memref_slice %arg2[%dma_wait3A_86, %dma_wait3A_87] : memref<10112x8xf32, #tpu.memory_space<hbm>> -> memref<10112x8xf32, #tpu.memory_space<hbm>>
      tpu.wait_indirect_dma semaphore(%arg14 : memref<!tpu.dma_semaphore, #tpu.memory_space<semaphore_mem>>) src(%dma_wait3A_88 : memref<10112x8xf32, #tpu.memory_space<hbm>>) dst(%arg10 : memref<64x8xf32, #tpu.memory_space<vmem>>)
      %add3A_89 = arith.constant 1 : i32
      %add3A_90 = arith.addi %mul3A_60, %add3A_89 : i32
      "tpu.region"() ({
        %run_scoped3A = tpu.sem_alloc : memref<!tpu.dma_semaphore, #tpu.memory_space<semaphore_mem>>
        %dma_start3A_121 = arith.constant 0 : i32
        %dma_start3A_122 = tpu.memref_slice %arg8[%add3A_90, %dma_start3A_121] : memref<162x64xi32, #tpu.memory_space<vmem>> -> memref<1x64xi32, #tpu.memory_space<vmem>>
        %dma_start3A_123 = tpu.memref_squeeze %dma_start3A_122 : memref<1x64xi32, #tpu.memory_space<vmem>> -> memref<64xi32, #tpu.memory_space<vmem>>
        %dma_start3A_124 = arith.constant 0 : i32
        %dma_start3A_125 = arith.constant 0 : i32
        %dma_start3A_126 = tpu.memref_slice %arg12[%dma_start3A_124, %dma_start3A_125] : memref<10112x8xf32, #tpu.memory_space<vmem_shared>> -> memref<10112x8xf32, #tpu.memory_space<vmem_shared>>
        tpu.enqueue_indirect_dma source(%arg10 : memref<64x8xf32, #tpu.memory_space<vmem>>) target(%dma_start3A_126 : memref<10112x8xf32, #tpu.memory_space<vmem_shared>>) offsets(%dma_start3A_123 : memref<64xi32, #tpu.memory_space<vmem>>) semaphore(%run_scoped3A : memref<!tpu.dma_semaphore, #tpu.memory_space<semaphore_mem>>) {add = true}
        %dma_wait3A_127 = arith.constant 0 : i32
        %dma_wait3A_128 = tpu.memref_slice %arg8[%add3A_90, %dma_wait3A_127] : memref<162x64xi32, #tpu.memory_space<vmem>> -> memref<1x64xi32, #tpu.memory_space<vmem>>
        %dma_wait3A_129 = tpu.memref_squeeze %dma_wait3A_128 : memref<1x64xi32, #tpu.memory_space<vmem>> -> memref<64xi32, #tpu.memory_space<vmem>>
        %dma_wait3A_130 = arith.constant 0 : i32
        %dma_wait3A_131 = arith.constant 0 : i32
        %dma_wait3A_132 = tpu.memref_slice %arg12[%dma_wait3A_130, %dma_wait3A_131] : memref<10112x8xf32, #tpu.memory_space<vmem_shared>> -> memref<10112x8xf32, #tpu.memory_space<vmem_shared>>
        tpu.wait_indirect_dma semaphore(%run_scoped3A : memref<!tpu.dma_semaphore, #tpu.memory_space<semaphore_mem>>) src(%arg10 : memref<64x8xf32, #tpu.memory_space<vmem>>) dst(%dma_wait3A_132 : memref<10112x8xf32, #tpu.memory_space<vmem_shared>>)
        tpu.yield
      }) : () -> ()
      %add3A_91 = arith.constant 3 : i32
      %add3A_92 = arith.addi %mul3A_60, %add3A_91 : i32
      %add3A_93 = arith.constant 1 : i32
      %add3A_94 = arith.addi %add3A_92, %add3A_93 : i32
      %dma_start3A_95 = arith.constant 0 : i32
      %dma_start3A_96 = tpu.memref_slice %arg7[%add3A_94, %dma_start3A_95] : memref<162x64xi32, #tpu.memory_space<vmem>> -> memref<1x64xi32, #tpu.memory_space<vmem>>
      %dma_start3A_97 = tpu.memref_squeeze %dma_start3A_96 : memref<1x64xi32, #tpu.memory_space<vmem>> -> memref<64xi32, #tpu.memory_space<vmem>>
      %dma_start3A_98 = arith.constant 0 : i32
      %dma_start3A_99 = arith.constant 0 : i32
      %dma_start3A_100 = tpu.memref_slice %arg2[%dma_start3A_98, %dma_start3A_99] : memref<10112x8xf32, #tpu.memory_space<hbm>> -> memref<10112x8xf32, #tpu.memory_space<hbm>>
      tpu.enqueue_indirect_dma source(%dma_start3A_100 : memref<10112x8xf32, #tpu.memory_space<hbm>>) target(%arg10 : memref<64x8xf32, #tpu.memory_space<vmem>>) offsets(%dma_start3A_97 : memref<64xi32, #tpu.memory_space<vmem>>) semaphore(%arg14 : memref<!tpu.dma_semaphore, #tpu.memory_space<semaphore_mem>>)
      %add3A_101 = arith.constant 2 : i32
      %add3A_102 = arith.addi %mul3A_60, %add3A_101 : i32
      %dma_wait3A_103 = arith.constant 0 : i32
      %dma_wait3A_104 = tpu.memref_slice %arg7[%add3A_102, %dma_wait3A_103] : memref<162x64xi32, #tpu.memory_space<vmem>> -> memref<1x64xi32, #tpu.memory_space<vmem>>
      %dma_wait3A_105 = tpu.memref_squeeze %dma_wait3A_104 : memref<1x64xi32, #tpu.memory_space<vmem>> -> memref<64xi32, #tpu.memory_space<vmem>>
      %dma_wait3A_106 = arith.constant 0 : i32
      %dma_wait3A_107 = arith.constant 0 : i32
      %dma_wait3A_108 = tpu.memref_slice %arg2[%dma_wait3A_106, %dma_wait3A_107] : memref<10112x8xf32, #tpu.memory_space<hbm>> -> memref<10112x8xf32, #tpu.memory_space<hbm>>
      tpu.wait_indirect_dma semaphore(%arg15 : memref<!tpu.dma_semaphore, #tpu.memory_space<semaphore_mem>>) src(%dma_wait3A_108 : memref<10112x8xf32, #tpu.memory_space<hbm>>) dst(%arg11 : memref<64x8xf32, #tpu.memory_space<vmem>>)
      %add3A_109 = arith.constant 2 : i32
      %add3A_110 = arith.addi %mul3A_60, %add3A_109 : i32
      "tpu.region"() ({
        %run_scoped3A = tpu.sem_alloc : memref<!tpu.dma_semaphore, #tpu.memory_space<semaphore_mem>>
        %dma_start3A_121 = arith.constant 0 : i32
        %dma_start3A_122 = tpu.memref_slice %arg8[%add3A_110, %dma_start3A_121] : memref<162x64xi32, #tpu.memory_space<vmem>> -> memref<1x64xi32, #tpu.memory_space<vmem>>
        %dma_start3A_123 = tpu.memref_squeeze %dma_start3A_122 : memref<1x64xi32, #tpu.memory_space<vmem>> -> memref<64xi32, #tpu.memory_space<vmem>>
        %dma_start3A_124 = arith.constant 0 : i32
        %dma_start3A_125 = arith.constant 0 : i32
        %dma_start3A_126 = tpu.memref_slice %arg12[%dma_start3A_124, %dma_start3A_125] : memref<10112x8xf32, #tpu.memory_space<vmem_shared>> -> memref<10112x8xf32, #tpu.memory_space<vmem_shared>>
        tpu.enqueue_indirect_dma source(%arg11 : memref<64x8xf32, #tpu.memory_space<vmem>>) target(%dma_start3A_126 : memref<10112x8xf32, #tpu.memory_space<vmem_shared>>) offsets(%dma_start3A_123 : memref<64xi32, #tpu.memory_space<vmem>>) semaphore(%run_scoped3A : memref<!tpu.dma_semaphore, #tpu.memory_space<semaphore_mem>>) {add = true}
        %dma_wait3A_127 = arith.constant 0 : i32
        %dma_wait3A_128 = tpu.memref_slice %arg8[%add3A_110, %dma_wait3A_127] : memref<162x64xi32, #tpu.memory_space<vmem>> -> memref<1x64xi32, #tpu.memory_space<vmem>>
        %dma_wait3A_129 = tpu.memref_squeeze %dma_wait3A_128 : memref<1x64xi32, #tpu.memory_space<vmem>> -> memref<64xi32, #tpu.memory_space<vmem>>
        %dma_wait3A_130 = arith.constant 0 : i32
        %dma_wait3A_131 = arith.constant 0 : i32
        %dma_wait3A_132 = tpu.memref_slice %arg12[%dma_wait3A_130, %dma_wait3A_131] : memref<10112x8xf32, #tpu.memory_space<vmem_shared>> -> memref<10112x8xf32, #tpu.memory_space<vmem_shared>>
        tpu.wait_indirect_dma semaphore(%run_scoped3A : memref<!tpu.dma_semaphore, #tpu.memory_space<semaphore_mem>>) src(%arg11 : memref<64x8xf32, #tpu.memory_space<vmem>>) dst(%dma_wait3A_132 : memref<10112x8xf32, #tpu.memory_space<vmem_shared>>)
        tpu.yield
      }) : () -> ()
      %add3A_111 = arith.constant 3 : i32
      %add3A_112 = arith.addi %mul3A_60, %add3A_111 : i32
      %add3A_113 = arith.constant 2 : i32
      %add3A_114 = arith.addi %add3A_112, %add3A_113 : i32
      %dma_start3A_115 = arith.constant 0 : i32
      %dma_start3A_116 = tpu.memref_slice %arg7[%add3A_114, %dma_start3A_115] : memref<162x64xi32, #tpu.memory_space<vmem>> -> memref<1x64xi32, #tpu.memory_space<vmem>>
      %dma_start3A_117 = tpu.memref_squeeze %dma_start3A_116 : memref<1x64xi32, #tpu.memory_space<vmem>> -> memref<64xi32, #tpu.memory_space<vmem>>
      %dma_start3A_118 = arith.constant 0 : i32
      %dma_start3A_119 = arith.constant 0 : i32
      %dma_start3A_120 = tpu.memref_slice %arg2[%dma_start3A_118, %dma_start3A_119] : memref<10112x8xf32, #tpu.memory_space<hbm>> -> memref<10112x8xf32, #tpu.memory_space<hbm>>
      tpu.enqueue_indirect_dma source(%dma_start3A_120 : memref<10112x8xf32, #tpu.memory_space<hbm>>) target(%arg11 : memref<64x8xf32, #tpu.memory_space<vmem>>) offsets(%dma_start3A_117 : memref<64xi32, #tpu.memory_space<vmem>>) semaphore(%arg15 : memref<!tpu.dma_semaphore, #tpu.memory_space<semaphore_mem>>)
    }
    %scan3A_29 = arith.constant 53 : i32
    %dma_wait3A = arith.constant 159 : i32
    %dma_wait3A_30 = arith.constant 0 : i32
    %dma_wait3A_31 = tpu.memref_slice %arg7[%dma_wait3A, %dma_wait3A_30] : memref<162x64xi32, #tpu.memory_space<vmem>> -> memref<1x64xi32, #tpu.memory_space<vmem>>
    %dma_wait3A_32 = tpu.memref_squeeze %dma_wait3A_31 : memref<1x64xi32, #tpu.memory_space<vmem>> -> memref<64xi32, #tpu.memory_space<vmem>>
    %dma_wait3A_33 = arith.constant 0 : i32
    %dma_wait3A_34 = arith.constant 0 : i32
    %dma_wait3A_35 = tpu.memref_slice %arg2[%dma_wait3A_33, %dma_wait3A_34] : memref<10112x8xf32, #tpu.memory_space<hbm>> -> memref<10112x8xf32, #tpu.memory_space<hbm>>
    tpu.wait_indirect_dma semaphore(%arg13 : memref<!tpu.dma_semaphore, #tpu.memory_space<semaphore_mem>>) src(%dma_wait3A_35 : memref<10112x8xf32, #tpu.memory_space<hbm>>) dst(%arg9 : memref<64x8xf32, #tpu.memory_space<vmem>>)
    %dma_wait3A_36 = arith.constant 160 : i32
    %dma_wait3A_37 = arith.constant 0 : i32
    %dma_wait3A_38 = tpu.memref_slice %arg7[%dma_wait3A_36, %dma_wait3A_37] : memref<162x64xi32, #tpu.memory_space<vmem>> -> memref<1x64xi32, #tpu.memory_space<vmem>>
    %dma_wait3A_39 = tpu.memref_squeeze %dma_wait3A_38 : memref<1x64xi32, #tpu.memory_space<vmem>> -> memref<64xi32, #tpu.memory_space<vmem>>
    %dma_wait3A_40 = arith.constant 0 : i32
    %dma_wait3A_41 = arith.constant 0 : i32
    %dma_wait3A_42 = tpu.memref_slice %arg2[%dma_wait3A_40, %dma_wait3A_41] : memref<10112x8xf32, #tpu.memory_space<hbm>> -> memref<10112x8xf32, #tpu.memory_space<hbm>>
    tpu.wait_indirect_dma semaphore(%arg14 : memref<!tpu.dma_semaphore, #tpu.memory_space<semaphore_mem>>) src(%dma_wait3A_42 : memref<10112x8xf32, #tpu.memory_space<hbm>>) dst(%arg10 : memref<64x8xf32, #tpu.memory_space<vmem>>)
    %dma_wait3A_43 = arith.constant 161 : i32
    %dma_wait3A_44 = arith.constant 0 : i32
    %dma_wait3A_45 = tpu.memref_slice %arg7[%dma_wait3A_43, %dma_wait3A_44] : memref<162x64xi32, #tpu.memory_space<vmem>> -> memref<1x64xi32, #tpu.memory_space<vmem>>
    %dma_wait3A_46 = tpu.memref_squeeze %dma_wait3A_45 : memref<1x64xi32, #tpu.memory_space<vmem>> -> memref<64xi32, #tpu.memory_space<vmem>>
    %dma_wait3A_47 = arith.constant 0 : i32
    %dma_wait3A_48 = arith.constant 0 : i32
    %dma_wait3A_49 = tpu.memref_slice %arg2[%dma_wait3A_47, %dma_wait3A_48] : memref<10112x8xf32, #tpu.memory_space<hbm>> -> memref<10112x8xf32, #tpu.memory_space<hbm>>
    tpu.wait_indirect_dma semaphore(%arg15 : memref<!tpu.dma_semaphore, #tpu.memory_space<semaphore_mem>>) src(%dma_wait3A_49 : memref<10112x8xf32, #tpu.memory_space<hbm>>) dst(%arg11 : memref<64x8xf32, #tpu.memory_space<vmem>>)
    %barrier3A_50 = arith.constant 0 : index
    tpu.barrier barrier_id(%barrier3A_50)
    %mul3A_51 = arith.constant 632 : i32
    %mul3A_52 = arith.muli %arg1, %mul3A_51 : i32
    %mul3A_53 = arith.constant 10112 : i32
    %mul3A_54 = arith.muli %arg0, %mul3A_53 : i32
    %mul3A_55 = arith.constant 632 : i32
    %mul3A_56 = arith.muli %arg1, %mul3A_55 : i32
    %add3A_57 = arith.addi %mul3A_54, %mul3A_56 : i32
    "tpu.region"() ({
      %run_scoped3A = tpu.sem_alloc : memref<!tpu.dma_semaphore, #tpu.memory_space<semaphore_mem>>
      %dma_start3A_58 = arith.constant 0 : i32
      %dma_start3A_59 = tpu.memref_slice %arg6[%add3A_57, %dma_start3A_58] : memref<20224x8xf32, #tpu.memory_space<hbm>> -> memref<632x8xf32, #tpu.memory_space<hbm>>
      %dma_start3A_60 = arith.constant 0 : i32
      %dma_start3A_61 = tpu.memref_slice %arg12[%mul3A_52, %dma_start3A_60] : memref<10112x8xf32, #tpu.memory_space<vmem_shared>> -> memref<632x8xf32, #tpu.memory_space<vmem_shared>>
      tpu.enqueue_dma source(%dma_start3A_61 : memref<632x8xf32, #tpu.memory_space<vmem_shared>>) target(%dma_start3A_59 : memref<632x8xf32, #tpu.memory_space<hbm>>) target_semaphore(%run_scoped3A : memref<!tpu.dma_semaphore, #tpu.memory_space<semaphore_mem>>)
      %dma_wait3A_62 = arith.constant 0 : i32
      %dma_wait3A_63 = tpu.memref_slice %arg6[%add3A_57, %dma_wait3A_62] : memref<20224x8xf32, #tpu.memory_space<hbm>> -> memref<632x8xf32, #tpu.memory_space<hbm>>
      %dma_wait3A_64 = arith.constant 0 : i32
      %dma_wait3A_65 = tpu.memref_slice %arg12[%mul3A_52, %dma_wait3A_64] : memref<10112x8xf32, #tpu.memory_space<vmem_shared>> -> memref<632x8xf32, #tpu.memory_space<vmem_shared>>
      tpu.wait_dma2 semaphore(%run_scoped3A : memref<!tpu.dma_semaphore, #tpu.memory_space<semaphore_mem>>) src(%dma_wait3A_65 : memref<632x8xf32, #tpu.memory_space<vmem_shared>>) dst(%dma_wait3A_63 : memref<632x8xf32, #tpu.memory_space<hbm>>)
      tpu.yield
    }) : () -> ()
    return
  }
}

module attributes {stable_mosaic.version = 14 : i64} {
  func.func @_prep1_body(%arg0: i32, %arg1: memref<1264x8xf32, #tpu.memory_space<vmem>>, %arg2: memref<1264x8xf32, #tpu.memory_space<vmem>>, %arg3: memref<1264x128xf32, #tpu.memory_space<vmem>>, %arg4: memref<128x64xf32, #tpu.memory_space<vmem>>, %arg5: memref<1264x16xf32, #tpu.memory_space<vmem>>, %arg6: memref<1264x16xf32, #tpu.memory_space<vmem>>, %arg7: memref<1264x16xf32, #tpu.memory_space<vmem>>, %arg8: memref<1264x16xf32, #tpu.memory_space<vmem>>, %arg9: memref<1264x16xf32, #tpu.memory_space<vmem>>, %arg10: memref<1264x16xf32, #tpu.memory_space<vmem>>, %arg11: memref<1264x16xf32, #tpu.memory_space<vmem>>, %arg12: memref<1264x8xf32, #tpu.memory_space<vmem>>, %arg13: memref<1264x8xf32, #tpu.memory_space<vmem>>) attributes {dimension_semantics = [#tpu.dimension_semantics<arbitrary>], iteration_bounds = array<i64: 8>, scalar_prefetch = 0 : i64, scratch_operands = 0 : i64, tpu.core_type = #tpu.core_type<tc>, window_params = [{transform_indices = @transform_0, window_bounds = array<i64: 1264, 8>}, {transform_indices = @transform_1, window_bounds = array<i64: 1264, 8>}, {transform_indices = @transform_2, window_bounds = array<i64: 1264, 128>}, {pipeline_mode = #tpu.pipeline_mode<synchronous>, transform_indices = @transform_3, window_bounds = array<i64: 128, 64>}, {transform_indices = @transform_4, window_bounds = array<i64: 1264, 16>}, {transform_indices = @transform_5, window_bounds = array<i64: 1264, 16>}, {transform_indices = @transform_6, window_bounds = array<i64: 1264, 16>}, {transform_indices = @transform_7, window_bounds = array<i64: 1264, 16>}, {transform_indices = @transform_8, window_bounds = array<i64: 1264, 16>}, {transform_indices = @transform_9, window_bounds = array<i64: 1264, 16>}, {transform_indices = @transform_10, window_bounds = array<i64: 1264, 16>}, {transform_indices = @transform_11, window_bounds = array<i64: 1264, 8>}, {transform_indices = @transform_12, window_bounds = array<i64: 1264, 8>}]} {
    %get3A = arith.constant 0 : index
    %get3A_0 = arith.constant 0 : index
    %get3A_1 = vector.load %arg1[%get3A, %get3A_0] : memref<1264x8xf32, #tpu.memory_space<vmem>>, vector<1264x8xf32>
    %get3A_2 = arith.constant 0 : index
    %get3A_3 = arith.constant 0 : index
    %get3A_4 = vector.load %arg2[%get3A_2, %get3A_3] : memref<1264x8xf32, #tpu.memory_space<vmem>>, vector<1264x8xf32>
    %add3A = arith.addf %get3A_1, %get3A_4 : vector<1264x8xf32>
    %gt3A = arith.constant 0.000000e+00 : f32
    %gt3A_5 = vector.broadcast %gt3A : f32 to vector<1264x8xf32>
    %gt3A_6 = arith.cmpf ogt, %add3A, %gt3A_5 : vector<1264x8xf32>
    %max3A = arith.constant 9.99999996E-13 : f32
    %max3A_7 = vector.broadcast %max3A : f32 to vector<1264x8xf32>
    %max3A_8 = arith.maximumf %add3A, %max3A_7 : vector<1264x8xf32>
    %rsqrt3A = math.rsqrt %max3A_8 : vector<1264x8xf32>
    %jit3A = arith.constant 0.000000e+00 : f32
    %broadcast_in_dim3A = vector.broadcast %jit3A : f32 to vector<1264x8xf32>
    %select_n3A = arith.select %gt3A_6, %rsqrt3A, %broadcast_in_dim3A : vector<1264x8xi1>, vector<1264x8xf32>
    %concatenate3A = tpu.concatenate %select_n3A, %select_n3A in 1 : vector<1264x8xf32>, vector<1264x8xf32> -> vector<1264x16xf32>
    %get3A_9 = arith.constant 0 : index
    %get3A_10 = arith.constant 0 : index
    %get3A_11 = vector.load %arg3[%get3A_9, %get3A_10] : memref<1264x128xf32, #tpu.memory_space<vmem>>, vector<1264x128xf32>
    %get3A_12 = arith.constant 0 : index
    %get3A_13 = arith.constant 0 : index
    %get3A_14 = vector.load %arg4[%get3A_12, %get3A_13] : memref<128x64xf32, #tpu.memory_space<vmem>>, vector<128x64xf32>
    %dot_general3A = arith.constant dense<0.000000e+00> : vector<1264x64xf32>
    %dot_general3A_15 = tpu.matmul %get3A_11, %get3A_14, %dot_general3A {dimension_numbers = #tpu.dot_dimension_numbers<[1], [0], [0], [1], [0, 0, 1, 1], [], []>, transpose_lhs_hint = false} : vector<1264x128xf32>, vector<128x64xf32>, vector<1264x64xf32> -> vector<1264x64xf32>
    %slice3A = vector.extract_strided_slice %dot_general3A_15 {offsets = [0, 48], sizes = [1264, 16], strides = [1, 1]} : vector<1264x64xf32> to vector<1264x16xf32>
    %mul3A = arith.mulf %concatenate3A, %slice3A : vector<1264x16xf32>
    %swap3A = arith.constant 0 : index
    %swap3A_16 = arith.constant 0 : index
    %swap3A_17 = vector.load %arg6[%swap3A, %swap3A_16] : memref<1264x16xf32, #tpu.memory_space<vmem>>, vector<1264x16xf32>
    tpu.vector_store %arg6[%swap3A, %swap3A_16], %mul3A {strides = array<i32>} : memref<1264x16xf32, #tpu.memory_space<vmem>>, vector<1264x16xf32>,
    %slice3A_18 = vector.extract_strided_slice %dot_general3A_15 {offsets = [0, 32], sizes = [1264, 16], strides = [1, 1]} : vector<1264x64xf32> to vector<1264x16xf32>
    %mul3A_19 = arith.mulf %concatenate3A, %slice3A_18 : vector<1264x16xf32>
    %swap3A_20 = arith.constant 0 : index
    %swap3A_21 = arith.constant 0 : index
    %swap3A_22 = vector.load %arg7[%swap3A_20, %swap3A_21] : memref<1264x16xf32, #tpu.memory_space<vmem>>, vector<1264x16xf32>
    tpu.vector_store %arg7[%swap3A_20, %swap3A_21], %mul3A_19 {strides = array<i32>} : memref<1264x16xf32, #tpu.memory_space<vmem>>, vector<1264x16xf32>,
    %slice3A_23 = vector.extract_strided_slice %dot_general3A_15 {offsets = [0, 16], sizes = [1264, 16], strides = [1, 1]} : vector<1264x64xf32> to vector<1264x16xf32>
    %mul3A_24 = arith.mulf %concatenate3A, %slice3A_23 : vector<1264x16xf32>
    %swap3A_25 = arith.constant 0 : index
    %swap3A_26 = arith.constant 0 : index
    %swap3A_27 = vector.load %arg8[%swap3A_25, %swap3A_26] : memref<1264x16xf32, #tpu.memory_space<vmem>>, vector<1264x16xf32>
    tpu.vector_store %arg8[%swap3A_25, %swap3A_26], %mul3A_24 {strides = array<i32>} : memref<1264x16xf32, #tpu.memory_space<vmem>>, vector<1264x16xf32>,
    %slice3A_28 = vector.extract_strided_slice %dot_general3A_15 {offsets = [0, 0], sizes = [1264, 16], strides = [1, 1]} : vector<1264x64xf32> to vector<1264x16xf32>
    %get3A_29 = arith.constant 0 : index
    %get3A_30 = arith.constant 0 : index
    %get3A_31 = vector.load %arg5[%get3A_29, %get3A_30] : memref<1264x16xf32, #tpu.memory_space<vmem>>, vector<1264x16xf32>
    %add3A_32 = arith.addf %slice3A_28, %get3A_31 : vector<1264x16xf32>
    %swap3A_33 = arith.constant 0 : index
    %swap3A_34 = arith.constant 0 : index
    %swap3A_35 = vector.load %arg9[%swap3A_33, %swap3A_34] : memref<1264x16xf32, #tpu.memory_space<vmem>>, vector<1264x16xf32>
    tpu.vector_store %arg9[%swap3A_33, %swap3A_34], %add3A_32 {strides = array<i32>} : memref<1264x16xf32, #tpu.memory_space<vmem>>, vector<1264x16xf32>,
    %swap3A_36 = arith.constant 0 : index
    %swap3A_37 = arith.constant 0 : index
    %swap3A_38 = vector.load %arg10[%swap3A_36, %swap3A_37] : memref<1264x16xf32, #tpu.memory_space<vmem>>, vector<1264x16xf32>
    tpu.vector_store %arg10[%swap3A_36, %swap3A_37], %concatenate3A {strides = array<i32>} : memref<1264x16xf32, #tpu.memory_space<vmem>>, vector<1264x16xf32>,
    %mul3A_39 = arith.mulf %concatenate3A, %concatenate3A : vector<1264x16xf32>
    %swap3A_40 = arith.constant 0 : index
    %swap3A_41 = arith.constant 0 : index
    %swap3A_42 = vector.load %arg11[%swap3A_40, %swap3A_41] : memref<1264x16xf32, #tpu.memory_space<vmem>>, vector<1264x16xf32>
    tpu.vector_store %arg11[%swap3A_40, %swap3A_41], %mul3A_39 {strides = array<i32>} : memref<1264x16xf32, #tpu.memory_space<vmem>>, vector<1264x16xf32>,
    %swap3A_43 = arith.constant 0 : index
    %swap3A_44 = arith.constant 0 : index
    %swap3A_45 = vector.load %arg12[%swap3A_43, %swap3A_44] : memref<1264x8xf32, #tpu.memory_space<vmem>>, vector<1264x8xf32>
    tpu.vector_store %arg12[%swap3A_43, %swap3A_44], %select_n3A {strides = array<i32>} : memref<1264x8xf32, #tpu.memory_space<vmem>>, vector<1264x8xf32>,
    %mul3A_46 = arith.mulf %select_n3A, %select_n3A : vector<1264x8xf32>
    %swap3A_47 = arith.constant 0 : index
    %swap3A_48 = arith.constant 0 : index
    %swap3A_49 = vector.load %arg13[%swap3A_47, %swap3A_48] : memref<1264x8xf32, #tpu.memory_space<vmem>>, vector<1264x8xf32>
    tpu.vector_store %arg13[%swap3A_47, %swap3A_48], %mul3A_46 {strides = array<i32>} : memref<1264x8xf32, #tpu.memory_space<vmem>>, vector<1264x8xf32>,
    return
  }
  func.func @transform_0(%arg0: i32) -> (i32, i32) {
    %c0_i32 = arith.constant 0 : i32
    %c0_i32_0 = arith.constant 0 : i32
    return %arg0, %c0_i32 : i32, i32
  }
  func.func @transform_1(%arg0: i32) -> (i32, i32) {
    %c0_i32 = arith.constant 0 : i32
    %c0_i32_0 = arith.constant 0 : i32
    return %arg0, %c0_i32 : i32, i32
  }
  func.func @transform_2(%arg0: i32) -> (i32, i32) {
    %c0_i32 = arith.constant 0 : i32
    %c0_i32_0 = arith.constant 0 : i32
    return %arg0, %c0_i32 : i32, i32
  }
  func.func @transform_3(%arg0: i32) -> (i32, i32) {
    %c0_i32 = arith.constant 0 : i32
    %c0_i32_0 = arith.constant 0 : i32
    %c0_i32_1 = arith.constant 0 : i32
    return %c0_i32, %c0_i32_0 : i32, i32
  }
  func.func @transform_4(%arg0: i32) -> (i32, i32) {
    %c0_i32 = arith.constant 0 : i32
    %c0_i32_0 = arith.constant 0 : i32
    return %arg0, %c0_i32 : i32, i32
  }
  func.func @transform_5(%arg0: i32) -> (i32, i32) {
    %c0_i32 = arith.constant 0 : i32
    %c0_i32_0 = arith.constant 0 : i32
    return %arg0, %c0_i32 : i32, i32
  }
  func.func @transform_6(%arg0: i32) -> (i32, i32) {
    %c0_i32 = arith.constant 0 : i32
    %c0_i32_0 = arith.constant 0 : i32
    return %arg0, %c0_i32 : i32, i32
  }
  func.func @transform_7(%arg0: i32) -> (i32, i32) {
    %c0_i32 = arith.constant 0 : i32
    %c0_i32_0 = arith.constant 0 : i32
    return %arg0, %c0_i32 : i32, i32
  }
  func.func @transform_8(%arg0: i32) -> (i32, i32) {
    %c0_i32 = arith.constant 0 : i32
    %c0_i32_0 = arith.constant 0 : i32
    return %arg0, %c0_i32 : i32, i32
  }
  func.func @transform_9(%arg0: i32) -> (i32, i32) {
    %c0_i32 = arith.constant 0 : i32
    %c0_i32_0 = arith.constant 0 : i32
    return %arg0, %c0_i32 : i32, i32
  }
  func.func @transform_10(%arg0: i32) -> (i32, i32) {
    %c0_i32 = arith.constant 0 : i32
    %c0_i32_0 = arith.constant 0 : i32
    return %arg0, %c0_i32 : i32, i32
  }
  func.func @transform_11(%arg0: i32) -> (i32, i32) {
    %c0_i32 = arith.constant 0 : i32
    %c0_i32_0 = arith.constant 0 : i32
    return %arg0, %c0_i32 : i32, i32
  }
  func.func @transform_12(%arg0: i32) -> (i32, i32) {
    %c0_i32 = arith.constant 0 : i32
    %c0_i32_0 = arith.constant 0 : i32
    return %arg0, %c0_i32 : i32, i32
  }
}

module attributes {stable_mosaic.version = 14 : i64} {
  func.func @_mid_body(%arg0: i32, %arg1: memref<1264x16xf32, #tpu.memory_space<vmem>>, %arg2: memref<1264x16xf32, #tpu.memory_space<vmem>>, %arg3: memref<1264x16xf32, #tpu.memory_space<vmem>>, %arg4: memref<1264x16xf32, #tpu.memory_space<vmem>>, %arg5: memref<1264x16xf32, #tpu.memory_space<vmem>>) attributes {dimension_semantics = [#tpu.dimension_semantics<arbitrary>], iteration_bounds = array<i64: 8>, scalar_prefetch = 0 : i64, scratch_operands = 0 : i64, tpu.core_type = #tpu.core_type<tc>, window_params = [{transform_indices = @transform_0, window_bounds = array<i64: 1264, 16>}, {transform_indices = @transform_1, window_bounds = array<i64: 1264, 16>}, {transform_indices = @transform_2, window_bounds = array<i64: 1264, 16>}, {transform_indices = @transform_3, window_bounds = array<i64: 1264, 16>}, {transform_indices = @transform_4, window_bounds = array<i64: 1264, 16>}]} {
    %get3A = arith.constant 0 : index
    %get3A_0 = arith.constant 0 : index
    %get3A_1 = vector.load %arg3[%get3A, %get3A_0] : memref<1264x16xf32, #tpu.memory_space<vmem>>, vector<1264x16xf32>
    %get3A_2 = arith.constant 0 : index
    %get3A_3 = arith.constant 0 : index
    %get3A_4 = vector.load %arg4[%get3A_2, %get3A_3] : memref<1264x16xf32, #tpu.memory_space<vmem>>, vector<1264x16xf32>
    %get3A_5 = arith.constant 0 : index
    %get3A_6 = arith.constant 0 : index
    %get3A_7 = vector.load %arg1[%get3A_5, %get3A_6] : memref<1264x16xf32, #tpu.memory_space<vmem>>, vector<1264x16xf32>
    %get3A_8 = arith.constant 0 : index
    %get3A_9 = arith.constant 0 : index
    %get3A_10 = vector.load %arg2[%get3A_8, %get3A_9] : memref<1264x16xf32, #tpu.memory_space<vmem>>, vector<1264x16xf32>
    %add3A = arith.addf %get3A_7, %get3A_10 : vector<1264x16xf32>
    %mul3A = arith.mulf %get3A_4, %add3A : vector<1264x16xf32>
    %add3A_11 = arith.addf %get3A_1, %mul3A : vector<1264x16xf32>
    %swap3A = arith.constant 0 : index
    %swap3A_12 = arith.constant 0 : index
    %swap3A_13 = vector.load %arg5[%swap3A, %swap3A_12] : memref<1264x16xf32, #tpu.memory_space<vmem>>, vector<1264x16xf32>
    tpu.vector_store %arg5[%swap3A, %swap3A_12], %add3A_11 {strides = array<i32>} : memref<1264x16xf32, #tpu.memory_space<vmem>>, vector<1264x16xf32>,
    return
  }
  func.func @transform_0(%arg0: i32) -> (i32, i32) {
    %c0_i32 = arith.constant 0 : i32
    %c0_i32_0 = arith.constant 0 : i32
    return %arg0, %c0_i32 : i32, i32
  }
  func.func @transform_1(%arg0: i32) -> (i32, i32) {
    %c0_i32 = arith.constant 0 : i32
    %c0_i32_0 = arith.constant 0 : i32
    return %arg0, %c0_i32 : i32, i32
  }
  func.func @transform_2(%arg0: i32) -> (i32, i32) {
    %c0_i32 = arith.constant 0 : i32
    %c0_i32_0 = arith.constant 0 : i32
    return %arg0, %c0_i32 : i32, i32
  }
  func.func @transform_3(%arg0: i32) -> (i32, i32) {
    %c0_i32 = arith.constant 0 : i32
    %c0_i32_0 = arith.constant 0 : i32
    return %arg0, %c0_i32 : i32, i32
  }
  func.func @transform_4(%arg0: i32) -> (i32, i32) {
    %c0_i32 = arith.constant 0 : i32
    %c0_i32_0 = arith.constant 0 : i32
    return %arg0, %c0_i32 : i32, i32
  }
}

module attributes {stable_mosaic.version = 14 : i64} {
  func.func @_l2prep_body(%arg0: i32, %arg1: memref<1264x16xf32, #tpu.memory_space<vmem>>, %arg2: memref<1264x16xf32, #tpu.memory_space<vmem>>, %arg3: memref<1264x16xf32, #tpu.memory_space<vmem>>, %arg4: memref<1264x16xf32, #tpu.memory_space<vmem>>, %arg5: memref<1264x8xf32, #tpu.memory_space<vmem>>, %arg6: memref<16x2xf32, #tpu.memory_space<vmem>>, %arg7: memref<16x24xf32, #tpu.memory_space<vmem>>, %arg8: memref<1264x8xf32, #tpu.memory_space<vmem>>, %arg9: memref<1264x8xf32, #tpu.memory_space<vmem>>, %arg10: memref<1264x8xf32, #tpu.memory_space<vmem>>, %arg11: memref<1264x2xf32, #tpu.memory_space<vmem>>) attributes {dimension_semantics = [#tpu.dimension_semantics<arbitrary>], iteration_bounds = array<i64: 8>, scalar_prefetch = 0 : i64, scratch_operands = 0 : i64, tpu.core_type = #tpu.core_type<tc>, window_params = [{transform_indices = @transform_0, window_bounds = array<i64: 1264, 16>}, {transform_indices = @transform_1, window_bounds = array<i64: 1264, 16>}, {transform_indices = @transform_2, window_bounds = array<i64: 1264, 16>}, {transform_indices = @transform_3, window_bounds = array<i64: 1264, 16>}, {transform_indices = @transform_4, window_bounds = array<i64: 1264, 8>}, {pipeline_mode = #tpu.pipeline_mode<synchronous>, transform_indices = @transform_5, window_bounds = array<i64: 16, 2>}, {pipeline_mode = #tpu.pipeline_mode<synchronous>, transform_indices = @transform_6, window_bounds = array<i64: 16, 24>}, {transform_indices = @transform_7, window_bounds = array<i64: 1264, 8>}, {transform_indices = @transform_8, window_bounds = array<i64: 1264, 8>}, {transform_indices = @transform_9, window_bounds = array<i64: 1264, 8>}, {transform_indices = @transform_10, window_bounds = array<i64: 1264, 2>}]} {
    %get3A = arith.constant 0 : index
    %get3A_0 = arith.constant 0 : index
    %get3A_1 = vector.load %arg3[%get3A, %get3A_0] : memref<1264x16xf32, #tpu.memory_space<vmem>>, vector<1264x16xf32>
    %get3A_2 = arith.constant 0 : index
    %get3A_3 = arith.constant 0 : index
    %get3A_4 = vector.load %arg4[%get3A_2, %get3A_3] : memref<1264x16xf32, #tpu.memory_space<vmem>>, vector<1264x16xf32>
    %get3A_5 = arith.constant 0 : index
    %get3A_6 = arith.constant 0 : index
    %get3A_7 = vector.load %arg1[%get3A_5, %get3A_6] : memref<1264x16xf32, #tpu.memory_space<vmem>>, vector<1264x16xf32>
    %get3A_8 = arith.constant 0 : index
    %get3A_9 = arith.constant 0 : index
    %get3A_10 = vector.load %arg2[%get3A_8, %get3A_9] : memref<1264x16xf32, #tpu.memory_space<vmem>>, vector<1264x16xf32>
    %add3A = arith.addf %get3A_7, %get3A_10 : vector<1264x16xf32>
    %mul3A = arith.mulf %get3A_4, %add3A : vector<1264x16xf32>
    %add3A_11 = arith.addf %get3A_1, %mul3A : vector<1264x16xf32>
    %max3A = arith.constant 0.000000e+00 : f32
    %max3A_12 = vector.broadcast %max3A : f32 to vector<1264x16xf32>
    %max3A_13 = arith.maximumf %add3A_11, %max3A_12 : vector<1264x16xf32>
    %get3A_14 = arith.constant 0 : index
    %get3A_15 = arith.constant 0 : index
    %get3A_16 = vector.load %arg7[%get3A_14, %get3A_15] : memref<16x24xf32, #tpu.memory_space<vmem>>, vector<16x24xf32>
    %dot_general3A = arith.constant dense<0.000000e+00> : vector<1264x24xf32>
    %dot_general3A_17 = tpu.matmul %max3A_13, %get3A_16, %dot_general3A {dimension_numbers = #tpu.dot_dimension_numbers<[1], [0], [0], [1], [0, 0, 1, 1], [], []>, transpose_lhs_hint = false} : vector<1264x16xf32>, vector<16x24xf32>, vector<1264x24xf32> -> vector<1264x24xf32>
    %get3A_18 = arith.constant 0 : index
    %get3A_19 = arith.constant 0 : index
    %get3A_20 = vector.load %arg5[%get3A_18, %get3A_19] : memref<1264x8xf32, #tpu.memory_space<vmem>>, vector<1264x8xf32>
    %slice3A = vector.extract_strided_slice %dot_general3A_17 {offsets = [0, 16], sizes = [1264, 8], strides = [1, 1]} : vector<1264x24xf32> to vector<1264x8xf32>
    %mul3A_21 = arith.mulf %get3A_20, %slice3A : vector<1264x8xf32>
    %swap3A = arith.constant 0 : index
    %swap3A_22 = arith.constant 0 : index
    %swap3A_23 = vector.load %arg8[%swap3A, %swap3A_22] : memref<1264x8xf32, #tpu.memory_space<vmem>>, vector<1264x8xf32>
    tpu.vector_store %arg8[%swap3A, %swap3A_22], %mul3A_21 {strides = array<i32>} : memref<1264x8xf32, #tpu.memory_space<vmem>>, vector<1264x8xf32>,
    %get3A_24 = arith.constant 0 : index
    %get3A_25 = arith.constant 0 : index
    %get3A_26 = vector.load %arg5[%get3A_24, %get3A_25] : memref<1264x8xf32, #tpu.memory_space<vmem>>, vector<1264x8xf32>
    %slice3A_27 = vector.extract_strided_slice %dot_general3A_17 {offsets = [0, 8], sizes = [1264, 8], strides = [1, 1]} : vector<1264x24xf32> to vector<1264x8xf32>
    %mul3A_28 = arith.mulf %get3A_26, %slice3A_27 : vector<1264x8xf32>
    %swap3A_29 = arith.constant 0 : index
    %swap3A_30 = arith.constant 0 : index
    %swap3A_31 = vector.load %arg9[%swap3A_29, %swap3A_30] : memref<1264x8xf32, #tpu.memory_space<vmem>>, vector<1264x8xf32>
    tpu.vector_store %arg9[%swap3A_29, %swap3A_30], %mul3A_28 {strides = array<i32>} : memref<1264x8xf32, #tpu.memory_space<vmem>>, vector<1264x8xf32>,
    %get3A_32 = arith.constant 0 : index
    %get3A_33 = arith.constant 0 : index
    %get3A_34 = vector.load %arg5[%get3A_32, %get3A_33] : memref<1264x8xf32, #tpu.memory_space<vmem>>, vector<1264x8xf32>
    %slice3A_35 = vector.extract_strided_slice %dot_general3A_17 {offsets = [0, 0], sizes = [1264, 8], strides = [1, 1]} : vector<1264x24xf32> to vector<1264x8xf32>
    %mul3A_36 = arith.mulf %get3A_34, %slice3A_35 : vector<1264x8xf32>
    %swap3A_37 = arith.constant 0 : index
    %swap3A_38 = arith.constant 0 : index
    %swap3A_39 = vector.load %arg10[%swap3A_37, %swap3A_38] : memref<1264x8xf32, #tpu.memory_space<vmem>>, vector<1264x8xf32>
    tpu.vector_store %arg10[%swap3A_37, %swap3A_38], %mul3A_36 {strides = array<i32>} : memref<1264x8xf32, #tpu.memory_space<vmem>>, vector<1264x8xf32>,
    %get3A_40 = arith.constant 0 : index
    %get3A_41 = arith.constant 0 : index
    %get3A_42 = vector.load %arg6[%get3A_40, %get3A_41] : memref<16x2xf32, #tpu.memory_space<vmem>>, vector<16x2xf32>
    %dot_general3A_43 = arith.constant dense<0.000000e+00> : vector<1264x2xf32>
    %dot_general3A_44 = tpu.matmul %max3A_13, %get3A_42, %dot_general3A_43 {dimension_numbers = #tpu.dot_dimension_numbers<[1], [0], [0], [1], [0, 0, 1, 1], [], []>, transpose_lhs_hint = false} : vector<1264x16xf32>, vector<16x2xf32>, vector<1264x2xf32> -> vector<1264x2xf32>
    %swap3A_45 = arith.constant 0 : index
    %swap3A_46 = arith.constant 0 : index
    %swap3A_47 = vector.load %arg11[%swap3A_45, %swap3A_46] : memref<1264x2xf32, #tpu.memory_space<vmem>>, vector<1264x2xf32>
    tpu.vector_store %arg11[%swap3A_45, %swap3A_46], %dot_general3A_44 {strides = array<i32>} : memref<1264x2xf32, #tpu.memory_space<vmem>>, vector<1264x2xf32>,
    return
  }
  func.func @transform_0(%arg0: i32) -> (i32, i32) {
    %c0_i32 = arith.constant 0 : i32
    %c0_i32_0 = arith.constant 0 : i32
    return %arg0, %c0_i32 : i32, i32
  }
  func.func @transform_1(%arg0: i32) -> (i32, i32) {
    %c0_i32 = arith.constant 0 : i32
    %c0_i32_0 = arith.constant 0 : i32
    return %arg0, %c0_i32 : i32, i32
  }
  func.func @transform_2(%arg0: i32) -> (i32, i32) {
    %c0_i32 = arith.constant 0 : i32
    %c0_i32_0 = arith.constant 0 : i32
    return %arg0, %c0_i32 : i32, i32
  }
  func.func @transform_3(%arg0: i32) -> (i32, i32) {
    %c0_i32 = arith.constant 0 : i32
    %c0_i32_0 = arith.constant 0 : i32
    return %arg0, %c0_i32 : i32, i32
  }
  func.func @transform_4(%arg0: i32) -> (i32, i32) {
    %c0_i32 = arith.constant 0 : i32
    %c0_i32_0 = arith.constant 0 : i32
    return %arg0, %c0_i32 : i32, i32
  }
  func.func @transform_5(%arg0: i32) -> (i32, i32) {
    %c0_i32 = arith.constant 0 : i32
    %c0_i32_0 = arith.constant 0 : i32
    %c0_i32_1 = arith.constant 0 : i32
    return %c0_i32, %c0_i32_0 : i32, i32
  }
  func.func @transform_6(%arg0: i32) -> (i32, i32) {
    %c0_i32 = arith.constant 0 : i32
    %c0_i32_0 = arith.constant 0 : i32
    %c0_i32_1 = arith.constant 0 : i32
    return %c0_i32, %c0_i32_0 : i32, i32
  }
  func.func @transform_7(%arg0: i32) -> (i32, i32) {
    %c0_i32 = arith.constant 0 : i32
    %c0_i32_0 = arith.constant 0 : i32
    return %arg0, %c0_i32 : i32, i32
  }
  func.func @transform_8(%arg0: i32) -> (i32, i32) {
    %c0_i32 = arith.constant 0 : i32
    %c0_i32_0 = arith.constant 0 : i32
    return %arg0, %c0_i32 : i32, i32
  }
  func.func @transform_9(%arg0: i32) -> (i32, i32) {
    %c0_i32 = arith.constant 0 : i32
    %c0_i32_0 = arith.constant 0 : i32
    return %arg0, %c0_i32 : i32, i32
  }
  func.func @transform_10(%arg0: i32) -> (i32, i32) {
    %c0_i32 = arith.constant 0 : i32
    %c0_i32_0 = arith.constant 0 : i32
    return %arg0, %c0_i32 : i32, i32
  }
}

module attributes {stable_mosaic.version = 14 : i64} {
  func.func @_mid_body(%arg0: i32, %arg1: memref<1264x8xf32, #tpu.memory_space<vmem>>, %arg2: memref<1264x8xf32, #tpu.memory_space<vmem>>, %arg3: memref<1264x8xf32, #tpu.memory_space<vmem>>, %arg4: memref<1264x8xf32, #tpu.memory_space<vmem>>, %arg5: memref<1264x8xf32, #tpu.memory_space<vmem>>) attributes {dimension_semantics = [#tpu.dimension_semantics<arbitrary>], iteration_bounds = array<i64: 8>, scalar_prefetch = 0 : i64, scratch_operands = 0 : i64, tpu.core_type = #tpu.core_type<tc>, window_params = [{transform_indices = @transform_0, window_bounds = array<i64: 1264, 8>}, {transform_indices = @transform_1, window_bounds = array<i64: 1264, 8>}, {transform_indices = @transform_2, window_bounds = array<i64: 1264, 8>}, {transform_indices = @transform_3, window_bounds = array<i64: 1264, 8>}, {transform_indices = @transform_4, window_bounds = array<i64: 1264, 8>}]} {
    %get3A = arith.constant 0 : index
    %get3A_0 = arith.constant 0 : index
    %get3A_1 = vector.load %arg3[%get3A, %get3A_0] : memref<1264x8xf32, #tpu.memory_space<vmem>>, vector<1264x8xf32>
    %get3A_2 = arith.constant 0 : index
    %get3A_3 = arith.constant 0 : index
    %get3A_4 = vector.load %arg4[%get3A_2, %get3A_3] : memref<1264x8xf32, #tpu.memory_space<vmem>>, vector<1264x8xf32>
    %get3A_5 = arith.constant 0 : index
    %get3A_6 = arith.constant 0 : index
    %get3A_7 = vector.load %arg1[%get3A_5, %get3A_6] : memref<1264x8xf32, #tpu.memory_space<vmem>>, vector<1264x8xf32>
    %get3A_8 = arith.constant 0 : index
    %get3A_9 = arith.constant 0 : index
    %get3A_10 = vector.load %arg2[%get3A_8, %get3A_9] : memref<1264x8xf32, #tpu.memory_space<vmem>>, vector<1264x8xf32>
    %add3A = arith.addf %get3A_7, %get3A_10 : vector<1264x8xf32>
    %mul3A = arith.mulf %get3A_4, %add3A : vector<1264x8xf32>
    %add3A_11 = arith.addf %get3A_1, %mul3A : vector<1264x8xf32>
    %swap3A = arith.constant 0 : index
    %swap3A_12 = arith.constant 0 : index
    %swap3A_13 = vector.load %arg5[%swap3A, %swap3A_12] : memref<1264x8xf32, #tpu.memory_space<vmem>>, vector<1264x8xf32>
    tpu.vector_store %arg5[%swap3A, %swap3A_12], %add3A_11 {strides = array<i32>} : memref<1264x8xf32, #tpu.memory_space<vmem>>, vector<1264x8xf32>,
    return
  }
  func.func @transform_0(%arg0: i32) -> (i32, i32) {
    %c0_i32 = arith.constant 0 : i32
    %c0_i32_0 = arith.constant 0 : i32
    return %arg0, %c0_i32 : i32, i32
  }
  func.func @transform_1(%arg0: i32) -> (i32, i32) {
    %c0_i32 = arith.constant 0 : i32
    %c0_i32_0 = arith.constant 0 : i32
    return %arg0, %c0_i32 : i32, i32
  }
  func.func @transform_2(%arg0: i32) -> (i32, i32) {
    %c0_i32 = arith.constant 0 : i32
    %c0_i32_0 = arith.constant 0 : i32
    return %arg0, %c0_i32 : i32, i32
  }
  func.func @transform_3(%arg0: i32) -> (i32, i32) {
    %c0_i32 = arith.constant 0 : i32
    %c0_i32_0 = arith.constant 0 : i32
    return %arg0, %c0_i32 : i32, i32
  }
  func.func @transform_4(%arg0: i32) -> (i32, i32) {
    %c0_i32 = arith.constant 0 : i32
    %c0_i32_0 = arith.constant 0 : i32
    return %arg0, %c0_i32 : i32, i32
  }
}

module attributes {stable_mosaic.version = 14 : i64} {
  func.func @_final_body(%arg0: i32, %arg1: memref<1264x8xf32, #tpu.memory_space<vmem>>, %arg2: memref<1264x8xf32, #tpu.memory_space<vmem>>, %arg3: memref<1264x2xf32, #tpu.memory_space<vmem>>, %arg4: memref<1264x8xf32, #tpu.memory_space<vmem>>, %arg5: memref<1264x2xf32, #tpu.memory_space<vmem>>, %arg6: memref<1264x2xf32, #tpu.memory_space<vmem>>) attributes {dimension_semantics = [#tpu.dimension_semantics<arbitrary>], iteration_bounds = array<i64: 8>, scalar_prefetch = 0 : i64, scratch_operands = 0 : i64, tpu.core_type = #tpu.core_type<tc>, window_params = [{transform_indices = @transform_0, window_bounds = array<i64: 1264, 8>}, {transform_indices = @transform_1, window_bounds = array<i64: 1264, 8>}, {transform_indices = @transform_2, window_bounds = array<i64: 1264, 2>}, {transform_indices = @transform_3, window_bounds = array<i64: 1264, 8>}, {transform_indices = @transform_4, window_bounds = array<i64: 1264, 2>}, {transform_indices = @transform_5, window_bounds = array<i64: 1264, 2>}]} {
    %get3A = arith.constant 0 : index
    %get3A_0 = arith.constant 0 : index
    %get3A_1 = vector.load %arg3[%get3A, %get3A_0] : memref<1264x2xf32, #tpu.memory_space<vmem>>, vector<1264x2xf32>
    %get3A_2 = arith.constant 0 : index
    %get3A_3 = arith.constant 0 : index
    %get3A_4 = vector.load %arg4[%get3A_2, %get3A_3] : memref<1264x8xf32, #tpu.memory_space<vmem>>, vector<1264x2xf32>
    %get3A_5 = arith.constant 0 : index
    %get3A_6 = arith.constant 0 : index
    %get3A_7 = vector.load %arg1[%get3A_5, %get3A_6] : memref<1264x8xf32, #tpu.memory_space<vmem>>, vector<1264x2xf32>
    %get3A_8 = arith.constant 0 : index
    %get3A_9 = arith.constant 0 : index
    %get3A_10 = vector.load %arg2[%get3A_8, %get3A_9] : memref<1264x8xf32, #tpu.memory_space<vmem>>, vector<1264x2xf32>
    %add3A = arith.addf %get3A_7, %get3A_10 : vector<1264x2xf32>
    %mul3A = arith.mulf %get3A_4, %add3A : vector<1264x2xf32>
    %add3A_11 = arith.addf %get3A_1, %mul3A : vector<1264x2xf32>
    %get3A_12 = arith.constant 0 : index
    %get3A_13 = arith.constant 0 : index
    %get3A_14 = vector.load %arg5[%get3A_12, %get3A_13] : memref<1264x2xf32, #tpu.memory_space<vmem>>, vector<1264x2xf32>
    %add3A_15 = arith.addf %add3A_11, %get3A_14 : vector<1264x2xf32>
    %slice3A = vector.extract_strided_slice %add3A_15 {offsets = [0, 0], sizes = [1264, 1], strides = [1, 1]} : vector<1264x2xf32> to vector<1264x1xf32>
    %slice3A_16 = vector.extract_strided_slice %add3A_15 {offsets = [0, 1], sizes = [1264, 1], strides = [1, 1]} : vector<1264x2xf32> to vector<1264x1xf32>
    %max3A = arith.maximumf %slice3A, %slice3A_16 : vector<1264x1xf32>
    %sub3A = arith.subf %slice3A, %max3A : vector<1264x1xf32>
    %exp3A = math.exp %sub3A : vector<1264x1xf32>
    %sub3A_17 = arith.subf %slice3A_16, %max3A : vector<1264x1xf32>
    %exp3A_18 = math.exp %sub3A_17 : vector<1264x1xf32>
    %add3A_19 = arith.addf %exp3A, %exp3A_18 : vector<1264x1xf32>
    %log3A = math.log %add3A_19 : vector<1264x1xf32>
    %add3A_20 = arith.addf %max3A, %log3A : vector<1264x1xf32>
    %sub3A_21 = vector.broadcast %add3A_20 : vector<1264x1xf32> to vector<1264x2xf32>
    %sub3A_22 = arith.subf %add3A_15, %sub3A_21 : vector<1264x2xf32>
    %swap3A = arith.constant 0 : index
    %swap3A_23 = arith.constant 0 : index
    %swap3A_24 = vector.load %arg6[%swap3A, %swap3A_23] : memref<1264x2xf32, #tpu.memory_space<vmem>>, vector<1264x2xf32>
    tpu.vector_store %arg6[%swap3A, %swap3A_23], %sub3A_22 {strides = array<i32>} : memref<1264x2xf32, #tpu.memory_space<vmem>>, vector<1264x2xf32>,
    return
  }
  func.func @transform_0(%arg0: i32) -> (i32, i32) {
    %c0_i32 = arith.constant 0 : i32
    %c0_i32_0 = arith.constant 0 : i32
    return %arg0, %c0_i32 : i32, i32
  }
  func.func @transform_1(%arg0: i32) -> (i32, i32) {
    %c0_i32 = arith.constant 0 : i32
    %c0_i32_0 = arith.constant 0 : i32
    return %arg0, %c0_i32 : i32, i32
  }
  func.func @transform_2(%arg0: i32) -> (i32, i32) {
    %c0_i32 = arith.constant 0 : i32
    %c0_i32_0 = arith.constant 0 : i32
    return %arg0, %c0_i32 : i32, i32
  }
  func.func @transform_3(%arg0: i32) -> (i32, i32) {
    %c0_i32 = arith.constant 0 : i32
    %c0_i32_0 = arith.constant 0 : i32
    return %arg0, %c0_i32 : i32, i32
  }
  func.func @transform_4(%arg0: i32) -> (i32, i32) {
    %c0_i32 = arith.constant 0 : i32
    %c0_i32_0 = arith.constant 0 : i32
    return %arg0, %c0_i32 : i32, i32
  }
  func.func @transform_5(%arg0: i32) -> (i32, i32) {
    %c0_i32 = arith.constant 0 : i32
    %c0_i32_0 = arith.constant 0 : i32
    return %arg0, %c0_i32 : i32, i32
  }
}

</mosaic_0001>

<sc_bundles>
// kernel: kernel.16.cloned.1.call-start
scs
__scs_entry_jumppad:
0x0: {  	(pc) =	sbr.rel $0x88, $3  }
0x1: {  	(tag) =	ssettag $0x0;
	lr =	simm.s32 $0x1  }
0x2: {  	[smem:$0x3F9B] =	sst lr;
	_ =	strace $0xD0000000  }
0x3: {  	_ = 	snop  }
0x4: {  	_ = 	snop  }
0x5: {  	_ = 	snop  }
0x6: {  	_ = 	snop  }
0x7: {  	_ = 	snop  }
__scs_overlays_trampoline_lowered:
0x8: {  	[smem:$0x3FAA] =	sst s0  }
0x9: {  	[smem:$0x3FAB] =	sst s1  }
0xa: {  	[smem:$0x3FAC] =	sst s2  }
0xb: {  	[smem:$0x3FAD] =	sst s3  }
0xc: {  	[smem:$0x3FAE] =	sst s4  }
0xd: {  	[smem:$0x3FAF] =	sst s5  }
0xe: {  	[smem:$0x3FB0] =	sst s6  }
0xf: {  	[smem:$0x3FB1] =	sst s7  }
0x10: {  	[smem:$0x3FB2] =	sst s8  }
0x11: {  	[smem:$0x3FB3] =	sst s9;
	s0 =	simm.s32 @!p0 $0x0  }
0x12: {  	s1 =	sld [smem:$0x3F99];
	s0 =	simm.s32 @p0 $0x1  }
0x13: {  	[smem:$0x3FB4] =	sst s0;
	s0 =	simm.s32 @!p1 $0x0  }
0x14: {  	s2 =	sld [smem:$0x3F98];
	s0 =	simm.s32 @p1 $0x1  }
0x15: {  	[smem:$0x3FB5] =	sst s0;
	s0 =	simm.s32 @!p2 $0x0  }
0x16: {  	s3 =	sld [smem:$0x3FDB];
	s0 =	simm.s32 @p2 $0x1  }
0x17: {  	s4 =	simm.s32 $0x1BF5;
	[smem:$0x3FB7] =	sst s0  }
0x18: {  	s0 =	sld [smem:$0x3F9A];
	_ =	swait.ge [sflag:s4], $0x0  }
0x19: {  	s7 =	sld [smem:$0x3F9B]  }
0x1a: {  	s8 =	sadd.s32 $0xFFFFE003, lr  }
0x1b: {  	s9 =	sadd.s32 $0xFFFFFEF7, lr;
	s5 =	simm.s32 $0xFFFFFFFF;
	p2 =	slt.u32 s8, $0xFFFFF086  }
0x1c: {  	p1 =	slt.u32 s9, $0xF7A;
	s5 =	simm.s32 @!p2 $0x0  }
0x1d: {  	s5 =	simm.s32 @p1 $0x1;
	p0 =	seq.s32 s7, s2  }
0x1e: {  	s7 =	smul.u32 @!p0 $0xF7A, s2;
	p2 =	seq.s32 @!p0 s5, $0x0  }
0x1f: {  	s9 =	smul.u32 $0xF7A, s1;
	s8 =	simm.s32 @!p0 $0x1BF5;
	p2 =	por !p2, p0  }
0x20: {  	[sflag:s8] =	ssyncset.s32 @!p0 $0xFFFFF086;
	s6 =	sadd.s32 @!p0 s3, s7;
	s7 =	simm.s32 @!p0 $0x108  }
0x21: {  	s3 =	sadd.s32 s3, s9;
	s6 =	sadd.s32 @!p0 $0x88, s6;
	s7 =	simm.s32 @p2 $0x1082  }
0x22: {  	[simem:s7], [sflag:s8] =	dma.local @!p0 [hbm:s6], $0xF7A  }
0x23: {  	s9 =	sor.u32 $0xD0000000, s2;
	s6 =	simm.s32 $0x108;
	_ =	swait.ge @!p0 [sflag:s8], $0x0  }
0x24: {  	s3 =	sadd.s32 $0x88, s3;
	s6 =	simm.s32 @!p1 $0x1082;
	[sflag:s4] =	ssyncset.s32 $0xFFFFF086  }
0x25: {  	[simem:s6], [sflag:s4] =	dma.local [hbm:s3], $0xF7A  }
0x26: {  	[smem:$0x3F9B] =	sst s1;
	(tag) =	ssettag s2;
	_ =	strace s9  }
0x27: {  	s1 =	sld [smem:$0x3FAB]  }
0x28: {  	s2 =	sld [smem:$0x3FAC]  }
0x29: {  	s4 =	sld [smem:$0x3FAE]  }
0x2a: {  	p0 =	seq.s32 s5, $0x0;
	s5 =	sld [smem:$0x3FAF]  }
0x2b: {  	s6 =	sld [smem:$0x3FB0]  }
0x2c: {  	s7 =	sld [smem:$0x3FB1]  }
0x2d: {  	s3 =	simm.s32 $0x108;
	s8 =	sld [smem:$0x3FB2]  }
0x2e: {  	s3 =	simm.s32 @!p0 $0x1082;
	s9 =	sld [smem:$0x3FB3]  }
0x2f: {  	lr =	sadd.s32 s0, s3;
	s0 =	sld [smem:$0x3FAA]  }
0x30: {  	s3 =	sld [smem:$0x3FAD]  }
0x31: {  	[smem:$0x3FB6] =	sst s10  }
0x32: {  	s10 =	sld [smem:$0x3FB4];
	_ =	sdelay $0x3  }
0x33: {  	p0 =	seq.s32 s10, $0x1;
	s10 =	sld [smem:$0x3FB6];
	_ =	sdelay $0x3  }
0x34: {  	[smem:$0x3FB6] =	sst s10  }
0x35: {  	s10 =	sld [smem:$0x3FB5];
	_ =	sdelay $0x3  }
0x36: {  	p1 =	seq.s32 s10, $0x1;
	s10 =	sld [smem:$0x3FB6];
	_ =	sdelay $0x3  }
0x37: {  	[smem:$0x3FB6] =	sst s10  }
0x38: {  	s10 =	sld [smem:$0x3FB7]  }
0x39: {  	_ = 	snop;
	(pc) =	sbr.ind lr, $3  }
0x3a: {  	_ = 	snop  }
0x3b: {  	_ = 	snop  }
0x3c: {  	p2 =	seq.s32 s10, $0x1;
	s10 =	sld [smem:$0x3FB6]  }
0x3d: {  	_ =	shalt  }
0x3e: {  	_ =	shalt  }
0x3f: {  	_ =	shalt  }
0x40: {  	_ =	shalt  }
0x41: {  	_ =	shalt  }
0x42: {  	_ =	shalt  }
0x43: {  	_ =	shalt  }
0x44: {  	_ =	shalt  }
0x45: {  	_ =	shalt  }
0x46: {  	_ =	shalt  }
0x47: {  	_ =	shalt  }
0x48: {  	_ =	shalt  }
0x49: {  	_ =	shalt  }
0x4a: {  	_ =	shalt  }
0x4b: {  	_ =	shalt  }
0x4c: {  	_ =	shalt  }
0x4d: {  	_ =	shalt  }
0x4e: {  	_ =	shalt  }
0x4f: {  	_ =	shalt  }
0x50: {  	_ =	shalt  }
0x51: {  	_ =	shalt  }
0x52: {  	_ =	shalt  }
0x53: {  	_ =	shalt  }
0x54: {  	_ =	shalt  }
0x55: {  	_ =	shalt  }
0x56: {  	_ =	shalt  }
0x57: {  	_ =	shalt  }
0x58: {  	_ =	shalt  }
0x59: {  	_ =	shalt  }
0x5a: {  	_ =	shalt  }
0x5b: {  	_ =	shalt  }
0x5c: {  	_ =	shalt  }
0x5d: {  	_ =	shalt  }
0x5e: {  	_ =	shalt  }
0x5f: {  	_ =	shalt  }
0x60: {  	_ =	shalt  }
0x61: {  	_ =	shalt  }
0x62: {  	_ =	shalt  }
0x63: {  	_ =	shalt  }
0x64: {  	_ =	shalt  }
0x65: {  	_ =	shalt  }
0x66: {  	_ =	shalt  }
0x67: {  	_ =	shalt  }
0x68: {  	_ =	shalt  }
0x69: {  	_ =	shalt  }
0x6a: {  	_ =	shalt  }
0x6b: {  	_ =	shalt  }
0x6c: {  	_ =	shalt  }
0x6d: {  	_ =	shalt  }
0x6e: {  	_ =	shalt  }
0x6f: {  	_ =	shalt  }
0x70: {  	_ =	shalt  }
0x71: {  	_ =	shalt  }
0x72: {  	_ =	shalt  }
0x73: {  	_ =	shalt  }
0x74: {  	_ =	shalt  }
0x75: {  	_ =	shalt  }
0x76: {  	_ =	shalt  }
0x77: {  	_ =	shalt  }
0x78: {  	_ =	shalt  }
0x79: {  	_ =	shalt  }
0x7a: {  	_ =	shalt  }
0x7b: {  	_ =	shalt  }
0x7c: {  	_ =	shalt  }
0x7d: {  	_ =	shalt  }
0x7e: {  	_ =	shalt  }
0x7f: {  	_ =	shalt  }
0x80: {  	_ =	shalt  }
0x81: {  	_ =	shalt  }
0x82: {  	_ =	shalt  }
0x83: {  	_ =	shalt  }
0x84: {  	_ =	shalt  }
0x85: {  	_ =	shalt  }
0x86: {  	_ =	shalt  }
0x87: {  	_ =	shalt  }
.Lfunc_end0:
.L_simem_size_0:
called_computation_lowered:
.L_overlay_start_0:
0x88: {  	s2 =	sld [smem:$0x3FD9]  }
0x89: {  	s3 =	sld [smem:$0x3FFE];
	_ =	sdelay $0x1  }
0x8a: {  	s1 =	srdreg.scid  }
0x8b: {  	s0 =	sand.u32 $0x1, s1  }
0x8c: {  	s17 =	sshll.u32 s0, $0xA;
	s2 =	sadd.s32 s3, s2  }
0x8d: {  	s2 =	sadd.s32 s2, s17  }
0x8e: {  	[smem:$0x3FC2] =	sst s2  }
0x8f: {  	_ = 	snop  }
0x90: {  	s2 =	sld [smem:$0x3FD0];
	(tm) =	ssettm $0x1  }
0x91: {  	s18 =	sld [smem:$0x3FFB];
	_ =	sdelay $0x3  }
0x92: {  	_ =	strace s18  }
0x93: {  	s3 =	sld [smem:$0x3FFC];
	_ =	sdelay $0x3  }
0x94: {  	_ =	strace s3  }
0x95: {  	s3 =	sld [smem:$0x3FFD];
	_ =	sdelay $0x3  }
0x96: {  	_ =	strace s3  }
0x97: {  	_ =	strace $0x8FFFFFFF  }
0x98: {  	s19 =	sld [smem:$0x3FDB];
	_ =	sdelay $0x1  }
0x99: {  	s4 =	simm.s32 $_scs_section_size  }
0x9a: {  	s5 =	simm.s32 $_size__tile_overlayer_lowered;
	s6 =	simm.s32 $_tile_overlayer_lowered  }
0x9b: {  	s22 =	simm.s32 $0x1BFF;
	s21 =	sshll.u32 s6, $0x1;
	s3 =	sadd.s32 s4, s19  }
0x9c: {  	s7 =	simm.s32 $0x0;
	s20 =	sshll.u32 s5, $0x1;
	s5 =	sadd.s32 s21, s3  }
0x9d: {  	[timem:s7], [sflag:s22] =	dma.local [hbm:s5], s20  }
0x9e: {  	_ =	swait.ge [sflag:s22], s20  }
0x9f: {  	s4 =	ssub.s32 $0x0, s20;
	[sflag:s22] =	ssyncset.done $0x0  }
0xa0: {  	[sflag:s22] =	ssyncadd.s32 s4;
	_ =	sdelay $0x1  }
0xa1: {  	s23 =	simm.s32 $0x1B8B  }
0xa2: {  	_ =	swait.ge [sflag:s23], $0x1  }
0xa3: {  	[sflag:s23] =	ssyncset.done $0x0  }
0xa4: {  	s25 =	simm.s32 $0x1B8E;
	s24 =	sld [smem:$0x3FFE];
	[sflag:s23] =	ssyncadd.s32 $0xFFFFFFFF  }
0xa5: {  	s26 =	simm.s32 $execute0_lowered;
	[smem:$0x3FD2] =	sst s25  }
0xa6: {  	s5 =	sshll.u32 s26, $0x1;
	_ =	strace $0x80000046;
	[dreg:$0x1] =	wrdreg $0xFFFFFFFF  }
0xa7: {  	s28 =	simm.s32 $_size_execute0_lowered;
	s3 =	sadd.s32 s3, s5;
	[dreg:$0x0] =	wrdreg $0x0  }
0xa8: {  	s5 =	sshll.u32 s28, $0x1;
	[dreg:$0x2] =	wrdreg s3  }
0xa9: {  	[dreg:$0x3] =	wrdreg s5  }
0xaa: {  	[dreg:$0x4] =	wrdreg $0xC0  }
0xab: {  	_ =	task [dreg:s7], $0x5FFFF  }
0xac: {  	[dreg:$0x1] =	wrdreg $0xFFFFFFFF  }
0xad: {  	[dreg:$0x0] =	wrdreg $0x60  }
0xae: {  	[dreg:$0x2] =	wrdreg s24  }
0xaf: {  	[dreg:$0x3] =	wrdreg s2  }
0xb0: {  	[dreg:$0x4] =	wrdreg $0x2A800  }
0xb1: {  	[dreg:$0x5] =	wrdreg $0x9  }
0xb2: {  	_ =	task.clear_ibuf [dreg:s7], $0x6FFFF;
	_ =	strace $0x90000046  }
0xb3: {  	s29 =	simm.s32 $0x9;
	_ =	strace $0x80000048  }
0xb4: {  	_ =	swait.ge [sflag:s29], $0x1  }
0xb5: {  	[sflag:s29] =	ssyncadd.s32 $0xFFFFFFFF  }
0xb6: {  	_ =	strace $0x90000048  }
0xb7: {  	_ =	sfence  }
0xb8: {  	s30 =	sld [smem:$0x0];
	_ =	sdelay $0x2  }
0xb9: {  	s31 =	sshll.u32 s1, $0xD;
	s1 =	sshrl.u32 s1, $0x2  }
0xba: {  	s3 =	sand.u32 $0x4000, s31;
	s1 =	sadd.s32 s1, s30  }
0xbb: {  	s0 =	sor.u32 s3, s0;
	s1 =	sshll.u32 s1, $0x11  }
0xbc: {  	s0 =	sor.u32 s1, s0  }
0xbd: {  	s0 =	sadd.s32 $0x8F2B, s0  }
0xbe: {  	[sflag:s0] =	ssyncadd.remote.s32 $0x1  }
0xbf: {  	_ =	sfence.sel $0xFFFF  }
0xc0: {  	[dreg:$0x0] =	wrdreg $0xFFFFFFFF;
	(pc) =	sbr.abs _section_cstart, $3  }
0xc1: {  	[dreg:$0x1] =	wrdreg $0xFFFFFFFF  }
0xc2: {  	_ =	task.clear_ibuf [dreg:s7], $0x2FFFF;
	_ =	strace $0x9FFFFFFF  }
0xc3: {  	(tm) =	ssettm $0x7FFFFFFF  }
tec
execute0_lowered:
.L_overlay_start_1:
0x0: {  	(tag) =	ssettag $0x1  }
0x1: {  	s5 =	rddreg [dreg:$0x0]  }
0x2: {  	s1 =	rddreg [dreg:$0x1]  }
0x3: {  	s0 =	srdreg.scid;
	s3 =	rddreg [dreg:$0x2]  }
0x4: {  	s2 =	stileid.u32;
	s4 =	simm.s32 $0x0;
	s14 =	simm.s32 $0x80  }
0x5: {  	s15 =	simm.s32 $0x1;
	s16 =	simm.s32 $0x2;
	s17 =	simm.s32 $0x3  }
0x6: {  	s6 =	sand.u32 $0x1, s0;
	s0 =	rddreg [dreg:$0x3];
	s8 =	smul.u32 $0x13C0, s2  }
0x7: {  	s18 =	simm.s32 $0x0;
	[smem:$0x7FF] =	sst s4;
	s10 =	smul.u32 $0x278, s2  }
0x8: {  	s30 =	sshll.u32 s2, $0x6;
	s7 =	sshll.u32 s6, $0x4;
	_ =	strace $0x80000047  }
0x9: {  	s11 =	ssub.s32 $0x2, s6;
	s12 =	smul.u32 $0x2780, s6;
	s6 =	sor.u32 $0x1C04, s30  }
0xa: {  	s7 =	sor.u32 s2, s7;
	s9 =	sshrl.u32 s8, $0x3;
	s10 =	sadd.s32 s10, s5  }
0xb: {  	s29 =	sshrl.u32 s11, $0x1;
	s13 =	sadd.s32 s8, s3;
	s7 =	smul.u32 $0x510, s7  }
0xc: {  	s9 =	sadd.s32 s9, s5;
	s11 =	ssub.s32 s11, s29;
	s31 =	sadd.s32 s12, s10  }
0xd: {  	s10 =	sshrl.u32 s13, $0x3;
	s12 =	simm.s32 $0x2880;
	s13 =	simm.s32 $0x40  }
0xe: {  	s8 =	sadd.s32 $0xFE00, s31;
	s7 =	sadd.s32 s7, s5;
	s5 =	sadd.s32 $0xD600, s9  }
0xf: {  	s9 =	smax.u32 s11, $0x1;
	s11 =	simm.s32 $0x4;
	s7 =	sadd.s32 $0x3400, s7  }
.LBB2_1:
0x10: {  	[spmem:s10], [sflag:s6] =	dma.local [hbm:s5], $0x278  }
0x11: {  	_ =	swait.ge [sflag:s11], $0x278  }
0x12: {  	[sflag:s11] =	ssyncset.done $0x0  }
0x13: {  	[sflag:s11] =	ssyncadd.s32 $0xFFFFFD88  }
0x14: {  	[tilespmem:s12], [sflag:$0x4] =	stream.linear.gather [hbm4b:s1+s4], $0x200, $0x38;
	[tilespmem:$0x3E40] =	vst v63  }
0x15: {  	_ =	swait.ge [sflag:s11], $0x200  }
0x16: {  	[sflag:s11] =	ssyncset.done $0x0  }
0x17: {  	[sflag:s11] =	ssyncadd.s32 $0xFFFFFE00  }
0x18: {  	[tilespmem:s4], [sflag:$0x4] =	stream.linear.gather [hbm4b:s7+s4], $0x2880, $0x38;
	[tilespmem:$0x3E40] =	vst v63  }
0x19: {  	_ =	swait.ge [sflag:s11], $0x2880  }
0x1a: {  	[sflag:s11] =	ssyncset.done $0x0  }
0x1b: {  	[sflag:s11] =	ssyncadd.s32 $0xFFFFD780  }
0x1c: {  	[bflag:$0x0] =	sbarrier.arrive $0xFFFF  }
0x1d: {  	[spmem:s3] =	stream.indirect.scatter.add.f32 [tilespmem:s12], [sflag:$0x1], $0x8, s4, s13, $0xb8;
	[tilespmem:$0x3E40] =	vst v63  }
0x1e: {  	_ = 	snop  }
0x1f: {  	[spmem:s3] =	stream.indirect.scatter.add.f32 [tilespmem:s12], [sflag:$0x2], $0x8, s13, s13, $0xb8;
	[tilespmem:$0x3E40] =	vst v63  }
0x20: {  	_ = 	snop  }
0x21: {  	[spmem:s3] =	stream.indirect.scatter.add.f32 [tilespmem:s12], [sflag:$0x3], $0x8, s14, s13, $0xb8;
	[tilespmem:$0x3E40] =	vst v63  }
0x22: {  	_ =	swait.ge [sflag:s15], $0x200  }
0x23: {  	[sflag:s15] =	ssyncset.done $0x0  }
0x24: {  	s19 =	simm.s32 $0xC0;
	[sflag:s15] =	ssyncadd.s32 $0xFFFFFE00  }
0x25: {  	[spmem:s3] =	stream.indirect.scatter.add.f32 [tilespmem:s12], [sflag:$0x1], $0x8, s19, s13, $0xb8;
	[tilespmem:$0x3E40] =	vst v63  }
0x26: {  	_ =	swait.ge [sflag:s16], $0x200  }
0x27: {  	[sflag:s16] =	ssyncset.done $0x0  }
0x28: {  	s31 =	simm.s32 $0x100;
	[sflag:s16] =	ssyncadd.s32 $0xFFFFFE00  }
0x29: {  	[spmem:s3] =	stream.indirect.scatter.add.f32 [tilespmem:s12], [sflag:$0x2], $0x8, s31, s13, $0xb8;
	[tilespmem:$0x3E40] =	vst v63  }
0x2a: {  	_ =	swait.ge [sflag:s17], $0x200  }
0x2b: {  	[sflag:s17] =	ssyncset.done $0x0  }
0x2c: {  	s20 =	simm.s32 $0x140;
	s19 =	simm.s32 $0xFFFF6700;
	[sflag:s17] =	ssyncadd.s32 $0xFFFFFE00  }
.LBB2_2:
0x2d: {  	[spmem:s3] =	stream.indirect.scatter.add.f32 [tilespmem:s12], [sflag:$0x3], $0x8, s20, s13, $0xb8;
	[tilespmem:$0x3E40] =	vst v63  }
0x2e: {  	s20 =	smov.u32 s19  }
0x2f: {  	p0 =	sne.s32 s19, $0xFFFFFD00;
	s19 =	sadd.s32 $0x300, s19;
	_ =	swait.ge [sflag:s15], $0x200  }
0x30: {  	s20 =	sshra.s32 s20, $0x2;
	[sflag:s15] =	ssyncset.done $0x0  }
0x31: {  	s21 =	sadd.s32 $0x27C0, s20;
	[sflag:s15] =	ssyncadd.s32 $0xFFFFFE00  }
0x32: {  	[spmem:s3] =	stream.indirect.scatter.add.f32 [tilespmem:s12], [sflag:$0x1], $0x8, s21, s13, $0xb8;
	[tilespmem:$0x3E40] =	vst v63  }
0x33: {  	_ =	swait.ge [sflag:s16], $0x200  }
0x34: {  	[sflag:s16] =	ssyncset.done $0x0  }
.Ltmp0:
0x35: {  	s21 =	sadd.s32 $0x2800, s20;
	[sflag:s16] =	ssyncadd.s32 $0xFFFFFE00;
	(pc) =	sbr.rel @p0 .LBB2_2-.Ltmp0, $4  }
0x36: {  	[spmem:s3] =	stream.indirect.scatter.add.f32 [tilespmem:s12], [sflag:$0x2], $0x8, s21, s13, $0xb8;
	[tilespmem:$0x3E40] =	vst v63  }
0x37: {  	_ =	swait.ge [sflag:s17], $0x200  }
0x38: {  	[sflag:s17] =	ssyncset.done $0x0  }
0x39: {  	s20 =	sadd.s32 $0x2840, s20;
	[sflag:s17] =	ssyncadd.s32 $0xFFFFFE00  }
0x3a: {  	[spmem:s3] =	stream.indirect.scatter.add.f32 [tilespmem:s12], [sflag:$0x3], $0x8, s20, s13, $0xb8;
	[tilespmem:$0x3E40] =	vst v63  }
0x3b: {  	_ =	swait.ge [sflag:s15], $0x200  }
0x3c: {  	[sflag:s15] =	ssyncset.done $0x0  }
0x3d: {  	[sflag:s15] =	ssyncadd.s32 $0xFFFFFE00  }
0x3e: {  	_ =	swait.ge [sflag:s16], $0x200  }
0x3f: {  	[sflag:s16] =	ssyncset.done $0x0  }
0x40: {  	[sflag:s16] =	ssyncadd.s32 $0xFFFFFE00  }
0x41: {  	_ =	swait.ge [sflag:s17], $0x200  }
0x42: {  	s18 =	sadd.s32 $0x1, s18;
	[sflag:s17] =	ssyncset.done $0x0  }
0x43: {  	p0 =	sne.s32 s18, s9;
	[sflag:s17] =	ssyncadd.s32 $0xFFFFFE00  }
.Ltmp1:
0x44: {  	[bflag:$0x0] =	sbarrier.arrive $0xFFFF;
	(pc) =	sbr.rel @p0 .LBB2_1-.Ltmp1, $4  }
0x45: {  	[hbm:s8], [sflag:s6] =	dma.local [spmem:s10], $0x278  }
0x46: {  	_ =	swait.ge [sflag:s11], $0x278  }
0x47: {  	[sflag:s11] =	ssyncset.done $0x0  }
0x48: {  	[sflag:s11] =	ssyncadd.s32 $0xFFFFFD88  }
0x49: {  	_ =	sfence.sel $0x180000  }
0x4a: {  	[bflag:$0x0] =	sbarrier.arrive $0xFFFF  }
0x4b: {  	p0 =	sne.s32 s2, $0x0;
	_ =	strace $0x90000047  }
0x4c: {  	s0 =	sadd.s32 @!p0 $0x100000, s0;
	[bflag:$0x2] =	sbarrier.arrive $0xFFFF  }
0x4d: {  	[sflag:s0] =	ssyncadd.tile.s32 @!p0 $0x1;
	_ =	shalt  }
.Lfunc_end2:
_tile_overlayer_lowered:
.L_overlay_start_2:
0x4e: {  	(tag) =	ssettag $0x2  }
0x4f: {  	s0 =	rddreg [dreg:$0x0];
	s2 =	stileid.u32  }
0x50: {  	s1 =	rddreg [dreg:$0x1];
	p0 =	sne.s32 s2, $0x0  }
0x51: {  	s3 =	rddreg [dreg:$0x2];
	[bflag:$0x3] =	sbarrier.arrive $0xFFFF;
	s2 =	simm.s32 @!p0 $0x1C04  }
0x52: {  	[timem:s3], [sflag:s2] =	dma.local @!p0 [hbm:s0], s1  }
0x53: {  	s0 =	simm.s32 @!p0 $0x4  }
0x54: {  	_ =	swait.ge @!p0 [sflag:s0], s1  }
0x55: {  	s1 =	ssub.s32 @!p0 $0x0, s1;
	[sflag:s0] =	ssyncset.done @!p0 $0x0  }
0x56: {  	[sflag:s0] =	ssyncadd.s32 @!p0 s1  }
0x57: {  	[bflag:$0x3] =	sbarrier.arrive $0xFFFF  }
0x58: {  	_ =	shalt  }

// kernel: kernel.19.cloned.1.call-start
scs
__scs_entry_jumppad:
0x0: {  	(pc) =	sbr.rel $0x88, $3  }
0x1: {  	(tag) =	ssettag $0x0;
	lr =	simm.s32 $0x1  }
0x2: {  	[smem:$0x3F9B] =	sst lr;
	_ =	strace $0xD0000000  }
0x3: {  	_ = 	snop  }
0x4: {  	_ = 	snop  }
0x5: {  	_ = 	snop  }
0x6: {  	_ = 	snop  }
0x7: {  	_ = 	snop  }
__scs_overlays_trampoline_lowered:
0x8: {  	[smem:$0x3FAA] =	sst s0  }
0x9: {  	[smem:$0x3FAB] =	sst s1  }
0xa: {  	[smem:$0x3FAC] =	sst s2  }
0xb: {  	[smem:$0x3FAD] =	sst s3  }
0xc: {  	[smem:$0x3FAE] =	sst s4  }
0xd: {  	[smem:$0x3FAF] =	sst s5  }
0xe: {  	[smem:$0x3FB0] =	sst s6  }
0xf: {  	[smem:$0x3FB1] =	sst s7  }
0x10: {  	[smem:$0x3FB2] =	sst s8  }
0x11: {  	[smem:$0x3FB3] =	sst s9;
	s0 =	simm.s32 @!p0 $0x0  }
0x12: {  	s1 =	sld [smem:$0x3F99];
	s0 =	simm.s32 @p0 $0x1  }
0x13: {  	[smem:$0x3FB4] =	sst s0;
	s0 =	simm.s32 @!p1 $0x0  }
0x14: {  	s2 =	sld [smem:$0x3F98];
	s0 =	simm.s32 @p1 $0x1  }
0x15: {  	[smem:$0x3FB5] =	sst s0;
	s0 =	simm.s32 @!p2 $0x0  }
0x16: {  	s3 =	sld [smem:$0x3FDB];
	s0 =	simm.s32 @p2 $0x1  }
0x17: {  	s4 =	simm.s32 $0x1BF5;
	[smem:$0x3FB7] =	sst s0  }
0x18: {  	s0 =	sld [smem:$0x3F9A];
	_ =	swait.ge [sflag:s4], $0x0  }
0x19: {  	s7 =	sld [smem:$0x3F9B]  }
0x1a: {  	s8 =	sadd.s32 $0xFFFFE003, lr  }
0x1b: {  	s9 =	sadd.s32 $0xFFFFFEF7, lr;
	s5 =	simm.s32 $0xFFFFFFFF;
	p2 =	slt.u32 s8, $0xFFFFF086  }
0x1c: {  	p1 =	slt.u32 s9, $0xF7A;
	s5 =	simm.s32 @!p2 $0x0  }
0x1d: {  	s5 =	simm.s32 @p1 $0x1;
	p0 =	seq.s32 s7, s2  }
0x1e: {  	s7 =	smul.u32 @!p0 $0xF7A, s2;
	p2 =	seq.s32 @!p0 s5, $0x0  }
0x1f: {  	s9 =	smul.u32 $0xF7A, s1;
	s8 =	simm.s32 @!p0 $0x1BF5;
	p2 =	por !p2, p0  }
0x20: {  	[sflag:s8] =	ssyncset.s32 @!p0 $0xFFFFF086;
	s6 =	sadd.s32 @!p0 s3, s7;
	s7 =	simm.s32 @!p0 $0x108  }
0x21: {  	s3 =	sadd.s32 s3, s9;
	s6 =	sadd.s32 @!p0 $0x88, s6;
	s7 =	simm.s32 @p2 $0x1082  }
0x22: {  	[simem:s7], [sflag:s8] =	dma.local @!p0 [hbm:s6], $0xF7A  }
0x23: {  	s9 =	sor.u32 $0xD0000000, s2;
	s6 =	simm.s32 $0x108;
	_ =	swait.ge @!p0 [sflag:s8], $0x0  }
0x24: {  	s3 =	sadd.s32 $0x88, s3;
	s6 =	simm.s32 @!p1 $0x1082;
	[sflag:s4] =	ssyncset.s32 $0xFFFFF086  }
0x25: {  	[simem:s6], [sflag:s4] =	dma.local [hbm:s3], $0xF7A  }
0x26: {  	[smem:$0x3F9B] =	sst s1;
	(tag) =	ssettag s2;
	_ =	strace s9  }
0x27: {  	s1 =	sld [smem:$0x3FAB]  }
0x28: {  	s2 =	sld [smem:$0x3FAC]  }
0x29: {  	s4 =	sld [smem:$0x3FAE]  }
0x2a: {  	p0 =	seq.s32 s5, $0x0;
	s5 =	sld [smem:$0x3FAF]  }
0x2b: {  	s6 =	sld [smem:$0x3FB0]  }
0x2c: {  	s7 =	sld [smem:$0x3FB1]  }
0x2d: {  	s3 =	simm.s32 $0x108;
	s8 =	sld [smem:$0x3FB2]  }
0x2e: {  	s3 =	simm.s32 @!p0 $0x1082;
	s9 =	sld [smem:$0x3FB3]  }
0x2f: {  	lr =	sadd.s32 s0, s3;
	s0 =	sld [smem:$0x3FAA]  }
0x30: {  	s3 =	sld [smem:$0x3FAD]  }
0x31: {  	[smem:$0x3FB6] =	sst s10  }
0x32: {  	s10 =	sld [smem:$0x3FB4];
	_ =	sdelay $0x3  }
0x33: {  	p0 =	seq.s32 s10, $0x1;
	s10 =	sld [smem:$0x3FB6];
	_ =	sdelay $0x3  }
0x34: {  	[smem:$0x3FB6] =	sst s10  }
0x35: {  	s10 =	sld [smem:$0x3FB5];
	_ =	sdelay $0x3  }
0x36: {  	p1 =	seq.s32 s10, $0x1;
	s10 =	sld [smem:$0x3FB6];
	_ =	sdelay $0x3  }
0x37: {  	[smem:$0x3FB6] =	sst s10  }
0x38: {  	s10 =	sld [smem:$0x3FB7]  }
0x39: {  	_ = 	snop;
	(pc) =	sbr.ind lr, $3  }
0x3a: {  	_ = 	snop  }
0x3b: {  	_ = 	snop  }
0x3c: {  	p2 =	seq.s32 s10, $0x1;
	s10 =	sld [smem:$0x3FB6]  }
0x3d: {  	_ =	shalt  }
0x3e: {  	_ =	shalt  }
0x3f: {  	_ =	shalt  }
0x40: {  	_ =	shalt  }
0x41: {  	_ =	shalt  }
0x42: {  	_ =	shalt  }
0x43: {  	_ =	shalt  }
0x44: {  	_ =	shalt  }
0x45: {  	_ =	shalt  }
0x46: {  	_ =	shalt  }
0x47: {  	_ =	shalt  }
0x48: {  	_ =	shalt  }
0x49: {  	_ =	shalt  }
0x4a: {  	_ =	shalt  }
0x4b: {  	_ =	shalt  }
0x4c: {  	_ =	shalt  }
0x4d: {  	_ =	shalt  }
0x4e: {  	_ =	shalt  }
0x4f: {  	_ =	shalt  }
0x50: {  	_ =	shalt  }
0x51: {  	_ =	shalt  }
0x52: {  	_ =	shalt  }
0x53: {  	_ =	shalt  }
0x54: {  	_ =	shalt  }
0x55: {  	_ =	shalt  }
0x56: {  	_ =	shalt  }
0x57: {  	_ =	shalt  }
0x58: {  	_ =	shalt  }
0x59: {  	_ =	shalt  }
0x5a: {  	_ =	shalt  }
0x5b: {  	_ =	shalt  }
0x5c: {  	_ =	shalt  }
0x5d: {  	_ =	shalt  }
0x5e: {  	_ =	shalt  }
0x5f: {  	_ =	shalt  }
0x60: {  	_ =	shalt  }
0x61: {  	_ =	shalt  }
0x62: {  	_ =	shalt  }
0x63: {  	_ =	shalt  }
0x64: {  	_ =	shalt  }
0x65: {  	_ =	shalt  }
0x66: {  	_ =	shalt  }
0x67: {  	_ =	shalt  }
0x68: {  	_ =	shalt  }
0x69: {  	_ =	shalt  }
0x6a: {  	_ =	shalt  }
0x6b: {  	_ =	shalt  }
0x6c: {  	_ =	shalt  }
0x6d: {  	_ =	shalt  }
0x6e: {  	_ =	shalt  }
0x6f: {  	_ =	shalt  }
0x70: {  	_ =	shalt  }
0x71: {  	_ =	shalt  }
0x72: {  	_ =	shalt  }
0x73: {  	_ =	shalt  }
0x74: {  	_ =	shalt  }
0x75: {  	_ =	shalt  }
0x76: {  	_ =	shalt  }
0x77: {  	_ =	shalt  }
0x78: {  	_ =	shalt  }
0x79: {  	_ =	shalt  }
0x7a: {  	_ =	shalt  }
0x7b: {  	_ =	shalt  }
0x7c: {  	_ =	shalt  }
0x7d: {  	_ =	shalt  }
0x7e: {  	_ =	shalt  }
0x7f: {  	_ =	shalt  }
0x80: {  	_ =	shalt  }
0x81: {  	_ =	shalt  }
0x82: {  	_ =	shalt  }
0x83: {  	_ =	shalt  }
0x84: {  	_ =	shalt  }
0x85: {  	_ =	shalt  }
0x86: {  	_ =	shalt  }
0x87: {  	_ =	shalt  }
.Lfunc_end0:
.L_simem_size_0:
called_computation.1_lowered:
.L_overlay_start_0:
0x88: {  	s2 =	sld [smem:$0x3FD9]  }
0x89: {  	s3 =	sld [smem:$0x3FFE];
	_ =	sdelay $0x1  }
0x8a: {  	s1 =	srdreg.scid  }
0x8b: {  	s0 =	sand.u32 $0x1, s1  }
0x8c: {  	s16 =	sshll.u32 s0, $0xA;
	s2 =	sadd.s32 s3, s2  }
0x8d: {  	s2 =	sadd.s32 s2, s16  }
0x8e: {  	[smem:$0x3FC2] =	sst s2  }
0x8f: {  	_ = 	snop  }
0x90: {  	(tm) =	ssettm $0x1  }
0x91: {  	s17 =	sld [smem:$0x3FFB];
	_ =	sdelay $0x3  }
0x92: {  	_ =	strace s17  }
0x93: {  	s2 =	sld [smem:$0x3FFC];
	_ =	sdelay $0x3  }
0x94: {  	_ =	strace s2  }
0x95: {  	s2 =	sld [smem:$0x3FFD];
	_ =	sdelay $0x3  }
0x96: {  	_ =	strace s2  }
0x97: {  	_ =	strace $0x8FFFFFFF  }
0x98: {  	s18 =	sld [smem:$0x3FDB];
	_ =	sdelay $0x1  }
0x99: {  	s19 =	simm.s32 $_scs_section_size  }
0x9a: {  	s4 =	simm.s32 $_size__tile_overlayer_lowered;
	s5 =	simm.s32 $_tile_overlayer_lowered  }
0x9b: {  	s22 =	simm.s32 $0x1BFF;
	s21 =	sshll.u32 s5, $0x1;
	s2 =	sadd.s32 s19, s18  }
0x9c: {  	s6 =	simm.s32 $0x0;
	s20 =	sshll.u32 s4, $0x1;
	s4 =	sadd.s32 s21, s2  }
0x9d: {  	[timem:s6], [sflag:s22] =	dma.local [hbm:s4], s20  }
0x9e: {  	_ =	swait.ge [sflag:s22], s20  }
0x9f: {  	s3 =	ssub.s32 $0x0, s20;
	[sflag:s22] =	ssyncset.done $0x0  }
0xa0: {  	[sflag:s22] =	ssyncadd.s32 s3;
	_ =	sdelay $0x1  }
0xa1: {  	s23 =	simm.s32 $0x1B8B  }
0xa2: {  	_ =	swait.ge [sflag:s23], $0x1  }
0xa3: {  	[sflag:s23] =	ssyncset.done $0x0  }
0xa4: {  	s25 =	simm.s32 $0x1B8E;
	s24 =	sld [smem:$0x3FFE];
	[sflag:s23] =	ssyncadd.s32 $0xFFFFFFFF  }
0xa5: {  	s26 =	simm.s32 $execute0_lowered;
	[smem:$0x3FD2] =	sst s25  }
0xa6: {  	s4 =	sshll.u32 s26, $0x1;
	_ =	strace $0x80000049;
	[dreg:$0x1] =	wrdreg $0xFFFFFFFF  }
0xa7: {  	s28 =	simm.s32 $_size_execute0_lowered;
	s2 =	sadd.s32 s2, s4;
	[dreg:$0x0] =	wrdreg $0x0  }
0xa8: {  	s4 =	sshll.u32 s28, $0x1;
	[dreg:$0x2] =	wrdreg s2  }
0xa9: {  	[dreg:$0x3] =	wrdreg s4  }
0xaa: {  	[dreg:$0x4] =	wrdreg $0xC0  }
0xab: {  	_ =	task [dreg:s6], $0x5FFFF  }
0xac: {  	[dreg:$0x1] =	wrdreg $0xFFFFFFFF  }
0xad: {  	[dreg:$0x0] =	wrdreg $0x60  }
0xae: {  	[dreg:$0x2] =	wrdreg s24  }
0xaf: {  	[dreg:$0x3] =	wrdreg $0x5D000  }
0xb0: {  	[dreg:$0x4] =	wrdreg $0x9  }
0xb1: {  	_ =	task.clear_ibuf [dreg:s6], $0x5FFFF;
	_ =	strace $0x90000049  }
0xb2: {  	s29 =	simm.s32 $0x9;
	_ =	strace $0x8000004B  }
0xb3: {  	_ =	swait.ge [sflag:s29], $0x1  }
0xb4: {  	[sflag:s29] =	ssyncadd.s32 $0xFFFFFFFF  }
0xb5: {  	_ =	strace $0x9000004B  }
0xb6: {  	_ =	sfence  }
0xb7: {  	s30 =	sld [smem:$0x0];
	_ =	sdelay $0x2  }
0xb8: {  	s31 =	sshll.u32 s1, $0xD;
	s1 =	sshrl.u32 s1, $0x2  }
0xb9: {  	s3 =	sand.u32 $0x4000, s31;
	s1 =	sadd.s32 s1, s30  }
0xba: {  	s0 =	sor.u32 s3, s0;
	s1 =	sshll.u32 s1, $0x11  }
0xbb: {  	s0 =	sor.u32 s1, s0  }
0xbc: {  	s0 =	sadd.s32 $0x8F2B, s0  }
0xbd: {  	[sflag:s0] =	ssyncadd.remote.s32 $0x1  }
0xbe: {  	_ =	sfence.sel $0xFFFF  }
0xbf: {  	[dreg:$0x0] =	wrdreg $0xFFFFFFFF;
	(pc) =	sbr.abs _section_cstart, $3  }
0xc0: {  	[dreg:$0x1] =	wrdreg $0xFFFFFFFF  }
0xc1: {  	_ =	task.clear_ibuf [dreg:s6], $0x2FFFF;
	_ =	strace $0x9FFFFFFF  }
0xc2: {  	(tm) =	ssettm $0x7FFFFFFF  }
0xc3: {  	_ =	shalt  }
tec
execute0_lowered:
.L_overlay_start_1:
0x0: {  	(tag) =	ssettag $0x1  }
0x1: {  	s0 =	srdreg.scid;
	s6 =	rddreg [dreg:$0x0]  }
0x2: {  	s2 =	rddreg [dreg:$0x1];
	s3 =	simm.s32 $0x0;
	s13 =	simm.s32 $0x2880  }
0x3: {  	s14 =	simm.s32 $0x40;
	s15 =	simm.s32 $0x5100;
	s16 =	simm.s32 $0x5500  }
0x4: {  	s17 =	simm.s32 $0x80;
	s18 =	simm.s32 $0x5900;
	s19 =	simm.s32 $0x1  }
0x5: {  	s20 =	simm.s32 $0x2;
	s5 =	sand.u32 $0x1, s0;
	s0 =	stileid.u32  }
0x6: {  	s21 =	simm.s32 $0x3;
	s22 =	simm.s32 $0x0;
	s8 =	smul.u32 $0x2780, s0  }
0x7: {  	[smem:$0x7FF] =	sst s3;
	s4 =	sadd.s32 $0x37600, s6;
	s9 =	smul.u32 $0x4F0, s0  }
0x8: {  	s1 =	sshll.u32 s5, $0x4;
	s10 =	smul.u32 $0x4F00, s5;
	s5 =	ssub.s32 $0x2, s5  }
0x9: {  	s31 =	sshll.u32 s0, $0x6;
	s1 =	sor.u32 s0, s1;
	s29 =	sshrl.u32 s5, $0x1  }
0xa: {  	s7 =	smul.u32 $0x510, s1;
	s1 =	rddreg [dreg:$0x2];
	_ =	strace $0x8000004A  }
0xb: {  	s28 =	sshrl.u32 s8, $0x3;
	s9 =	sadd.s32 s9, s10;
	s30 =	ssub.s32 s5, s29  }
0xc: {  	s12 =	sadd.s32 s8, s2;
	s9 =	sadd.s32 s9, s6;
	s10 =	smax.u32 s30, $0x1  }
0xd: {  	s11 =	sadd.s32 s7, s6;
	s7 =	sadd.s32 s28, s6;
	s6 =	sor.u32 $0x1C04, s31  }
0xe: {  	s9 =	sadd.s32 $0x4B800, s9;
	s5 =	sadd.s32 $0x46800, s7;
	s7 =	sadd.s32 $0x3C600, s11  }
0xf: {  	s8 =	sadd.s32 $0x3400, s11;
	s11 =	sshrl.u32 s12, $0x3;
	s12 =	simm.s32 $0x4  }
.LBB2_1:
0x10: {  	[spmem:s11], [sflag:s6] =	dma.local [hbm:s5], $0x4F0  }
0x11: {  	_ =	swait.ge [sflag:s12], $0x4F0  }
0x12: {  	[sflag:s12] =	ssyncset.done $0x0  }
0x13: {  	[sflag:s12] =	ssyncadd.s32 $0xFFFFFB10  }
0x14: {  	[tilespmem:s3], [sflag:$0x4] =	stream.linear.gather [hbm4b:s7+s3], $0x2880, $0x38;
	[tilespmem:$0x8480] =	vst v63  }
0x15: {  	_ =	swait.ge [sflag:s12], $0x2880  }
0x16: {  	[sflag:s12] =	ssyncset.done $0x0  }
0x17: {  	[sflag:s12] =	ssyncadd.s32 $0xFFFFD780  }
0x18: {  	[tilespmem:s13], [sflag:$0x4] =	stream.linear.gather [hbm4b:s8+s3], $0x2880, $0x38;
	[tilespmem:$0x8480] =	vst v63  }
0x19: {  	_ =	swait.ge [sflag:s12], $0x2880  }
0x1a: {  	[sflag:s12] =	ssyncset.done $0x0  }
0x1b: {  	[sflag:s12] =	ssyncadd.s32 $0xFFFFD780  }
0x1c: {  	[bflag:$0x0] =	sbarrier.arrive $0xFFFF  }
0x1d: {  	[tilespmem:s15], [sflag:$0x1] =	stream.indirect.gather [hbm4b:s4+s14], $0x10, s3, s14, $0xb8;
	[tilespmem:$0x8480] =	vst v63  }
0x1e: {  	_ = 	snop  }
0x1f: {  	[tilespmem:s16], [sflag:$0x2] =	stream.indirect.gather [hbm4b:s4+s14], $0x10, s14, s14, $0xb8;
	[tilespmem:$0x8480] =	vst v63  }
0x20: {  	_ = 	snop  }
0x21: {  	[tilespmem:s18], [sflag:$0x3] =	stream.indirect.gather [hbm4b:s4+s14], $0x10, s17, s14, $0xb8;
	[tilespmem:$0x8480] =	vst v63  }
0x22: {  	_ =	swait.ge [sflag:s19], $0x400  }
0x23: {  	[sflag:s19] =	ssyncset.done $0x0  }
0x24: {  	s23 =	simm.s32 $0x2880;
	[sflag:s19] =	ssyncadd.s32 $0xFFFFFC00  }
0x25: {  	[spmem:s2] =	stream.indirect.scatter.add.f32 [tilespmem:s15], [sflag:$0x4], $0x10, s23, s14, $0xb8;
	[tilespmem:$0x8480] =	vst v63  }
0x26: {  	_ =	swait.ge [sflag:s12], $0x400  }
0x27: {  	[sflag:s12] =	ssyncset.done $0x0  }
0x28: {  	s28 =	simm.s32 $0xC0;
	[sflag:s12] =	ssyncadd.s32 $0xFFFFFC00  }
0x29: {  	[tilespmem:s15], [sflag:$0x1] =	stream.indirect.gather [hbm4b:s4+s14], $0x10, s28, s14, $0xb8;
	[tilespmem:$0x8480] =	vst v63  }
0x2a: {  	_ =	swait.ge [sflag:s20], $0x400  }
0x2b: {  	[sflag:s20] =	ssyncset.done $0x0  }
0x2c: {  	s29 =	simm.s32 $0x28C0;
	[sflag:s20] =	ssyncadd.s32 $0xFFFFFC00  }
0x2d: {  	[spmem:s2] =	stream.indirect.scatter.add.f32 [tilespmem:s16], [sflag:$0x4], $0x10, s29, s14, $0xb8;
	[tilespmem:$0x8480] =	vst v63  }
0x2e: {  	_ =	swait.ge [sflag:s12], $0x400  }
0x2f: {  	[sflag:s12] =	ssyncset.done $0x0  }
0x30: {  	s30 =	simm.s32 $0x100;
	[sflag:s12] =	ssyncadd.s32 $0xFFFFFC00  }
0x31: {  	[tilespmem:s16], [sflag:$0x2] =	stream.indirect.gather [hbm4b:s4+s14], $0x10, s30, s14, $0xb8;
	[tilespmem:$0x8480] =	vst v63  }
0x32: {  	_ =	swait.ge [sflag:s21], $0x400  }
0x33: {  	[sflag:s21] =	ssyncset.done $0x0  }
0x34: {  	s31 =	simm.s32 $0x2900;
	[sflag:s21] =	ssyncadd.s32 $0xFFFFFC00  }
0x35: {  	[spmem:s2] =	stream.indirect.scatter.add.f32 [tilespmem:s18], [sflag:$0x4], $0x10, s31, s14, $0xb8;
	[tilespmem:$0x8480] =	vst v63  }
0x36: {  	_ =	swait.ge [sflag:s12], $0x400  }
0x37: {  	[sflag:s12] =	ssyncset.done $0x0  }
0x38: {  	s24 =	simm.s32 $0x140;
	s23 =	simm.s32 $0x300;
	[sflag:s12] =	ssyncadd.s32 $0xFFFFFC00  }
.LBB2_2:
0x39: {  	[tilespmem:s18], [sflag:$0x3] =	stream.indirect.gather [hbm4b:s4+s14], $0x10, s24, s14, $0xb8;
	[tilespmem:$0x8480] =	vst v63  }
0x3a: {  	s24 =	smov.u32 s23  }
0x3b: {  	p0 =	sne.s32 s23, $0x9C00;
	s23 =	sadd.s32 $0x300, s23;
	_ =	swait.ge [sflag:s19], $0x400  }
0x3c: {  	s24 =	sshra.s32 s24, $0x2;
	[sflag:s19] =	ssyncset.done $0x0  }
0x3d: {  	s25 =	sadd.s32 $0x2880, s24;
	[sflag:s19] =	ssyncadd.s32 $0xFFFFFC00  }
0x3e: {  	[spmem:s2] =	stream.indirect.scatter.add.f32 [tilespmem:s15], [sflag:$0x4], $0x10, s25, s14, $0xb8;
	[tilespmem:$0x8480] =	vst v63  }
0x3f: {  	_ =	swait.ge [sflag:s12], $0x400  }
0x40: {  	[sflag:s12] =	ssyncset.done $0x0  }
0x41: {  	s25 =	sadd.s32 $0xC0, s24;
	[sflag:s12] =	ssyncadd.s32 $0xFFFFFC00  }
0x42: {  	[tilespmem:s15], [sflag:$0x1] =	stream.indirect.gather [hbm4b:s4+s14], $0x10, s25, s14, $0xb8;
	[tilespmem:$0x8480] =	vst v63  }
0x43: {  	_ =	swait.ge [sflag:s20], $0x400  }
0x44: {  	[sflag:s20] =	ssyncset.done $0x0  }
0x45: {  	s25 =	sadd.s32 $0x28C0, s24;
	[sflag:s20] =	ssyncadd.s32 $0xFFFFFC00  }
0x46: {  	[spmem:s2] =	stream.indirect.scatter.add.f32 [tilespmem:s16], [sflag:$0x4], $0x10, s25, s14, $0xb8;
	[tilespmem:$0x8480] =	vst v63  }
0x47: {  	_ =	swait.ge [sflag:s12], $0x400  }
0x48: {  	[sflag:s12] =	ssyncset.done $0x0  }
0x49: {  	s25 =	sadd.s32 $0x100, s24;
	[sflag:s12] =	ssyncadd.s32 $0xFFFFFC00  }
0x4a: {  	[tilespmem:s16], [sflag:$0x2] =	stream.indirect.gather [hbm4b:s4+s14], $0x10, s25, s14, $0xb8;
	[tilespmem:$0x8480] =	vst v63  }
0x4b: {  	_ =	swait.ge [sflag:s21], $0x400  }
0x4c: {  	[sflag:s21] =	ssyncset.done $0x0  }
.Ltmp0:
0x4d: {  	s25 =	sadd.s32 $0x2900, s24;
	[sflag:s21] =	ssyncadd.s32 $0xFFFFFC00;
	(pc) =	sbr.rel @p0 .LBB2_2-.Ltmp0, $4  }
0x4e: {  	[spmem:s2] =	stream.indirect.scatter.add.f32 [tilespmem:s18], [sflag:$0x4], $0x10, s25, s14, $0xb8;
	[tilespmem:$0x8480] =	vst v63  }
0x4f: {  	_ =	swait.ge [sflag:s12], $0x400  }
0x50: {  	[sflag:s12] =	ssyncset.done $0x0  }
0x51: {  	s24 =	sadd.s32 $0x140, s24;
	[sflag:s12] =	ssyncadd.s32 $0xFFFFFC00  }
0x52: {  	[tilespmem:s18], [sflag:$0x3] =	stream.indirect.gather [hbm4b:s4+s14], $0x10, s24, s14, $0xb8;
	[tilespmem:$0x8480] =	vst v63  }
0x53: {  	_ =	swait.ge [sflag:s19], $0x400  }
0x54: {  	[sflag:s19] =	ssyncset.done $0x0  }
0x55: {  	[sflag:s19] =	ssyncadd.s32 $0xFFFFFC00  }
0x56: {  	_ =	swait.ge [sflag:s20], $0x400  }
0x57: {  	[sflag:s20] =	ssyncset.done $0x0  }
0x58: {  	[sflag:s20] =	ssyncadd.s32 $0xFFFFFC00  }
0x59: {  	_ =	swait.ge [sflag:s21], $0x400  }
0x5a: {  	s22 =	sadd.s32 $0x1, s22;
	[sflag:s21] =	ssyncset.done $0x0  }
0x5b: {  	p0 =	sne.s32 s22, s10;
	[sflag:s21] =	ssyncadd.s32 $0xFFFFFC00  }
.Ltmp1:
0x5c: {  	[bflag:$0x0] =	sbarrier.arrive $0xFFFF;
	(pc) =	sbr.rel @p0 .LBB2_1-.Ltmp1, $4  }
0x5d: {  	[hbm:s9], [sflag:s6] =	dma.local [spmem:s11], $0x4F0  }
0x5e: {  	_ =	swait.ge [sflag:s12], $0x4F0  }
0x5f: {  	[sflag:s12] =	ssyncset.done $0x0  }
0x60: {  	[sflag:s12] =	ssyncadd.s32 $0xFFFFFB10  }
0x61: {  	_ =	sfence.sel $0x180000  }
0x62: {  	[bflag:$0x0] =	sbarrier.arrive $0xFFFF  }
0x63: {  	p0 =	sne.s32 s0, $0x0;
	_ =	strace $0x9000004A  }
0x64: {  	s0 =	sadd.s32 @!p0 $0x100000, s1;
	[bflag:$0x2] =	sbarrier.arrive $0xFFFF  }
0x65: {  	[sflag:s0] =	ssyncadd.tile.s32 @!p0 $0x1;
	_ =	shalt  }
.Lfunc_end2:
_tile_overlayer_lowered:
.L_overlay_start_2:
0x66: {  	(tag) =	ssettag $0x2  }
0x67: {  	s0 =	rddreg [dreg:$0x0];
	s2 =	stileid.u32  }
0x68: {  	s1 =	rddreg [dreg:$0x1];
	p0 =	sne.s32 s2, $0x0  }
0x69: {  	s3 =	rddreg [dreg:$0x2];
	[bflag:$0x3] =	sbarrier.arrive $0xFFFF;
	s2 =	simm.s32 @!p0 $0x1C04  }
0x6a: {  	[timem:s3], [sflag:s2] =	dma.local @!p0 [hbm:s0], s1  }
0x6b: {  	s0 =	simm.s32 @!p0 $0x4  }
0x6c: {  	_ =	swait.ge @!p0 [sflag:s0], s1  }
0x6d: {  	s1 =	ssub.s32 @!p0 $0x0, s1;
	[sflag:s0] =	ssyncset.done @!p0 $0x0  }
0x6e: {  	[sflag:s0] =	ssyncadd.s32 @!p0 s1  }
0x6f: {  	[bflag:$0x3] =	sbarrier.arrive $0xFFFF  }
0x70: {  	_ =	shalt  }

// kernel: kernel.22.cloned.1.call-start
scs
__scs_entry_jumppad:
0x0: {  	(pc) =	sbr.rel $0x88, $3  }
0x1: {  	(tag) =	ssettag $0x0;
	lr =	simm.s32 $0x1  }
0x2: {  	[smem:$0x3F9B] =	sst lr;
	_ =	strace $0xD0000000  }
0x3: {  	_ = 	snop  }
0x4: {  	_ = 	snop  }
0x5: {  	_ = 	snop  }
0x6: {  	_ = 	snop  }
0x7: {  	_ = 	snop  }
__scs_overlays_trampoline_lowered:
0x8: {  	[smem:$0x3FAA] =	sst s0  }
0x9: {  	[smem:$0x3FAB] =	sst s1  }
0xa: {  	[smem:$0x3FAC] =	sst s2  }
0xb: {  	[smem:$0x3FAD] =	sst s3  }
0xc: {  	[smem:$0x3FAE] =	sst s4  }
0xd: {  	[smem:$0x3FAF] =	sst s5  }
0xe: {  	[smem:$0x3FB0] =	sst s6  }
0xf: {  	[smem:$0x3FB1] =	sst s7  }
0x10: {  	[smem:$0x3FB2] =	sst s8  }
0x11: {  	[smem:$0x3FB3] =	sst s9;
	s0 =	simm.s32 @!p0 $0x0  }
0x12: {  	s1 =	sld [smem:$0x3F99];
	s0 =	simm.s32 @p0 $0x1  }
0x13: {  	[smem:$0x3FB4] =	sst s0;
	s0 =	simm.s32 @!p1 $0x0  }
0x14: {  	s2 =	sld [smem:$0x3F98];
	s0 =	simm.s32 @p1 $0x1  }
0x15: {  	[smem:$0x3FB5] =	sst s0;
	s0 =	simm.s32 @!p2 $0x0  }
0x16: {  	s3 =	sld [smem:$0x3FDB];
	s0 =	simm.s32 @p2 $0x1  }
0x17: {  	s4 =	simm.s32 $0x1BF5;
	[smem:$0x3FB7] =	sst s0  }
0x18: {  	s0 =	sld [smem:$0x3F9A];
	_ =	swait.ge [sflag:s4], $0x0  }
0x19: {  	s7 =	sld [smem:$0x3F9B]  }
0x1a: {  	s8 =	sadd.s32 $0xFFFFE003, lr  }
0x1b: {  	s9 =	sadd.s32 $0xFFFFFEF7, lr;
	s5 =	simm.s32 $0xFFFFFFFF;
	p2 =	slt.u32 s8, $0xFFFFF086  }
0x1c: {  	p1 =	slt.u32 s9, $0xF7A;
	s5 =	simm.s32 @!p2 $0x0  }
0x1d: {  	s5 =	simm.s32 @p1 $0x1;
	p0 =	seq.s32 s7, s2  }
0x1e: {  	s7 =	smul.u32 @!p0 $0xF7A, s2;
	p2 =	seq.s32 @!p0 s5, $0x0  }
0x1f: {  	s9 =	smul.u32 $0xF7A, s1;
	s8 =	simm.s32 @!p0 $0x1BF5;
	p2 =	por !p2, p0  }
0x20: {  	[sflag:s8] =	ssyncset.s32 @!p0 $0xFFFFF086;
	s6 =	sadd.s32 @!p0 s3, s7;
	s7 =	simm.s32 @!p0 $0x108  }
0x21: {  	s3 =	sadd.s32 s3, s9;
	s6 =	sadd.s32 @!p0 $0x88, s6;
	s7 =	simm.s32 @p2 $0x1082  }
0x22: {  	[simem:s7], [sflag:s8] =	dma.local @!p0 [hbm:s6], $0xF7A  }
0x23: {  	s9 =	sor.u32 $0xD0000000, s2;
	s6 =	simm.s32 $0x108;
	_ =	swait.ge @!p0 [sflag:s8], $0x0  }
0x24: {  	s3 =	sadd.s32 $0x88, s3;
	s6 =	simm.s32 @!p1 $0x1082;
	[sflag:s4] =	ssyncset.s32 $0xFFFFF086  }
0x25: {  	[simem:s6], [sflag:s4] =	dma.local [hbm:s3], $0xF7A  }
0x26: {  	[smem:$0x3F9B] =	sst s1;
	(tag) =	ssettag s2;
	_ =	strace s9  }
0x27: {  	s1 =	sld [smem:$0x3FAB]  }
0x28: {  	s2 =	sld [smem:$0x3FAC]  }
0x29: {  	s4 =	sld [smem:$0x3FAE]  }
0x2a: {  	p0 =	seq.s32 s5, $0x0;
	s5 =	sld [smem:$0x3FAF]  }
0x2b: {  	s6 =	sld [smem:$0x3FB0]  }
0x2c: {  	s7 =	sld [smem:$0x3FB1]  }
0x2d: {  	s3 =	simm.s32 $0x108;
	s8 =	sld [smem:$0x3FB2]  }
0x2e: {  	s3 =	simm.s32 @!p0 $0x1082;
	s9 =	sld [smem:$0x3FB3]  }
0x2f: {  	lr =	sadd.s32 s0, s3;
	s0 =	sld [smem:$0x3FAA]  }
0x30: {  	s3 =	sld [smem:$0x3FAD]  }
0x31: {  	[smem:$0x3FB6] =	sst s10  }
0x32: {  	s10 =	sld [smem:$0x3FB4];
	_ =	sdelay $0x3  }
0x33: {  	p0 =	seq.s32 s10, $0x1;
	s10 =	sld [smem:$0x3FB6];
	_ =	sdelay $0x3  }
0x34: {  	[smem:$0x3FB6] =	sst s10  }
0x35: {  	s10 =	sld [smem:$0x3FB5];
	_ =	sdelay $0x3  }
0x36: {  	p1 =	seq.s32 s10, $0x1;
	s10 =	sld [smem:$0x3FB6];
	_ =	sdelay $0x3  }
0x37: {  	[smem:$0x3FB6] =	sst s10  }
0x38: {  	s10 =	sld [smem:$0x3FB7]  }
0x39: {  	_ = 	snop;
	(pc) =	sbr.ind lr, $3  }
0x3a: {  	_ = 	snop  }
0x3b: {  	_ = 	snop  }
0x3c: {  	p2 =	seq.s32 s10, $0x1;
	s10 =	sld [smem:$0x3FB6]  }
0x3d: {  	_ =	shalt  }
0x3e: {  	_ =	shalt  }
0x3f: {  	_ =	shalt  }
0x40: {  	_ =	shalt  }
0x41: {  	_ =	shalt  }
0x42: {  	_ =	shalt  }
0x43: {  	_ =	shalt  }
0x44: {  	_ =	shalt  }
0x45: {  	_ =	shalt  }
0x46: {  	_ =	shalt  }
0x47: {  	_ =	shalt  }
0x48: {  	_ =	shalt  }
0x49: {  	_ =	shalt  }
0x4a: {  	_ =	shalt  }
0x4b: {  	_ =	shalt  }
0x4c: {  	_ =	shalt  }
0x4d: {  	_ =	shalt  }
0x4e: {  	_ =	shalt  }
0x4f: {  	_ =	shalt  }
0x50: {  	_ =	shalt  }
0x51: {  	_ =	shalt  }
0x52: {  	_ =	shalt  }
0x53: {  	_ =	shalt  }
0x54: {  	_ =	shalt  }
0x55: {  	_ =	shalt  }
0x56: {  	_ =	shalt  }
0x57: {  	_ =	shalt  }
0x58: {  	_ =	shalt  }
0x59: {  	_ =	shalt  }
0x5a: {  	_ =	shalt  }
0x5b: {  	_ =	shalt  }
0x5c: {  	_ =	shalt  }
0x5d: {  	_ =	shalt  }
0x5e: {  	_ =	shalt  }
0x5f: {  	_ =	shalt  }
0x60: {  	_ =	shalt  }
0x61: {  	_ =	shalt  }
0x62: {  	_ =	shalt  }
0x63: {  	_ =	shalt  }
0x64: {  	_ =	shalt  }
0x65: {  	_ =	shalt  }
0x66: {  	_ =	shalt  }
0x67: {  	_ =	shalt  }
0x68: {  	_ =	shalt  }
0x69: {  	_ =	shalt  }
0x6a: {  	_ =	shalt  }
0x6b: {  	_ =	shalt  }
0x6c: {  	_ =	shalt  }
0x6d: {  	_ =	shalt  }
0x6e: {  	_ =	shalt  }
0x6f: {  	_ =	shalt  }
0x70: {  	_ =	shalt  }
0x71: {  	_ =	shalt  }
0x72: {  	_ =	shalt  }
0x73: {  	_ =	shalt  }
0x74: {  	_ =	shalt  }
0x75: {  	_ =	shalt  }
0x76: {  	_ =	shalt  }
0x77: {  	_ =	shalt  }
0x78: {  	_ =	shalt  }
0x79: {  	_ =	shalt  }
0x7a: {  	_ =	shalt  }
0x7b: {  	_ =	shalt  }
0x7c: {  	_ =	shalt  }
0x7d: {  	_ =	shalt  }
0x7e: {  	_ =	shalt  }
0x7f: {  	_ =	shalt  }
0x80: {  	_ =	shalt  }
0x81: {  	_ =	shalt  }
0x82: {  	_ =	shalt  }
0x83: {  	_ =	shalt  }
0x84: {  	_ =	shalt  }
0x85: {  	_ =	shalt  }
0x86: {  	_ =	shalt  }
0x87: {  	_ =	shalt  }
.Lfunc_end0:
.L_simem_size_0:
called_computation.2_lowered:
.L_overlay_start_0:
0x88: {  	s2 =	sld [smem:$0x3FD9]  }
0x89: {  	s3 =	sld [smem:$0x3FFE];
	_ =	sdelay $0x1  }
0x8a: {  	s1 =	srdreg.scid  }
0x8b: {  	s0 =	sand.u32 $0x1, s1  }
0x8c: {  	s16 =	sshll.u32 s0, $0xA;
	s2 =	sadd.s32 s3, s2  }
0x8d: {  	s2 =	sadd.s32 s2, s16  }
0x8e: {  	[smem:$0x3FC2] =	sst s2  }
0x8f: {  	_ = 	snop  }
0x90: {  	(tm) =	ssettm $0x1  }
0x91: {  	s17 =	sld [smem:$0x3FFB];
	_ =	sdelay $0x3  }
0x92: {  	_ =	strace s17  }
0x93: {  	s2 =	sld [smem:$0x3FFC];
	_ =	sdelay $0x3  }
0x94: {  	_ =	strace s2  }
0x95: {  	s2 =	sld [smem:$0x3FFD];
	_ =	sdelay $0x3  }
0x96: {  	_ =	strace s2  }
0x97: {  	_ =	strace $0x8FFFFFFF  }
0x98: {  	s18 =	sld [smem:$0x3FDB];
	_ =	sdelay $0x1  }
0x99: {  	s19 =	simm.s32 $_scs_section_size  }
0x9a: {  	s4 =	simm.s32 $_size__tile_overlayer_lowered;
	s5 =	simm.s32 $_tile_overlayer_lowered  }
0x9b: {  	s22 =	simm.s32 $0x1BFF;
	s21 =	sshll.u32 s5, $0x1;
	s2 =	sadd.s32 s19, s18  }
0x9c: {  	s6 =	simm.s32 $0x0;
	s20 =	sshll.u32 s4, $0x1;
	s4 =	sadd.s32 s21, s2  }
0x9d: {  	[timem:s6], [sflag:s22] =	dma.local [hbm:s4], s20  }
0x9e: {  	_ =	swait.ge [sflag:s22], s20  }
0x9f: {  	s3 =	ssub.s32 $0x0, s20;
	[sflag:s22] =	ssyncset.done $0x0  }
0xa0: {  	[sflag:s22] =	ssyncadd.s32 s3;
	_ =	sdelay $0x1  }
0xa1: {  	s23 =	simm.s32 $0x1B8B  }
0xa2: {  	_ =	swait.ge [sflag:s23], $0x1  }
0xa3: {  	[sflag:s23] =	ssyncset.done $0x0  }
0xa4: {  	s25 =	simm.s32 $0x1B8E;
	s24 =	sld [smem:$0x3FFE];
	[sflag:s23] =	ssyncadd.s32 $0xFFFFFFFF  }
0xa5: {  	s26 =	simm.s32 $execute0_lowered;
	[smem:$0x3FD2] =	sst s25  }
0xa6: {  	s4 =	sshll.u32 s26, $0x1;
	_ =	strace $0x8000004C;
	[dreg:$0x1] =	wrdreg $0xFFFFFFFF  }
0xa7: {  	s28 =	simm.s32 $_size_execute0_lowered;
	s2 =	sadd.s32 s2, s4;
	[dreg:$0x0] =	wrdreg $0x0  }
0xa8: {  	s4 =	sshll.u32 s28, $0x1;
	[dreg:$0x2] =	wrdreg s2  }
0xa9: {  	[dreg:$0x3] =	wrdreg s4  }
0xaa: {  	[dreg:$0x4] =	wrdreg $0xC0  }
0xab: {  	_ =	task [dreg:s6], $0x5FFFF  }
0xac: {  	[dreg:$0x1] =	wrdreg $0xFFFFFFFF  }
0xad: {  	[dreg:$0x0] =	wrdreg $0x60  }
0xae: {  	[dreg:$0x2] =	wrdreg s24  }
0xaf: {  	[dreg:$0x3] =	wrdreg $0x5D000  }
0xb0: {  	[dreg:$0x4] =	wrdreg $0x9  }
0xb1: {  	_ =	task.clear_ibuf [dreg:s6], $0x5FFFF;
	_ =	strace $0x9000004C  }
0xb2: {  	s29 =	simm.s32 $0x9;
	_ =	strace $0x8000004E  }
0xb3: {  	_ =	swait.ge [sflag:s29], $0x1  }
0xb4: {  	[sflag:s29] =	ssyncadd.s32 $0xFFFFFFFF  }
0xb5: {  	_ =	strace $0x9000004E  }
0xb6: {  	_ =	sfence  }
0xb7: {  	s30 =	sld [smem:$0x0];
	_ =	sdelay $0x2  }
0xb8: {  	s31 =	sshll.u32 s1, $0xD;
	s1 =	sshrl.u32 s1, $0x2  }
0xb9: {  	s3 =	sand.u32 $0x4000, s31;
	s1 =	sadd.s32 s1, s30  }
0xba: {  	s0 =	sor.u32 s3, s0;
	s1 =	sshll.u32 s1, $0x11  }
0xbb: {  	s0 =	sor.u32 s1, s0  }
0xbc: {  	s0 =	sadd.s32 $0x8F2B, s0  }
0xbd: {  	[sflag:s0] =	ssyncadd.remote.s32 $0x1  }
0xbe: {  	_ =	sfence.sel $0xFFFF  }
0xbf: {  	[dreg:$0x0] =	wrdreg $0xFFFFFFFF;
	(pc) =	sbr.abs _section_cstart, $3  }
0xc0: {  	[dreg:$0x1] =	wrdreg $0xFFFFFFFF  }
0xc1: {  	_ =	task.clear_ibuf [dreg:s6], $0x2FFFF;
	_ =	strace $0x9FFFFFFF  }
0xc2: {  	(tm) =	ssettm $0x7FFFFFFF  }
0xc3: {  	_ =	shalt  }
tec
execute0_lowered:
.L_overlay_start_1:
0x0: {  	(tag) =	ssettag $0x1  }
0x1: {  	s0 =	srdreg.scid;
	s6 =	rddreg [dreg:$0x0]  }
0x2: {  	s2 =	rddreg [dreg:$0x1];
	s3 =	simm.s32 $0x0;
	s13 =	simm.s32 $0x2880  }
0x3: {  	s14 =	simm.s32 $0x40;
	s15 =	simm.s32 $0x5100;
	s16 =	simm.s32 $0x5500  }
0x4: {  	s17 =	simm.s32 $0x80;
	s18 =	simm.s32 $0x5900;
	s19 =	simm.s32 $0x1  }
0x5: {  	s20 =	simm.s32 $0x2;
	s5 =	sand.u32 $0x1, s0;
	s0 =	stileid.u32  }
0x6: {  	s21 =	simm.s32 $0x3;
	s22 =	simm.s32 $0x0;
	s8 =	smul.u32 $0x2780, s0  }
0x7: {  	[smem:$0x7FF] =	sst s3;
	s4 =	sadd.s32 $0x37600, s6;
	s9 =	smul.u32 $0x4F0, s0  }
0x8: {  	s1 =	sshll.u32 s5, $0x4;
	s10 =	smul.u32 $0x4F00, s5;
	s5 =	ssub.s32 $0x2, s5  }
0x9: {  	s31 =	sshll.u32 s0, $0x6;
	s1 =	sor.u32 s0, s1;
	s29 =	sshrl.u32 s5, $0x1  }
0xa: {  	s7 =	smul.u32 $0x510, s1;
	s1 =	rddreg [dreg:$0x2];
	_ =	strace $0x8000004D  }
0xb: {  	s28 =	sshrl.u32 s8, $0x3;
	s9 =	sadd.s32 s9, s10;
	s30 =	ssub.s32 s5, s29  }
0xc: {  	s12 =	sadd.s32 s8, s2;
	s9 =	sadd.s32 s9, s6;
	s10 =	smax.u32 s30, $0x1  }
0xd: {  	s11 =	sadd.s32 s7, s6;
	s7 =	sadd.s32 s28, s6;
	s6 =	sor.u32 $0x1C04, s31  }
0xe: {  	s9 =	sadd.s32 $0x4B800, s9;
	s5 =	sadd.s32 $0x46800, s7;
	s7 =	sadd.s32 $0x3C600, s11  }
0xf: {  	s8 =	sadd.s32 $0x3400, s11;
	s11 =	sshrl.u32 s12, $0x3;
	s12 =	simm.s32 $0x4  }
.LBB2_1:
0x10: {  	[spmem:s11], [sflag:s6] =	dma.local [hbm:s5], $0x4F0  }
0x11: {  	_ =	swait.ge [sflag:s12], $0x4F0  }
0x12: {  	[sflag:s12] =	ssyncset.done $0x0  }
0x13: {  	[sflag:s12] =	ssyncadd.s32 $0xFFFFFB10  }
0x14: {  	[tilespmem:s3], [sflag:$0x4] =	stream.linear.gather [hbm4b:s7+s3], $0x2880, $0x38;
	[tilespmem:$0x8480] =	vst v63  }
0x15: {  	_ =	swait.ge [sflag:s12], $0x2880  }
0x16: {  	[sflag:s12] =	ssyncset.done $0x0  }
0x17: {  	[sflag:s12] =	ssyncadd.s32 $0xFFFFD780  }
0x18: {  	[tilespmem:s13], [sflag:$0x4] =	stream.linear.gather [hbm4b:s8+s3], $0x2880, $0x38;
	[tilespmem:$0x8480] =	vst v63  }
0x19: {  	_ =	swait.ge [sflag:s12], $0x2880  }
0x1a: {  	[sflag:s12] =	ssyncset.done $0x0  }
0x1b: {  	[sflag:s12] =	ssyncadd.s32 $0xFFFFD780  }
0x1c: {  	[bflag:$0x0] =	sbarrier.arrive $0xFFFF  }
0x1d: {  	[tilespmem:s15], [sflag:$0x1] =	stream.indirect.gather [hbm4b:s4+s14], $0x10, s3, s14, $0xb8;
	[tilespmem:$0x8480] =	vst v63  }
0x1e: {  	_ = 	snop  }
0x1f: {  	[tilespmem:s16], [sflag:$0x2] =	stream.indirect.gather [hbm4b:s4+s14], $0x10, s14, s14, $0xb8;
	[tilespmem:$0x8480] =	vst v63  }
0x20: {  	_ = 	snop  }
0x21: {  	[tilespmem:s18], [sflag:$0x3] =	stream.indirect.gather [hbm4b:s4+s14], $0x10, s17, s14, $0xb8;
	[tilespmem:$0x8480] =	vst v63  }
0x22: {  	_ =	swait.ge [sflag:s19], $0x400  }
0x23: {  	[sflag:s19] =	ssyncset.done $0x0  }
0x24: {  	s23 =	simm.s32 $0x2880;
	[sflag:s19] =	ssyncadd.s32 $0xFFFFFC00  }
0x25: {  	[spmem:s2] =	stream.indirect.scatter.add.f32 [tilespmem:s15], [sflag:$0x4], $0x10, s23, s14, $0xb8;
	[tilespmem:$0x8480] =	vst v63  }
0x26: {  	_ =	swait.ge [sflag:s12], $0x400  }
0x27: {  	[sflag:s12] =	ssyncset.done $0x0  }
0x28: {  	s28 =	simm.s32 $0xC0;
	[sflag:s12] =	ssyncadd.s32 $0xFFFFFC00  }
0x29: {  	[tilespmem:s15], [sflag:$0x1] =	stream.indirect.gather [hbm4b:s4+s14], $0x10, s28, s14, $0xb8;
	[tilespmem:$0x8480] =	vst v63  }
0x2a: {  	_ =	swait.ge [sflag:s20], $0x400  }
0x2b: {  	[sflag:s20] =	ssyncset.done $0x0  }
0x2c: {  	s29 =	simm.s32 $0x28C0;
	[sflag:s20] =	ssyncadd.s32 $0xFFFFFC00  }
0x2d: {  	[spmem:s2] =	stream.indirect.scatter.add.f32 [tilespmem:s16], [sflag:$0x4], $0x10, s29, s14, $0xb8;
	[tilespmem:$0x8480] =	vst v63  }
0x2e: {  	_ =	swait.ge [sflag:s12], $0x400  }
0x2f: {  	[sflag:s12] =	ssyncset.done $0x0  }
0x30: {  	s30 =	simm.s32 $0x100;
	[sflag:s12] =	ssyncadd.s32 $0xFFFFFC00  }
0x31: {  	[tilespmem:s16], [sflag:$0x2] =	stream.indirect.gather [hbm4b:s4+s14], $0x10, s30, s14, $0xb8;
	[tilespmem:$0x8480] =	vst v63  }
0x32: {  	_ =	swait.ge [sflag:s21], $0x400  }
0x33: {  	[sflag:s21] =	ssyncset.done $0x0  }
0x34: {  	s31 =	simm.s32 $0x2900;
	[sflag:s21] =	ssyncadd.s32 $0xFFFFFC00  }
0x35: {  	[spmem:s2] =	stream.indirect.scatter.add.f32 [tilespmem:s18], [sflag:$0x4], $0x10, s31, s14, $0xb8;
	[tilespmem:$0x8480] =	vst v63  }
0x36: {  	_ =	swait.ge [sflag:s12], $0x400  }
0x37: {  	[sflag:s12] =	ssyncset.done $0x0  }
0x38: {  	s24 =	simm.s32 $0x140;
	s23 =	simm.s32 $0x300;
	[sflag:s12] =	ssyncadd.s32 $0xFFFFFC00  }
.LBB2_2:
0x39: {  	[tilespmem:s18], [sflag:$0x3] =	stream.indirect.gather [hbm4b:s4+s14], $0x10, s24, s14, $0xb8;
	[tilespmem:$0x8480] =	vst v63  }
0x3a: {  	s24 =	smov.u32 s23  }
0x3b: {  	p0 =	sne.s32 s23, $0x9C00;
	s23 =	sadd.s32 $0x300, s23;
	_ =	swait.ge [sflag:s19], $0x400  }
0x3c: {  	s24 =	sshra.s32 s24, $0x2;
	[sflag:s19] =	ssyncset.done $0x0  }
0x3d: {  	s25 =	sadd.s32 $0x2880, s24;
	[sflag:s19] =	ssyncadd.s32 $0xFFFFFC00  }
0x3e: {  	[spmem:s2] =	stream.indirect.scatter.add.f32 [tilespmem:s15], [sflag:$0x4], $0x10, s25, s14, $0xb8;
	[tilespmem:$0x8480] =	vst v63  }
0x3f: {  	_ =	swait.ge [sflag:s12], $0x400  }
0x40: {  	[sflag:s12] =	ssyncset.done $0x0  }
0x41: {  	s25 =	sadd.s32 $0xC0, s24;
	[sflag:s12] =	ssyncadd.s32 $0xFFFFFC00  }
0x42: {  	[tilespmem:s15], [sflag:$0x1] =	stream.indirect.gather [hbm4b:s4+s14], $0x10, s25, s14, $0xb8;
	[tilespmem:$0x8480] =	vst v63  }
0x43: {  	_ =	swait.ge [sflag:s20], $0x400  }
0x44: {  	[sflag:s20] =	ssyncset.done $0x0  }
0x45: {  	s25 =	sadd.s32 $0x28C0, s24;
	[sflag:s20] =	ssyncadd.s32 $0xFFFFFC00  }
0x46: {  	[spmem:s2] =	stream.indirect.scatter.add.f32 [tilespmem:s16], [sflag:$0x4], $0x10, s25, s14, $0xb8;
	[tilespmem:$0x8480] =	vst v63  }
0x47: {  	_ =	swait.ge [sflag:s12], $0x400  }
0x48: {  	[sflag:s12] =	ssyncset.done $0x0  }
0x49: {  	s25 =	sadd.s32 $0x100, s24;
	[sflag:s12] =	ssyncadd.s32 $0xFFFFFC00  }
0x4a: {  	[tilespmem:s16], [sflag:$0x2] =	stream.indirect.gather [hbm4b:s4+s14], $0x10, s25, s14, $0xb8;
	[tilespmem:$0x8480] =	vst v63  }
0x4b: {  	_ =	swait.ge [sflag:s21], $0x400  }
0x4c: {  	[sflag:s21] =	ssyncset.done $0x0  }
.Ltmp0:
0x4d: {  	s25 =	sadd.s32 $0x2900, s24;
	[sflag:s21] =	ssyncadd.s32 $0xFFFFFC00;
	(pc) =	sbr.rel @p0 .LBB2_2-.Ltmp0, $4  }
0x4e: {  	[spmem:s2] =	stream.indirect.scatter.add.f32 [tilespmem:s18], [sflag:$0x4], $0x10, s25, s14, $0xb8;
	[tilespmem:$0x8480] =	vst v63  }
0x4f: {  	_ =	swait.ge [sflag:s12], $0x400  }
0x50: {  	[sflag:s12] =	ssyncset.done $0x0  }
0x51: {  	s24 =	sadd.s32 $0x140, s24;
	[sflag:s12] =	ssyncadd.s32 $0xFFFFFC00  }
0x52: {  	[tilespmem:s18], [sflag:$0x3] =	stream.indirect.gather [hbm4b:s4+s14], $0x10, s24, s14, $0xb8;
	[tilespmem:$0x8480] =	vst v63  }
0x53: {  	_ =	swait.ge [sflag:s19], $0x400  }
0x54: {  	[sflag:s19] =	ssyncset.done $0x0  }
0x55: {  	[sflag:s19] =	ssyncadd.s32 $0xFFFFFC00  }
0x56: {  	_ =	swait.ge [sflag:s20], $0x400  }
0x57: {  	[sflag:s20] =	ssyncset.done $0x0  }
0x58: {  	[sflag:s20] =	ssyncadd.s32 $0xFFFFFC00  }
0x59: {  	_ =	swait.ge [sflag:s21], $0x400  }
0x5a: {  	s22 =	sadd.s32 $0x1, s22;
	[sflag:s21] =	ssyncset.done $0x0  }
0x5b: {  	p0 =	sne.s32 s22, s10;
	[sflag:s21] =	ssyncadd.s32 $0xFFFFFC00  }
.Ltmp1:
0x5c: {  	[bflag:$0x0] =	sbarrier.arrive $0xFFFF;
	(pc) =	sbr.rel @p0 .LBB2_1-.Ltmp1, $4  }
0x5d: {  	[hbm:s9], [sflag:s6] =	dma.local [spmem:s11], $0x4F0  }
0x5e: {  	_ =	swait.ge [sflag:s12], $0x4F0  }
0x5f: {  	[sflag:s12] =	ssyncset.done $0x0  }
0x60: {  	[sflag:s12] =	ssyncadd.s32 $0xFFFFFB10  }
0x61: {  	_ =	sfence.sel $0x180000  }
0x62: {  	[bflag:$0x0] =	sbarrier.arrive $0xFFFF  }
0x63: {  	p0 =	sne.s32 s0, $0x0;
	_ =	strace $0x9000004D  }
0x64: {  	s0 =	sadd.s32 @!p0 $0x100000, s1;
	[bflag:$0x2] =	sbarrier.arrive $0xFFFF  }
0x65: {  	[sflag:s0] =	ssyncadd.tile.s32 @!p0 $0x1;
	_ =	shalt  }
.Lfunc_end2:
_tile_overlayer_lowered:
.L_overlay_start_2:
0x66: {  	(tag) =	ssettag $0x2  }
0x67: {  	s0 =	rddreg [dreg:$0x0];
	s2 =	stileid.u32  }
0x68: {  	s1 =	rddreg [dreg:$0x1];
	p0 =	sne.s32 s2, $0x0  }
0x69: {  	s3 =	rddreg [dreg:$0x2];
	[bflag:$0x3] =	sbarrier.arrive $0xFFFF;
	s2 =	simm.s32 @!p0 $0x1C04  }
0x6a: {  	[timem:s3], [sflag:s2] =	dma.local @!p0 [hbm:s0], s1  }
0x6b: {  	s0 =	simm.s32 @!p0 $0x4  }
0x6c: {  	_ =	swait.ge @!p0 [sflag:s0], s1  }
0x6d: {  	s1 =	ssub.s32 @!p0 $0x0, s1;
	[sflag:s0] =	ssyncset.done @!p0 $0x0  }
0x6e: {  	[sflag:s0] =	ssyncadd.s32 @!p0 s1  }
0x6f: {  	[bflag:$0x3] =	sbarrier.arrive $0xFFFF  }
0x70: {  	_ =	shalt  }

// kernel: kernel.25.cloned.1.call-start
scs
__scs_entry_jumppad:
0x0: {  	(pc) =	sbr.rel $0x88, $3  }
0x1: {  	(tag) =	ssettag $0x0;
	lr =	simm.s32 $0x1  }
0x2: {  	[smem:$0x3F9B] =	sst lr;
	_ =	strace $0xD0000000  }
0x3: {  	_ = 	snop  }
0x4: {  	_ = 	snop  }
0x5: {  	_ = 	snop  }
0x6: {  	_ = 	snop  }
0x7: {  	_ = 	snop  }
__scs_overlays_trampoline_lowered:
0x8: {  	[smem:$0x3FAA] =	sst s0  }
0x9: {  	[smem:$0x3FAB] =	sst s1  }
0xa: {  	[smem:$0x3FAC] =	sst s2  }
0xb: {  	[smem:$0x3FAD] =	sst s3  }
0xc: {  	[smem:$0x3FAE] =	sst s4  }
0xd: {  	[smem:$0x3FAF] =	sst s5  }
0xe: {  	[smem:$0x3FB0] =	sst s6  }
0xf: {  	[smem:$0x3FB1] =	sst s7  }
0x10: {  	[smem:$0x3FB2] =	sst s8  }
0x11: {  	[smem:$0x3FB3] =	sst s9;
	s0 =	simm.s32 @!p0 $0x0  }
0x12: {  	s1 =	sld [smem:$0x3F99];
	s0 =	simm.s32 @p0 $0x1  }
0x13: {  	[smem:$0x3FB4] =	sst s0;
	s0 =	simm.s32 @!p1 $0x0  }
0x14: {  	s2 =	sld [smem:$0x3F98];
	s0 =	simm.s32 @p1 $0x1  }
0x15: {  	[smem:$0x3FB5] =	sst s0;
	s0 =	simm.s32 @!p2 $0x0  }
0x16: {  	s3 =	sld [smem:$0x3FDB];
	s0 =	simm.s32 @p2 $0x1  }
0x17: {  	s4 =	simm.s32 $0x1BF5;
	[smem:$0x3FB7] =	sst s0  }
0x18: {  	s0 =	sld [smem:$0x3F9A];
	_ =	swait.ge [sflag:s4], $0x0  }
0x19: {  	s7 =	sld [smem:$0x3F9B]  }
0x1a: {  	s8 =	sadd.s32 $0xFFFFE003, lr  }
0x1b: {  	s9 =	sadd.s32 $0xFFFFFEF7, lr;
	s5 =	simm.s32 $0xFFFFFFFF;
	p2 =	slt.u32 s8, $0xFFFFF086  }
0x1c: {  	p1 =	slt.u32 s9, $0xF7A;
	s5 =	simm.s32 @!p2 $0x0  }
0x1d: {  	s5 =	simm.s32 @p1 $0x1;
	p0 =	seq.s32 s7, s2  }
0x1e: {  	s7 =	smul.u32 @!p0 $0xF7A, s2;
	p2 =	seq.s32 @!p0 s5, $0x0  }
0x1f: {  	s9 =	smul.u32 $0xF7A, s1;
	s8 =	simm.s32 @!p0 $0x1BF5;
	p2 =	por !p2, p0  }
0x20: {  	[sflag:s8] =	ssyncset.s32 @!p0 $0xFFFFF086;
	s6 =	sadd.s32 @!p0 s3, s7;
	s7 =	simm.s32 @!p0 $0x108  }
0x21: {  	s3 =	sadd.s32 s3, s9;
	s6 =	sadd.s32 @!p0 $0x88, s6;
	s7 =	simm.s32 @p2 $0x1082  }
0x22: {  	[simem:s7], [sflag:s8] =	dma.local @!p0 [hbm:s6], $0xF7A  }
0x23: {  	s9 =	sor.u32 $0xD0000000, s2;
	s6 =	simm.s32 $0x108;
	_ =	swait.ge @!p0 [sflag:s8], $0x0  }
0x24: {  	s3 =	sadd.s32 $0x88, s3;
	s6 =	simm.s32 @!p1 $0x1082;
	[sflag:s4] =	ssyncset.s32 $0xFFFFF086  }
0x25: {  	[simem:s6], [sflag:s4] =	dma.local [hbm:s3], $0xF7A  }
0x26: {  	[smem:$0x3F9B] =	sst s1;
	(tag) =	ssettag s2;
	_ =	strace s9  }
0x27: {  	s1 =	sld [smem:$0x3FAB]  }
0x28: {  	s2 =	sld [smem:$0x3FAC]  }
0x29: {  	s4 =	sld [smem:$0x3FAE]  }
0x2a: {  	p0 =	seq.s32 s5, $0x0;
	s5 =	sld [smem:$0x3FAF]  }
0x2b: {  	s6 =	sld [smem:$0x3FB0]  }
0x2c: {  	s7 =	sld [smem:$0x3FB1]  }
0x2d: {  	s3 =	simm.s32 $0x108;
	s8 =	sld [smem:$0x3FB2]  }
0x2e: {  	s3 =	simm.s32 @!p0 $0x1082;
	s9 =	sld [smem:$0x3FB3]  }
0x2f: {  	lr =	sadd.s32 s0, s3;
	s0 =	sld [smem:$0x3FAA]  }
0x30: {  	s3 =	sld [smem:$0x3FAD]  }
0x31: {  	[smem:$0x3FB6] =	sst s10  }
0x32: {  	s10 =	sld [smem:$0x3FB4];
	_ =	sdelay $0x3  }
0x33: {  	p0 =	seq.s32 s10, $0x1;
	s10 =	sld [smem:$0x3FB6];
	_ =	sdelay $0x3  }
0x34: {  	[smem:$0x3FB6] =	sst s10  }
0x35: {  	s10 =	sld [smem:$0x3FB5];
	_ =	sdelay $0x3  }
0x36: {  	p1 =	seq.s32 s10, $0x1;
	s10 =	sld [smem:$0x3FB6];
	_ =	sdelay $0x3  }
0x37: {  	[smem:$0x3FB6] =	sst s10  }
0x38: {  	s10 =	sld [smem:$0x3FB7]  }
0x39: {  	_ = 	snop;
	(pc) =	sbr.ind lr, $3  }
0x3a: {  	_ = 	snop  }
0x3b: {  	_ = 	snop  }
0x3c: {  	p2 =	seq.s32 s10, $0x1;
	s10 =	sld [smem:$0x3FB6]  }
0x3d: {  	_ =	shalt  }
0x3e: {  	_ =	shalt  }
0x3f: {  	_ =	shalt  }
0x40: {  	_ =	shalt  }
0x41: {  	_ =	shalt  }
0x42: {  	_ =	shalt  }
0x43: {  	_ =	shalt  }
0x44: {  	_ =	shalt  }
0x45: {  	_ =	shalt  }
0x46: {  	_ =	shalt  }
0x47: {  	_ =	shalt  }
0x48: {  	_ =	shalt  }
0x49: {  	_ =	shalt  }
0x4a: {  	_ =	shalt  }
0x4b: {  	_ =	shalt  }
0x4c: {  	_ =	shalt  }
0x4d: {  	_ =	shalt  }
0x4e: {  	_ =	shalt  }
0x4f: {  	_ =	shalt  }
0x50: {  	_ =	shalt  }
0x51: {  	_ =	shalt  }
0x52: {  	_ =	shalt  }
0x53: {  	_ =	shalt  }
0x54: {  	_ =	shalt  }
0x55: {  	_ =	shalt  }
0x56: {  	_ =	shalt  }
0x57: {  	_ =	shalt  }
0x58: {  	_ =	shalt  }
0x59: {  	_ =	shalt  }
0x5a: {  	_ =	shalt  }
0x5b: {  	_ =	shalt  }
0x5c: {  	_ =	shalt  }
0x5d: {  	_ =	shalt  }
0x5e: {  	_ =	shalt  }
0x5f: {  	_ =	shalt  }
0x60: {  	_ =	shalt  }
0x61: {  	_ =	shalt  }
0x62: {  	_ =	shalt  }
0x63: {  	_ =	shalt  }
0x64: {  	_ =	shalt  }
0x65: {  	_ =	shalt  }
0x66: {  	_ =	shalt  }
0x67: {  	_ =	shalt  }
0x68: {  	_ =	shalt  }
0x69: {  	_ =	shalt  }
0x6a: {  	_ =	shalt  }
0x6b: {  	_ =	shalt  }
0x6c: {  	_ =	shalt  }
0x6d: {  	_ =	shalt  }
0x6e: {  	_ =	shalt  }
0x6f: {  	_ =	shalt  }
0x70: {  	_ =	shalt  }
0x71: {  	_ =	shalt  }
0x72: {  	_ =	shalt  }
0x73: {  	_ =	shalt  }
0x74: {  	_ =	shalt  }
0x75: {  	_ =	shalt  }
0x76: {  	_ =	shalt  }
0x77: {  	_ =	shalt  }
0x78: {  	_ =	shalt  }
0x79: {  	_ =	shalt  }
0x7a: {  	_ =	shalt  }
0x7b: {  	_ =	shalt  }
0x7c: {  	_ =	shalt  }
0x7d: {  	_ =	shalt  }
0x7e: {  	_ =	shalt  }
0x7f: {  	_ =	shalt  }
0x80: {  	_ =	shalt  }
0x81: {  	_ =	shalt  }
0x82: {  	_ =	shalt  }
0x83: {  	_ =	shalt  }
0x84: {  	_ =	shalt  }
0x85: {  	_ =	shalt  }
0x86: {  	_ =	shalt  }
0x87: {  	_ =	shalt  }
.Lfunc_end0:
.L_simem_size_0:
called_computation.3_lowered:
.L_overlay_start_0:
0x88: {  	s2 =	sld [smem:$0x3FD9]  }
0x89: {  	s3 =	sld [smem:$0x3FFE];
	_ =	sdelay $0x1  }
0x8a: {  	s1 =	srdreg.scid  }
0x8b: {  	s0 =	sand.u32 $0x1, s1  }
0x8c: {  	s16 =	sshll.u32 s0, $0xA;
	s2 =	sadd.s32 s3, s2  }
0x8d: {  	s2 =	sadd.s32 s2, s16  }
0x8e: {  	[smem:$0x3FC2] =	sst s2  }
0x8f: {  	_ = 	snop  }
0x90: {  	(tm) =	ssettm $0x1  }
0x91: {  	s17 =	sld [smem:$0x3FFB];
	_ =	sdelay $0x3  }
0x92: {  	_ =	strace s17  }
0x93: {  	s2 =	sld [smem:$0x3FFC];
	_ =	sdelay $0x3  }
0x94: {  	_ =	strace s2  }
0x95: {  	s2 =	sld [smem:$0x3FFD];
	_ =	sdelay $0x3  }
0x96: {  	_ =	strace s2  }
0x97: {  	_ =	strace $0x8FFFFFFF  }
0x98: {  	s18 =	sld [smem:$0x3FDB];
	_ =	sdelay $0x1  }
0x99: {  	s19 =	simm.s32 $_scs_section_size  }
0x9a: {  	s4 =	simm.s32 $_size__tile_overlayer_lowered;
	s5 =	simm.s32 $_tile_overlayer_lowered  }
0x9b: {  	s22 =	simm.s32 $0x1BFF;
	s21 =	sshll.u32 s5, $0x1;
	s2 =	sadd.s32 s19, s18  }
0x9c: {  	s6 =	simm.s32 $0x0;
	s20 =	sshll.u32 s4, $0x1;
	s4 =	sadd.s32 s21, s2  }
0x9d: {  	[timem:s6], [sflag:s22] =	dma.local [hbm:s4], s20  }
0x9e: {  	_ =	swait.ge [sflag:s22], s20  }
0x9f: {  	s3 =	ssub.s32 $0x0, s20;
	[sflag:s22] =	ssyncset.done $0x0  }
0xa0: {  	[sflag:s22] =	ssyncadd.s32 s3;
	_ =	sdelay $0x1  }
0xa1: {  	s23 =	simm.s32 $0x1B8B  }
0xa2: {  	_ =	swait.ge [sflag:s23], $0x1  }
0xa3: {  	[sflag:s23] =	ssyncset.done $0x0  }
0xa4: {  	s25 =	simm.s32 $0x1B8E;
	s24 =	sld [smem:$0x3FFE];
	[sflag:s23] =	ssyncadd.s32 $0xFFFFFFFF  }
0xa5: {  	s26 =	simm.s32 $execute0_lowered;
	[smem:$0x3FD2] =	sst s25  }
0xa6: {  	s4 =	sshll.u32 s26, $0x1;
	_ =	strace $0x8000004F;
	[dreg:$0x1] =	wrdreg $0xFFFFFFFF  }
0xa7: {  	s28 =	simm.s32 $_size_execute0_lowered;
	s2 =	sadd.s32 s2, s4;
	[dreg:$0x0] =	wrdreg $0x0  }
0xa8: {  	s4 =	sshll.u32 s28, $0x1;
	[dreg:$0x2] =	wrdreg s2  }
0xa9: {  	[dreg:$0x3] =	wrdreg s4  }
0xaa: {  	[dreg:$0x4] =	wrdreg $0xC0  }
0xab: {  	_ =	task [dreg:s6], $0x5FFFF  }
0xac: {  	[dreg:$0x1] =	wrdreg $0xFFFFFFFF  }
0xad: {  	[dreg:$0x0] =	wrdreg $0x60  }
0xae: {  	[dreg:$0x2] =	wrdreg s24  }
0xaf: {  	[dreg:$0x3] =	wrdreg $0x5D000  }
0xb0: {  	[dreg:$0x4] =	wrdreg $0x9  }
0xb1: {  	_ =	task.clear_ibuf [dreg:s6], $0x5FFFF;
	_ =	strace $0x9000004F  }
0xb2: {  	s29 =	simm.s32 $0x9;
	_ =	strace $0x80000051  }
0xb3: {  	_ =	swait.ge [sflag:s29], $0x1  }
0xb4: {  	[sflag:s29] =	ssyncadd.s32 $0xFFFFFFFF  }
0xb5: {  	_ =	strace $0x90000051  }
0xb6: {  	_ =	sfence  }
0xb7: {  	s30 =	sld [smem:$0x0];
	_ =	sdelay $0x2  }
0xb8: {  	s31 =	sshll.u32 s1, $0xD;
	s1 =	sshrl.u32 s1, $0x2  }
0xb9: {  	s3 =	sand.u32 $0x4000, s31;
	s1 =	sadd.s32 s1, s30  }
0xba: {  	s0 =	sor.u32 s3, s0;
	s1 =	sshll.u32 s1, $0x11  }
0xbb: {  	s0 =	sor.u32 s1, s0  }
0xbc: {  	s0 =	sadd.s32 $0x8F2B, s0  }
0xbd: {  	[sflag:s0] =	ssyncadd.remote.s32 $0x1  }
0xbe: {  	_ =	sfence.sel $0xFFFF  }
0xbf: {  	[dreg:$0x0] =	wrdreg $0xFFFFFFFF;
	(pc) =	sbr.abs _section_cstart, $3  }
0xc0: {  	[dreg:$0x1] =	wrdreg $0xFFFFFFFF  }
0xc1: {  	_ =	task.clear_ibuf [dreg:s6], $0x2FFFF;
	_ =	strace $0x9FFFFFFF  }
0xc2: {  	(tm) =	ssettm $0x7FFFFFFF  }
0xc3: {  	_ =	shalt  }
tec
execute0_lowered:
.L_overlay_start_1:
0x0: {  	(tag) =	ssettag $0x1  }
0x1: {  	s0 =	srdreg.scid;
	s6 =	rddreg [dreg:$0x0]  }
0x2: {  	s2 =	rddreg [dreg:$0x1];
	s3 =	simm.s32 $0x0;
	s13 =	simm.s32 $0x2880  }
0x3: {  	s14 =	simm.s32 $0x40;
	s15 =	simm.s32 $0x5100;
	s16 =	simm.s32 $0x5500  }
0x4: {  	s17 =	simm.s32 $0x80;
	s18 =	simm.s32 $0x5900;
	s19 =	simm.s32 $0x1  }
0x5: {  	s20 =	simm.s32 $0x2;
	s5 =	sand.u32 $0x1, s0;
	s0 =	stileid.u32  }
0x6: {  	s21 =	simm.s32 $0x3;
	s22 =	simm.s32 $0x0;
	s8 =	smul.u32 $0x2780, s0  }
0x7: {  	[smem:$0x7FF] =	sst s3;
	s4 =	sadd.s32 $0x37600, s6;
	s9 =	smul.u32 $0x4F0, s0  }
0x8: {  	s1 =	sshll.u32 s5, $0x4;
	s10 =	smul.u32 $0x4F00, s5;
	s5 =	ssub.s32 $0x2, s5  }
0x9: {  	s31 =	sshll.u32 s0, $0x6;
	s1 =	sor.u32 s0, s1;
	s29 =	sshrl.u32 s5, $0x1  }
0xa: {  	s7 =	smul.u32 $0x510, s1;
	s1 =	rddreg [dreg:$0x2];
	_ =	strace $0x80000050  }
0xb: {  	s28 =	sshrl.u32 s8, $0x3;
	s9 =	sadd.s32 s9, s10;
	s30 =	ssub.s32 s5, s29  }
0xc: {  	s12 =	sadd.s32 s8, s2;
	s9 =	sadd.s32 s9, s6;
	s10 =	smax.u32 s30, $0x1  }
0xd: {  	s11 =	sadd.s32 s7, s6;
	s7 =	sadd.s32 s28, s6;
	s6 =	sor.u32 $0x1C04, s31  }
0xe: {  	s9 =	sadd.s32 $0x4B800, s9;
	s5 =	sadd.s32 $0x46800, s7;
	s7 =	sadd.s32 $0x3C600, s11  }
0xf: {  	s8 =	sadd.s32 $0x3400, s11;
	s11 =	sshrl.u32 s12, $0x3;
	s12 =	simm.s32 $0x4  }
.LBB2_1:
0x10: {  	[spmem:s11], [sflag:s6] =	dma.local [hbm:s5], $0x4F0  }
0x11: {  	_ =	swait.ge [sflag:s12], $0x4F0  }
0x12: {  	[sflag:s12] =	ssyncset.done $0x0  }
0x13: {  	[sflag:s12] =	ssyncadd.s32 $0xFFFFFB10  }
0x14: {  	[tilespmem:s3], [sflag:$0x4] =	stream.linear.gather [hbm4b:s7+s3], $0x2880, $0x38;
	[tilespmem:$0x8480] =	vst v63  }
0x15: {  	_ =	swait.ge [sflag:s12], $0x2880  }
0x16: {  	[sflag:s12] =	ssyncset.done $0x0  }
0x17: {  	[sflag:s12] =	ssyncadd.s32 $0xFFFFD780  }
0x18: {  	[tilespmem:s13], [sflag:$0x4] =	stream.linear.gather [hbm4b:s8+s3], $0x2880, $0x38;
	[tilespmem:$0x8480] =	vst v63  }
0x19: {  	_ =	swait.ge [sflag:s12], $0x2880  }
0x1a: {  	[sflag:s12] =	ssyncset.done $0x0  }
0x1b: {  	[sflag:s12] =	ssyncadd.s32 $0xFFFFD780  }
0x1c: {  	[bflag:$0x0] =	sbarrier.arrive $0xFFFF  }
0x1d: {  	[tilespmem:s15], [sflag:$0x1] =	stream.indirect.gather [hbm4b:s4+s14], $0x10, s3, s14, $0xb8;
	[tilespmem:$0x8480] =	vst v63  }
0x1e: {  	_ = 	snop  }
0x1f: {  	[tilespmem:s16], [sflag:$0x2] =	stream.indirect.gather [hbm4b:s4+s14], $0x10, s14, s14, $0xb8;
	[tilespmem:$0x8480] =	vst v63  }
0x20: {  	_ = 	snop  }
0x21: {  	[tilespmem:s18], [sflag:$0x3] =	stream.indirect.gather [hbm4b:s4+s14], $0x10, s17, s14, $0xb8;
	[tilespmem:$0x8480] =	vst v63  }
0x22: {  	_ =	swait.ge [sflag:s19], $0x400  }
0x23: {  	[sflag:s19] =	ssyncset.done $0x0  }
0x24: {  	s23 =	simm.s32 $0x2880;
	[sflag:s19] =	ssyncadd.s32 $0xFFFFFC00  }
0x25: {  	[spmem:s2] =	stream.indirect.scatter.add.f32 [tilespmem:s15], [sflag:$0x4], $0x10, s23, s14, $0xb8;
	[tilespmem:$0x8480] =	vst v63  }
0x26: {  	_ =	swait.ge [sflag:s12], $0x400  }
0x27: {  	[sflag:s12] =	ssyncset.done $0x0  }
0x28: {  	s28 =	simm.s32 $0xC0;
	[sflag:s12] =	ssyncadd.s32 $0xFFFFFC00  }
0x29: {  	[tilespmem:s15], [sflag:$0x1] =	stream.indirect.gather [hbm4b:s4+s14], $0x10, s28, s14, $0xb8;
	[tilespmem:$0x8480] =	vst v63  }
0x2a: {  	_ =	swait.ge [sflag:s20], $0x400  }
0x2b: {  	[sflag:s20] =	ssyncset.done $0x0  }
0x2c: {  	s29 =	simm.s32 $0x28C0;
	[sflag:s20] =	ssyncadd.s32 $0xFFFFFC00  }
0x2d: {  	[spmem:s2] =	stream.indirect.scatter.add.f32 [tilespmem:s16], [sflag:$0x4], $0x10, s29, s14, $0xb8;
	[tilespmem:$0x8480] =	vst v63  }
0x2e: {  	_ =	swait.ge [sflag:s12], $0x400  }
0x2f: {  	[sflag:s12] =	ssyncset.done $0x0  }
0x30: {  	s30 =	simm.s32 $0x100;
	[sflag:s12] =	ssyncadd.s32 $0xFFFFFC00  }
0x31: {  	[tilespmem:s16], [sflag:$0x2] =	stream.indirect.gather [hbm4b:s4+s14], $0x10, s30, s14, $0xb8;
	[tilespmem:$0x8480] =	vst v63  }
0x32: {  	_ =	swait.ge [sflag:s21], $0x400  }
0x33: {  	[sflag:s21] =	ssyncset.done $0x0  }
0x34: {  	s31 =	simm.s32 $0x2900;
	[sflag:s21] =	ssyncadd.s32 $0xFFFFFC00  }
0x35: {  	[spmem:s2] =	stream.indirect.scatter.add.f32 [tilespmem:s18], [sflag:$0x4], $0x10, s31, s14, $0xb8;
	[tilespmem:$0x8480] =	vst v63  }
0x36: {  	_ =	swait.ge [sflag:s12], $0x400  }
0x37: {  	[sflag:s12] =	ssyncset.done $0x0  }
0x38: {  	s24 =	simm.s32 $0x140;
	s23 =	simm.s32 $0x300;
	[sflag:s12] =	ssyncadd.s32 $0xFFFFFC00  }
.LBB2_2:
0x39: {  	[tilespmem:s18], [sflag:$0x3] =	stream.indirect.gather [hbm4b:s4+s14], $0x10, s24, s14, $0xb8;
	[tilespmem:$0x8480] =	vst v63  }
0x3a: {  	s24 =	smov.u32 s23  }
0x3b: {  	p0 =	sne.s32 s23, $0x9C00;
	s23 =	sadd.s32 $0x300, s23;
	_ =	swait.ge [sflag:s19], $0x400  }
0x3c: {  	s24 =	sshra.s32 s24, $0x2;
	[sflag:s19] =	ssyncset.done $0x0  }
0x3d: {  	s25 =	sadd.s32 $0x2880, s24;
	[sflag:s19] =	ssyncadd.s32 $0xFFFFFC00  }
0x3e: {  	[spmem:s2] =	stream.indirect.scatter.add.f32 [tilespmem:s15], [sflag:$0x4], $0x10, s25, s14, $0xb8;
	[tilespmem:$0x8480] =	vst v63  }
0x3f: {  	_ =	swait.ge [sflag:s12], $0x400  }
0x40: {  	[sflag:s12] =	ssyncset.done $0x0  }
0x41: {  	s25 =	sadd.s32 $0xC0, s24;
	[sflag:s12] =	ssyncadd.s32 $0xFFFFFC00  }
0x42: {  	[tilespmem:s15], [sflag:$0x1] =	stream.indirect.gather [hbm4b:s4+s14], $0x10, s25, s14, $0xb8;
	[tilespmem:$0x8480] =	vst v63  }
0x43: {  	_ =	swait.ge [sflag:s20], $0x400  }
0x44: {  	[sflag:s20] =	ssyncset.done $0x0  }
0x45: {  	s25 =	sadd.s32 $0x28C0, s24;
	[sflag:s20] =	ssyncadd.s32 $0xFFFFFC00  }
0x46: {  	[spmem:s2] =	stream.indirect.scatter.add.f32 [tilespmem:s16], [sflag:$0x4], $0x10, s25, s14, $0xb8;
	[tilespmem:$0x8480] =	vst v63  }
0x47: {  	_ =	swait.ge [sflag:s12], $0x400  }
0x48: {  	[sflag:s12] =	ssyncset.done $0x0  }
0x49: {  	s25 =	sadd.s32 $0x100, s24;
	[sflag:s12] =	ssyncadd.s32 $0xFFFFFC00  }
0x4a: {  	[tilespmem:s16], [sflag:$0x2] =	stream.indirect.gather [hbm4b:s4+s14], $0x10, s25, s14, $0xb8;
	[tilespmem:$0x8480] =	vst v63  }
0x4b: {  	_ =	swait.ge [sflag:s21], $0x400  }
0x4c: {  	[sflag:s21] =	ssyncset.done $0x0  }
.Ltmp0:
0x4d: {  	s25 =	sadd.s32 $0x2900, s24;
	[sflag:s21] =	ssyncadd.s32 $0xFFFFFC00;
	(pc) =	sbr.rel @p0 .LBB2_2-.Ltmp0, $4  }
0x4e: {  	[spmem:s2] =	stream.indirect.scatter.add.f32 [tilespmem:s18], [sflag:$0x4], $0x10, s25, s14, $0xb8;
	[tilespmem:$0x8480] =	vst v63  }
0x4f: {  	_ =	swait.ge [sflag:s12], $0x400  }
0x50: {  	[sflag:s12] =	ssyncset.done $0x0  }
0x51: {  	s24 =	sadd.s32 $0x140, s24;
	[sflag:s12] =	ssyncadd.s32 $0xFFFFFC00  }
0x52: {  	[tilespmem:s18], [sflag:$0x3] =	stream.indirect.gather [hbm4b:s4+s14], $0x10, s24, s14, $0xb8;
	[tilespmem:$0x8480] =	vst v63  }
0x53: {  	_ =	swait.ge [sflag:s19], $0x400  }
0x54: {  	[sflag:s19] =	ssyncset.done $0x0  }
0x55: {  	[sflag:s19] =	ssyncadd.s32 $0xFFFFFC00  }
0x56: {  	_ =	swait.ge [sflag:s20], $0x400  }
0x57: {  	[sflag:s20] =	ssyncset.done $0x0  }
0x58: {  	[sflag:s20] =	ssyncadd.s32 $0xFFFFFC00  }
0x59: {  	_ =	swait.ge [sflag:s21], $0x400  }
0x5a: {  	s22 =	sadd.s32 $0x1, s22;
	[sflag:s21] =	ssyncset.done $0x0  }
0x5b: {  	p0 =	sne.s32 s22, s10;
	[sflag:s21] =	ssyncadd.s32 $0xFFFFFC00  }
.Ltmp1:
0x5c: {  	[bflag:$0x0] =	sbarrier.arrive $0xFFFF;
	(pc) =	sbr.rel @p0 .LBB2_1-.Ltmp1, $4  }
0x5d: {  	[hbm:s9], [sflag:s6] =	dma.local [spmem:s11], $0x4F0  }
0x5e: {  	_ =	swait.ge [sflag:s12], $0x4F0  }
0x5f: {  	[sflag:s12] =	ssyncset.done $0x0  }
0x60: {  	[sflag:s12] =	ssyncadd.s32 $0xFFFFFB10  }
0x61: {  	_ =	sfence.sel $0x180000  }
0x62: {  	[bflag:$0x0] =	sbarrier.arrive $0xFFFF  }
0x63: {  	p0 =	sne.s32 s0, $0x0;
	_ =	strace $0x90000050  }
0x64: {  	s0 =	sadd.s32 @!p0 $0x100000, s1;
	[bflag:$0x2] =	sbarrier.arrive $0xFFFF  }
0x65: {  	[sflag:s0] =	ssyncadd.tile.s32 @!p0 $0x1;
	_ =	shalt  }
.Lfunc_end2:
_tile_overlayer_lowered:
.L_overlay_start_2:
0x66: {  	(tag) =	ssettag $0x2  }
0x67: {  	s0 =	rddreg [dreg:$0x0];
	s2 =	stileid.u32  }
0x68: {  	s1 =	rddreg [dreg:$0x1];
	p0 =	sne.s32 s2, $0x0  }
0x69: {  	s3 =	rddreg [dreg:$0x2];
	[bflag:$0x3] =	sbarrier.arrive $0xFFFF;
	s2 =	simm.s32 @!p0 $0x1C04  }
0x6a: {  	[timem:s3], [sflag:s2] =	dma.local @!p0 [hbm:s0], s1  }
0x6b: {  	s0 =	simm.s32 @!p0 $0x4  }
0x6c: {  	_ =	swait.ge @!p0 [sflag:s0], s1  }
0x6d: {  	s1 =	ssub.s32 @!p0 $0x0, s1;
	[sflag:s0] =	ssyncset.done @!p0 $0x0  }
0x6e: {  	[sflag:s0] =	ssyncadd.s32 @!p0 s1  }
0x6f: {  	[bflag:$0x3] =	sbarrier.arrive $0xFFFF  }
0x70: {  	_ =	shalt  }

// kernel: kernel.28.cloned.1.call-start
scs
__scs_entry_jumppad:
0x0: {  	(pc) =	sbr.rel $0x88, $3  }
0x1: {  	(tag) =	ssettag $0x0;
	lr =	simm.s32 $0x1  }
0x2: {  	[smem:$0x3F9B] =	sst lr;
	_ =	strace $0xD0000000  }
0x3: {  	_ = 	snop  }
0x4: {  	_ = 	snop  }
0x5: {  	_ = 	snop  }
0x6: {  	_ = 	snop  }
0x7: {  	_ = 	snop  }
__scs_overlays_trampoline_lowered:
0x8: {  	[smem:$0x3FAA] =	sst s0  }
0x9: {  	[smem:$0x3FAB] =	sst s1  }
0xa: {  	[smem:$0x3FAC] =	sst s2  }
0xb: {  	[smem:$0x3FAD] =	sst s3  }
0xc: {  	[smem:$0x3FAE] =	sst s4  }
0xd: {  	[smem:$0x3FAF] =	sst s5  }
0xe: {  	[smem:$0x3FB0] =	sst s6  }
0xf: {  	[smem:$0x3FB1] =	sst s7  }
0x10: {  	[smem:$0x3FB2] =	sst s8  }
0x11: {  	[smem:$0x3FB3] =	sst s9;
	s0 =	simm.s32 @!p0 $0x0  }
0x12: {  	s1 =	sld [smem:$0x3F99];
	s0 =	simm.s32 @p0 $0x1  }
0x13: {  	[smem:$0x3FB4] =	sst s0;
	s0 =	simm.s32 @!p1 $0x0  }
0x14: {  	s2 =	sld [smem:$0x3F98];
	s0 =	simm.s32 @p1 $0x1  }
0x15: {  	[smem:$0x3FB5] =	sst s0;
	s0 =	simm.s32 @!p2 $0x0  }
0x16: {  	s3 =	sld [smem:$0x3FDB];
	s0 =	simm.s32 @p2 $0x1  }
0x17: {  	s4 =	simm.s32 $0x1BF5;
	[smem:$0x3FB7] =	sst s0  }
0x18: {  	s0 =	sld [smem:$0x3F9A];
	_ =	swait.ge [sflag:s4], $0x0  }
0x19: {  	s7 =	sld [smem:$0x3F9B]  }
0x1a: {  	s8 =	sadd.s32 $0xFFFFE003, lr  }
0x1b: {  	s9 =	sadd.s32 $0xFFFFFEF7, lr;
	s5 =	simm.s32 $0xFFFFFFFF;
	p2 =	slt.u32 s8, $0xFFFFF086  }
0x1c: {  	p1 =	slt.u32 s9, $0xF7A;
	s5 =	simm.s32 @!p2 $0x0  }
0x1d: {  	s5 =	simm.s32 @p1 $0x1;
	p0 =	seq.s32 s7, s2  }
0x1e: {  	s7 =	smul.u32 @!p0 $0xF7A, s2;
	p2 =	seq.s32 @!p0 s5, $0x0  }
0x1f: {  	s9 =	smul.u32 $0xF7A, s1;
	s8 =	simm.s32 @!p0 $0x1BF5;
	p2 =	por !p2, p0  }
0x20: {  	[sflag:s8] =	ssyncset.s32 @!p0 $0xFFFFF086;
	s6 =	sadd.s32 @!p0 s3, s7;
	s7 =	simm.s32 @!p0 $0x108  }
0x21: {  	s3 =	sadd.s32 s3, s9;
	s6 =	sadd.s32 @!p0 $0x88, s6;
	s7 =	simm.s32 @p2 $0x1082  }
0x22: {  	[simem:s7], [sflag:s8] =	dma.local @!p0 [hbm:s6], $0xF7A  }
0x23: {  	s9 =	sor.u32 $0xD0000000, s2;
	s6 =	simm.s32 $0x108;
	_ =	swait.ge @!p0 [sflag:s8], $0x0  }
0x24: {  	s3 =	sadd.s32 $0x88, s3;
	s6 =	simm.s32 @!p1 $0x1082;
	[sflag:s4] =	ssyncset.s32 $0xFFFFF086  }
0x25: {  	[simem:s6], [sflag:s4] =	dma.local [hbm:s3], $0xF7A  }
0x26: {  	[smem:$0x3F9B] =	sst s1;
	(tag) =	ssettag s2;
	_ =	strace s9  }
0x27: {  	s1 =	sld [smem:$0x3FAB]  }
0x28: {  	s2 =	sld [smem:$0x3FAC]  }
0x29: {  	s4 =	sld [smem:$0x3FAE]  }
0x2a: {  	p0 =	seq.s32 s5, $0x0;
	s5 =	sld [smem:$0x3FAF]  }
0x2b: {  	s6 =	sld [smem:$0x3FB0]  }
0x2c: {  	s7 =	sld [smem:$0x3FB1]  }
0x2d: {  	s3 =	simm.s32 $0x108;
	s8 =	sld [smem:$0x3FB2]  }
0x2e: {  	s3 =	simm.s32 @!p0 $0x1082;
	s9 =	sld [smem:$0x3FB3]  }
0x2f: {  	lr =	sadd.s32 s0, s3;
	s0 =	sld [smem:$0x3FAA]  }
0x30: {  	s3 =	sld [smem:$0x3FAD]  }
0x31: {  	[smem:$0x3FB6] =	sst s10  }
0x32: {  	s10 =	sld [smem:$0x3FB4];
	_ =	sdelay $0x3  }
0x33: {  	p0 =	seq.s32 s10, $0x1;
	s10 =	sld [smem:$0x3FB6];
	_ =	sdelay $0x3  }
0x34: {  	[smem:$0x3FB6] =	sst s10  }
0x35: {  	s10 =	sld [smem:$0x3FB5];
	_ =	sdelay $0x3  }
0x36: {  	p1 =	seq.s32 s10, $0x1;
	s10 =	sld [smem:$0x3FB6];
	_ =	sdelay $0x3  }
0x37: {  	[smem:$0x3FB6] =	sst s10  }
0x38: {  	s10 =	sld [smem:$0x3FB7]  }
0x39: {  	_ = 	snop;
	(pc) =	sbr.ind lr, $3  }
0x3a: {  	_ = 	snop  }
0x3b: {  	_ = 	snop  }
0x3c: {  	p2 =	seq.s32 s10, $0x1;
	s10 =	sld [smem:$0x3FB6]  }
0x3d: {  	_ =	shalt  }
0x3e: {  	_ =	shalt  }
0x3f: {  	_ =	shalt  }
0x40: {  	_ =	shalt  }
0x41: {  	_ =	shalt  }
0x42: {  	_ =	shalt  }
0x43: {  	_ =	shalt  }
0x44: {  	_ =	shalt  }
0x45: {  	_ =	shalt  }
0x46: {  	_ =	shalt  }
0x47: {  	_ =	shalt  }
0x48: {  	_ =	shalt  }
0x49: {  	_ =	shalt  }
0x4a: {  	_ =	shalt  }
0x4b: {  	_ =	shalt  }
0x4c: {  	_ =	shalt  }
0x4d: {  	_ =	shalt  }
0x4e: {  	_ =	shalt  }
0x4f: {  	_ =	shalt  }
0x50: {  	_ =	shalt  }
0x51: {  	_ =	shalt  }
0x52: {  	_ =	shalt  }
0x53: {  	_ =	shalt  }
0x54: {  	_ =	shalt  }
0x55: {  	_ =	shalt  }
0x56: {  	_ =	shalt  }
0x57: {  	_ =	shalt  }
0x58: {  	_ =	shalt  }
0x59: {  	_ =	shalt  }
0x5a: {  	_ =	shalt  }
0x5b: {  	_ =	shalt  }
0x5c: {  	_ =	shalt  }
0x5d: {  	_ =	shalt  }
0x5e: {  	_ =	shalt  }
0x5f: {  	_ =	shalt  }
0x60: {  	_ =	shalt  }
0x61: {  	_ =	shalt  }
0x62: {  	_ =	shalt  }
0x63: {  	_ =	shalt  }
0x64: {  	_ =	shalt  }
0x65: {  	_ =	shalt  }
0x66: {  	_ =	shalt  }
0x67: {  	_ =	shalt  }
0x68: {  	_ =	shalt  }
0x69: {  	_ =	shalt  }
0x6a: {  	_ =	shalt  }
0x6b: {  	_ =	shalt  }
0x6c: {  	_ =	shalt  }
0x6d: {  	_ =	shalt  }
0x6e: {  	_ =	shalt  }
0x6f: {  	_ =	shalt  }
0x70: {  	_ =	shalt  }
0x71: {  	_ =	shalt  }
0x72: {  	_ =	shalt  }
0x73: {  	_ =	shalt  }
0x74: {  	_ =	shalt  }
0x75: {  	_ =	shalt  }
0x76: {  	_ =	shalt  }
0x77: {  	_ =	shalt  }
0x78: {  	_ =	shalt  }
0x79: {  	_ =	shalt  }
0x7a: {  	_ =	shalt  }
0x7b: {  	_ =	shalt  }
0x7c: {  	_ =	shalt  }
0x7d: {  	_ =	shalt  }
0x7e: {  	_ =	shalt  }
0x7f: {  	_ =	shalt  }
0x80: {  	_ =	shalt  }
0x81: {  	_ =	shalt  }
0x82: {  	_ =	shalt  }
0x83: {  	_ =	shalt  }
0x84: {  	_ =	shalt  }
0x85: {  	_ =	shalt  }
0x86: {  	_ =	shalt  }
0x87: {  	_ =	shalt  }
.Lfunc_end0:
.L_simem_size_0:
called_computation.4_lowered:
.L_overlay_start_0:
0x88: {  	s2 =	sld [smem:$0x3FD9]  }
0x89: {  	s3 =	sld [smem:$0x3FFE];
	_ =	sdelay $0x1  }
0x8a: {  	s1 =	srdreg.scid  }
0x8b: {  	s0 =	sand.u32 $0x1, s1  }
0x8c: {  	s16 =	sshll.u32 s0, $0xA;
	s2 =	sadd.s32 s3, s2  }
0x8d: {  	s2 =	sadd.s32 s2, s16  }
0x8e: {  	[smem:$0x3FC2] =	sst s2  }
0x8f: {  	_ = 	snop  }
0x90: {  	(tm) =	ssettm $0x1  }
0x91: {  	s17 =	sld [smem:$0x3FFB];
	_ =	sdelay $0x3  }
0x92: {  	_ =	strace s17  }
0x93: {  	s2 =	sld [smem:$0x3FFC];
	_ =	sdelay $0x3  }
0x94: {  	_ =	strace s2  }
0x95: {  	s2 =	sld [smem:$0x3FFD];
	_ =	sdelay $0x3  }
0x96: {  	_ =	strace s2  }
0x97: {  	_ =	strace $0x8FFFFFFF  }
0x98: {  	s18 =	sld [smem:$0x3FDB];
	_ =	sdelay $0x1  }
0x99: {  	s19 =	simm.s32 $_scs_section_size  }
0x9a: {  	s4 =	simm.s32 $_size__tile_overlayer_lowered;
	s5 =	simm.s32 $_tile_overlayer_lowered  }
0x9b: {  	s22 =	simm.s32 $0x1BFF;
	s21 =	sshll.u32 s5, $0x1;
	s2 =	sadd.s32 s19, s18  }
0x9c: {  	s6 =	simm.s32 $0x0;
	s20 =	sshll.u32 s4, $0x1;
	s4 =	sadd.s32 s21, s2  }
0x9d: {  	[timem:s6], [sflag:s22] =	dma.local [hbm:s4], s20  }
0x9e: {  	_ =	swait.ge [sflag:s22], s20  }
0x9f: {  	s3 =	ssub.s32 $0x0, s20;
	[sflag:s22] =	ssyncset.done $0x0  }
0xa0: {  	[sflag:s22] =	ssyncadd.s32 s3;
	_ =	sdelay $0x1  }
0xa1: {  	s23 =	simm.s32 $0x1B8B  }
0xa2: {  	_ =	swait.ge [sflag:s23], $0x1  }
0xa3: {  	[sflag:s23] =	ssyncset.done $0x0  }
0xa4: {  	s25 =	simm.s32 $0x1B8E;
	s24 =	sld [smem:$0x3FFE];
	[sflag:s23] =	ssyncadd.s32 $0xFFFFFFFF  }
0xa5: {  	s26 =	simm.s32 $execute0_lowered;
	[smem:$0x3FD2] =	sst s25  }
0xa6: {  	s4 =	sshll.u32 s26, $0x1;
	_ =	strace $0x80000052;
	[dreg:$0x1] =	wrdreg $0xFFFFFFFF  }
0xa7: {  	s28 =	simm.s32 $_size_execute0_lowered;
	s2 =	sadd.s32 s2, s4;
	[dreg:$0x0] =	wrdreg $0x0  }
0xa8: {  	s4 =	sshll.u32 s28, $0x1;
	[dreg:$0x2] =	wrdreg s2  }
0xa9: {  	[dreg:$0x3] =	wrdreg s4  }
0xaa: {  	[dreg:$0x4] =	wrdreg $0xC0  }
0xab: {  	_ =	task [dreg:s6], $0x5FFFF  }
0xac: {  	[dreg:$0x1] =	wrdreg $0xFFFFFFFF  }
0xad: {  	[dreg:$0x0] =	wrdreg $0x60  }
0xae: {  	[dreg:$0x2] =	wrdreg s24  }
0xaf: {  	[dreg:$0x3] =	wrdreg $0x57000  }
0xb0: {  	[dreg:$0x4] =	wrdreg $0x9  }
0xb1: {  	_ =	task.clear_ibuf [dreg:s6], $0x5FFFF;
	_ =	strace $0x90000052  }
0xb2: {  	s29 =	simm.s32 $0x9;
	_ =	strace $0x80000054  }
0xb3: {  	_ =	swait.ge [sflag:s29], $0x1  }
0xb4: {  	[sflag:s29] =	ssyncadd.s32 $0xFFFFFFFF  }
0xb5: {  	_ =	strace $0x90000054  }
0xb6: {  	_ =	sfence  }
0xb7: {  	s30 =	sld [smem:$0x0];
	_ =	sdelay $0x2  }
0xb8: {  	s31 =	sshll.u32 s1, $0xD;
	s1 =	sshrl.u32 s1, $0x2  }
0xb9: {  	s3 =	sand.u32 $0x4000, s31;
	s1 =	sadd.s32 s1, s30  }
0xba: {  	s0 =	sor.u32 s3, s0;
	s1 =	sshll.u32 s1, $0x11  }
0xbb: {  	s0 =	sor.u32 s1, s0  }
0xbc: {  	s0 =	sadd.s32 $0x8F2B, s0  }
0xbd: {  	[sflag:s0] =	ssyncadd.remote.s32 $0x1  }
0xbe: {  	_ =	sfence.sel $0xFFFF  }
0xbf: {  	[dreg:$0x0] =	wrdreg $0xFFFFFFFF;
	(pc) =	sbr.abs _section_cstart, $3  }
0xc0: {  	[dreg:$0x1] =	wrdreg $0xFFFFFFFF  }
0xc1: {  	_ =	task.clear_ibuf [dreg:s6], $0x2FFFF;
	_ =	strace $0x9FFFFFFF  }
0xc2: {  	(tm) =	ssettm $0x7FFFFFFF  }
0xc3: {  	_ =	shalt  }
tec
execute0_lowered:
.L_overlay_start_1:
0x0: {  	(tag) =	ssettag $0x1  }
0x1: {  	s5 =	rddreg [dreg:$0x0]  }
0x2: {  	s1 =	rddreg [dreg:$0x1]  }
0x3: {  	s2 =	srdreg.scid;
	s0 =	rddreg [dreg:$0x2];
	s3 =	simm.s32 $0x0  }
0x4: {  	s14 =	simm.s32 $0x40;
	s15 =	simm.s32 $0x5100;
	s16 =	simm.s32 $0x5300  }
0x5: {  	s17 =	simm.s32 $0x80;
	s18 =	simm.s32 $0x5500;
	s19 =	simm.s32 $0x1  }
0x6: {  	s20 =	simm.s32 $0x2;
	s6 =	sand.u32 $0x1, s2;
	s2 =	stileid.u32  }
0x7: {  	s21 =	simm.s32 $0x3;
	s22 =	simm.s32 $0x0;
	s8 =	smul.u32 $0x13C0, s2  }
0x8: {  	[smem:$0x7FF] =	sst s3;
	s4 =	sshll.u32 s6, $0x4;
	s10 =	smul.u32 $0x278, s2  }
0x9: {  	_ =	strace $0x80000053;
	s11 =	ssub.s32 $0x2, s6;
	s30 =	smul.u32 $0x2780, s6  }
0xa: {  	s31 =	sshll.u32 s2, $0x6;
	s7 =	sor.u32 s2, s4;
	s4 =	sadd.s32 $0x37600, s5  }
0xb: {  	s29 =	sshrl.u32 s11, $0x1;
	s6 =	sor.u32 $0x1C04, s31;
	s7 =	smul.u32 $0x510, s7  }
0xc: {  	s9 =	sshrl.u32 s8, $0x3;
	s10 =	sadd.s32 s10, s5;
	s11 =	ssub.s32 s11, s29  }
0xd: {  	s13 =	sadd.s32 s8, s1;
	s28 =	sadd.s32 s9, s5;
	s9 =	sadd.s32 s30, s10  }
0xe: {  	s10 =	smax.u32 s11, $0x1;
	s11 =	sshrl.u32 s13, $0x3;
	s13 =	simm.s32 $0x2880  }
0xf: {  	s12 =	sadd.s32 s7, s5;
	s5 =	sadd.s32 $0xD600, s28;
	s9 =	sadd.s32 $0x46800, s9  }
0x10: {  	s7 =	sadd.s32 $0x3C600, s12;
	s8 =	sadd.s32 $0x3400, s12;
	s12 =	simm.s32 $0x4  }
.LBB2_1:
0x11: {  	[spmem:s11], [sflag:s6] =	dma.local [hbm:s5], $0x278  }
0x12: {  	_ =	swait.ge [sflag:s12], $0x278  }
0x13: {  	[sflag:s12] =	ssyncset.done $0x0  }
0x14: {  	[sflag:s12] =	ssyncadd.s32 $0xFFFFFD88  }
0x15: {  	[tilespmem:s3], [sflag:$0x4] =	stream.linear.gather [hbm4b:s7+s3], $0x2880, $0x38;
	[tilespmem:$0x6AC0] =	vst v63  }
0x16: {  	_ =	swait.ge [sflag:s12], $0x2880  }
0x17: {  	[sflag:s12] =	ssyncset.done $0x0  }
0x18: {  	[sflag:s12] =	ssyncadd.s32 $0xFFFFD780  }
0x19: {  	[tilespmem:s13], [sflag:$0x4] =	stream.linear.gather [hbm4b:s8+s3], $0x2880, $0x38;
	[tilespmem:$0x6AC0] =	vst v63  }
0x1a: {  	_ =	swait.ge [sflag:s12], $0x2880  }
0x1b: {  	[sflag:s12] =	ssyncset.done $0x0  }
0x1c: {  	[sflag:s12] =	ssyncadd.s32 $0xFFFFD780  }
0x1d: {  	[bflag:$0x0] =	sbarrier.arrive $0xFFFF  }
0x1e: {  	[tilespmem:s15], [sflag:$0x1] =	stream.indirect.gather [hbm4b:s4+s14], $0x8, s3, s14, $0xb8;
	[tilespmem:$0x6AC0] =	vst v63  }
0x1f: {  	_ = 	snop  }
0x20: {  	[tilespmem:s16], [sflag:$0x2] =	stream.indirect.gather [hbm4b:s4+s14], $0x8, s14, s14, $0xb8;
	[tilespmem:$0x6AC0] =	vst v63  }
0x21: {  	_ = 	snop  }
0x22: {  	[tilespmem:s18], [sflag:$0x3] =	stream.indirect.gather [hbm4b:s4+s14], $0x8, s17, s14, $0xb8;
	[tilespmem:$0x6AC0] =	vst v63  }
0x23: {  	_ =	swait.ge [sflag:s19], $0x200  }
0x24: {  	[sflag:s19] =	ssyncset.done $0x0  }
0x25: {  	s23 =	simm.s32 $0x2880;
	[sflag:s19] =	ssyncadd.s32 $0xFFFFFE00  }
0x26: {  	[spmem:s1] =	stream.indirect.scatter.add.f32 [tilespmem:s15], [sflag:$0x4], $0x8, s23, s14, $0xb8;
	[tilespmem:$0x6AC0] =	vst v63  }
0x27: {  	_ =	swait.ge [sflag:s12], $0x200  }
0x28: {  	[sflag:s12] =	ssyncset.done $0x0  }
0x29: {  	s28 =	simm.s32 $0xC0;
	[sflag:s12] =	ssyncadd.s32 $0xFFFFFE00  }
0x2a: {  	[tilespmem:s15], [sflag:$0x1] =	stream.indirect.gather [hbm4b:s4+s14], $0x8, s28, s14, $0xb8;
	[tilespmem:$0x6AC0] =	vst v63  }
0x2b: {  	_ =	swait.ge [sflag:s20], $0x200  }
0x2c: {  	[sflag:s20] =	ssyncset.done $0x0  }
0x2d: {  	s29 =	simm.s32 $0x28C0;
	[sflag:s20] =	ssyncadd.s32 $0xFFFFFE00  }
0x2e: {  	[spmem:s1] =	stream.indirect.scatter.add.f32 [tilespmem:s16], [sflag:$0x4], $0x8, s29, s14, $0xb8;
	[tilespmem:$0x6AC0] =	vst v63  }
0x2f: {  	_ =	swait.ge [sflag:s12], $0x200  }
0x30: {  	[sflag:s12] =	ssyncset.done $0x0  }
0x31: {  	s30 =	simm.s32 $0x100;
	[sflag:s12] =	ssyncadd.s32 $0xFFFFFE00  }
0x32: {  	[tilespmem:s16], [sflag:$0x2] =	stream.indirect.gather [hbm4b:s4+s14], $0x8, s30, s14, $0xb8;
	[tilespmem:$0x6AC0] =	vst v63  }
0x33: {  	_ =	swait.ge [sflag:s21], $0x200  }
0x34: {  	[sflag:s21] =	ssyncset.done $0x0  }
0x35: {  	s31 =	simm.s32 $0x2900;
	[sflag:s21] =	ssyncadd.s32 $0xFFFFFE00  }
0x36: {  	[spmem:s1] =	stream.indirect.scatter.add.f32 [tilespmem:s18], [sflag:$0x4], $0x8, s31, s14, $0xb8;
	[tilespmem:$0x6AC0] =	vst v63  }
0x37: {  	_ =	swait.ge [sflag:s12], $0x200  }
0x38: {  	[sflag:s12] =	ssyncset.done $0x0  }
0x39: {  	s24 =	simm.s32 $0x140;
	s23 =	simm.s32 $0x300;
	[sflag:s12] =	ssyncadd.s32 $0xFFFFFE00  }
.LBB2_2:
0x3a: {  	[tilespmem:s18], [sflag:$0x3] =	stream.indirect.gather [hbm4b:s4+s14], $0x8, s24, s14, $0xb8;
	[tilespmem:$0x6AC0] =	vst v63  }
0x3b: {  	s24 =	smov.u32 s23  }
0x3c: {  	p0 =	sne.s32 s23, $0x9C00;
	s23 =	sadd.s32 $0x300, s23;
	_ =	swait.ge [sflag:s19], $0x200  }
0x3d: {  	s24 =	sshra.s32 s24, $0x2;
	[sflag:s19] =	ssyncset.done $0x0  }
0x3e: {  	s25 =	sadd.s32 $0x2880, s24;
	[sflag:s19] =	ssyncadd.s32 $0xFFFFFE00  }
0x3f: {  	[spmem:s1] =	stream.indirect.scatter.add.f32 [tilespmem:s15], [sflag:$0x4], $0x8, s25, s14, $0xb8;
	[tilespmem:$0x6AC0] =	vst v63  }
0x40: {  	_ =	swait.ge [sflag:s12], $0x200  }
0x41: {  	[sflag:s12] =	ssyncset.done $0x0  }
0x42: {  	s25 =	sadd.s32 $0xC0, s24;
	[sflag:s12] =	ssyncadd.s32 $0xFFFFFE00  }
0x43: {  	[tilespmem:s15], [sflag:$0x1] =	stream.indirect.gather [hbm4b:s4+s14], $0x8, s25, s14, $0xb8;
	[tilespmem:$0x6AC0] =	vst v63  }
0x44: {  	_ =	swait.ge [sflag:s20], $0x200  }
0x45: {  	[sflag:s20] =	ssyncset.done $0x0  }
0x46: {  	s25 =	sadd.s32 $0x28C0, s24;
	[sflag:s20] =	ssyncadd.s32 $0xFFFFFE00  }
0x47: {  	[spmem:s1] =	stream.indirect.scatter.add.f32 [tilespmem:s16], [sflag:$0x4], $0x8, s25, s14, $0xb8;
	[tilespmem:$0x6AC0] =	vst v63  }
0x48: {  	_ =	swait.ge [sflag:s12], $0x200  }
0x49: {  	[sflag:s12] =	ssyncset.done $0x0  }
0x4a: {  	s25 =	sadd.s32 $0x100, s24;
	[sflag:s12] =	ssyncadd.s32 $0xFFFFFE00  }
0x4b: {  	[tilespmem:s16], [sflag:$0x2] =	stream.indirect.gather [hbm4b:s4+s14], $0x8, s25, s14, $0xb8;
	[tilespmem:$0x6AC0] =	vst v63  }
0x4c: {  	_ =	swait.ge [sflag:s21], $0x200  }
0x4d: {  	[sflag:s21] =	ssyncset.done $0x0  }
.Ltmp0:
0x4e: {  	s25 =	sadd.s32 $0x2900, s24;
	[sflag:s21] =	ssyncadd.s32 $0xFFFFFE00;
	(pc) =	sbr.rel @p0 .LBB2_2-.Ltmp0, $4  }
0x4f: {  	[spmem:s1] =	stream.indirect.scatter.add.f32 [tilespmem:s18], [sflag:$0x4], $0x8, s25, s14, $0xb8;
	[tilespmem:$0x6AC0] =	vst v63  }
0x50: {  	_ =	swait.ge [sflag:s12], $0x200  }
0x51: {  	[sflag:s12] =	ssyncset.done $0x0  }
0x52: {  	s24 =	sadd.s32 $0x140, s24;
	[sflag:s12] =	ssyncadd.s32 $0xFFFFFE00  }
0x53: {  	[tilespmem:s18], [sflag:$0x3] =	stream.indirect.gather [hbm4b:s4+s14], $0x8, s24, s14, $0xb8;
	[tilespmem:$0x6AC0] =	vst v63  }
0x54: {  	_ =	swait.ge [sflag:s19], $0x200  }
0x55: {  	[sflag:s19] =	ssyncset.done $0x0  }
0x56: {  	[sflag:s19] =	ssyncadd.s32 $0xFFFFFE00  }
0x57: {  	_ =	swait.ge [sflag:s20], $0x200  }
0x58: {  	[sflag:s20] =	ssyncset.done $0x0  }
0x59: {  	[sflag:s20] =	ssyncadd.s32 $0xFFFFFE00  }
0x5a: {  	_ =	swait.ge [sflag:s21], $0x200  }
0x5b: {  	s22 =	sadd.s32 $0x1, s22;
	[sflag:s21] =	ssyncset.done $0x0  }
0x5c: {  	p0 =	sne.s32 s22, s10;
	[sflag:s21] =	ssyncadd.s32 $0xFFFFFE00  }
.Ltmp1:
0x5d: {  	[bflag:$0x0] =	sbarrier.arrive $0xFFFF;
	(pc) =	sbr.rel @p0 .LBB2_1-.Ltmp1, $4  }
0x5e: {  	[hbm:s9], [sflag:s6] =	dma.local [spmem:s11], $0x278  }
0x5f: {  	_ =	swait.ge [sflag:s12], $0x278  }
0x60: {  	[sflag:s12] =	ssyncset.done $0x0  }
0x61: {  	[sflag:s12] =	ssyncadd.s32 $0xFFFFFD88  }
0x62: {  	_ =	sfence.sel $0x180000  }
0x63: {  	[bflag:$0x0] =	sbarrier.arrive $0xFFFF  }
0x64: {  	p0 =	sne.s32 s2, $0x0;
	_ =	strace $0x90000053  }
0x65: {  	s0 =	sadd.s32 @!p0 $0x100000, s0;
	[bflag:$0x2] =	sbarrier.arrive $0xFFFF  }
0x66: {  	[sflag:s0] =	ssyncadd.tile.s32 @!p0 $0x1;
	_ =	shalt  }
.Lfunc_end2:
_tile_overlayer_lowered:
.L_overlay_start_2:
0x67: {  	(tag) =	ssettag $0x2  }
0x68: {  	s0 =	rddreg [dreg:$0x0];
	s2 =	stileid.u32  }
0x69: {  	s1 =	rddreg [dreg:$0x1];
	p0 =	sne.s32 s2, $0x0  }
0x6a: {  	s3 =	rddreg [dreg:$0x2];
	[bflag:$0x3] =	sbarrier.arrive $0xFFFF;
	s2 =	simm.s32 @!p0 $0x1C04  }
0x6b: {  	[timem:s3], [sflag:s2] =	dma.local @!p0 [hbm:s0], s1  }
0x6c: {  	s0 =	simm.s32 @!p0 $0x4  }
0x6d: {  	_ =	swait.ge @!p0 [sflag:s0], s1  }
0x6e: {  	s1 =	ssub.s32 @!p0 $0x0, s1;
	[sflag:s0] =	ssyncset.done @!p0 $0x0  }
0x6f: {  	[sflag:s0] =	ssyncadd.s32 @!p0 s1  }
0x70: {  	[bflag:$0x3] =	sbarrier.arrive $0xFFFF  }
0x71: {  	_ =	shalt  }

// kernel: kernel.31.cloned.1.call-start
scs
__scs_entry_jumppad:
0x0: {  	(pc) =	sbr.rel $0x88, $3  }
0x1: {  	(tag) =	ssettag $0x0;
	lr =	simm.s32 $0x1  }
0x2: {  	[smem:$0x3F9B] =	sst lr;
	_ =	strace $0xD0000000  }
0x3: {  	_ = 	snop  }
0x4: {  	_ = 	snop  }
0x5: {  	_ = 	snop  }
0x6: {  	_ = 	snop  }
0x7: {  	_ = 	snop  }
__scs_overlays_trampoline_lowered:
0x8: {  	[smem:$0x3FAA] =	sst s0  }
0x9: {  	[smem:$0x3FAB] =	sst s1  }
0xa: {  	[smem:$0x3FAC] =	sst s2  }
0xb: {  	[smem:$0x3FAD] =	sst s3  }
0xc: {  	[smem:$0x3FAE] =	sst s4  }
0xd: {  	[smem:$0x3FAF] =	sst s5  }
0xe: {  	[smem:$0x3FB0] =	sst s6  }
0xf: {  	[smem:$0x3FB1] =	sst s7  }
0x10: {  	[smem:$0x3FB2] =	sst s8  }
0x11: {  	[smem:$0x3FB3] =	sst s9;
	s0 =	simm.s32 @!p0 $0x0  }
0x12: {  	s1 =	sld [smem:$0x3F99];
	s0 =	simm.s32 @p0 $0x1  }
0x13: {  	[smem:$0x3FB4] =	sst s0;
	s0 =	simm.s32 @!p1 $0x0  }
0x14: {  	s2 =	sld [smem:$0x3F98];
	s0 =	simm.s32 @p1 $0x1  }
0x15: {  	[smem:$0x3FB5] =	sst s0;
	s0 =	simm.s32 @!p2 $0x0  }
0x16: {  	s3 =	sld [smem:$0x3FDB];
	s0 =	simm.s32 @p2 $0x1  }
0x17: {  	s4 =	simm.s32 $0x1BF5;
	[smem:$0x3FB7] =	sst s0  }
0x18: {  	s0 =	sld [smem:$0x3F9A];
	_ =	swait.ge [sflag:s4], $0x0  }
0x19: {  	s7 =	sld [smem:$0x3F9B]  }
0x1a: {  	s8 =	sadd.s32 $0xFFFFE003, lr  }
0x1b: {  	s9 =	sadd.s32 $0xFFFFFEF7, lr;
	s5 =	simm.s32 $0xFFFFFFFF;
	p2 =	slt.u32 s8, $0xFFFFF086  }
0x1c: {  	p1 =	slt.u32 s9, $0xF7A;
	s5 =	simm.s32 @!p2 $0x0  }
0x1d: {  	s5 =	simm.s32 @p1 $0x1;
	p0 =	seq.s32 s7, s2  }
0x1e: {  	s7 =	smul.u32 @!p0 $0xF7A, s2;
	p2 =	seq.s32 @!p0 s5, $0x0  }
0x1f: {  	s9 =	smul.u32 $0xF7A, s1;
	s8 =	simm.s32 @!p0 $0x1BF5;
	p2 =	por !p2, p0  }
0x20: {  	[sflag:s8] =	ssyncset.s32 @!p0 $0xFFFFF086;
	s6 =	sadd.s32 @!p0 s3, s7;
	s7 =	simm.s32 @!p0 $0x108  }
0x21: {  	s3 =	sadd.s32 s3, s9;
	s6 =	sadd.s32 @!p0 $0x88, s6;
	s7 =	simm.s32 @p2 $0x1082  }
0x22: {  	[simem:s7], [sflag:s8] =	dma.local @!p0 [hbm:s6], $0xF7A  }
0x23: {  	s9 =	sor.u32 $0xD0000000, s2;
	s6 =	simm.s32 $0x108;
	_ =	swait.ge @!p0 [sflag:s8], $0x0  }
0x24: {  	s3 =	sadd.s32 $0x88, s3;
	s6 =	simm.s32 @!p1 $0x1082;
	[sflag:s4] =	ssyncset.s32 $0xFFFFF086  }
0x25: {  	[simem:s6], [sflag:s4] =	dma.local [hbm:s3], $0xF7A  }
0x26: {  	[smem:$0x3F9B] =	sst s1;
	(tag) =	ssettag s2;
	_ =	strace s9  }
0x27: {  	s1 =	sld [smem:$0x3FAB]  }
0x28: {  	s2 =	sld [smem:$0x3FAC]  }
0x29: {  	s4 =	sld [smem:$0x3FAE]  }
0x2a: {  	p0 =	seq.s32 s5, $0x0;
	s5 =	sld [smem:$0x3FAF]  }
0x2b: {  	s6 =	sld [smem:$0x3FB0]  }
0x2c: {  	s7 =	sld [smem:$0x3FB1]  }
0x2d: {  	s3 =	simm.s32 $0x108;
	s8 =	sld [smem:$0x3FB2]  }
0x2e: {  	s3 =	simm.s32 @!p0 $0x1082;
	s9 =	sld [smem:$0x3FB3]  }
0x2f: {  	lr =	sadd.s32 s0, s3;
	s0 =	sld [smem:$0x3FAA]  }
0x30: {  	s3 =	sld [smem:$0x3FAD]  }
0x31: {  	[smem:$0x3FB6] =	sst s10  }
0x32: {  	s10 =	sld [smem:$0x3FB4];
	_ =	sdelay $0x3  }
0x33: {  	p0 =	seq.s32 s10, $0x1;
	s10 =	sld [smem:$0x3FB6];
	_ =	sdelay $0x3  }
0x34: {  	[smem:$0x3FB6] =	sst s10  }
0x35: {  	s10 =	sld [smem:$0x3FB5];
	_ =	sdelay $0x3  }
0x36: {  	p1 =	seq.s32 s10, $0x1;
	s10 =	sld [smem:$0x3FB6];
	_ =	sdelay $0x3  }
0x37: {  	[smem:$0x3FB6] =	sst s10  }
0x38: {  	s10 =	sld [smem:$0x3FB7]  }
0x39: {  	_ = 	snop;
	(pc) =	sbr.ind lr, $3  }
0x3a: {  	_ = 	snop  }
0x3b: {  	_ = 	snop  }
0x3c: {  	p2 =	seq.s32 s10, $0x1;
	s10 =	sld [smem:$0x3FB6]  }
0x3d: {  	_ =	shalt  }
0x3e: {  	_ =	shalt  }
0x3f: {  	_ =	shalt  }
0x40: {  	_ =	shalt  }
0x41: {  	_ =	shalt  }
0x42: {  	_ =	shalt  }
0x43: {  	_ =	shalt  }
0x44: {  	_ =	shalt  }
0x45: {  	_ =	shalt  }
0x46: {  	_ =	shalt  }
0x47: {  	_ =	shalt  }
0x48: {  	_ =	shalt  }
0x49: {  	_ =	shalt  }
0x4a: {  	_ =	shalt  }
0x4b: {  	_ =	shalt  }
0x4c: {  	_ =	shalt  }
0x4d: {  	_ =	shalt  }
0x4e: {  	_ =	shalt  }
0x4f: {  	_ =	shalt  }
0x50: {  	_ =	shalt  }
0x51: {  	_ =	shalt  }
0x52: {  	_ =	shalt  }
0x53: {  	_ =	shalt  }
0x54: {  	_ =	shalt  }
0x55: {  	_ =	shalt  }
0x56: {  	_ =	shalt  }
0x57: {  	_ =	shalt  }
0x58: {  	_ =	shalt  }
0x59: {  	_ =	shalt  }
0x5a: {  	_ =	shalt  }
0x5b: {  	_ =	shalt  }
0x5c: {  	_ =	shalt  }
0x5d: {  	_ =	shalt  }
0x5e: {  	_ =	shalt  }
0x5f: {  	_ =	shalt  }
0x60: {  	_ =	shalt  }
0x61: {  	_ =	shalt  }
0x62: {  	_ =	shalt  }
0x63: {  	_ =	shalt  }
0x64: {  	_ =	shalt  }
0x65: {  	_ =	shalt  }
0x66: {  	_ =	shalt  }
0x67: {  	_ =	shalt  }
0x68: {  	_ =	shalt  }
0x69: {  	_ =	shalt  }
0x6a: {  	_ =	shalt  }
0x6b: {  	_ =	shalt  }
0x6c: {  	_ =	shalt  }
0x6d: {  	_ =	shalt  }
0x6e: {  	_ =	shalt  }
0x6f: {  	_ =	shalt  }
0x70: {  	_ =	shalt  }
0x71: {  	_ =	shalt  }
0x72: {  	_ =	shalt  }
0x73: {  	_ =	shalt  }
0x74: {  	_ =	shalt  }
0x75: {  	_ =	shalt  }
0x76: {  	_ =	shalt  }
0x77: {  	_ =	shalt  }
0x78: {  	_ =	shalt  }
0x79: {  	_ =	shalt  }
0x7a: {  	_ =	shalt  }
0x7b: {  	_ =	shalt  }
0x7c: {  	_ =	shalt  }
0x7d: {  	_ =	shalt  }
0x7e: {  	_ =	shalt  }
0x7f: {  	_ =	shalt  }
0x80: {  	_ =	shalt  }
0x81: {  	_ =	shalt  }
0x82: {  	_ =	shalt  }
0x83: {  	_ =	shalt  }
0x84: {  	_ =	shalt  }
0x85: {  	_ =	shalt  }
0x86: {  	_ =	shalt  }
0x87: {  	_ =	shalt  }
.Lfunc_end0:
.L_simem_size_0:
called_computation.5_lowered:
.L_overlay_start_0:
0x88: {  	s2 =	sld [smem:$0x3FD9]  }
0x89: {  	s3 =	sld [smem:$0x3FFE];
	_ =	sdelay $0x1  }
0x8a: {  	s1 =	srdreg.scid  }
0x8b: {  	s0 =	sand.u32 $0x1, s1  }
0x8c: {  	s16 =	sshll.u32 s0, $0xA;
	s2 =	sadd.s32 s3, s2  }
0x8d: {  	s2 =	sadd.s32 s2, s16  }
0x8e: {  	[smem:$0x3FC2] =	sst s2  }
0x8f: {  	_ = 	snop  }
0x90: {  	(tm) =	ssettm $0x1  }
0x91: {  	s17 =	sld [smem:$0x3FFB];
	_ =	sdelay $0x3  }
0x92: {  	_ =	strace s17  }
0x93: {  	s2 =	sld [smem:$0x3FFC];
	_ =	sdelay $0x3  }
0x94: {  	_ =	strace s2  }
0x95: {  	s2 =	sld [smem:$0x3FFD];
	_ =	sdelay $0x3  }
0x96: {  	_ =	strace s2  }
0x97: {  	_ =	strace $0x8FFFFFFF  }
0x98: {  	s18 =	sld [smem:$0x3FDB];
	_ =	sdelay $0x1  }
0x99: {  	s19 =	simm.s32 $_scs_section_size  }
0x9a: {  	s4 =	simm.s32 $_size__tile_overlayer_lowered;
	s5 =	simm.s32 $_tile_overlayer_lowered  }
0x9b: {  	s22 =	simm.s32 $0x1BFF;
	s21 =	sshll.u32 s5, $0x1;
	s2 =	sadd.s32 s19, s18  }
0x9c: {  	s6 =	simm.s32 $0x0;
	s20 =	sshll.u32 s4, $0x1;
	s4 =	sadd.s32 s21, s2  }
0x9d: {  	[timem:s6], [sflag:s22] =	dma.local [hbm:s4], s20  }
0x9e: {  	_ =	swait.ge [sflag:s22], s20  }
0x9f: {  	s3 =	ssub.s32 $0x0, s20;
	[sflag:s22] =	ssyncset.done $0x0  }
0xa0: {  	[sflag:s22] =	ssyncadd.s32 s3;
	_ =	sdelay $0x1  }
0xa1: {  	s23 =	simm.s32 $0x1B8B  }
0xa2: {  	_ =	swait.ge [sflag:s23], $0x1  }
0xa3: {  	[sflag:s23] =	ssyncset.done $0x0  }
0xa4: {  	s25 =	simm.s32 $0x1B8E;
	s24 =	sld [smem:$0x3FFE];
	[sflag:s23] =	ssyncadd.s32 $0xFFFFFFFF  }
0xa5: {  	s26 =	simm.s32 $execute0_lowered;
	[smem:$0x3FD2] =	sst s25  }
0xa6: {  	s4 =	sshll.u32 s26, $0x1;
	_ =	strace $0x80000055;
	[dreg:$0x1] =	wrdreg $0xFFFFFFFF  }
0xa7: {  	s28 =	simm.s32 $_size_execute0_lowered;
	s2 =	sadd.s32 s2, s4;
	[dreg:$0x0] =	wrdreg $0x0  }
0xa8: {  	s4 =	sshll.u32 s28, $0x1;
	[dreg:$0x2] =	wrdreg s2  }
0xa9: {  	[dreg:$0x3] =	wrdreg s4  }
0xaa: {  	[dreg:$0x4] =	wrdreg $0xC0  }
0xab: {  	_ =	task [dreg:s6], $0x5FFFF  }
0xac: {  	[dreg:$0x1] =	wrdreg $0xFFFFFFFF  }
0xad: {  	[dreg:$0x0] =	wrdreg $0x60  }
0xae: {  	[dreg:$0x2] =	wrdreg s24  }
0xaf: {  	[dreg:$0x3] =	wrdreg $0x57000  }
0xb0: {  	[dreg:$0x4] =	wrdreg $0x9  }
0xb1: {  	_ =	task.clear_ibuf [dreg:s6], $0x5FFFF;
	_ =	strace $0x90000055  }
0xb2: {  	s29 =	simm.s32 $0x9;
	_ =	strace $0x80000057  }
0xb3: {  	_ =	swait.ge [sflag:s29], $0x1  }
0xb4: {  	[sflag:s29] =	ssyncadd.s32 $0xFFFFFFFF  }
0xb5: {  	_ =	strace $0x90000057  }
0xb6: {  	_ =	sfence  }
0xb7: {  	s30 =	sld [smem:$0x0];
	_ =	sdelay $0x2  }
0xb8: {  	s31 =	sshll.u32 s1, $0xD;
	s1 =	sshrl.u32 s1, $0x2  }
0xb9: {  	s3 =	sand.u32 $0x4000, s31;
	s1 =	sadd.s32 s1, s30  }
0xba: {  	s0 =	sor.u32 s3, s0;
	s1 =	sshll.u32 s1, $0x11  }
0xbb: {  	s0 =	sor.u32 s1, s0  }
0xbc: {  	s0 =	sadd.s32 $0x8F2B, s0  }
0xbd: {  	[sflag:s0] =	ssyncadd.remote.s32 $0x1  }
0xbe: {  	_ =	sfence.sel $0xFFFF  }
0xbf: {  	[dreg:$0x0] =	wrdreg $0xFFFFFFFF;
	(pc) =	sbr.abs _section_cstart, $3  }
0xc0: {  	[dreg:$0x1] =	wrdreg $0xFFFFFFFF  }
0xc1: {  	_ =	task.clear_ibuf [dreg:s6], $0x2FFFF;
	_ =	strace $0x9FFFFFFF  }
0xc2: {  	(tm) =	ssettm $0x7FFFFFFF  }
0xc3: {  	_ =	shalt  }
tec
execute0_lowered:
.L_overlay_start_1:
0x0: {  	(tag) =	ssettag $0x1  }
0x1: {  	s5 =	rddreg [dreg:$0x0]  }
0x2: {  	s1 =	rddreg [dreg:$0x1]  }
0x3: {  	s2 =	srdreg.scid;
	s0 =	rddreg [dreg:$0x2];
	s3 =	simm.s32 $0x0  }
0x4: {  	s14 =	simm.s32 $0x40;
	s15 =	simm.s32 $0x5100;
	s16 =	simm.s32 $0x5300  }
0x5: {  	s17 =	simm.s32 $0x80;
	s18 =	simm.s32 $0x5500;
	s19 =	simm.s32 $0x1  }
0x6: {  	s20 =	simm.s32 $0x2;
	s6 =	sand.u32 $0x1, s2;
	s2 =	stileid.u32  }
0x7: {  	s21 =	simm.s32 $0x3;
	s22 =	simm.s32 $0x0;
	s8 =	smul.u32 $0x13C0, s2  }
0x8: {  	[smem:$0x7FF] =	sst s3;
	s4 =	sshll.u32 s6, $0x4;
	s10 =	smul.u32 $0x278, s2  }
0x9: {  	_ =	strace $0x80000056;
	s11 =	ssub.s32 $0x2, s6;
	s30 =	smul.u32 $0x2780, s6  }
0xa: {  	s31 =	sshll.u32 s2, $0x6;
	s7 =	sor.u32 s2, s4;
	s4 =	sadd.s32 $0x37600, s5  }
0xb: {  	s29 =	sshrl.u32 s11, $0x1;
	s6 =	sor.u32 $0x1C04, s31;
	s7 =	smul.u32 $0x510, s7  }
0xc: {  	s9 =	sshrl.u32 s8, $0x3;
	s10 =	sadd.s32 s10, s5;
	s11 =	ssub.s32 s11, s29  }
0xd: {  	s13 =	sadd.s32 s8, s1;
	s28 =	sadd.s32 s9, s5;
	s9 =	sadd.s32 s30, s10  }
0xe: {  	s10 =	smax.u32 s11, $0x1;
	s11 =	sshrl.u32 s13, $0x3;
	s13 =	simm.s32 $0x2880  }
0xf: {  	s12 =	sadd.s32 s7, s5;
	s5 =	sadd.s32 $0xD600, s28;
	s9 =	sadd.s32 $0x46800, s9  }
0x10: {  	s7 =	sadd.s32 $0x3C600, s12;
	s8 =	sadd.s32 $0x3400, s12;
	s12 =	simm.s32 $0x4  }
.LBB2_1:
0x11: {  	[spmem:s11], [sflag:s6] =	dma.local [hbm:s5], $0x278  }
0x12: {  	_ =	swait.ge [sflag:s12], $0x278  }
0x13: {  	[sflag:s12] =	ssyncset.done $0x0  }
0x14: {  	[sflag:s12] =	ssyncadd.s32 $0xFFFFFD88  }
0x15: {  	[tilespmem:s3], [sflag:$0x4] =	stream.linear.gather [hbm4b:s7+s3], $0x2880, $0x38;
	[tilespmem:$0x6AC0] =	vst v63  }
0x16: {  	_ =	swait.ge [sflag:s12], $0x2880  }
0x17: {  	[sflag:s12] =	ssyncset.done $0x0  }
0x18: {  	[sflag:s12] =	ssyncadd.s32 $0xFFFFD780  }
0x19: {  	[tilespmem:s13], [sflag:$0x4] =	stream.linear.gather [hbm4b:s8+s3], $0x2880, $0x38;
	[tilespmem:$0x6AC0] =	vst v63  }
0x1a: {  	_ =	swait.ge [sflag:s12], $0x2880  }
0x1b: {  	[sflag:s12] =	ssyncset.done $0x0  }
0x1c: {  	[sflag:s12] =	ssyncadd.s32 $0xFFFFD780  }
0x1d: {  	[bflag:$0x0] =	sbarrier.arrive $0xFFFF  }
0x1e: {  	[tilespmem:s15], [sflag:$0x1] =	stream.indirect.gather [hbm4b:s4+s14], $0x8, s3, s14, $0xb8;
	[tilespmem:$0x6AC0] =	vst v63  }
0x1f: {  	_ = 	snop  }
0x20: {  	[tilespmem:s16], [sflag:$0x2] =	stream.indirect.gather [hbm4b:s4+s14], $0x8, s14, s14, $0xb8;
	[tilespmem:$0x6AC0] =	vst v63  }
0x21: {  	_ = 	snop  }
0x22: {  	[tilespmem:s18], [sflag:$0x3] =	stream.indirect.gather [hbm4b:s4+s14], $0x8, s17, s14, $0xb8;
	[tilespmem:$0x6AC0] =	vst v63  }
0x23: {  	_ =	swait.ge [sflag:s19], $0x200  }
0x24: {  	[sflag:s19] =	ssyncset.done $0x0  }
0x25: {  	s23 =	simm.s32 $0x2880;
	[sflag:s19] =	ssyncadd.s32 $0xFFFFFE00  }
0x26: {  	[spmem:s1] =	stream.indirect.scatter.add.f32 [tilespmem:s15], [sflag:$0x4], $0x8, s23, s14, $0xb8;
	[tilespmem:$0x6AC0] =	vst v63  }
0x27: {  	_ =	swait.ge [sflag:s12], $0x200  }
0x28: {  	[sflag:s12] =	ssyncset.done $0x0  }
0x29: {  	s28 =	simm.s32 $0xC0;
	[sflag:s12] =	ssyncadd.s32 $0xFFFFFE00  }
0x2a: {  	[tilespmem:s15], [sflag:$0x1] =	stream.indirect.gather [hbm4b:s4+s14], $0x8, s28, s14, $0xb8;
	[tilespmem:$0x6AC0] =	vst v63  }
0x2b: {  	_ =	swait.ge [sflag:s20], $0x200  }
0x2c: {  	[sflag:s20] =	ssyncset.done $0x0  }
0x2d: {  	s29 =	simm.s32 $0x28C0;
	[sflag:s20] =	ssyncadd.s32 $0xFFFFFE00  }
0x2e: {  	[spmem:s1] =	stream.indirect.scatter.add.f32 [tilespmem:s16], [sflag:$0x4], $0x8, s29, s14, $0xb8;
	[tilespmem:$0x6AC0] =	vst v63  }
0x2f: {  	_ =	swait.ge [sflag:s12], $0x200  }
0x30: {  	[sflag:s12] =	ssyncset.done $0x0  }
0x31: {  	s30 =	simm.s32 $0x100;
	[sflag:s12] =	ssyncadd.s32 $0xFFFFFE00  }
0x32: {  	[tilespmem:s16], [sflag:$0x2] =	stream.indirect.gather [hbm4b:s4+s14], $0x8, s30, s14, $0xb8;
	[tilespmem:$0x6AC0] =	vst v63  }
0x33: {  	_ =	swait.ge [sflag:s21], $0x200  }
0x34: {  	[sflag:s21] =	ssyncset.done $0x0  }
0x35: {  	s31 =	simm.s32 $0x2900;
	[sflag:s21] =	ssyncadd.s32 $0xFFFFFE00  }
0x36: {  	[spmem:s1] =	stream.indirect.scatter.add.f32 [tilespmem:s18], [sflag:$0x4], $0x8, s31, s14, $0xb8;
	[tilespmem:$0x6AC0] =	vst v63  }
0x37: {  	_ =	swait.ge [sflag:s12], $0x200  }
0x38: {  	[sflag:s12] =	ssyncset.done $0x0  }
0x39: {  	s24 =	simm.s32 $0x140;
	s23 =	simm.s32 $0x300;
	[sflag:s12] =	ssyncadd.s32 $0xFFFFFE00  }
.LBB2_2:
0x3a: {  	[tilespmem:s18], [sflag:$0x3] =	stream.indirect.gather [hbm4b:s4+s14], $0x8, s24, s14, $0xb8;
	[tilespmem:$0x6AC0] =	vst v63  }
0x3b: {  	s24 =	smov.u32 s23  }
0x3c: {  	p0 =	sne.s32 s23, $0x9C00;
	s23 =	sadd.s32 $0x300, s23;
	_ =	swait.ge [sflag:s19], $0x200  }
0x3d: {  	s24 =	sshra.s32 s24, $0x2;
	[sflag:s19] =	ssyncset.done $0x0  }
0x3e: {  	s25 =	sadd.s32 $0x2880, s24;
	[sflag:s19] =	ssyncadd.s32 $0xFFFFFE00  }
0x3f: {  	[spmem:s1] =	stream.indirect.scatter.add.f32 [tilespmem:s15], [sflag:$0x4], $0x8, s25, s14, $0xb8;
	[tilespmem:$0x6AC0] =	vst v63  }
0x40: {  	_ =	swait.ge [sflag:s12], $0x200  }
0x41: {  	[sflag:s12] =	ssyncset.done $0x0  }
0x42: {  	s25 =	sadd.s32 $0xC0, s24;
	[sflag:s12] =	ssyncadd.s32 $0xFFFFFE00  }
0x43: {  	[tilespmem:s15], [sflag:$0x1] =	stream.indirect.gather [hbm4b:s4+s14], $0x8, s25, s14, $0xb8;
	[tilespmem:$0x6AC0] =	vst v63  }
0x44: {  	_ =	swait.ge [sflag:s20], $0x200  }
0x45: {  	[sflag:s20] =	ssyncset.done $0x0  }
0x46: {  	s25 =	sadd.s32 $0x28C0, s24;
	[sflag:s20] =	ssyncadd.s32 $0xFFFFFE00  }
0x47: {  	[spmem:s1] =	stream.indirect.scatter.add.f32 [tilespmem:s16], [sflag:$0x4], $0x8, s25, s14, $0xb8;
	[tilespmem:$0x6AC0] =	vst v63  }
0x48: {  	_ =	swait.ge [sflag:s12], $0x200  }
0x49: {  	[sflag:s12] =	ssyncset.done $0x0  }
0x4a: {  	s25 =	sadd.s32 $0x100, s24;
	[sflag:s12] =	ssyncadd.s32 $0xFFFFFE00  }
0x4b: {  	[tilespmem:s16], [sflag:$0x2] =	stream.indirect.gather [hbm4b:s4+s14], $0x8, s25, s14, $0xb8;
	[tilespmem:$0x6AC0] =	vst v63  }
0x4c: {  	_ =	swait.ge [sflag:s21], $0x200  }
0x4d: {  	[sflag:s21] =	ssyncset.done $0x0  }
.Ltmp0:
0x4e: {  	s25 =	sadd.s32 $0x2900, s24;
	[sflag:s21] =	ssyncadd.s32 $0xFFFFFE00;
	(pc) =	sbr.rel @p0 .LBB2_2-.Ltmp0, $4  }
0x4f: {  	[spmem:s1] =	stream.indirect.scatter.add.f32 [tilespmem:s18], [sflag:$0x4], $0x8, s25, s14, $0xb8;
	[tilespmem:$0x6AC0] =	vst v63  }
0x50: {  	_ =	swait.ge [sflag:s12], $0x200  }
0x51: {  	[sflag:s12] =	ssyncset.done $0x0  }
0x52: {  	s24 =	sadd.s32 $0x140, s24;
	[sflag:s12] =	ssyncadd.s32 $0xFFFFFE00  }
0x53: {  	[tilespmem:s18], [sflag:$0x3] =	stream.indirect.gather [hbm4b:s4+s14], $0x8, s24, s14, $0xb8;
	[tilespmem:$0x6AC0] =	vst v63  }
0x54: {  	_ =	swait.ge [sflag:s19], $0x200  }
0x55: {  	[sflag:s19] =	ssyncset.done $0x0  }
0x56: {  	[sflag:s19] =	ssyncadd.s32 $0xFFFFFE00  }
0x57: {  	_ =	swait.ge [sflag:s20], $0x200  }
0x58: {  	[sflag:s20] =	ssyncset.done $0x0  }
0x59: {  	[sflag:s20] =	ssyncadd.s32 $0xFFFFFE00  }
0x5a: {  	_ =	swait.ge [sflag:s21], $0x200  }
0x5b: {  	s22 =	sadd.s32 $0x1, s22;
	[sflag:s21] =	ssyncset.done $0x0  }
0x5c: {  	p0 =	sne.s32 s22, s10;
	[sflag:s21] =	ssyncadd.s32 $0xFFFFFE00  }
.Ltmp1:
0x5d: {  	[bflag:$0x0] =	sbarrier.arrive $0xFFFF;
	(pc) =	sbr.rel @p0 .LBB2_1-.Ltmp1, $4  }
0x5e: {  	[hbm:s9], [sflag:s6] =	dma.local [spmem:s11], $0x278  }
0x5f: {  	_ =	swait.ge [sflag:s12], $0x278  }
0x60: {  	[sflag:s12] =	ssyncset.done $0x0  }
0x61: {  	[sflag:s12] =	ssyncadd.s32 $0xFFFFFD88  }
0x62: {  	_ =	sfence.sel $0x180000  }
0x63: {  	[bflag:$0x0] =	sbarrier.arrive $0xFFFF  }
0x64: {  	p0 =	sne.s32 s2, $0x0;
	_ =	strace $0x90000056  }
0x65: {  	s0 =	sadd.s32 @!p0 $0x100000, s0;
	[bflag:$0x2] =	sbarrier.arrive $0xFFFF  }
0x66: {  	[sflag:s0] =	ssyncadd.tile.s32 @!p0 $0x1;
	_ =	shalt  }
.Lfunc_end2:
_tile_overlayer_lowered:
.L_overlay_start_2:
0x67: {  	(tag) =	ssettag $0x2  }
0x68: {  	s0 =	rddreg [dreg:$0x0];
	s2 =	stileid.u32  }
0x69: {  	s1 =	rddreg [dreg:$0x1];
	p0 =	sne.s32 s2, $0x0  }
0x6a: {  	s3 =	rddreg [dreg:$0x2];
	[bflag:$0x3] =	sbarrier.arrive $0xFFFF;
	s2 =	simm.s32 @!p0 $0x1C04  }
0x6b: {  	[timem:s3], [sflag:s2] =	dma.local @!p0 [hbm:s0], s1  }
0x6c: {  	s0 =	simm.s32 @!p0 $0x4  }
0x6d: {  	_ =	swait.ge @!p0 [sflag:s0], s1  }
0x6e: {  	s1 =	ssub.s32 @!p0 $0x0, s1;
	[sflag:s0] =	ssyncset.done @!p0 $0x0  }
0x6f: {  	[sflag:s0] =	ssyncadd.s32 @!p0 s1  }
0x70: {  	[bflag:$0x3] =	sbarrier.arrive $0xFFFF  }
0x71: {  	_ =	shalt  }

// kernel: kernel.34.cloned.1.call-start
scs
__scs_entry_jumppad:
0x0: {  	(pc) =	sbr.rel $0x88, $3  }
0x1: {  	(tag) =	ssettag $0x0;
	lr =	simm.s32 $0x1  }
0x2: {  	[smem:$0x3F9B] =	sst lr;
	_ =	strace $0xD0000000  }
0x3: {  	_ = 	snop  }
0x4: {  	_ = 	snop  }
0x5: {  	_ = 	snop  }
0x6: {  	_ = 	snop  }
0x7: {  	_ = 	snop  }
__scs_overlays_trampoline_lowered:
0x8: {  	[smem:$0x3FAA] =	sst s0  }
0x9: {  	[smem:$0x3FAB] =	sst s1  }
0xa: {  	[smem:$0x3FAC] =	sst s2  }
0xb: {  	[smem:$0x3FAD] =	sst s3  }
0xc: {  	[smem:$0x3FAE] =	sst s4  }
0xd: {  	[smem:$0x3FAF] =	sst s5  }
0xe: {  	[smem:$0x3FB0] =	sst s6  }
0xf: {  	[smem:$0x3FB1] =	sst s7  }
0x10: {  	[smem:$0x3FB2] =	sst s8  }
0x11: {  	[smem:$0x3FB3] =	sst s9;
	s0 =	simm.s32 @!p0 $0x0  }
0x12: {  	s1 =	sld [smem:$0x3F99];
	s0 =	simm.s32 @p0 $0x1  }
0x13: {  	[smem:$0x3FB4] =	sst s0;
	s0 =	simm.s32 @!p1 $0x0  }
0x14: {  	s2 =	sld [smem:$0x3F98];
	s0 =	simm.s32 @p1 $0x1  }
0x15: {  	[smem:$0x3FB5] =	sst s0;
	s0 =	simm.s32 @!p2 $0x0  }
0x16: {  	s3 =	sld [smem:$0x3FDB];
	s0 =	simm.s32 @p2 $0x1  }
0x17: {  	s4 =	simm.s32 $0x1BF5;
	[smem:$0x3FB7] =	sst s0  }
0x18: {  	s0 =	sld [smem:$0x3F9A];
	_ =	swait.ge [sflag:s4], $0x0  }
0x19: {  	s7 =	sld [smem:$0x3F9B]  }
0x1a: {  	s8 =	sadd.s32 $0xFFFFE003, lr  }
0x1b: {  	s9 =	sadd.s32 $0xFFFFFEF7, lr;
	s5 =	simm.s32 $0xFFFFFFFF;
	p2 =	slt.u32 s8, $0xFFFFF086  }
0x1c: {  	p1 =	slt.u32 s9, $0xF7A;
	s5 =	simm.s32 @!p2 $0x0  }
0x1d: {  	s5 =	simm.s32 @p1 $0x1;
	p0 =	seq.s32 s7, s2  }
0x1e: {  	s7 =	smul.u32 @!p0 $0xF7A, s2;
	p2 =	seq.s32 @!p0 s5, $0x0  }
0x1f: {  	s9 =	smul.u32 $0xF7A, s1;
	s8 =	simm.s32 @!p0 $0x1BF5;
	p2 =	por !p2, p0  }
0x20: {  	[sflag:s8] =	ssyncset.s32 @!p0 $0xFFFFF086;
	s6 =	sadd.s32 @!p0 s3, s7;
	s7 =	simm.s32 @!p0 $0x108  }
0x21: {  	s3 =	sadd.s32 s3, s9;
	s6 =	sadd.s32 @!p0 $0x88, s6;
	s7 =	simm.s32 @p2 $0x1082  }
0x22: {  	[simem:s7], [sflag:s8] =	dma.local @!p0 [hbm:s6], $0xF7A  }
0x23: {  	s9 =	sor.u32 $0xD0000000, s2;
	s6 =	simm.s32 $0x108;
	_ =	swait.ge @!p0 [sflag:s8], $0x0  }
0x24: {  	s3 =	sadd.s32 $0x88, s3;
	s6 =	simm.s32 @!p1 $0x1082;
	[sflag:s4] =	ssyncset.s32 $0xFFFFF086  }
0x25: {  	[simem:s6], [sflag:s4] =	dma.local [hbm:s3], $0xF7A  }
0x26: {  	[smem:$0x3F9B] =	sst s1;
	(tag) =	ssettag s2;
	_ =	strace s9  }
0x27: {  	s1 =	sld [smem:$0x3FAB]  }
0x28: {  	s2 =	sld [smem:$0x3FAC]  }
0x29: {  	s4 =	sld [smem:$0x3FAE]  }
0x2a: {  	p0 =	seq.s32 s5, $0x0;
	s5 =	sld [smem:$0x3FAF]  }
0x2b: {  	s6 =	sld [smem:$0x3FB0]  }
0x2c: {  	s7 =	sld [smem:$0x3FB1]  }
0x2d: {  	s3 =	simm.s32 $0x108;
	s8 =	sld [smem:$0x3FB2]  }
0x2e: {  	s3 =	simm.s32 @!p0 $0x1082;
	s9 =	sld [smem:$0x3FB3]  }
0x2f: {  	lr =	sadd.s32 s0, s3;
	s0 =	sld [smem:$0x3FAA]  }
0x30: {  	s3 =	sld [smem:$0x3FAD]  }
0x31: {  	[smem:$0x3FB6] =	sst s10  }
0x32: {  	s10 =	sld [smem:$0x3FB4];
	_ =	sdelay $0x3  }
0x33: {  	p0 =	seq.s32 s10, $0x1;
	s10 =	sld [smem:$0x3FB6];
	_ =	sdelay $0x3  }
0x34: {  	[smem:$0x3FB6] =	sst s10  }
0x35: {  	s10 =	sld [smem:$0x3FB5];
	_ =	sdelay $0x3  }
0x36: {  	p1 =	seq.s32 s10, $0x1;
	s10 =	sld [smem:$0x3FB6];
	_ =	sdelay $0x3  }
0x37: {  	[smem:$0x3FB6] =	sst s10  }
0x38: {  	s10 =	sld [smem:$0x3FB7]  }
0x39: {  	_ = 	snop;
	(pc) =	sbr.ind lr, $3  }
0x3a: {  	_ = 	snop  }
0x3b: {  	_ = 	snop  }
0x3c: {  	p2 =	seq.s32 s10, $0x1;
	s10 =	sld [smem:$0x3FB6]  }
0x3d: {  	_ =	shalt  }
0x3e: {  	_ =	shalt  }
0x3f: {  	_ =	shalt  }
0x40: {  	_ =	shalt  }
0x41: {  	_ =	shalt  }
0x42: {  	_ =	shalt  }
0x43: {  	_ =	shalt  }
0x44: {  	_ =	shalt  }
0x45: {  	_ =	shalt  }
0x46: {  	_ =	shalt  }
0x47: {  	_ =	shalt  }
0x48: {  	_ =	shalt  }
0x49: {  	_ =	shalt  }
0x4a: {  	_ =	shalt  }
0x4b: {  	_ =	shalt  }
0x4c: {  	_ =	shalt  }
0x4d: {  	_ =	shalt  }
0x4e: {  	_ =	shalt  }
0x4f: {  	_ =	shalt  }
0x50: {  	_ =	shalt  }
0x51: {  	_ =	shalt  }
0x52: {  	_ =	shalt  }
0x53: {  	_ =	shalt  }
0x54: {  	_ =	shalt  }
0x55: {  	_ =	shalt  }
0x56: {  	_ =	shalt  }
0x57: {  	_ =	shalt  }
0x58: {  	_ =	shalt  }
0x59: {  	_ =	shalt  }
0x5a: {  	_ =	shalt  }
0x5b: {  	_ =	shalt  }
0x5c: {  	_ =	shalt  }
0x5d: {  	_ =	shalt  }
0x5e: {  	_ =	shalt  }
0x5f: {  	_ =	shalt  }
0x60: {  	_ =	shalt  }
0x61: {  	_ =	shalt  }
0x62: {  	_ =	shalt  }
0x63: {  	_ =	shalt  }
0x64: {  	_ =	shalt  }
0x65: {  	_ =	shalt  }
0x66: {  	_ =	shalt  }
0x67: {  	_ =	shalt  }
0x68: {  	_ =	shalt  }
0x69: {  	_ =	shalt  }
0x6a: {  	_ =	shalt  }
0x6b: {  	_ =	shalt  }
0x6c: {  	_ =	shalt  }
0x6d: {  	_ =	shalt  }
0x6e: {  	_ =	shalt  }
0x6f: {  	_ =	shalt  }
0x70: {  	_ =	shalt  }
0x71: {  	_ =	shalt  }
0x72: {  	_ =	shalt  }
0x73: {  	_ =	shalt  }
0x74: {  	_ =	shalt  }
0x75: {  	_ =	shalt  }
0x76: {  	_ =	shalt  }
0x77: {  	_ =	shalt  }
0x78: {  	_ =	shalt  }
0x79: {  	_ =	shalt  }
0x7a: {  	_ =	shalt  }
0x7b: {  	_ =	shalt  }
0x7c: {  	_ =	shalt  }
0x7d: {  	_ =	shalt  }
0x7e: {  	_ =	shalt  }
0x7f: {  	_ =	shalt  }
0x80: {  	_ =	shalt  }
0x81: {  	_ =	shalt  }
0x82: {  	_ =	shalt  }
0x83: {  	_ =	shalt  }
0x84: {  	_ =	shalt  }
0x85: {  	_ =	shalt  }
0x86: {  	_ =	shalt  }
0x87: {  	_ =	shalt  }
.Lfunc_end0:
.L_simem_size_0:
called_computation.6_lowered:
.L_overlay_start_0:
0x88: {  	s2 =	sld [smem:$0x3FD9]  }
0x89: {  	s3 =	sld [smem:$0x3FFE];
	_ =	sdelay $0x1  }
0x8a: {  	s1 =	srdreg.scid  }
0x8b: {  	s0 =	sand.u32 $0x1, s1  }
0x8c: {  	s16 =	sshll.u32 s0, $0xA;
	s2 =	sadd.s32 s3, s2  }
0x8d: {  	s2 =	sadd.s32 s2, s16  }
0x8e: {  	[smem:$0x3FC2] =	sst s2  }
0x8f: {  	_ = 	snop  }
0x90: {  	(tm) =	ssettm $0x1  }
0x91: {  	s17 =	sld [smem:$0x3FFB];
	_ =	sdelay $0x3  }
0x92: {  	_ =	strace s17  }
0x93: {  	s2 =	sld [smem:$0x3FFC];
	_ =	sdelay $0x3  }
0x94: {  	_ =	strace s2  }
0x95: {  	s2 =	sld [smem:$0x3FFD];
	_ =	sdelay $0x3  }
0x96: {  	_ =	strace s2  }
0x97: {  	_ =	strace $0x8FFFFFFF  }
0x98: {  	s18 =	sld [smem:$0x3FDB];
	_ =	sdelay $0x1  }
0x99: {  	s19 =	simm.s32 $_scs_section_size  }
0x9a: {  	s4 =	simm.s32 $_size__tile_overlayer_lowered;
	s5 =	simm.s32 $_tile_overlayer_lowered  }
0x9b: {  	s22 =	simm.s32 $0x1BFF;
	s21 =	sshll.u32 s5, $0x1;
	s2 =	sadd.s32 s19, s18  }
0x9c: {  	s6 =	simm.s32 $0x0;
	s20 =	sshll.u32 s4, $0x1;
	s4 =	sadd.s32 s21, s2  }
0x9d: {  	[timem:s6], [sflag:s22] =	dma.local [hbm:s4], s20  }
0x9e: {  	_ =	swait.ge [sflag:s22], s20  }
0x9f: {  	s3 =	ssub.s32 $0x0, s20;
	[sflag:s22] =	ssyncset.done $0x0  }
0xa0: {  	[sflag:s22] =	ssyncadd.s32 s3;
	_ =	sdelay $0x1  }
0xa1: {  	s23 =	simm.s32 $0x1B8B  }
0xa2: {  	_ =	swait.ge [sflag:s23], $0x1  }
0xa3: {  	[sflag:s23] =	ssyncset.done $0x0  }
0xa4: {  	s25 =	simm.s32 $0x1B8E;
	s24 =	sld [smem:$0x3FFE];
	[sflag:s23] =	ssyncadd.s32 $0xFFFFFFFF  }
0xa5: {  	s26 =	simm.s32 $execute0_lowered;
	[smem:$0x3FD2] =	sst s25  }
0xa6: {  	s4 =	sshll.u32 s26, $0x1;
	_ =	strace $0x80000058;
	[dreg:$0x1] =	wrdreg $0xFFFFFFFF  }
0xa7: {  	s28 =	simm.s32 $_size_execute0_lowered;
	s2 =	sadd.s32 s2, s4;
	[dreg:$0x0] =	wrdreg $0x0  }
0xa8: {  	s4 =	sshll.u32 s28, $0x1;
	[dreg:$0x2] =	wrdreg s2  }
0xa9: {  	[dreg:$0x3] =	wrdreg s4  }
0xaa: {  	[dreg:$0x4] =	wrdreg $0xC0  }
0xab: {  	_ =	task [dreg:s6], $0x5FFFF  }
0xac: {  	[dreg:$0x1] =	wrdreg $0xFFFFFFFF  }
0xad: {  	[dreg:$0x0] =	wrdreg $0x60  }
0xae: {  	[dreg:$0x2] =	wrdreg s24  }
0xaf: {  	[dreg:$0x3] =	wrdreg $0x57000  }
0xb0: {  	[dreg:$0x4] =	wrdreg $0x9  }
0xb1: {  	_ =	task.clear_ibuf [dreg:s6], $0x5FFFF;
	_ =	strace $0x90000058  }
0xb2: {  	s29 =	simm.s32 $0x9;
	_ =	strace $0x8000005A  }
0xb3: {  	_ =	swait.ge [sflag:s29], $0x1  }
0xb4: {  	[sflag:s29] =	ssyncadd.s32 $0xFFFFFFFF  }
0xb5: {  	_ =	strace $0x9000005A  }
0xb6: {  	_ =	sfence  }
0xb7: {  	s30 =	sld [smem:$0x0];
	_ =	sdelay $0x2  }
0xb8: {  	s31 =	sshll.u32 s1, $0xD;
	s1 =	sshrl.u32 s1, $0x2  }
0xb9: {  	s3 =	sand.u32 $0x4000, s31;
	s1 =	sadd.s32 s1, s30  }
0xba: {  	s0 =	sor.u32 s3, s0;
	s1 =	sshll.u32 s1, $0x11  }
0xbb: {  	s0 =	sor.u32 s1, s0  }
0xbc: {  	s0 =	sadd.s32 $0x8F2B, s0  }
0xbd: {  	[sflag:s0] =	ssyncadd.remote.s32 $0x1  }
0xbe: {  	_ =	sfence.sel $0xFFFF  }
0xbf: {  	[dreg:$0x0] =	wrdreg $0xFFFFFFFF;
	(pc) =	sbr.abs _section_cstart, $3  }
0xc0: {  	[dreg:$0x1] =	wrdreg $0xFFFFFFFF  }
0xc1: {  	_ =	task.clear_ibuf [dreg:s6], $0x2FFFF;
	_ =	strace $0x9FFFFFFF  }
0xc2: {  	(tm) =	ssettm $0x7FFFFFFF  }
0xc3: {  	_ =	shalt  }
tec
execute0_lowered:
.L_overlay_start_1:
0x0: {  	(tag) =	ssettag $0x1  }
0x1: {  	s5 =	rddreg [dreg:$0x0]  }
0x2: {  	s1 =	rddreg [dreg:$0x1]  }
0x3: {  	s2 =	srdreg.scid;
	s0 =	rddreg [dreg:$0x2];
	s3 =	simm.s32 $0x0  }
0x4: {  	s14 =	simm.s32 $0x40;
	s15 =	simm.s32 $0x5100;
	s16 =	simm.s32 $0x5300  }
0x5: {  	s17 =	simm.s32 $0x80;
	s18 =	simm.s32 $0x5500;
	s19 =	simm.s32 $0x1  }
0x6: {  	s20 =	simm.s32 $0x2;
	s6 =	sand.u32 $0x1, s2;
	s2 =	stileid.u32  }
0x7: {  	s21 =	simm.s32 $0x3;
	s22 =	simm.s32 $0x0;
	s8 =	smul.u32 $0x13C0, s2  }
0x8: {  	[smem:$0x7FF] =	sst s3;
	s4 =	sshll.u32 s6, $0x4;
	s10 =	smul.u32 $0x278, s2  }
0x9: {  	_ =	strace $0x80000059;
	s11 =	ssub.s32 $0x2, s6;
	s30 =	smul.u32 $0x2780, s6  }
0xa: {  	s31 =	sshll.u32 s2, $0x6;
	s7 =	sor.u32 s2, s4;
	s4 =	sadd.s32 $0x37600, s5  }
0xb: {  	s29 =	sshrl.u32 s11, $0x1;
	s6 =	sor.u32 $0x1C04, s31;
	s7 =	smul.u32 $0x510, s7  }
0xc: {  	s9 =	sshrl.u32 s8, $0x3;
	s10 =	sadd.s32 s10, s5;
	s11 =	ssub.s32 s11, s29  }
0xd: {  	s13 =	sadd.s32 s8, s1;
	s28 =	sadd.s32 s9, s5;
	s9 =	sadd.s32 s30, s10  }
0xe: {  	s10 =	smax.u32 s11, $0x1;
	s11 =	sshrl.u32 s13, $0x3;
	s13 =	simm.s32 $0x2880  }
0xf: {  	s12 =	sadd.s32 s7, s5;
	s5 =	sadd.s32 $0xD600, s28;
	s9 =	sadd.s32 $0x46800, s9  }
0x10: {  	s7 =	sadd.s32 $0x3C600, s12;
	s8 =	sadd.s32 $0x3400, s12;
	s12 =	simm.s32 $0x4  }
.LBB2_1:
0x11: {  	[spmem:s11], [sflag:s6] =	dma.local [hbm:s5], $0x278  }
0x12: {  	_ =	swait.ge [sflag:s12], $0x278  }
0x13: {  	[sflag:s12] =	ssyncset.done $0x0  }
0x14: {  	[sflag:s12] =	ssyncadd.s32 $0xFFFFFD88  }
0x15: {  	[tilespmem:s3], [sflag:$0x4] =	stream.linear.gather [hbm4b:s7+s3], $0x2880, $0x38;
	[tilespmem:$0x6AC0] =	vst v63  }
0x16: {  	_ =	swait.ge [sflag:s12], $0x2880  }
0x17: {  	[sflag:s12] =	ssyncset.done $0x0  }
0x18: {  	[sflag:s12] =	ssyncadd.s32 $0xFFFFD780  }
0x19: {  	[tilespmem:s13], [sflag:$0x4] =	stream.linear.gather [hbm4b:s8+s3], $0x2880, $0x38;
	[tilespmem:$0x6AC0] =	vst v63  }
0x1a: {  	_ =	swait.ge [sflag:s12], $0x2880  }
0x1b: {  	[sflag:s12] =	ssyncset.done $0x0  }
0x1c: {  	[sflag:s12] =	ssyncadd.s32 $0xFFFFD780  }
0x1d: {  	[bflag:$0x0] =	sbarrier.arrive $0xFFFF  }
0x1e: {  	[tilespmem:s15], [sflag:$0x1] =	stream.indirect.gather [hbm4b:s4+s14], $0x8, s3, s14, $0xb8;
	[tilespmem:$0x6AC0] =	vst v63  }
0x1f: {  	_ = 	snop  }
0x20: {  	[tilespmem:s16], [sflag:$0x2] =	stream.indirect.gather [hbm4b:s4+s14], $0x8, s14, s14, $0xb8;
	[tilespmem:$0x6AC0] =	vst v63  }
0x21: {  	_ = 	snop  }
0x22: {  	[tilespmem:s18], [sflag:$0x3] =	stream.indirect.gather [hbm4b:s4+s14], $0x8, s17, s14, $0xb8;
	[tilespmem:$0x6AC0] =	vst v63  }
0x23: {  	_ =	swait.ge [sflag:s19], $0x200  }
0x24: {  	[sflag:s19] =	ssyncset.done $0x0  }
0x25: {  	s23 =	simm.s32 $0x2880;
	[sflag:s19] =	ssyncadd.s32 $0xFFFFFE00  }
0x26: {  	[spmem:s1] =	stream.indirect.scatter.add.f32 [tilespmem:s15], [sflag:$0x4], $0x8, s23, s14, $0xb8;
	[tilespmem:$0x6AC0] =	vst v63  }
0x27: {  	_ =	swait.ge [sflag:s12], $0x200  }
0x28: {  	[sflag:s12] =	ssyncset.done $0x0  }
0x29: {  	s28 =	simm.s32 $0xC0;
	[sflag:s12] =	ssyncadd.s32 $0xFFFFFE00  }
0x2a: {  	[tilespmem:s15], [sflag:$0x1] =	stream.indirect.gather [hbm4b:s4+s14], $0x8, s28, s14, $0xb8;
	[tilespmem:$0x6AC0] =	vst v63  }
0x2b: {  	_ =	swait.ge [sflag:s20], $0x200  }
0x2c: {  	[sflag:s20] =	ssyncset.done $0x0  }
0x2d: {  	s29 =	simm.s32 $0x28C0;
	[sflag:s20] =	ssyncadd.s32 $0xFFFFFE00  }
0x2e: {  	[spmem:s1] =	stream.indirect.scatter.add.f32 [tilespmem:s16], [sflag:$0x4], $0x8, s29, s14, $0xb8;
	[tilespmem:$0x6AC0] =	vst v63  }
0x2f: {  	_ =	swait.ge [sflag:s12], $0x200  }
0x30: {  	[sflag:s12] =	ssyncset.done $0x0  }
0x31: {  	s30 =	simm.s32 $0x100;
	[sflag:s12] =	ssyncadd.s32 $0xFFFFFE00  }
0x32: {  	[tilespmem:s16], [sflag:$0x2] =	stream.indirect.gather [hbm4b:s4+s14], $0x8, s30, s14, $0xb8;
	[tilespmem:$0x6AC0] =	vst v63  }
0x33: {  	_ =	swait.ge [sflag:s21], $0x200  }
0x34: {  	[sflag:s21] =	ssyncset.done $0x0  }
0x35: {  	s31 =	simm.s32 $0x2900;
	[sflag:s21] =	ssyncadd.s32 $0xFFFFFE00  }
0x36: {  	[spmem:s1] =	stream.indirect.scatter.add.f32 [tilespmem:s18], [sflag:$0x4], $0x8, s31, s14, $0xb8;
	[tilespmem:$0x6AC0] =	vst v63  }
0x37: {  	_ =	swait.ge [sflag:s12], $0x200  }
0x38: {  	[sflag:s12] =	ssyncset.done $0x0  }
0x39: {  	s24 =	simm.s32 $0x140;
	s23 =	simm.s32 $0x300;
	[sflag:s12] =	ssyncadd.s32 $0xFFFFFE00  }
.LBB2_2:
0x3a: {  	[tilespmem:s18], [sflag:$0x3] =	stream.indirect.gather [hbm4b:s4+s14], $0x8, s24, s14, $0xb8;
	[tilespmem:$0x6AC0] =	vst v63  }
0x3b: {  	s24 =	smov.u32 s23  }
0x3c: {  	p0 =	sne.s32 s23, $0x9C00;
	s23 =	sadd.s32 $0x300, s23;
	_ =	swait.ge [sflag:s19], $0x200  }
0x3d: {  	s24 =	sshra.s32 s24, $0x2;
	[sflag:s19] =	ssyncset.done $0x0  }
0x3e: {  	s25 =	sadd.s32 $0x2880, s24;
	[sflag:s19] =	ssyncadd.s32 $0xFFFFFE00  }
0x3f: {  	[spmem:s1] =	stream.indirect.scatter.add.f32 [tilespmem:s15], [sflag:$0x4], $0x8, s25, s14, $0xb8;
	[tilespmem:$0x6AC0] =	vst v63  }
0x40: {  	_ =	swait.ge [sflag:s12], $0x200  }
0x41: {  	[sflag:s12] =	ssyncset.done $0x0  }
0x42: {  	s25 =	sadd.s32 $0xC0, s24;
	[sflag:s12] =	ssyncadd.s32 $0xFFFFFE00  }
0x43: {  	[tilespmem:s15], [sflag:$0x1] =	stream.indirect.gather [hbm4b:s4+s14], $0x8, s25, s14, $0xb8;
	[tilespmem:$0x6AC0] =	vst v63  }
0x44: {  	_ =	swait.ge [sflag:s20], $0x200  }
0x45: {  	[sflag:s20] =	ssyncset.done $0x0  }
0x46: {  	s25 =	sadd.s32 $0x28C0, s24;
	[sflag:s20] =	ssyncadd.s32 $0xFFFFFE00  }
0x47: {  	[spmem:s1] =	stream.indirect.scatter.add.f32 [tilespmem:s16], [sflag:$0x4], $0x8, s25, s14, $0xb8;
	[tilespmem:$0x6AC0] =	vst v63  }
0x48: {  	_ =	swait.ge [sflag:s12], $0x200  }
0x49: {  	[sflag:s12] =	ssyncset.done $0x0  }
0x4a: {  	s25 =	sadd.s32 $0x100, s24;
	[sflag:s12] =	ssyncadd.s32 $0xFFFFFE00  }
0x4b: {  	[tilespmem:s16], [sflag:$0x2] =	stream.indirect.gather [hbm4b:s4+s14], $0x8, s25, s14, $0xb8;
	[tilespmem:$0x6AC0] =	vst v63  }
0x4c: {  	_ =	swait.ge [sflag:s21], $0x200  }
0x4d: {  	[sflag:s21] =	ssyncset.done $0x0  }
.Ltmp0:
0x4e: {  	s25 =	sadd.s32 $0x2900, s24;
	[sflag:s21] =	ssyncadd.s32 $0xFFFFFE00;
	(pc) =	sbr.rel @p0 .LBB2_2-.Ltmp0, $4  }
0x4f: {  	[spmem:s1] =	stream.indirect.scatter.add.f32 [tilespmem:s18], [sflag:$0x4], $0x8, s25, s14, $0xb8;
	[tilespmem:$0x6AC0] =	vst v63  }
0x50: {  	_ =	swait.ge [sflag:s12], $0x200  }
0x51: {  	[sflag:s12] =	ssyncset.done $0x0  }
0x52: {  	s24 =	sadd.s32 $0x140, s24;
	[sflag:s12] =	ssyncadd.s32 $0xFFFFFE00  }
0x53: {  	[tilespmem:s18], [sflag:$0x3] =	stream.indirect.gather [hbm4b:s4+s14], $0x8, s24, s14, $0xb8;
	[tilespmem:$0x6AC0] =	vst v63  }
0x54: {  	_ =	swait.ge [sflag:s19], $0x200  }
0x55: {  	[sflag:s19] =	ssyncset.done $0x0  }
0x56: {  	[sflag:s19] =	ssyncadd.s32 $0xFFFFFE00  }
0x57: {  	_ =	swait.ge [sflag:s20], $0x200  }
0x58: {  	[sflag:s20] =	ssyncset.done $0x0  }
0x59: {  	[sflag:s20] =	ssyncadd.s32 $0xFFFFFE00  }
0x5a: {  	_ =	swait.ge [sflag:s21], $0x200  }
0x5b: {  	s22 =	sadd.s32 $0x1, s22;
	[sflag:s21] =	ssyncset.done $0x0  }
0x5c: {  	p0 =	sne.s32 s22, s10;
	[sflag:s21] =	ssyncadd.s32 $0xFFFFFE00  }
.Ltmp1:
0x5d: {  	[bflag:$0x0] =	sbarrier.arrive $0xFFFF;
	(pc) =	sbr.rel @p0 .LBB2_1-.Ltmp1, $4  }
0x5e: {  	[hbm:s9], [sflag:s6] =	dma.local [spmem:s11], $0x278  }
0x5f: {  	_ =	swait.ge [sflag:s12], $0x278  }
0x60: {  	[sflag:s12] =	ssyncset.done $0x0  }
0x61: {  	[sflag:s12] =	ssyncadd.s32 $0xFFFFFD88  }
0x62: {  	_ =	sfence.sel $0x180000  }
0x63: {  	[bflag:$0x0] =	sbarrier.arrive $0xFFFF  }
0x64: {  	p0 =	sne.s32 s2, $0x0;
	_ =	strace $0x90000059  }
0x65: {  	s0 =	sadd.s32 @!p0 $0x100000, s0;
	[bflag:$0x2] =	sbarrier.arrive $0xFFFF  }
0x66: {  	[sflag:s0] =	ssyncadd.tile.s32 @!p0 $0x1;
	_ =	shalt  }
.Lfunc_end2:
_tile_overlayer_lowered:
.L_overlay_start_2:
0x67: {  	(tag) =	ssettag $0x2  }
0x68: {  	s0 =	rddreg [dreg:$0x0];
	s2 =	stileid.u32  }
0x69: {  	s1 =	rddreg [dreg:$0x1];
	p0 =	sne.s32 s2, $0x0  }
0x6a: {  	s3 =	rddreg [dreg:$0x2];
	[bflag:$0x3] =	sbarrier.arrive $0xFFFF;
	s2 =	simm.s32 @!p0 $0x1C04  }
0x6b: {  	[timem:s3], [sflag:s2] =	dma.local @!p0 [hbm:s0], s1  }
0x6c: {  	s0 =	simm.s32 @!p0 $0x4  }
0x6d: {  	_ =	swait.ge @!p0 [sflag:s0], s1  }
0x6e: {  	s1 =	ssub.s32 @!p0 $0x0, s1;
	[sflag:s0] =	ssyncset.done @!p0 $0x0  }
0x6f: {  	[sflag:s0] =	ssyncadd.s32 @!p0 s1  }
0x70: {  	[bflag:$0x3] =	sbarrier.arrive $0xFFFF  }
0x71: {  	_ =	shalt  }

</sc_bundles>
